<compile_context>
chip_gen: v7x
topology: tpu7x:2x2x1
jax: 0.10.2.dev20260603
libtpu: 0.0.44.dev20260713+nightly
codegen_flags: <defaults>
</compile_context>

<pallas_src>
import functools

import jax
import jax.numpy as jnp
from jax import lax
from jax.experimental import pallas as pl
from jax.experimental.pallas import tpu as pltpu
from jax.experimental.pallas import tpu_sc as plsc

E = 160000
N = 10000
G = 64
CHUNK = 128
NUM_CHUNKS = E // CHUNK
NC = 2
NS = 16
NW = NC * NS
CPW = (NUM_CHUNKS + NW - 1) // NW
ROWS_PER_TILE = N // NS


def _sc_mesh():
    return plsc.VectorSubcoreMesh(core_axis_name="c", subcore_axis_name="s")


_SC_PARAMS = pltpu.CompilerParams(use_tc_tiling_on_sc=False)


def _sc_gather(table, idx, D):
    ne = idx.shape[0]
    num_chunks = ne // CHUNK
    cpw = (num_chunks + NW - 1) // NW

    @functools.partial(
        pl.kernel,
        mesh=_sc_mesh(),
        out_type=jax.ShapeDtypeStruct((ne, D), jnp.float32),
        scratch_types=[
            pltpu.VMEM((CHUNK,), jnp.int32),
            pltpu.VMEM((CHUNK, D), jnp.float32),
            pltpu.SemaphoreType.DMA,
        ],
        compiler_params=_SC_PARAMS,
    )
    def k(table_hbm, idx_hbm, out_hbm, idx_v, rows_v, sem):
        cid = lax.axis_index("c")
        sid = lax.axis_index("s")
        wid = sid * NC + cid

        def body(j, carry):
            c = wid + NW * j

            @pl.when(c < num_chunks)
            def _():
                pltpu.sync_copy(idx_hbm.at[pl.ds(c * CHUNK, CHUNK)], idx_v)
                pltpu.async_copy(table_hbm.at[idx_v], rows_v, sem).wait()
                pltpu.sync_copy(rows_v, out_hbm.at[pl.ds(c * CHUNK, CHUNK)])

            return carry

        lax.fori_loop(0, cpw, body, 0)

    return k(table, idx)


def _sc_scatter_add(msg, dst, D):
    ne = msg.shape[0]
    num_chunks = ne // CHUNK
    cpw = (num_chunks + NW - 1) // NW

    @functools.partial(
        pl.kernel,
        mesh=_sc_mesh(),
        out_type=jax.ShapeDtypeStruct((NC, N, D), jnp.float32),
        scratch_types=[
            pltpu.VMEM((CHUNK,), jnp.int32),
            pltpu.VMEM((CHUNK, D), jnp.float32),
            pltpu.VMEM_SHARED((N, D), jnp.float32),
            pltpu.SemaphoreType.DMA,
        ],
        compiler_params=_SC_PARAMS,
    )
    def k(msg_hbm, dst_hbm, out_hbm, idx_v, rows_v, acc_shared, sem):
        cid = lax.axis_index("c")
        sid = lax.axis_index("s")
        wid = sid * NC + cid

        def zrow(r, carry):
            for c4 in range(D // 16):
                rows_v[r, pl.ds(c4 * 16, 16)] = jnp.zeros((16,), jnp.float32)
            return carry

        lax.fori_loop(0, CHUNK, zrow, 0)
        base = sid * ROWS_PER_TILE
        off = 0
        for blk in (128, 128, 128, 128, 113):
            pltpu.sync_copy(rows_v.at[pl.ds(0, blk)],
                            acc_shared.at[pl.ds(base + off, blk)])
            off += blk
        plsc.subcore_barrier()

        def body(j, carry):
            c = wid + NW * j

            @pl.when(c < num_chunks)
            def _():
                pltpu.sync_copy(dst_hbm.at[pl.ds(c * CHUNK, CHUNK)], idx_v)
                pltpu.sync_copy(msg_hbm.at[pl.ds(c * CHUNK, CHUNK)], rows_v)
                pltpu.sync_copy(rows_v, acc_shared.at[idx_v], add=True)

            return carry

        lax.fori_loop(0, cpw, body, 0)
        plsc.subcore_barrier()
        pltpu.sync_copy(acc_shared.at[pl.ds(base, ROWS_PER_TILE)],
                        out_hbm.at[cid, pl.ds(base, ROWS_PER_TILE)])

    return k(msg, dst)


_T1 = 3200
_NB1 = N // (E // _T1)
_T2 = 640


def _tc_ew1_x32(ea, x, w1, b1, w2, b2, with_x32):
    ne = ea.shape[0]
    grid = ne // _T1
    nb = N // grid

    def body_x(ea_ref, x_ref, w1_ref, b1_ref, w2_ref, b2_ref,
               ew_ref, x32_ref):
        ea_v = ea_ref[...]
        h = jnp.maximum(
            ea_v[:, 0:1] * w1_ref[0:1, :] + ea_v[:, 1:2] * w1_ref[1:2, :]
            + b1_ref[...], 0.0)
        ew_ref[...] = jnp.dot(h, w2_ref[...],
                              preferred_element_type=jnp.float32) \
            + b2_ref[...]
        x32_ref[...] = jnp.broadcast_to(x_ref[...], (nb, 32))

    def body_p(ea_ref, x_ref, w1_ref, b1_ref, w2_ref, b2_ref, ew_ref):
        ea_v = ea_ref[...]
        h = jnp.maximum(
            ea_v[:, 0:1] * w1_ref[0:1, :] + ea_v[:, 1:2] * w1_ref[1:2, :]
            + b1_ref[...], 0.0)
        ew_ref[...] = jnp.dot(h, w2_ref[...],
                              preferred_element_type=jnp.float32) \
            + b2_ref[...]

    out_specs = [pl.BlockSpec((_T1, 32), lambda i: (i, 0))]
    out_shape = [jax.ShapeDtypeStruct((ne, 32), jnp.float32)]
    if with_x32:
        out_specs.append(pl.BlockSpec((nb, 32), lambda i: (i, 0)))
        out_shape.append(jax.ShapeDtypeStruct((N, 32), jnp.float32))

    return pl.pallas_call(
        body_x if with_x32 else body_p,
        grid=(grid,),
        in_specs=[
            pl.BlockSpec((_T1, 2), lambda i: (i, 0)),
            pl.BlockSpec((nb, 1), lambda i: (i, 0)),
            pl.BlockSpec((2, 32), lambda i: (0, 0)),
            pl.BlockSpec((1, 32), lambda i: (0, 0)),
            pl.BlockSpec((32, 32), lambda i: (0, 0)),
            pl.BlockSpec((1, 32), lambda i: (0, 0)),
        ],
        out_specs=out_specs if with_x32 else out_specs[0],
        out_shape=out_shape if with_x32 else out_shape[0],
    )(ea, x, w1, b1.reshape(1, 32), w2, b2.reshape(1, 32))


def _sc_gather_mul_scatter(x32, ew1, src, dst):
    D = 32
    ne = ew1.shape[0]
    num_chunks = ne // CHUNK
    cpw = (num_chunks + NW - 1) // NW

    @functools.partial(
        pl.kernel,
        mesh=_sc_mesh(),
        out_type=jax.ShapeDtypeStruct((NC, N, D), jnp.float32),
        scratch_types=[
            pltpu.VMEM((CHUNK,), jnp.int32),
            pltpu.VMEM((CHUNK,), jnp.int32),
            pltpu.VMEM((CHUNK, D), jnp.float32),
            pltpu.VMEM((CHUNK, D), jnp.float32),
            pltpu.VMEM_SHARED((N, D), jnp.float32),
            pltpu.SemaphoreType.DMA,
        ],
        compiler_params=_SC_PARAMS,
    )
    def k(x32_hbm, ew_hbm, src_hbm, dst_hbm, out_hbm,
          src_v, dst_v, xrows_v, mrows_v, acc_shared, sem):
        cid = lax.axis_index("c")
        sid = lax.axis_index("s")
        wid = sid * NC + cid

        def zrow(r, carry):
            for c4 in range(D // 16):
                mrows_v[r, pl.ds(c4 * 16, 16)] = jnp.zeros((16,), jnp.float32)
            return carry

        lax.fori_loop(0, CHUNK, zrow, 0)
        base = sid * ROWS_PER_TILE
        off = 0
        for blk in (128, 128, 128, 128, 113):
            pltpu.sync_copy(mrows_v.at[pl.ds(0, blk)],
                            acc_shared.at[pl.ds(base + off, blk)])
            off += blk
        plsc.subcore_barrier()

        def body(j, carry):
            c = wid + NW * j

            @pl.when(c < num_chunks)
            def _():
                pltpu.sync_copy(src_hbm.at[pl.ds(c * CHUNK, CHUNK)], src_v)
                pltpu.sync_copy(dst_hbm.at[pl.ds(c * CHUNK, CHUNK)], dst_v)
                pltpu.async_copy(x32_hbm.at[src_v], xrows_v, sem).wait()
                pltpu.sync_copy(ew_hbm.at[pl.ds(c * CHUNK, CHUNK)], mrows_v)

                def mulrow(r, carry2):
                    for c4 in range(D // 16):
                        sl = pl.ds(c4 * 16, 16)
                        mrows_v[r, sl] = mrows_v[r, sl] * xrows_v[r, sl]
                    return carry2

                lax.fori_loop(0, CHUNK, mulrow, 0)
                pltpu.sync_copy(mrows_v, acc_shared.at[dst_v], add=True)

            return carry

        lax.fori_loop(0, cpw, body, 0)
        plsc.subcore_barrier()
        pltpu.sync_copy(acc_shared.at[pl.ds(base, ROWS_PER_TILE)],
                        out_hbm.at[cid, pl.ds(base, ROWS_PER_TILE)])

    return k(x32, ew1, src, dst)


def _tc_msg2(ea, xj2, w1, b1, w2, b2):
    s2 = w2.reshape(64, 32, 64).transpose(2, 1, 0).reshape(64, 2048)
    b2t = b2.reshape(32, 64).T
    w1t = w1.T
    ea_t = ea.T
    ne = xj2.shape[0]

    def body(ea_ref, xj_ref, w1_ref, b1_ref, s2_ref, b2_ref, out_ref):
        h_t = jnp.maximum(
            jnp.dot(w1_ref[...], ea_ref[...],
                    preferred_element_type=jnp.float32)
            + b1_ref[...], 0.0)
        xj_t = xj_ref[...].T
        xh = jnp.concatenate(
            [h_t * xj_t[i:i + 1, :] for i in range(32)],
            axis=0)
        msg_t = (
            jnp.dot(s2_ref[...], xh, preferred_element_type=jnp.float32)
            + jnp.dot(b2_ref[...], xj_t,
                      preferred_element_type=jnp.float32))
        out_ref[...] = msg_t.T

    return pl.pallas_call(
        body,
        grid=(ne // _T2,),
        in_specs=[
            pl.BlockSpec((2, _T2), lambda i: (0, i)),
            pl.BlockSpec((_T2, 32), lambda i: (i, 0)),
            pl.BlockSpec((64, 2), lambda i: (0, 0)),
            pl.BlockSpec((64, 1), lambda i: (0, 0)),
            pl.BlockSpec((64, 2048), lambda i: (0, 0)),
            pl.BlockSpec((64, 32), lambda i: (0, 0)),
        ],
        out_specs=pl.BlockSpec((_T2, 64), lambda i: (i, 0)),
        out_shape=jax.ShapeDtypeStruct((ne, 64), jnp.float32),
    )(ea_t, xj2, w1t, b1.reshape(64, 1), s2, b2t)


def _elu(a):
    return jnp.where(a > 0, a, jnp.exp(jnp.minimum(a, 0.0)) - 1.0)


def _tc_h1(pa, pb, x, root, bias):

    def body(pa_ref, pb_ref, x_ref, root_ref, b_ref, out_ref):
        a = pa_ref[0] + pa_ref[1] + pb_ref[0] + pb_ref[1] \
            + x_ref[...] * root_ref[...] + b_ref[...]
        out_ref[...] = _elu(a)

    return pl.pallas_call(
        body,
        out_shape=jax.ShapeDtypeStruct((N, 32), jnp.float32),
    )(pa, pb, x, root, bias.reshape(1, 32))


def _tc_tail(p2a, p2b, p2c, h1, root2, bias2, batch_row,
             lin1_w, lin1_b, lin2_w, lin2_b):

    def body(pa_ref, pb_ref, pc_ref, h1_ref, root_ref, b_ref, batch_ref,
             w1_ref, b1_ref, w2_ref, b2_ref, out_ref):
        a = pa_ref[0] + pa_ref[1] + pb_ref[0] + pb_ref[1] \
            + pc_ref[0] + pc_ref[1] \
            + jnp.dot(h1_ref[...], root_ref[...],
                      preferred_element_type=jnp.float32) + b_ref[...]
        h2 = _elu(a)
        gids = lax.broadcasted_iota(jnp.int32, (G, N), 0)
        oh = jnp.where(gids == batch_ref[...], 1.0, 0.0)
        s = jnp.dot(oh, h2, preferred_element_type=jnp.float32)
        cnt = jnp.sum(oh, axis=1, keepdims=True)
        pooled = s / jnp.maximum(cnt, 1.0)
        z = _elu(jnp.dot(pooled, w1_ref[...],
                         preferred_element_type=jnp.float32) + b1_ref[...])
        logits = jnp.dot(z, w2_ref[...],
                         preferred_element_type=jnp.float32) + b2_ref[...]
        m = jnp.max(logits, axis=1, keepdims=True)
        lse = jnp.log(jnp.sum(jnp.exp(logits - m), axis=1, keepdims=True)) + m
        out_ref[...] = logits - lse

    return pl.pallas_call(
        body,
        out_shape=jax.ShapeDtypeStruct((G, 10), jnp.float32),
    )(p2a, p2b, p2c, h1, root2, bias2.reshape(1, 64), batch_row,
      lin1_w, lin1_b.reshape(1, 128), lin2_w, lin2_b.reshape(1, 10))


def kernel(x, edge_index, edge_attr, batch,
           nn1_w1, nn1_b1, nn1_w2, nn1_b2, conv1_root, conv1_bias,
           nn2_w1, nn2_b1, nn2_w2, nn2_b2, conv2_root, conv2_bias,
           lin1_w, lin1_b, lin2_w, lin2_b):
    src = edge_index[0]
    dst = edge_index[1]

    eh = E // 2

    ew1a, x32 = _tc_ew1_x32(edge_attr[:eh], x,
                            nn1_w1, nn1_b1, nn1_w2, nn1_b2, True)
    ew1b = _tc_ew1_x32(edge_attr[eh:], x,
                       nn1_w1, nn1_b1, nn1_w2, nn1_b2, False)
    p1a = _sc_gather_mul_scatter(x32, ew1a, src[:eh], dst[:eh])
    p1b = _sc_gather_mul_scatter(x32, ew1b, src[eh:], dst[eh:])
    h1 = _tc_h1(p1a, p1b, x, conv1_root, conv1_bias)

    e0, e1 = 38400, 121600
    parts = []
    for lo, hi in ((0, e0), (e0, e1), (e1, E)):
        xj2 = _sc_gather(h1, src[lo:hi], 32)
        msg2 = _tc_msg2(edge_attr[lo:hi], xj2,
                        nn2_w1, nn2_b1, nn2_w2, nn2_b2)
        parts.append(_sc_scatter_add(msg2, dst[lo:hi], 64))
    return _tc_tail(parts[0], parts[1], parts[2], h1,
                    conv2_root, conv2_bias,
                    batch.reshape(1, N).astype(jnp.int32),
                    lin1_w, lin1_b, lin2_w, lin2_b)

# --- scband reference (transcript-rebuilt; emitter-appended) ---
"""Pipeline reference for scband-net-46308337385577 (READ-ONLY COPY).

The authoritative reference and input builder live on the scoring server;
editing this copy changes nothing except your own understanding.
"""

import jax, jax.numpy as jnp
import numpy as np

N_NODES = 10000
N_EDGES = 160000
NUM_FEATURES = 1
EDGE_DIM = 2
NUM_CLASSES = 10
NUM_GRAPHS = 64


def setup_inputs(seed: int = 0) -> dict:
    key = jax.random.key(seed)
    ks = jax.random.split(key, 22)
    inp = {}
    inp['x'] = jax.random.normal(ks[0], (N_NODES, NUM_FEATURES), dtype=jnp.float32)
    inp['edge_index'] = jax.random.randint(ks[1], (2, N_EDGES), 0, N_NODES, dtype=jnp.int32)
    inp['edge_attr'] = jax.random.uniform(ks[2], (N_EDGES, EDGE_DIM), dtype=jnp.float32)
    inp['batch'] = jnp.sort(jax.random.randint(ks[3], (N_NODES,), 0, NUM_GRAPHS, dtype=jnp.int32))

    def p(k, shape):
        return jax.random.normal(k, shape, dtype=jnp.float32) * 0.1

    # edge network 1: Linear(2,32) -> ReLU -> Linear(32, 1*32)
    inp['nn1_w1'] = p(ks[4], (EDGE_DIM, 32))
    inp['nn1_b1'] = jnp.zeros((32,), jnp.float32)
    inp['nn1_w2'] = p(ks[5], (32, NUM_FEATURES * 32))
    inp['nn1_b2'] = jnp.zeros((NUM_FEATURES * 32,), jnp.float32)
    inp['conv1_root'] = p(ks[6], (NUM_FEATURES, 32))
    inp['conv1_bias'] = jnp.zeros((32,), jnp.float32)
    # edge network 2: Linear(2,64) -> ReLU -> Linear(64, 32*64)
    inp['nn2_w1'] = p(ks[7], (EDGE_DIM, 64))
    inp['nn2_b1'] = jnp.zeros((64,), jnp.float32)
    inp['nn2_w2'] = p(ks[8], (64, 32 * 64))
    inp['nn2_b2'] = jnp.zeros((32 * 64,), jnp.float32)
    inp['conv2_root'] = p(ks[9], (32, 64))
    inp['conv2_bias'] = jnp.zeros((64,), jnp.float32)
    inp['lin1_w'] = p(ks[10], (64, 128))
    inp['lin1_b'] = jnp.zeros((128,), jnp.float32)
    inp['lin2_w'] = p(ks[11], (128, NUM_CLASSES))
    inp['lin2_b'] = jnp.zeros((NUM_CLASSES,), jnp.float32)
    return inp


def _nn_conv(x, edge_index, edge_attr, w1, b1, w2, b2, root, bias, in_c, out_c):
    # NNConv (aggr='add'): out_i = sum_{j in N(i)} x_j @ h(e_ji) + x_i @ root + bias
    h = jax.nn.relu(edge_attr @ w1 + b1)
    ew = (h @ w2 + b2).reshape(-1, in_c, out_c)  # [E, in, out] per-edge weights
    src = edge_index[0]
    dst = edge_index[1]
    x_j = jnp.take(x, src, axis=0)  # gather source node features [E, in]
    msg = jnp.einsum('ei,eio->eo', x_j, ew)  # [E, out]
    agg = jax.ops.segment_sum(msg, dst, num_segments=x.shape[0])  # scatter-add
    return agg + x @ root + bias


def reference(x, edge_index, edge_attr, batch,
              nn1_w1, nn1_b1, nn1_w2, nn1_b2, conv1_root, conv1_bias,
              nn2_w1, nn2_b1, nn2_w2, nn2_b2, conv2_root, conv2_bias,
              lin1_w, lin1_b, lin2_w, lin2_b):
    h1 = jax.nn.elu(_nn_conv(x, edge_index, edge_attr,
                             nn1_w1, nn1_b1, nn1_w2, nn1_b2,
                             conv1_root, conv1_bias, NUM_FEATURES, 32))
    h2 = jax.nn.elu(_nn_conv(h1, edge_index, edge_attr,
                             nn2_w1, nn2_b1, nn2_w2, nn2_b2,
                             conv2_root, conv2_bias, 32, 64))
    # global_mean_pool over graph ids
    s = jax.ops.segment_sum(h2, batch, num_segments=NUM_GRAPHS)
    cnt = jax.ops.segment_sum(jnp.ones((h2.shape[0], 1), jnp.float32), batch, num_segments=NUM_GRAPHS)
    pooled = s / jnp.maximum(cnt, 1.0)
    z = jax.nn.elu(pooled @ lin1_w + lin1_b)
    logits = z @ lin2_w + lin2_b
    return jax.nn.log_softmax(logits, axis=1)

if __name__ == "__main__":
    import jax
    _d = setup_inputs()
    print(jax.jit(kernel)(*tuple(_d.values())))

</pallas_src>

<mosaic_0001>
#map = affine_map<(d0, d1) -> (0, 0)>
#map1 = affine_map<(d0, d1) -> (0)>
module attributes {stable_mosaic.version = 14 : i64} {
  func.func @k(%arg0: i32, %arg1: i32, %arg2: memref<10000x32xf32, #tpu.memory_space<hbm>>, %arg3: memref<83200xi32, #tpu.memory_space<hbm>>, %arg4: memref<83200x32xf32, #tpu.memory_space<hbm>>, %arg5: memref<128xi32, #tpu.memory_space<vmem>>, %arg6: memref<128x32xf32, #tpu.memory_space<vmem>>, %arg7: memref<!tpu.dma_semaphore, #tpu.memory_space<semaphore_mem>>) attributes {dimension_semantics = [#tpu.dimension_semantics<core_parallel>, #tpu.dimension_semantics<subcore_parallel>], iteration_bounds = array<i64: 2, 16>, scalar_prefetch = 0 : i64, scratch_operands = 3 : i64, tpu.core_type = #tpu.core_type<sc_vector_subcore>, window_params = [{transform_indices = #map}, {transform_indices = #map1}, {transform_indices = #map}]} {
    %mul3A = arith.constant 2 : i32
    %mul3A_0 = arith.muli %arg1, %mul3A : i32
    %add3A = arith.addi %mul3A_0, %arg0 : i32
    %scan3A = arith.constant 0 : i32
    %scan3A_1 = arith.constant 0 : i32
    %scan3A_2 = arith.constant 21 : i32
    %scan3A_3 = arith.addi %scan3A_1, %scan3A_2 : i32
    %scan3A_4 = arith.constant 1 : i32
    scf.for %scan3A_6 = %scan3A_1 to %scan3A_3 step %scan3A_4  : i32 {
      %mul3A_7 = arith.constant 32 : i32
      %mul3A_8 = arith.muli %mul3A_7, %scan3A_6 : i32
      %add3A_9 = arith.addi %add3A, %mul3A_8 : i32
      %lt3A = arith.constant 650 : i32
      %lt3A_10 = arith.cmpi slt, %add3A_9, %lt3A : i32
      %convert_element_type3A = arith.extui %lt3A_10 : i1 to i32
      %cond3A = arith.constant 0 : i32
      %cond3A_11 = arith.cmpi ne, %convert_element_type3A, %cond3A : i32
      scf.if %cond3A_11 {
        %mul3A_12 = arith.constant 128 : i32
        %mul3A_13 = arith.muli %add3A_9, %mul3A_12 : i32
        "tpu.region"() ({
          %run_scoped3A = tpu.sem_alloc : memref<!tpu.dma_semaphore, #tpu.memory_space<semaphore_mem>>
          %dma_start3A_20 = tpu.memref_slice %arg3[%mul3A_13] : memref<83200xi32, #tpu.memory_space<hbm>> -> memref<128xi32, #tpu.memory_space<hbm>>
          %dma_start3A_21 = tpu.memref_slice %arg3[%mul3A_13] : memref<83200xi32, #tpu.memory_space<hbm>> -> memref<128xi32, #tpu.memory_space<hbm>>
          tpu.enqueue_dma source(%dma_start3A_21 : memref<128xi32, #tpu.memory_space<hbm>>) target(%arg5 : memref<128xi32, #tpu.memory_space<vmem>>) target_semaphore(%run_scoped3A : memref<!tpu.dma_semaphore, #tpu.memory_space<semaphore_mem>>)
          %dma_wait3A_22 = tpu.memref_slice %arg3[%mul3A_13] : memref<83200xi32, #tpu.memory_space<hbm>> -> memref<128xi32, #tpu.memory_space<hbm>>
          %dma_wait3A_23 = tpu.memref_slice %arg3[%mul3A_13] : memref<83200xi32, #tpu.memory_space<hbm>> -> memref<128xi32, #tpu.memory_space<hbm>>
          tpu.wait_dma2 semaphore(%run_scoped3A : memref<!tpu.dma_semaphore, #tpu.memory_space<semaphore_mem>>) src(%dma_wait3A_23 : memref<128xi32, #tpu.memory_space<hbm>>) dst(%arg5 : memref<128xi32, #tpu.memory_space<vmem>>)
          tpu.yield
        }) : () -> ()
        %dma_start3A = arith.constant 0 : i32
        %dma_start3A_14 = arith.constant 0 : i32
        %dma_start3A_15 = tpu.memref_slice %arg2[%dma_start3A, %dma_start3A_14] : memref<10000x32xf32, #tpu.memory_space<hbm>> -> memref<10000x32xf32, #tpu.memory_space<hbm>>
        tpu.enqueue_indirect_dma source(%dma_start3A_15 : memref<10000x32xf32, #tpu.memory_space<hbm>>) target(%arg6 : memref<128x32xf32, #tpu.memory_space<vmem>>) offsets(%arg5 : memref<128xi32, #tpu.memory_space<vmem>>) semaphore(%arg7 : memref<!tpu.dma_semaphore, #tpu.memory_space<semaphore_mem>>)
        %dma_wait3A = arith.constant 0 : i32
        %dma_wait3A_16 = arith.constant 0 : i32
        %dma_wait3A_17 = tpu.memref_slice %arg2[%dma_wait3A, %dma_wait3A_16] : memref<10000x32xf32, #tpu.memory_space<hbm>> -> memref<10000x32xf32, #tpu.memory_space<hbm>>
        tpu.wait_indirect_dma semaphore(%arg7 : memref<!tpu.dma_semaphore, #tpu.memory_space<semaphore_mem>>) src(%dma_wait3A_17 : memref<10000x32xf32, #tpu.memory_space<hbm>>) dst(%arg6 : memref<128x32xf32, #tpu.memory_space<vmem>>)
        %mul3A_18 = arith.constant 128 : i32
        %mul3A_19 = arith.muli %add3A_9, %mul3A_18 : i32
        "tpu.region"() ({
          %run_scoped3A = tpu.sem_alloc : memref<!tpu.dma_semaphore, #tpu.memory_space<semaphore_mem>>
          %dma_start3A_20 = arith.constant 0 : i32
          %dma_start3A_21 = tpu.memref_slice %arg4[%mul3A_19, %dma_start3A_20] : memref<83200x32xf32, #tpu.memory_space<hbm>> -> memref<128x32xf32, #tpu.memory_space<hbm>>
          %dma_start3A_22 = arith.constant 0 : i32
          %dma_start3A_23 = tpu.memref_slice %arg4[%mul3A_19, %dma_start3A_22] : memref<83200x32xf32, #tpu.memory_space<hbm>> -> memref<128x32xf32, #tpu.memory_space<hbm>>
          tpu.enqueue_dma source(%arg6 : memref<128x32xf32, #tpu.memory_space<vmem>>) target(%dma_start3A_23 : memref<128x32xf32, #tpu.memory_space<hbm>>) target_semaphore(%run_scoped3A : memref<!tpu.dma_semaphore, #tpu.memory_space<semaphore_mem>>)
          %dma_wait3A_24 = arith.constant 0 : i32
          %dma_wait3A_25 = tpu.memref_slice %arg4[%mul3A_19, %dma_wait3A_24] : memref<83200x32xf32, #tpu.memory_space<hbm>> -> memref<128x32xf32, #tpu.memory_space<hbm>>
          %dma_wait3A_26 = arith.constant 0 : i32
          %dma_wait3A_27 = tpu.memref_slice %arg4[%mul3A_19, %dma_wait3A_26] : memref<83200x32xf32, #tpu.memory_space<hbm>> -> memref<128x32xf32, #tpu.memory_space<hbm>>
          tpu.wait_dma2 semaphore(%run_scoped3A : memref<!tpu.dma_semaphore, #tpu.memory_space<semaphore_mem>>) src(%arg6 : memref<128x32xf32, #tpu.memory_space<vmem>>) dst(%dma_wait3A_27 : memref<128x32xf32, #tpu.memory_space<hbm>>)
          tpu.yield
        }) : () -> ()
      } else {
      }
    }
    %scan3A_5 = arith.constant 21 : i32
    return
  }
}

#map = affine_map<(d0, d1) -> (0, 0)>
#map1 = affine_map<(d0, d1) -> (0)>
#map2 = affine_map<(d0, d1) -> (0, 0, 0)>
module attributes {stable_mosaic.version = 14 : i64} {
  func.func @k(%arg0: i32, %arg1: i32, %arg2: memref<10000x32xf32, #tpu.memory_space<hbm>>, %arg3: memref<80000x32xf32, #tpu.memory_space<hbm>>, %arg4: memref<80000xi32, #tpu.memory_space<hbm>>, %arg5: memref<80000xi32, #tpu.memory_space<hbm>>, %arg6: memref<2x10000x32xf32, #tpu.memory_space<hbm>>, %arg7: memref<128xi32, #tpu.memory_space<vmem>>, %arg8: memref<128xi32, #tpu.memory_space<vmem>>, %arg9: memref<128x32xf32, #tpu.memory_space<vmem>>, %arg10: memref<128x32xf32, #tpu.memory_space<vmem>>, %arg11: memref<10000x32xf32, #tpu.memory_space<vmem_shared>>, %arg12: memref<!tpu.dma_semaphore, #tpu.memory_space<semaphore_mem>>) attributes {dimension_semantics = [#tpu.dimension_semantics<core_parallel>, #tpu.dimension_semantics<subcore_parallel>], iteration_bounds = array<i64: 2, 16>, scalar_prefetch = 0 : i64, scratch_operands = 6 : i64, tpu.core_type = #tpu.core_type<sc_vector_subcore>, window_params = [{transform_indices = #map}, {transform_indices = #map}, {transform_indices = #map1}, {transform_indices = #map1}, {transform_indices = #map2}]} {
    %mul3A = arith.constant 2 : i32
    %mul3A_0 = arith.muli %arg1, %mul3A : i32
    %add3A = arith.addi %mul3A_0, %arg0 : i32
    %scan3A = arith.constant 0 : i32
    %scan3A_1 = arith.constant 0 : i32
    %scan3A_2 = arith.constant 128 : i32
    %scan3A_3 = arith.addi %scan3A_1, %scan3A_2 : i32
    %scan3A_4 = arith.constant 1 : i32
    scf.for %scan3A_25 = %scan3A_1 to %scan3A_3 step %scan3A_4  : i32 {
      %broadcast_in_dim3A = arith.constant 0.000000e+00 : f32
      %broadcast_in_dim3A_26 = vector.broadcast %broadcast_in_dim3A : f32 to vector<16xf32>
      %swap3A = arith.index_cast %scan3A_25 : i32 to index
      %swap3A_27 = arith.constant 0 : index
      %swap3A_28 = tpu.vector_load %arg10[%swap3A, %swap3A_27] {strides = array<i32>} : memref<128x32xf32, #tpu.memory_space<vmem>>, vector<1x16xf32>,
      %swap3A_29 = vector.shape_cast %swap3A_28 : vector<1x16xf32> to vector<16xf32>
      %swap3A_30 = vector.shape_cast %broadcast_in_dim3A_26 : vector<16xf32> to vector<1x16xf32>
      tpu.vector_store %arg10[%swap3A, %swap3A_27], %swap3A_30 {strides = array<i32>} : memref<128x32xf32, #tpu.memory_space<vmem>>, vector<1x16xf32>,
      %broadcast_in_dim3A_31 = arith.constant 0.000000e+00 : f32
      %broadcast_in_dim3A_32 = vector.broadcast %broadcast_in_dim3A_31 : f32 to vector<16xf32>
      %swap3A_33 = arith.index_cast %scan3A_25 : i32 to index
      %swap3A_34 = arith.constant 16 : index
      %swap3A_35 = tpu.vector_load %arg10[%swap3A_33, %swap3A_34] {strides = array<i32>} : memref<128x32xf32, #tpu.memory_space<vmem>>, vector<1x16xf32>,
      %swap3A_36 = vector.shape_cast %swap3A_35 : vector<1x16xf32> to vector<16xf32>
      %swap3A_37 = vector.shape_cast %broadcast_in_dim3A_32 : vector<16xf32> to vector<1x16xf32>
      tpu.vector_store %arg10[%swap3A_33, %swap3A_34], %swap3A_37 {strides = array<i32>} : memref<128x32xf32, #tpu.memory_space<vmem>>, vector<1x16xf32>,
    }
    %scan3A_5 = arith.constant 128 : i32
    %mul3A_6 = arith.constant 625 : i32
    %mul3A_7 = arith.muli %arg1, %mul3A_6 : i32
    %add3A_8 = arith.constant 0 : i32
    %add3A_9 = arith.addi %mul3A_7, %add3A_8 : i32
    "tpu.region"() ({
      %run_scoped3A = tpu.sem_alloc : memref<!tpu.dma_semaphore, #tpu.memory_space<semaphore_mem>>
      %dma_start3A = arith.constant 0 : i32
      %dma_start3A_25 = arith.constant 0 : i32
      %dma_start3A_26 = tpu.memref_slice %arg10[%dma_start3A, %dma_start3A_25] : memref<128x32xf32, #tpu.memory_space<vmem>> -> memref<128x32xf32, #tpu.memory_space<vmem>>
      %dma_start3A_27 = arith.constant 0 : i32
      %dma_start3A_28 = tpu.memref_slice %arg11[%add3A_9, %dma_start3A_27] : memref<10000x32xf32, #tpu.memory_space<vmem_shared>> -> memref<128x32xf32, #tpu.memory_space<vmem_shared>>
      %dma_start3A_29 = arith.constant 0 : i32
      %dma_start3A_30 = tpu.memref_slice %arg11[%add3A_9, %dma_start3A_29] : memref<10000x32xf32, #tpu.memory_space<vmem_shared>> -> memref<128x32xf32, #tpu.memory_space<vmem_shared>>
      %dma_start3A_31 = arith.constant 0 : i32
      %dma_start3A_32 = arith.constant 0 : i32
      %dma_start3A_33 = tpu.memref_slice %arg10[%dma_start3A_31, %dma_start3A_32] : memref<128x32xf32, #tpu.memory_space<vmem>> -> memref<128x32xf32, #tpu.memory_space<vmem>>
      tpu.enqueue_dma source(%dma_start3A_33 : memref<128x32xf32, #tpu.memory_space<vmem>>) target(%dma_start3A_30 : memref<128x32xf32, #tpu.memory_space<vmem_shared>>) target_semaphore(%run_scoped3A : memref<!tpu.dma_semaphore, #tpu.memory_space<semaphore_mem>>)
      %dma_wait3A = arith.constant 0 : i32
      %dma_wait3A_34 = arith.constant 0 : i32
      %dma_wait3A_35 = tpu.memref_slice %arg10[%dma_wait3A, %dma_wait3A_34] : memref<128x32xf32, #tpu.memory_space<vmem>> -> memref<128x32xf32, #tpu.memory_space<vmem>>
      %dma_wait3A_36 = arith.constant 0 : i32
      %dma_wait3A_37 = tpu.memref_slice %arg11[%add3A_9, %dma_wait3A_36] : memref<10000x32xf32, #tpu.memory_space<vmem_shared>> -> memref<128x32xf32, #tpu.memory_space<vmem_shared>>
      %dma_wait3A_38 = arith.constant 0 : i32
      %dma_wait3A_39 = tpu.memref_slice %arg11[%add3A_9, %dma_wait3A_38] : memref<10000x32xf32, #tpu.memory_space<vmem_shared>> -> memref<128x32xf32, #tpu.memory_space<vmem_shared>>
      %dma_wait3A_40 = arith.constant 0 : i32
      %dma_wait3A_41 = arith.constant 0 : i32
      %dma_wait3A_42 = tpu.memref_slice %arg10[%dma_wait3A_40, %dma_wait3A_41] : memref<128x32xf32, #tpu.memory_space<vmem>> -> memref<128x32xf32, #tpu.memory_space<vmem>>
      tpu.wait_dma2 semaphore(%run_scoped3A : memref<!tpu.dma_semaphore, #tpu.memory_space<semaphore_mem>>) src(%dma_wait3A_42 : memref<128x32xf32, #tpu.memory_space<vmem>>) dst(%dma_wait3A_39 : memref<128x32xf32, #tpu.memory_space<vmem_shared>>)
      tpu.yield
    }) : () -> ()
    %add3A_10 = arith.constant 128 : i32
    %add3A_11 = arith.addi %mul3A_7, %add3A_10 : i32
    "tpu.region"() ({
      %run_scoped3A = tpu.sem_alloc : memref<!tpu.dma_semaphore, #tpu.memory_space<semaphore_mem>>
      %dma_start3A = arith.constant 0 : i32
      %dma_start3A_25 = arith.constant 0 : i32
      %dma_start3A_26 = tpu.memref_slice %arg10[%dma_start3A, %dma_start3A_25] : memref<128x32xf32, #tpu.memory_space<vmem>> -> memref<128x32xf32, #tpu.memory_space<vmem>>
      %dma_start3A_27 = arith.constant 0 : i32
      %dma_start3A_28 = tpu.memref_slice %arg11[%add3A_11, %dma_start3A_27] : memref<10000x32xf32, #tpu.memory_space<vmem_shared>> -> memref<128x32xf32, #tpu.memory_space<vmem_shared>>
      %dma_start3A_29 = arith.constant 0 : i32
      %dma_start3A_30 = tpu.memref_slice %arg11[%add3A_11, %dma_start3A_29] : memref<10000x32xf32, #tpu.memory_space<vmem_shared>> -> memref<128x32xf32, #tpu.memory_space<vmem_shared>>
      %dma_start3A_31 = arith.constant 0 : i32
      %dma_start3A_32 = arith.constant 0 : i32
      %dma_start3A_33 = tpu.memref_slice %arg10[%dma_start3A_31, %dma_start3A_32] : memref<128x32xf32, #tpu.memory_space<vmem>> -> memref<128x32xf32, #tpu.memory_space<vmem>>
      tpu.enqueue_dma source(%dma_start3A_33 : memref<128x32xf32, #tpu.memory_space<vmem>>) target(%dma_start3A_30 : memref<128x32xf32, #tpu.memory_space<vmem_shared>>) target_semaphore(%run_scoped3A : memref<!tpu.dma_semaphore, #tpu.memory_space<semaphore_mem>>)
      %dma_wait3A = arith.constant 0 : i32
      %dma_wait3A_34 = arith.constant 0 : i32
      %dma_wait3A_35 = tpu.memref_slice %arg10[%dma_wait3A, %dma_wait3A_34] : memref<128x32xf32, #tpu.memory_space<vmem>> -> memref<128x32xf32, #tpu.memory_space<vmem>>
      %dma_wait3A_36 = arith.constant 0 : i32
      %dma_wait3A_37 = tpu.memref_slice %arg11[%add3A_11, %dma_wait3A_36] : memref<10000x32xf32, #tpu.memory_space<vmem_shared>> -> memref<128x32xf32, #tpu.memory_space<vmem_shared>>
      %dma_wait3A_38 = arith.constant 0 : i32
      %dma_wait3A_39 = tpu.memref_slice %arg11[%add3A_11, %dma_wait3A_38] : memref<10000x32xf32, #tpu.memory_space<vmem_shared>> -> memref<128x32xf32, #tpu.memory_space<vmem_shared>>
      %dma_wait3A_40 = arith.constant 0 : i32
      %dma_wait3A_41 = arith.constant 0 : i32
      %dma_wait3A_42 = tpu.memref_slice %arg10[%dma_wait3A_40, %dma_wait3A_41] : memref<128x32xf32, #tpu.memory_space<vmem>> -> memref<128x32xf32, #tpu.memory_space<vmem>>
      tpu.wait_dma2 semaphore(%run_scoped3A : memref<!tpu.dma_semaphore, #tpu.memory_space<semaphore_mem>>) src(%dma_wait3A_42 : memref<128x32xf32, #tpu.memory_space<vmem>>) dst(%dma_wait3A_39 : memref<128x32xf32, #tpu.memory_space<vmem_shared>>)
      tpu.yield
    }) : () -> ()
    %add3A_12 = arith.constant 256 : i32
    %add3A_13 = arith.addi %mul3A_7, %add3A_12 : i32
    "tpu.region"() ({
      %run_scoped3A = tpu.sem_alloc : memref<!tpu.dma_semaphore, #tpu.memory_space<semaphore_mem>>
      %dma_start3A = arith.constant 0 : i32
      %dma_start3A_25 = arith.constant 0 : i32
      %dma_start3A_26 = tpu.memref_slice %arg10[%dma_start3A, %dma_start3A_25] : memref<128x32xf32, #tpu.memory_space<vmem>> -> memref<128x32xf32, #tpu.memory_space<vmem>>
      %dma_start3A_27 = arith.constant 0 : i32
      %dma_start3A_28 = tpu.memref_slice %arg11[%add3A_13, %dma_start3A_27] : memref<10000x32xf32, #tpu.memory_space<vmem_shared>> -> memref<128x32xf32, #tpu.memory_space<vmem_shared>>
      %dma_start3A_29 = arith.constant 0 : i32
      %dma_start3A_30 = tpu.memref_slice %arg11[%add3A_13, %dma_start3A_29] : memref<10000x32xf32, #tpu.memory_space<vmem_shared>> -> memref<128x32xf32, #tpu.memory_space<vmem_shared>>
      %dma_start3A_31 = arith.constant 0 : i32
      %dma_start3A_32 = arith.constant 0 : i32
      %dma_start3A_33 = tpu.memref_slice %arg10[%dma_start3A_31, %dma_start3A_32] : memref<128x32xf32, #tpu.memory_space<vmem>> -> memref<128x32xf32, #tpu.memory_space<vmem>>
      tpu.enqueue_dma source(%dma_start3A_33 : memref<128x32xf32, #tpu.memory_space<vmem>>) target(%dma_start3A_30 : memref<128x32xf32, #tpu.memory_space<vmem_shared>>) target_semaphore(%run_scoped3A : memref<!tpu.dma_semaphore, #tpu.memory_space<semaphore_mem>>)
      %dma_wait3A = arith.constant 0 : i32
      %dma_wait3A_34 = arith.constant 0 : i32
      %dma_wait3A_35 = tpu.memref_slice %arg10[%dma_wait3A, %dma_wait3A_34] : memref<128x32xf32, #tpu.memory_space<vmem>> -> memref<128x32xf32, #tpu.memory_space<vmem>>
      %dma_wait3A_36 = arith.constant 0 : i32
      %dma_wait3A_37 = tpu.memref_slice %arg11[%add3A_13, %dma_wait3A_36] : memref<10000x32xf32, #tpu.memory_space<vmem_shared>> -> memref<128x32xf32, #tpu.memory_space<vmem_shared>>
      %dma_wait3A_38 = arith.constant 0 : i32
      %dma_wait3A_39 = tpu.memref_slice %arg11[%add3A_13, %dma_wait3A_38] : memref<10000x32xf32, #tpu.memory_space<vmem_shared>> -> memref<128x32xf32, #tpu.memory_space<vmem_shared>>
      %dma_wait3A_40 = arith.constant 0 : i32
      %dma_wait3A_41 = arith.constant 0 : i32
      %dma_wait3A_42 = tpu.memref_slice %arg10[%dma_wait3A_40, %dma_wait3A_41] : memref<128x32xf32, #tpu.memory_space<vmem>> -> memref<128x32xf32, #tpu.memory_space<vmem>>
      tpu.wait_dma2 semaphore(%run_scoped3A : memref<!tpu.dma_semaphore, #tpu.memory_space<semaphore_mem>>) src(%dma_wait3A_42 : memref<128x32xf32, #tpu.memory_space<vmem>>) dst(%dma_wait3A_39 : memref<128x32xf32, #tpu.memory_space<vmem_shared>>)
      tpu.yield
    }) : () -> ()
    %add3A_14 = arith.constant 384 : i32
    %add3A_15 = arith.addi %mul3A_7, %add3A_14 : i32
    "tpu.region"() ({
      %run_scoped3A = tpu.sem_alloc : memref<!tpu.dma_semaphore, #tpu.memory_space<semaphore_mem>>
      %dma_start3A = arith.constant 0 : i32
      %dma_start3A_25 = arith.constant 0 : i32
      %dma_start3A_26 = tpu.memref_slice %arg10[%dma_start3A, %dma_start3A_25] : memref<128x32xf32, #tpu.memory_space<vmem>> -> memref<128x32xf32, #tpu.memory_space<vmem>>
      %dma_start3A_27 = arith.constant 0 : i32
      %dma_start3A_28 = tpu.memref_slice %arg11[%add3A_15, %dma_start3A_27] : memref<10000x32xf32, #tpu.memory_space<vmem_shared>> -> memref<128x32xf32, #tpu.memory_space<vmem_shared>>
      %dma_start3A_29 = arith.constant 0 : i32
      %dma_start3A_30 = tpu.memref_slice %arg11[%add3A_15, %dma_start3A_29] : memref<10000x32xf32, #tpu.memory_space<vmem_shared>> -> memref<128x32xf32, #tpu.memory_space<vmem_shared>>
      %dma_start3A_31 = arith.constant 0 : i32
      %dma_start3A_32 = arith.constant 0 : i32
      %dma_start3A_33 = tpu.memref_slice %arg10[%dma_start3A_31, %dma_start3A_32] : memref<128x32xf32, #tpu.memory_space<vmem>> -> memref<128x32xf32, #tpu.memory_space<vmem>>
      tpu.enqueue_dma source(%dma_start3A_33 : memref<128x32xf32, #tpu.memory_space<vmem>>) target(%dma_start3A_30 : memref<128x32xf32, #tpu.memory_space<vmem_shared>>) target_semaphore(%run_scoped3A : memref<!tpu.dma_semaphore, #tpu.memory_space<semaphore_mem>>)
      %dma_wait3A = arith.constant 0 : i32
      %dma_wait3A_34 = arith.constant 0 : i32
      %dma_wait3A_35 = tpu.memref_slice %arg10[%dma_wait3A, %dma_wait3A_34] : memref<128x32xf32, #tpu.memory_space<vmem>> -> memref<128x32xf32, #tpu.memory_space<vmem>>
      %dma_wait3A_36 = arith.constant 0 : i32
      %dma_wait3A_37 = tpu.memref_slice %arg11[%add3A_15, %dma_wait3A_36] : memref<10000x32xf32, #tpu.memory_space<vmem_shared>> -> memref<128x32xf32, #tpu.memory_space<vmem_shared>>
      %dma_wait3A_38 = arith.constant 0 : i32
      %dma_wait3A_39 = tpu.memref_slice %arg11[%add3A_15, %dma_wait3A_38] : memref<10000x32xf32, #tpu.memory_space<vmem_shared>> -> memref<128x32xf32, #tpu.memory_space<vmem_shared>>
      %dma_wait3A_40 = arith.constant 0 : i32
      %dma_wait3A_41 = arith.constant 0 : i32
      %dma_wait3A_42 = tpu.memref_slice %arg10[%dma_wait3A_40, %dma_wait3A_41] : memref<128x32xf32, #tpu.memory_space<vmem>> -> memref<128x32xf32, #tpu.memory_space<vmem>>
      tpu.wait_dma2 semaphore(%run_scoped3A : memref<!tpu.dma_semaphore, #tpu.memory_space<semaphore_mem>>) src(%dma_wait3A_42 : memref<128x32xf32, #tpu.memory_space<vmem>>) dst(%dma_wait3A_39 : memref<128x32xf32, #tpu.memory_space<vmem_shared>>)
      tpu.yield
    }) : () -> ()
    %add3A_16 = arith.constant 512 : i32
    %add3A_17 = arith.addi %mul3A_7, %add3A_16 : i32
    "tpu.region"() ({
      %run_scoped3A = tpu.sem_alloc : memref<!tpu.dma_semaphore, #tpu.memory_space<semaphore_mem>>
      %dma_start3A = arith.constant 0 : i32
      %dma_start3A_25 = arith.constant 0 : i32
      %dma_start3A_26 = tpu.memref_slice %arg10[%dma_start3A, %dma_start3A_25] : memref<128x32xf32, #tpu.memory_space<vmem>> -> memref<113x32xf32, #tpu.memory_space<vmem>>
      %dma_start3A_27 = arith.constant 0 : i32
      %dma_start3A_28 = tpu.memref_slice %arg11[%add3A_17, %dma_start3A_27] : memref<10000x32xf32, #tpu.memory_space<vmem_shared>> -> memref<113x32xf32, #tpu.memory_space<vmem_shared>>
      %dma_start3A_29 = arith.constant 0 : i32
      %dma_start3A_30 = tpu.memref_slice %arg11[%add3A_17, %dma_start3A_29] : memref<10000x32xf32, #tpu.memory_space<vmem_shared>> -> memref<113x32xf32, #tpu.memory_space<vmem_shared>>
      %dma_start3A_31 = arith.constant 0 : i32
      %dma_start3A_32 = arith.constant 0 : i32
      %dma_start3A_33 = tpu.memref_slice %arg10[%dma_start3A_31, %dma_start3A_32] : memref<128x32xf32, #tpu.memory_space<vmem>> -> memref<113x32xf32, #tpu.memory_space<vmem>>
      tpu.enqueue_dma source(%dma_start3A_33 : memref<113x32xf32, #tpu.memory_space<vmem>>) target(%dma_start3A_30 : memref<113x32xf32, #tpu.memory_space<vmem_shared>>) target_semaphore(%run_scoped3A : memref<!tpu.dma_semaphore, #tpu.memory_space<semaphore_mem>>)
      %dma_wait3A = arith.constant 0 : i32
      %dma_wait3A_34 = arith.constant 0 : i32
      %dma_wait3A_35 = tpu.memref_slice %arg10[%dma_wait3A, %dma_wait3A_34] : memref<128x32xf32, #tpu.memory_space<vmem>> -> memref<113x32xf32, #tpu.memory_space<vmem>>
      %dma_wait3A_36 = arith.constant 0 : i32
      %dma_wait3A_37 = tpu.memref_slice %arg11[%add3A_17, %dma_wait3A_36] : memref<10000x32xf32, #tpu.memory_space<vmem_shared>> -> memref<113x32xf32, #tpu.memory_space<vmem_shared>>
      %dma_wait3A_38 = arith.constant 0 : i32
      %dma_wait3A_39 = tpu.memref_slice %arg11[%add3A_17, %dma_wait3A_38] : memref<10000x32xf32, #tpu.memory_space<vmem_shared>> -> memref<113x32xf32, #tpu.memory_space<vmem_shared>>
      %dma_wait3A_40 = arith.constant 0 : i32
      %dma_wait3A_41 = arith.constant 0 : i32
      %dma_wait3A_42 = tpu.memref_slice %arg10[%dma_wait3A_40, %dma_wait3A_41] : memref<128x32xf32, #tpu.memory_space<vmem>> -> memref<113x32xf32, #tpu.memory_space<vmem>>
      tpu.wait_dma2 semaphore(%run_scoped3A : memref<!tpu.dma_semaphore, #tpu.memory_space<semaphore_mem>>) src(%dma_wait3A_42 : memref<113x32xf32, #tpu.memory_space<vmem>>) dst(%dma_wait3A_39 : memref<113x32xf32, #tpu.memory_space<vmem_shared>>)
      tpu.yield
    }) : () -> ()
    %barrier3A = arith.constant 0 : index
    tpu.barrier barrier_id(%barrier3A)
    %scan3A_18 = arith.constant 0 : i32
    %scan3A_19 = arith.constant 0 : i32
    %scan3A_20 = arith.constant 20 : i32
    %scan3A_21 = arith.addi %scan3A_19, %scan3A_20 : i32
    %scan3A_22 = arith.constant 1 : i32
    scf.for %scan3A_25 = %scan3A_19 to %scan3A_21 step %scan3A_22  : i32 {
      %mul3A_26 = arith.constant 32 : i32
      %mul3A_27 = arith.muli %mul3A_26, %scan3A_25 : i32
      %add3A_28 = arith.addi %add3A, %mul3A_27 : i32
      %lt3A = arith.constant 625 : i32
      %lt3A_29 = arith.cmpi slt, %add3A_28, %lt3A : i32
      %convert_element_type3A = arith.extui %lt3A_29 : i1 to i32
      %cond3A = arith.constant 0 : i32
      %cond3A_30 = arith.cmpi ne, %convert_element_type3A, %cond3A : i32
      scf.if %cond3A_30 {
        %mul3A_31 = arith.constant 128 : i32
        %mul3A_32 = arith.muli %add3A_28, %mul3A_31 : i32
        "tpu.region"() ({
          %run_scoped3A = tpu.sem_alloc : memref<!tpu.dma_semaphore, #tpu.memory_space<semaphore_mem>>
          %dma_start3A_47 = tpu.memref_slice %arg4[%mul3A_32] : memref<80000xi32, #tpu.memory_space<hbm>> -> memref<128xi32, #tpu.memory_space<hbm>>
          %dma_start3A_48 = tpu.memref_slice %arg4[%mul3A_32] : memref<80000xi32, #tpu.memory_space<hbm>> -> memref<128xi32, #tpu.memory_space<hbm>>
          tpu.enqueue_dma source(%dma_start3A_48 : memref<128xi32, #tpu.memory_space<hbm>>) target(%arg7 : memref<128xi32, #tpu.memory_space<vmem>>) target_semaphore(%run_scoped3A : memref<!tpu.dma_semaphore, #tpu.memory_space<semaphore_mem>>)
          %dma_wait3A_49 = tpu.memref_slice %arg4[%mul3A_32] : memref<80000xi32, #tpu.memory_space<hbm>> -> memref<128xi32, #tpu.memory_space<hbm>>
          %dma_wait3A_50 = tpu.memref_slice %arg4[%mul3A_32] : memref<80000xi32, #tpu.memory_space<hbm>> -> memref<128xi32, #tpu.memory_space<hbm>>
          tpu.wait_dma2 semaphore(%run_scoped3A : memref<!tpu.dma_semaphore, #tpu.memory_space<semaphore_mem>>) src(%dma_wait3A_50 : memref<128xi32, #tpu.memory_space<hbm>>) dst(%arg7 : memref<128xi32, #tpu.memory_space<vmem>>)
          tpu.yield
        }) : () -> ()
        %mul3A_33 = arith.constant 128 : i32
        %mul3A_34 = arith.muli %add3A_28, %mul3A_33 : i32
        "tpu.region"() ({
          %run_scoped3A = tpu.sem_alloc : memref<!tpu.dma_semaphore, #tpu.memory_space<semaphore_mem>>
          %dma_start3A_47 = tpu.memref_slice %arg5[%mul3A_34] : memref<80000xi32, #tpu.memory_space<hbm>> -> memref<128xi32, #tpu.memory_space<hbm>>
          %dma_start3A_48 = tpu.memref_slice %arg5[%mul3A_34] : memref<80000xi32, #tpu.memory_space<hbm>> -> memref<128xi32, #tpu.memory_space<hbm>>
          tpu.enqueue_dma source(%dma_start3A_48 : memref<128xi32, #tpu.memory_space<hbm>>) target(%arg8 : memref<128xi32, #tpu.memory_space<vmem>>) target_semaphore(%run_scoped3A : memref<!tpu.dma_semaphore, #tpu.memory_space<semaphore_mem>>)
          %dma_wait3A_49 = tpu.memref_slice %arg5[%mul3A_34] : memref<80000xi32, #tpu.memory_space<hbm>> -> memref<128xi32, #tpu.memory_space<hbm>>
          %dma_wait3A_50 = tpu.memref_slice %arg5[%mul3A_34] : memref<80000xi32, #tpu.memory_space<hbm>> -> memref<128xi32, #tpu.memory_space<hbm>>
          tpu.wait_dma2 semaphore(%run_scoped3A : memref<!tpu.dma_semaphore, #tpu.memory_space<semaphore_mem>>) src(%dma_wait3A_50 : memref<128xi32, #tpu.memory_space<hbm>>) dst(%arg8 : memref<128xi32, #tpu.memory_space<vmem>>)
          tpu.yield
        }) : () -> ()
        %dma_start3A = arith.constant 0 : i32
        %dma_start3A_35 = arith.constant 0 : i32
        %dma_start3A_36 = tpu.memref_slice %arg2[%dma_start3A, %dma_start3A_35] : memref<10000x32xf32, #tpu.memory_space<hbm>> -> memref<10000x32xf32, #tpu.memory_space<hbm>>
        tpu.enqueue_indirect_dma source(%dma_start3A_36 : memref<10000x32xf32, #tpu.memory_space<hbm>>) target(%arg9 : memref<128x32xf32, #tpu.memory_space<vmem>>) offsets(%arg7 : memref<128xi32, #tpu.memory_space<vmem>>) semaphore(%arg12 : memref<!tpu.dma_semaphore, #tpu.memory_space<semaphore_mem>>)
        %dma_wait3A = arith.constant 0 : i32
        %dma_wait3A_37 = arith.constant 0 : i32
        %dma_wait3A_38 = tpu.memref_slice %arg2[%dma_wait3A, %dma_wait3A_37] : memref<10000x32xf32, #tpu.memory_space<hbm>> -> memref<10000x32xf32, #tpu.memory_space<hbm>>
        tpu.wait_indirect_dma semaphore(%arg12 : memref<!tpu.dma_semaphore, #tpu.memory_space<semaphore_mem>>) src(%dma_wait3A_38 : memref<10000x32xf32, #tpu.memory_space<hbm>>) dst(%arg9 : memref<128x32xf32, #tpu.memory_space<vmem>>)
        %mul3A_39 = arith.constant 128 : i32
        %mul3A_40 = arith.muli %add3A_28, %mul3A_39 : i32
        "tpu.region"() ({
          %run_scoped3A = tpu.sem_alloc : memref<!tpu.dma_semaphore, #tpu.memory_space<semaphore_mem>>
          %dma_start3A_47 = arith.constant 0 : i32
          %dma_start3A_48 = tpu.memref_slice %arg3[%mul3A_40, %dma_start3A_47] : memref<80000x32xf32, #tpu.memory_space<hbm>> -> memref<128x32xf32, #tpu.memory_space<hbm>>
          %dma_start3A_49 = arith.constant 0 : i32
          %dma_start3A_50 = tpu.memref_slice %arg3[%mul3A_40, %dma_start3A_49] : memref<80000x32xf32, #tpu.memory_space<hbm>> -> memref<128x32xf32, #tpu.memory_space<hbm>>
          tpu.enqueue_dma source(%dma_start3A_50 : memref<128x32xf32, #tpu.memory_space<hbm>>) target(%arg10 : memref<128x32xf32, #tpu.memory_space<vmem>>) target_semaphore(%run_scoped3A : memref<!tpu.dma_semaphore, #tpu.memory_space<semaphore_mem>>)
          %dma_wait3A_51 = arith.constant 0 : i32
          %dma_wait3A_52 = tpu.memref_slice %arg3[%mul3A_40, %dma_wait3A_51] : memref<80000x32xf32, #tpu.memory_space<hbm>> -> memref<128x32xf32, #tpu.memory_space<hbm>>
          %dma_wait3A_53 = arith.constant 0 : i32
          %dma_wait3A_54 = tpu.memref_slice %arg3[%mul3A_40, %dma_wait3A_53] : memref<80000x32xf32, #tpu.memory_space<hbm>> -> memref<128x32xf32, #tpu.memory_space<hbm>>
          tpu.wait_dma2 semaphore(%run_scoped3A : memref<!tpu.dma_semaphore, #tpu.memory_space<semaphore_mem>>) src(%dma_wait3A_54 : memref<128x32xf32, #tpu.memory_space<hbm>>) dst(%arg10 : memref<128x32xf32, #tpu.memory_space<vmem>>)
          tpu.yield
        }) : () -> ()
        %scan3A_41 = arith.constant 0 : i32
        %scan3A_42 = arith.constant 0 : i32
        %scan3A_43 = arith.constant 128 : i32
        %scan3A_44 = arith.addi %scan3A_42, %scan3A_43 : i32
        %scan3A_45 = arith.constant 1 : i32
        scf.for %scan3A_47 = %scan3A_42 to %scan3A_44 step %scan3A_45  : i32 {
          %get3A = arith.index_cast %scan3A_47 : i32 to index
          %get3A_48 = arith.constant 0 : index
          %get3A_49 = tpu.vector_load %arg10[%get3A, %get3A_48] {strides = array<i32>} : memref<128x32xf32, #tpu.memory_space<vmem>>, vector<1x16xf32>,
          %get3A_50 = vector.shape_cast %get3A_49 : vector<1x16xf32> to vector<16xf32>
          %get3A_51 = arith.index_cast %scan3A_47 : i32 to index
          %get3A_52 = arith.constant 0 : index
          %get3A_53 = tpu.vector_load %arg9[%get3A_51, %get3A_52] {strides = array<i32>} : memref<128x32xf32, #tpu.memory_space<vmem>>, vector<1x16xf32>,
          %get3A_54 = vector.shape_cast %get3A_53 : vector<1x16xf32> to vector<16xf32>
          %mul3A_55 = arith.mulf %get3A_50, %get3A_54 : vector<16xf32>
          %swap3A = arith.index_cast %scan3A_47 : i32 to index
          %swap3A_56 = arith.constant 0 : index
          %swap3A_57 = tpu.vector_load %arg10[%swap3A, %swap3A_56] {strides = array<i32>} : memref<128x32xf32, #tpu.memory_space<vmem>>, vector<1x16xf32>,
          %swap3A_58 = vector.shape_cast %swap3A_57 : vector<1x16xf32> to vector<16xf32>
          %swap3A_59 = vector.shape_cast %mul3A_55 : vector<16xf32> to vector<1x16xf32>
          tpu.vector_store %arg10[%swap3A, %swap3A_56], %swap3A_59 {strides = array<i32>} : memref<128x32xf32, #tpu.memory_space<vmem>>, vector<1x16xf32>,
          %get3A_60 = arith.index_cast %scan3A_47 : i32 to index
          %get3A_61 = arith.constant 16 : index
          %get3A_62 = tpu.vector_load %arg10[%get3A_60, %get3A_61] {strides = array<i32>} : memref<128x32xf32, #tpu.memory_space<vmem>>, vector<1x16xf32>,
          %get3A_63 = vector.shape_cast %get3A_62 : vector<1x16xf32> to vector<16xf32>
          %get3A_64 = arith.index_cast %scan3A_47 : i32 to index
          %get3A_65 = arith.constant 16 : index
          %get3A_66 = tpu.vector_load %arg9[%get3A_64, %get3A_65] {strides = array<i32>} : memref<128x32xf32, #tpu.memory_space<vmem>>, vector<1x16xf32>,
          %get3A_67 = vector.shape_cast %get3A_66 : vector<1x16xf32> to vector<16xf32>
          %mul3A_68 = arith.mulf %get3A_63, %get3A_67 : vector<16xf32>
          %swap3A_69 = arith.index_cast %scan3A_47 : i32 to index
          %swap3A_70 = arith.constant 16 : index
          %swap3A_71 = tpu.vector_load %arg10[%swap3A_69, %swap3A_70] {strides = array<i32>} : memref<128x32xf32, #tpu.memory_space<vmem>>, vector<1x16xf32>,
          %swap3A_72 = vector.shape_cast %swap3A_71 : vector<1x16xf32> to vector<16xf32>
          %swap3A_73 = vector.shape_cast %mul3A_68 : vector<16xf32> to vector<1x16xf32>
          tpu.vector_store %arg10[%swap3A_69, %swap3A_70], %swap3A_73 {strides = array<i32>} : memref<128x32xf32, #tpu.memory_space<vmem>>, vector<1x16xf32>,
        }
        %scan3A_46 = arith.constant 128 : i32
        "tpu.region"() ({
          %run_scoped3A = tpu.sem_alloc : memref<!tpu.dma_semaphore, #tpu.memory_space<semaphore_mem>>
          %dma_start3A_47 = arith.constant 0 : i32
          %dma_start3A_48 = arith.constant 0 : i32
          %dma_start3A_49 = tpu.memref_slice %arg11[%dma_start3A_47, %dma_start3A_48] : memref<10000x32xf32, #tpu.memory_space<vmem_shared>> -> memref<10000x32xf32, #tpu.memory_space<vmem_shared>>
          tpu.enqueue_indirect_dma source(%arg10 : memref<128x32xf32, #tpu.memory_space<vmem>>) target(%dma_start3A_49 : memref<10000x32xf32, #tpu.memory_space<vmem_shared>>) offsets(%arg8 : memref<128xi32, #tpu.memory_space<vmem>>) semaphore(%run_scoped3A : memref<!tpu.dma_semaphore, #tpu.memory_space<semaphore_mem>>) {add = true}
          %dma_wait3A_50 = arith.constant 0 : i32
          %dma_wait3A_51 = arith.constant 0 : i32
          %dma_wait3A_52 = tpu.memref_slice %arg11[%dma_wait3A_50, %dma_wait3A_51] : memref<10000x32xf32, #tpu.memory_space<vmem_shared>> -> memref<10000x32xf32, #tpu.memory_space<vmem_shared>>
          tpu.wait_indirect_dma semaphore(%run_scoped3A : memref<!tpu.dma_semaphore, #tpu.memory_space<semaphore_mem>>) src(%arg10 : memref<128x32xf32, #tpu.memory_space<vmem>>) dst(%dma_wait3A_52 : memref<10000x32xf32, #tpu.memory_space<vmem_shared>>)
          tpu.yield
        }) : () -> ()
      } else {
      }
    }
    %scan3A_23 = arith.constant 20 : i32
    %barrier3A_24 = arith.constant 0 : index
    tpu.barrier barrier_id(%barrier3A_24)
    "tpu.region"() ({
      %run_scoped3A = tpu.sem_alloc : memref<!tpu.dma_semaphore, #tpu.memory_space<semaphore_mem>>
      %dma_start3A = arith.constant 0 : i32
      %dma_start3A_25 = tpu.memref_slice %arg6[%arg0, %mul3A_7, %dma_start3A] : memref<2x10000x32xf32, #tpu.memory_space<hbm>> -> memref<1x625x32xf32, #tpu.memory_space<hbm>>
      %dma_start3A_26 = tpu.memref_squeeze %dma_start3A_25 : memref<1x625x32xf32, #tpu.memory_space<hbm>> -> memref<625x32xf32, #tpu.memory_space<hbm>>
      %dma_start3A_27 = arith.constant 0 : i32
      %dma_start3A_28 = tpu.memref_slice %arg11[%mul3A_7, %dma_start3A_27] : memref<10000x32xf32, #tpu.memory_space<vmem_shared>> -> memref<625x32xf32, #tpu.memory_space<vmem_shared>>
      tpu.enqueue_dma source(%dma_start3A_28 : memref<625x32xf32, #tpu.memory_space<vmem_shared>>) target(%dma_start3A_26 : memref<625x32xf32, #tpu.memory_space<hbm>>) target_semaphore(%run_scoped3A : memref<!tpu.dma_semaphore, #tpu.memory_space<semaphore_mem>>)
      %dma_wait3A = arith.constant 0 : i32
      %dma_wait3A_29 = tpu.memref_slice %arg6[%arg0, %mul3A_7, %dma_wait3A] : memref<2x10000x32xf32, #tpu.memory_space<hbm>> -> memref<1x625x32xf32, #tpu.memory_space<hbm>>
      %dma_wait3A_30 = tpu.memref_squeeze %dma_wait3A_29 : memref<1x625x32xf32, #tpu.memory_space<hbm>> -> memref<625x32xf32, #tpu.memory_space<hbm>>
      %dma_wait3A_31 = arith.constant 0 : i32
      %dma_wait3A_32 = tpu.memref_slice %arg11[%mul3A_7, %dma_wait3A_31] : memref<10000x32xf32, #tpu.memory_space<vmem_shared>> -> memref<625x32xf32, #tpu.memory_space<vmem_shared>>
      tpu.wait_dma2 semaphore(%run_scoped3A : memref<!tpu.dma_semaphore, #tpu.memory_space<semaphore_mem>>) src(%dma_wait3A_32 : memref<625x32xf32, #tpu.memory_space<vmem_shared>>) dst(%dma_wait3A_30 : memref<625x32xf32, #tpu.memory_space<hbm>>)
      tpu.yield
    }) : () -> ()
    return
  }
}

#map = affine_map<(d0, d1) -> (0, 0)>
#map1 = affine_map<(d0, d1) -> (0)>
#map2 = affine_map<(d0, d1) -> (0, 0, 0)>
module attributes {stable_mosaic.version = 14 : i64} {
  func.func @k(%arg0: i32, %arg1: i32, %arg2: memref<10000x32xf32, #tpu.memory_space<hbm>>, %arg3: memref<80000x32xf32, #tpu.memory_space<hbm>>, %arg4: memref<80000xi32, #tpu.memory_space<hbm>>, %arg5: memref<80000xi32, #tpu.memory_space<hbm>>, %arg6: memref<2x10000x32xf32, #tpu.memory_space<hbm>>, %arg7: memref<128xi32, #tpu.memory_space<vmem>>, %arg8: memref<128xi32, #tpu.memory_space<vmem>>, %arg9: memref<128x32xf32, #tpu.memory_space<vmem>>, %arg10: memref<128x32xf32, #tpu.memory_space<vmem>>, %arg11: memref<10000x32xf32, #tpu.memory_space<vmem_shared>>, %arg12: memref<!tpu.dma_semaphore, #tpu.memory_space<semaphore_mem>>) attributes {dimension_semantics = [#tpu.dimension_semantics<core_parallel>, #tpu.dimension_semantics<subcore_parallel>], iteration_bounds = array<i64: 2, 16>, scalar_prefetch = 0 : i64, scratch_operands = 6 : i64, tpu.core_type = #tpu.core_type<sc_vector_subcore>, window_params = [{transform_indices = #map}, {transform_indices = #map}, {transform_indices = #map1}, {transform_indices = #map1}, {transform_indices = #map2}]} {
    %mul3A = arith.constant 2 : i32
    %mul3A_0 = arith.muli %arg1, %mul3A : i32
    %add3A = arith.addi %mul3A_0, %arg0 : i32
    %scan3A = arith.constant 0 : i32
    %scan3A_1 = arith.constant 0 : i32
    %scan3A_2 = arith.constant 128 : i32
    %scan3A_3 = arith.addi %scan3A_1, %scan3A_2 : i32
    %scan3A_4 = arith.constant 1 : i32
    scf.for %scan3A_25 = %scan3A_1 to %scan3A_3 step %scan3A_4  : i32 {
      %broadcast_in_dim3A = arith.constant 0.000000e+00 : f32
      %broadcast_in_dim3A_26 = vector.broadcast %broadcast_in_dim3A : f32 to vector<16xf32>
      %swap3A = arith.index_cast %scan3A_25 : i32 to index
      %swap3A_27 = arith.constant 0 : index
      %swap3A_28 = tpu.vector_load %arg10[%swap3A, %swap3A_27] {strides = array<i32>} : memref<128x32xf32, #tpu.memory_space<vmem>>, vector<1x16xf32>,
      %swap3A_29 = vector.shape_cast %swap3A_28 : vector<1x16xf32> to vector<16xf32>
      %swap3A_30 = vector.shape_cast %broadcast_in_dim3A_26 : vector<16xf32> to vector<1x16xf32>
      tpu.vector_store %arg10[%swap3A, %swap3A_27], %swap3A_30 {strides = array<i32>} : memref<128x32xf32, #tpu.memory_space<vmem>>, vector<1x16xf32>,
      %broadcast_in_dim3A_31 = arith.constant 0.000000e+00 : f32
      %broadcast_in_dim3A_32 = vector.broadcast %broadcast_in_dim3A_31 : f32 to vector<16xf32>
      %swap3A_33 = arith.index_cast %scan3A_25 : i32 to index
      %swap3A_34 = arith.constant 16 : index
      %swap3A_35 = tpu.vector_load %arg10[%swap3A_33, %swap3A_34] {strides = array<i32>} : memref<128x32xf32, #tpu.memory_space<vmem>>, vector<1x16xf32>,
      %swap3A_36 = vector.shape_cast %swap3A_35 : vector<1x16xf32> to vector<16xf32>
      %swap3A_37 = vector.shape_cast %broadcast_in_dim3A_32 : vector<16xf32> to vector<1x16xf32>
      tpu.vector_store %arg10[%swap3A_33, %swap3A_34], %swap3A_37 {strides = array<i32>} : memref<128x32xf32, #tpu.memory_space<vmem>>, vector<1x16xf32>,
    }
    %scan3A_5 = arith.constant 128 : i32
    %mul3A_6 = arith.constant 625 : i32
    %mul3A_7 = arith.muli %arg1, %mul3A_6 : i32
    %add3A_8 = arith.constant 0 : i32
    %add3A_9 = arith.addi %mul3A_7, %add3A_8 : i32
    "tpu.region"() ({
      %run_scoped3A = tpu.sem_alloc : memref<!tpu.dma_semaphore, #tpu.memory_space<semaphore_mem>>
      %dma_start3A = arith.constant 0 : i32
      %dma_start3A_25 = arith.constant 0 : i32
      %dma_start3A_26 = tpu.memref_slice %arg10[%dma_start3A, %dma_start3A_25] : memref<128x32xf32, #tpu.memory_space<vmem>> -> memref<128x32xf32, #tpu.memory_space<vmem>>
      %dma_start3A_27 = arith.constant 0 : i32
      %dma_start3A_28 = tpu.memref_slice %arg11[%add3A_9, %dma_start3A_27] : memref<10000x32xf32, #tpu.memory_space<vmem_shared>> -> memref<128x32xf32, #tpu.memory_space<vmem_shared>>
      %dma_start3A_29 = arith.constant 0 : i32
      %dma_start3A_30 = tpu.memref_slice %arg11[%add3A_9, %dma_start3A_29] : memref<10000x32xf32, #tpu.memory_space<vmem_shared>> -> memref<128x32xf32, #tpu.memory_space<vmem_shared>>
      %dma_start3A_31 = arith.constant 0 : i32
      %dma_start3A_32 = arith.constant 0 : i32
      %dma_start3A_33 = tpu.memref_slice %arg10[%dma_start3A_31, %dma_start3A_32] : memref<128x32xf32, #tpu.memory_space<vmem>> -> memref<128x32xf32, #tpu.memory_space<vmem>>
      tpu.enqueue_dma source(%dma_start3A_33 : memref<128x32xf32, #tpu.memory_space<vmem>>) target(%dma_start3A_30 : memref<128x32xf32, #tpu.memory_space<vmem_shared>>) target_semaphore(%run_scoped3A : memref<!tpu.dma_semaphore, #tpu.memory_space<semaphore_mem>>)
      %dma_wait3A = arith.constant 0 : i32
      %dma_wait3A_34 = arith.constant 0 : i32
      %dma_wait3A_35 = tpu.memref_slice %arg10[%dma_wait3A, %dma_wait3A_34] : memref<128x32xf32, #tpu.memory_space<vmem>> -> memref<128x32xf32, #tpu.memory_space<vmem>>
      %dma_wait3A_36 = arith.constant 0 : i32
      %dma_wait3A_37 = tpu.memref_slice %arg11[%add3A_9, %dma_wait3A_36] : memref<10000x32xf32, #tpu.memory_space<vmem_shared>> -> memref<128x32xf32, #tpu.memory_space<vmem_shared>>
      %dma_wait3A_38 = arith.constant 0 : i32
      %dma_wait3A_39 = tpu.memref_slice %arg11[%add3A_9, %dma_wait3A_38] : memref<10000x32xf32, #tpu.memory_space<vmem_shared>> -> memref<128x32xf32, #tpu.memory_space<vmem_shared>>
      %dma_wait3A_40 = arith.constant 0 : i32
      %dma_wait3A_41 = arith.constant 0 : i32
      %dma_wait3A_42 = tpu.memref_slice %arg10[%dma_wait3A_40, %dma_wait3A_41] : memref<128x32xf32, #tpu.memory_space<vmem>> -> memref<128x32xf32, #tpu.memory_space<vmem>>
      tpu.wait_dma2 semaphore(%run_scoped3A : memref<!tpu.dma_semaphore, #tpu.memory_space<semaphore_mem>>) src(%dma_wait3A_42 : memref<128x32xf32, #tpu.memory_space<vmem>>) dst(%dma_wait3A_39 : memref<128x32xf32, #tpu.memory_space<vmem_shared>>)
      tpu.yield
    }) : () -> ()
    %add3A_10 = arith.constant 128 : i32
    %add3A_11 = arith.addi %mul3A_7, %add3A_10 : i32
    "tpu.region"() ({
      %run_scoped3A = tpu.sem_alloc : memref<!tpu.dma_semaphore, #tpu.memory_space<semaphore_mem>>
      %dma_start3A = arith.constant 0 : i32
      %dma_start3A_25 = arith.constant 0 : i32
      %dma_start3A_26 = tpu.memref_slice %arg10[%dma_start3A, %dma_start3A_25] : memref<128x32xf32, #tpu.memory_space<vmem>> -> memref<128x32xf32, #tpu.memory_space<vmem>>
      %dma_start3A_27 = arith.constant 0 : i32
      %dma_start3A_28 = tpu.memref_slice %arg11[%add3A_11, %dma_start3A_27] : memref<10000x32xf32, #tpu.memory_space<vmem_shared>> -> memref<128x32xf32, #tpu.memory_space<vmem_shared>>
      %dma_start3A_29 = arith.constant 0 : i32
      %dma_start3A_30 = tpu.memref_slice %arg11[%add3A_11, %dma_start3A_29] : memref<10000x32xf32, #tpu.memory_space<vmem_shared>> -> memref<128x32xf32, #tpu.memory_space<vmem_shared>>
      %dma_start3A_31 = arith.constant 0 : i32
      %dma_start3A_32 = arith.constant 0 : i32
      %dma_start3A_33 = tpu.memref_slice %arg10[%dma_start3A_31, %dma_start3A_32] : memref<128x32xf32, #tpu.memory_space<vmem>> -> memref<128x32xf32, #tpu.memory_space<vmem>>
      tpu.enqueue_dma source(%dma_start3A_33 : memref<128x32xf32, #tpu.memory_space<vmem>>) target(%dma_start3A_30 : memref<128x32xf32, #tpu.memory_space<vmem_shared>>) target_semaphore(%run_scoped3A : memref<!tpu.dma_semaphore, #tpu.memory_space<semaphore_mem>>)
      %dma_wait3A = arith.constant 0 : i32
      %dma_wait3A_34 = arith.constant 0 : i32
      %dma_wait3A_35 = tpu.memref_slice %arg10[%dma_wait3A, %dma_wait3A_34] : memref<128x32xf32, #tpu.memory_space<vmem>> -> memref<128x32xf32, #tpu.memory_space<vmem>>
      %dma_wait3A_36 = arith.constant 0 : i32
      %dma_wait3A_37 = tpu.memref_slice %arg11[%add3A_11, %dma_wait3A_36] : memref<10000x32xf32, #tpu.memory_space<vmem_shared>> -> memref<128x32xf32, #tpu.memory_space<vmem_shared>>
      %dma_wait3A_38 = arith.constant 0 : i32
      %dma_wait3A_39 = tpu.memref_slice %arg11[%add3A_11, %dma_wait3A_38] : memref<10000x32xf32, #tpu.memory_space<vmem_shared>> -> memref<128x32xf32, #tpu.memory_space<vmem_shared>>
      %dma_wait3A_40 = arith.constant 0 : i32
      %dma_wait3A_41 = arith.constant 0 : i32
      %dma_wait3A_42 = tpu.memref_slice %arg10[%dma_wait3A_40, %dma_wait3A_41] : memref<128x32xf32, #tpu.memory_space<vmem>> -> memref<128x32xf32, #tpu.memory_space<vmem>>
      tpu.wait_dma2 semaphore(%run_scoped3A : memref<!tpu.dma_semaphore, #tpu.memory_space<semaphore_mem>>) src(%dma_wait3A_42 : memref<128x32xf32, #tpu.memory_space<vmem>>) dst(%dma_wait3A_39 : memref<128x32xf32, #tpu.memory_space<vmem_shared>>)
      tpu.yield
    }) : () -> ()
    %add3A_12 = arith.constant 256 : i32
    %add3A_13 = arith.addi %mul3A_7, %add3A_12 : i32
    "tpu.region"() ({
      %run_scoped3A = tpu.sem_alloc : memref<!tpu.dma_semaphore, #tpu.memory_space<semaphore_mem>>
      %dma_start3A = arith.constant 0 : i32
      %dma_start3A_25 = arith.constant 0 : i32
      %dma_start3A_26 = tpu.memref_slice %arg10[%dma_start3A, %dma_start3A_25] : memref<128x32xf32, #tpu.memory_space<vmem>> -> memref<128x32xf32, #tpu.memory_space<vmem>>
      %dma_start3A_27 = arith.constant 0 : i32
      %dma_start3A_28 = tpu.memref_slice %arg11[%add3A_13, %dma_start3A_27] : memref<10000x32xf32, #tpu.memory_space<vmem_shared>> -> memref<128x32xf32, #tpu.memory_space<vmem_shared>>
      %dma_start3A_29 = arith.constant 0 : i32
      %dma_start3A_30 = tpu.memref_slice %arg11[%add3A_13, %dma_start3A_29] : memref<10000x32xf32, #tpu.memory_space<vmem_shared>> -> memref<128x32xf32, #tpu.memory_space<vmem_shared>>
      %dma_start3A_31 = arith.constant 0 : i32
      %dma_start3A_32 = arith.constant 0 : i32
      %dma_start3A_33 = tpu.memref_slice %arg10[%dma_start3A_31, %dma_start3A_32] : memref<128x32xf32, #tpu.memory_space<vmem>> -> memref<128x32xf32, #tpu.memory_space<vmem>>
      tpu.enqueue_dma source(%dma_start3A_33 : memref<128x32xf32, #tpu.memory_space<vmem>>) target(%dma_start3A_30 : memref<128x32xf32, #tpu.memory_space<vmem_shared>>) target_semaphore(%run_scoped3A : memref<!tpu.dma_semaphore, #tpu.memory_space<semaphore_mem>>)
      %dma_wait3A = arith.constant 0 : i32
      %dma_wait3A_34 = arith.constant 0 : i32
      %dma_wait3A_35 = tpu.memref_slice %arg10[%dma_wait3A, %dma_wait3A_34] : memref<128x32xf32, #tpu.memory_space<vmem>> -> memref<128x32xf32, #tpu.memory_space<vmem>>
      %dma_wait3A_36 = arith.constant 0 : i32
      %dma_wait3A_37 = tpu.memref_slice %arg11[%add3A_13, %dma_wait3A_36] : memref<10000x32xf32, #tpu.memory_space<vmem_shared>> -> memref<128x32xf32, #tpu.memory_space<vmem_shared>>
      %dma_wait3A_38 = arith.constant 0 : i32
      %dma_wait3A_39 = tpu.memref_slice %arg11[%add3A_13, %dma_wait3A_38] : memref<10000x32xf32, #tpu.memory_space<vmem_shared>> -> memref<128x32xf32, #tpu.memory_space<vmem_shared>>
      %dma_wait3A_40 = arith.constant 0 : i32
      %dma_wait3A_41 = arith.constant 0 : i32
      %dma_wait3A_42 = tpu.memref_slice %arg10[%dma_wait3A_40, %dma_wait3A_41] : memref<128x32xf32, #tpu.memory_space<vmem>> -> memref<128x32xf32, #tpu.memory_space<vmem>>
      tpu.wait_dma2 semaphore(%run_scoped3A : memref<!tpu.dma_semaphore, #tpu.memory_space<semaphore_mem>>) src(%dma_wait3A_42 : memref<128x32xf32, #tpu.memory_space<vmem>>) dst(%dma_wait3A_39 : memref<128x32xf32, #tpu.memory_space<vmem_shared>>)
      tpu.yield
    }) : () -> ()
    %add3A_14 = arith.constant 384 : i32
    %add3A_15 = arith.addi %mul3A_7, %add3A_14 : i32
    "tpu.region"() ({
      %run_scoped3A = tpu.sem_alloc : memref<!tpu.dma_semaphore, #tpu.memory_space<semaphore_mem>>
      %dma_start3A = arith.constant 0 : i32
      %dma_start3A_25 = arith.constant 0 : i32
      %dma_start3A_26 = tpu.memref_slice %arg10[%dma_start3A, %dma_start3A_25] : memref<128x32xf32, #tpu.memory_space<vmem>> -> memref<128x32xf32, #tpu.memory_space<vmem>>
      %dma_start3A_27 = arith.constant 0 : i32
      %dma_start3A_28 = tpu.memref_slice %arg11[%add3A_15, %dma_start3A_27] : memref<10000x32xf32, #tpu.memory_space<vmem_shared>> -> memref<128x32xf32, #tpu.memory_space<vmem_shared>>
      %dma_start3A_29 = arith.constant 0 : i32
      %dma_start3A_30 = tpu.memref_slice %arg11[%add3A_15, %dma_start3A_29] : memref<10000x32xf32, #tpu.memory_space<vmem_shared>> -> memref<128x32xf32, #tpu.memory_space<vmem_shared>>
      %dma_start3A_31 = arith.constant 0 : i32
      %dma_start3A_32 = arith.constant 0 : i32
      %dma_start3A_33 = tpu.memref_slice %arg10[%dma_start3A_31, %dma_start3A_32] : memref<128x32xf32, #tpu.memory_space<vmem>> -> memref<128x32xf32, #tpu.memory_space<vmem>>
      tpu.enqueue_dma source(%dma_start3A_33 : memref<128x32xf32, #tpu.memory_space<vmem>>) target(%dma_start3A_30 : memref<128x32xf32, #tpu.memory_space<vmem_shared>>) target_semaphore(%run_scoped3A : memref<!tpu.dma_semaphore, #tpu.memory_space<semaphore_mem>>)
      %dma_wait3A = arith.constant 0 : i32
      %dma_wait3A_34 = arith.constant 0 : i32
      %dma_wait3A_35 = tpu.memref_slice %arg10[%dma_wait3A, %dma_wait3A_34] : memref<128x32xf32, #tpu.memory_space<vmem>> -> memref<128x32xf32, #tpu.memory_space<vmem>>
      %dma_wait3A_36 = arith.constant 0 : i32
      %dma_wait3A_37 = tpu.memref_slice %arg11[%add3A_15, %dma_wait3A_36] : memref<10000x32xf32, #tpu.memory_space<vmem_shared>> -> memref<128x32xf32, #tpu.memory_space<vmem_shared>>
      %dma_wait3A_38 = arith.constant 0 : i32
      %dma_wait3A_39 = tpu.memref_slice %arg11[%add3A_15, %dma_wait3A_38] : memref<10000x32xf32, #tpu.memory_space<vmem_shared>> -> memref<128x32xf32, #tpu.memory_space<vmem_shared>>
      %dma_wait3A_40 = arith.constant 0 : i32
      %dma_wait3A_41 = arith.constant 0 : i32
      %dma_wait3A_42 = tpu.memref_slice %arg10[%dma_wait3A_40, %dma_wait3A_41] : memref<128x32xf32, #tpu.memory_space<vmem>> -> memref<128x32xf32, #tpu.memory_space<vmem>>
      tpu.wait_dma2 semaphore(%run_scoped3A : memref<!tpu.dma_semaphore, #tpu.memory_space<semaphore_mem>>) src(%dma_wait3A_42 : memref<128x32xf32, #tpu.memory_space<vmem>>) dst(%dma_wait3A_39 : memref<128x32xf32, #tpu.memory_space<vmem_shared>>)
      tpu.yield
    }) : () -> ()
    %add3A_16 = arith.constant 512 : i32
    %add3A_17 = arith.addi %mul3A_7, %add3A_16 : i32
    "tpu.region"() ({
      %run_scoped3A = tpu.sem_alloc : memref<!tpu.dma_semaphore, #tpu.memory_space<semaphore_mem>>
      %dma_start3A = arith.constant 0 : i32
      %dma_start3A_25 = arith.constant 0 : i32
      %dma_start3A_26 = tpu.memref_slice %arg10[%dma_start3A, %dma_start3A_25] : memref<128x32xf32, #tpu.memory_space<vmem>> -> memref<113x32xf32, #tpu.memory_space<vmem>>
      %dma_start3A_27 = arith.constant 0 : i32
      %dma_start3A_28 = tpu.memref_slice %arg11[%add3A_17, %dma_start3A_27] : memref<10000x32xf32, #tpu.memory_space<vmem_shared>> -> memref<113x32xf32, #tpu.memory_space<vmem_shared>>
      %dma_start3A_29 = arith.constant 0 : i32
      %dma_start3A_30 = tpu.memref_slice %arg11[%add3A_17, %dma_start3A_29] : memref<10000x32xf32, #tpu.memory_space<vmem_shared>> -> memref<113x32xf32, #tpu.memory_space<vmem_shared>>
      %dma_start3A_31 = arith.constant 0 : i32
      %dma_start3A_32 = arith.constant 0 : i32
      %dma_start3A_33 = tpu.memref_slice %arg10[%dma_start3A_31, %dma_start3A_32] : memref<128x32xf32, #tpu.memory_space<vmem>> -> memref<113x32xf32, #tpu.memory_space<vmem>>
      tpu.enqueue_dma source(%dma_start3A_33 : memref<113x32xf32, #tpu.memory_space<vmem>>) target(%dma_start3A_30 : memref<113x32xf32, #tpu.memory_space<vmem_shared>>) target_semaphore(%run_scoped3A : memref<!tpu.dma_semaphore, #tpu.memory_space<semaphore_mem>>)
      %dma_wait3A = arith.constant 0 : i32
      %dma_wait3A_34 = arith.constant 0 : i32
      %dma_wait3A_35 = tpu.memref_slice %arg10[%dma_wait3A, %dma_wait3A_34] : memref<128x32xf32, #tpu.memory_space<vmem>> -> memref<113x32xf32, #tpu.memory_space<vmem>>
      %dma_wait3A_36 = arith.constant 0 : i32
      %dma_wait3A_37 = tpu.memref_slice %arg11[%add3A_17, %dma_wait3A_36] : memref<10000x32xf32, #tpu.memory_space<vmem_shared>> -> memref<113x32xf32, #tpu.memory_space<vmem_shared>>
      %dma_wait3A_38 = arith.constant 0 : i32
      %dma_wait3A_39 = tpu.memref_slice %arg11[%add3A_17, %dma_wait3A_38] : memref<10000x32xf32, #tpu.memory_space<vmem_shared>> -> memref<113x32xf32, #tpu.memory_space<vmem_shared>>
      %dma_wait3A_40 = arith.constant 0 : i32
      %dma_wait3A_41 = arith.constant 0 : i32
      %dma_wait3A_42 = tpu.memref_slice %arg10[%dma_wait3A_40, %dma_wait3A_41] : memref<128x32xf32, #tpu.memory_space<vmem>> -> memref<113x32xf32, #tpu.memory_space<vmem>>
      tpu.wait_dma2 semaphore(%run_scoped3A : memref<!tpu.dma_semaphore, #tpu.memory_space<semaphore_mem>>) src(%dma_wait3A_42 : memref<113x32xf32, #tpu.memory_space<vmem>>) dst(%dma_wait3A_39 : memref<113x32xf32, #tpu.memory_space<vmem_shared>>)
      tpu.yield
    }) : () -> ()
    %barrier3A = arith.constant 0 : index
    tpu.barrier barrier_id(%barrier3A)
    %scan3A_18 = arith.constant 0 : i32
    %scan3A_19 = arith.constant 0 : i32
    %scan3A_20 = arith.constant 20 : i32
    %scan3A_21 = arith.addi %scan3A_19, %scan3A_20 : i32
    %scan3A_22 = arith.constant 1 : i32
    scf.for %scan3A_25 = %scan3A_19 to %scan3A_21 step %scan3A_22  : i32 {
      %mul3A_26 = arith.constant 32 : i32
      %mul3A_27 = arith.muli %mul3A_26, %scan3A_25 : i32
      %add3A_28 = arith.addi %add3A, %mul3A_27 : i32
      %lt3A = arith.constant 625 : i32
      %lt3A_29 = arith.cmpi slt, %add3A_28, %lt3A : i32
      %convert_element_type3A = arith.extui %lt3A_29 : i1 to i32
      %cond3A = arith.constant 0 : i32
      %cond3A_30 = arith.cmpi ne, %convert_element_type3A, %cond3A : i32
      scf.if %cond3A_30 {
        %mul3A_31 = arith.constant 128 : i32
        %mul3A_32 = arith.muli %add3A_28, %mul3A_31 : i32
        "tpu.region"() ({
          %run_scoped3A = tpu.sem_alloc : memref<!tpu.dma_semaphore, #tpu.memory_space<semaphore_mem>>
          %dma_start3A_47 = tpu.memref_slice %arg4[%mul3A_32] : memref<80000xi32, #tpu.memory_space<hbm>> -> memref<128xi32, #tpu.memory_space<hbm>>
          %dma_start3A_48 = tpu.memref_slice %arg4[%mul3A_32] : memref<80000xi32, #tpu.memory_space<hbm>> -> memref<128xi32, #tpu.memory_space<hbm>>
          tpu.enqueue_dma source(%dma_start3A_48 : memref<128xi32, #tpu.memory_space<hbm>>) target(%arg7 : memref<128xi32, #tpu.memory_space<vmem>>) target_semaphore(%run_scoped3A : memref<!tpu.dma_semaphore, #tpu.memory_space<semaphore_mem>>)
          %dma_wait3A_49 = tpu.memref_slice %arg4[%mul3A_32] : memref<80000xi32, #tpu.memory_space<hbm>> -> memref<128xi32, #tpu.memory_space<hbm>>
          %dma_wait3A_50 = tpu.memref_slice %arg4[%mul3A_32] : memref<80000xi32, #tpu.memory_space<hbm>> -> memref<128xi32, #tpu.memory_space<hbm>>
          tpu.wait_dma2 semaphore(%run_scoped3A : memref<!tpu.dma_semaphore, #tpu.memory_space<semaphore_mem>>) src(%dma_wait3A_50 : memref<128xi32, #tpu.memory_space<hbm>>) dst(%arg7 : memref<128xi32, #tpu.memory_space<vmem>>)
          tpu.yield
        }) : () -> ()
        %mul3A_33 = arith.constant 128 : i32
        %mul3A_34 = arith.muli %add3A_28, %mul3A_33 : i32
        "tpu.region"() ({
          %run_scoped3A = tpu.sem_alloc : memref<!tpu.dma_semaphore, #tpu.memory_space<semaphore_mem>>
          %dma_start3A_47 = tpu.memref_slice %arg5[%mul3A_34] : memref<80000xi32, #tpu.memory_space<hbm>> -> memref<128xi32, #tpu.memory_space<hbm>>
          %dma_start3A_48 = tpu.memref_slice %arg5[%mul3A_34] : memref<80000xi32, #tpu.memory_space<hbm>> -> memref<128xi32, #tpu.memory_space<hbm>>
          tpu.enqueue_dma source(%dma_start3A_48 : memref<128xi32, #tpu.memory_space<hbm>>) target(%arg8 : memref<128xi32, #tpu.memory_space<vmem>>) target_semaphore(%run_scoped3A : memref<!tpu.dma_semaphore, #tpu.memory_space<semaphore_mem>>)
          %dma_wait3A_49 = tpu.memref_slice %arg5[%mul3A_34] : memref<80000xi32, #tpu.memory_space<hbm>> -> memref<128xi32, #tpu.memory_space<hbm>>
          %dma_wait3A_50 = tpu.memref_slice %arg5[%mul3A_34] : memref<80000xi32, #tpu.memory_space<hbm>> -> memref<128xi32, #tpu.memory_space<hbm>>
          tpu.wait_dma2 semaphore(%run_scoped3A : memref<!tpu.dma_semaphore, #tpu.memory_space<semaphore_mem>>) src(%dma_wait3A_50 : memref<128xi32, #tpu.memory_space<hbm>>) dst(%arg8 : memref<128xi32, #tpu.memory_space<vmem>>)
          tpu.yield
        }) : () -> ()
        %dma_start3A = arith.constant 0 : i32
        %dma_start3A_35 = arith.constant 0 : i32
        %dma_start3A_36 = tpu.memref_slice %arg2[%dma_start3A, %dma_start3A_35] : memref<10000x32xf32, #tpu.memory_space<hbm>> -> memref<10000x32xf32, #tpu.memory_space<hbm>>
        tpu.enqueue_indirect_dma source(%dma_start3A_36 : memref<10000x32xf32, #tpu.memory_space<hbm>>) target(%arg9 : memref<128x32xf32, #tpu.memory_space<vmem>>) offsets(%arg7 : memref<128xi32, #tpu.memory_space<vmem>>) semaphore(%arg12 : memref<!tpu.dma_semaphore, #tpu.memory_space<semaphore_mem>>)
        %dma_wait3A = arith.constant 0 : i32
        %dma_wait3A_37 = arith.constant 0 : i32
        %dma_wait3A_38 = tpu.memref_slice %arg2[%dma_wait3A, %dma_wait3A_37] : memref<10000x32xf32, #tpu.memory_space<hbm>> -> memref<10000x32xf32, #tpu.memory_space<hbm>>
        tpu.wait_indirect_dma semaphore(%arg12 : memref<!tpu.dma_semaphore, #tpu.memory_space<semaphore_mem>>) src(%dma_wait3A_38 : memref<10000x32xf32, #tpu.memory_space<hbm>>) dst(%arg9 : memref<128x32xf32, #tpu.memory_space<vmem>>)
        %mul3A_39 = arith.constant 128 : i32
        %mul3A_40 = arith.muli %add3A_28, %mul3A_39 : i32
        "tpu.region"() ({
          %run_scoped3A = tpu.sem_alloc : memref<!tpu.dma_semaphore, #tpu.memory_space<semaphore_mem>>
          %dma_start3A_47 = arith.constant 0 : i32
          %dma_start3A_48 = tpu.memref_slice %arg3[%mul3A_40, %dma_start3A_47] : memref<80000x32xf32, #tpu.memory_space<hbm>> -> memref<128x32xf32, #tpu.memory_space<hbm>>
          %dma_start3A_49 = arith.constant 0 : i32
          %dma_start3A_50 = tpu.memref_slice %arg3[%mul3A_40, %dma_start3A_49] : memref<80000x32xf32, #tpu.memory_space<hbm>> -> memref<128x32xf32, #tpu.memory_space<hbm>>
          tpu.enqueue_dma source(%dma_start3A_50 : memref<128x32xf32, #tpu.memory_space<hbm>>) target(%arg10 : memref<128x32xf32, #tpu.memory_space<vmem>>) target_semaphore(%run_scoped3A : memref<!tpu.dma_semaphore, #tpu.memory_space<semaphore_mem>>)
          %dma_wait3A_51 = arith.constant 0 : i32
          %dma_wait3A_52 = tpu.memref_slice %arg3[%mul3A_40, %dma_wait3A_51] : memref<80000x32xf32, #tpu.memory_space<hbm>> -> memref<128x32xf32, #tpu.memory_space<hbm>>
          %dma_wait3A_53 = arith.constant 0 : i32
          %dma_wait3A_54 = tpu.memref_slice %arg3[%mul3A_40, %dma_wait3A_53] : memref<80000x32xf32, #tpu.memory_space<hbm>> -> memref<128x32xf32, #tpu.memory_space<hbm>>
          tpu.wait_dma2 semaphore(%run_scoped3A : memref<!tpu.dma_semaphore, #tpu.memory_space<semaphore_mem>>) src(%dma_wait3A_54 : memref<128x32xf32, #tpu.memory_space<hbm>>) dst(%arg10 : memref<128x32xf32, #tpu.memory_space<vmem>>)
          tpu.yield
        }) : () -> ()
        %scan3A_41 = arith.constant 0 : i32
        %scan3A_42 = arith.constant 0 : i32
        %scan3A_43 = arith.constant 128 : i32
        %scan3A_44 = arith.addi %scan3A_42, %scan3A_43 : i32
        %scan3A_45 = arith.constant 1 : i32
        scf.for %scan3A_47 = %scan3A_42 to %scan3A_44 step %scan3A_45  : i32 {
          %get3A = arith.index_cast %scan3A_47 : i32 to index
          %get3A_48 = arith.constant 0 : index
          %get3A_49 = tpu.vector_load %arg10[%get3A, %get3A_48] {strides = array<i32>} : memref<128x32xf32, #tpu.memory_space<vmem>>, vector<1x16xf32>,
          %get3A_50 = vector.shape_cast %get3A_49 : vector<1x16xf32> to vector<16xf32>
          %get3A_51 = arith.index_cast %scan3A_47 : i32 to index
          %get3A_52 = arith.constant 0 : index
          %get3A_53 = tpu.vector_load %arg9[%get3A_51, %get3A_52] {strides = array<i32>} : memref<128x32xf32, #tpu.memory_space<vmem>>, vector<1x16xf32>,
          %get3A_54 = vector.shape_cast %get3A_53 : vector<1x16xf32> to vector<16xf32>
          %mul3A_55 = arith.mulf %get3A_50, %get3A_54 : vector<16xf32>
          %swap3A = arith.index_cast %scan3A_47 : i32 to index
          %swap3A_56 = arith.constant 0 : index
          %swap3A_57 = tpu.vector_load %arg10[%swap3A, %swap3A_56] {strides = array<i32>} : memref<128x32xf32, #tpu.memory_space<vmem>>, vector<1x16xf32>,
          %swap3A_58 = vector.shape_cast %swap3A_57 : vector<1x16xf32> to vector<16xf32>
          %swap3A_59 = vector.shape_cast %mul3A_55 : vector<16xf32> to vector<1x16xf32>
          tpu.vector_store %arg10[%swap3A, %swap3A_56], %swap3A_59 {strides = array<i32>} : memref<128x32xf32, #tpu.memory_space<vmem>>, vector<1x16xf32>,
          %get3A_60 = arith.index_cast %scan3A_47 : i32 to index
          %get3A_61 = arith.constant 16 : index
          %get3A_62 = tpu.vector_load %arg10[%get3A_60, %get3A_61] {strides = array<i32>} : memref<128x32xf32, #tpu.memory_space<vmem>>, vector<1x16xf32>,
          %get3A_63 = vector.shape_cast %get3A_62 : vector<1x16xf32> to vector<16xf32>
          %get3A_64 = arith.index_cast %scan3A_47 : i32 to index
          %get3A_65 = arith.constant 16 : index
          %get3A_66 = tpu.vector_load %arg9[%get3A_64, %get3A_65] {strides = array<i32>} : memref<128x32xf32, #tpu.memory_space<vmem>>, vector<1x16xf32>,
          %get3A_67 = vector.shape_cast %get3A_66 : vector<1x16xf32> to vector<16xf32>
          %mul3A_68 = arith.mulf %get3A_63, %get3A_67 : vector<16xf32>
          %swap3A_69 = arith.index_cast %scan3A_47 : i32 to index
          %swap3A_70 = arith.constant 16 : index
          %swap3A_71 = tpu.vector_load %arg10[%swap3A_69, %swap3A_70] {strides = array<i32>} : memref<128x32xf32, #tpu.memory_space<vmem>>, vector<1x16xf32>,
          %swap3A_72 = vector.shape_cast %swap3A_71 : vector<1x16xf32> to vector<16xf32>
          %swap3A_73 = vector.shape_cast %mul3A_68 : vector<16xf32> to vector<1x16xf32>
          tpu.vector_store %arg10[%swap3A_69, %swap3A_70], %swap3A_73 {strides = array<i32>} : memref<128x32xf32, #tpu.memory_space<vmem>>, vector<1x16xf32>,
        }
        %scan3A_46 = arith.constant 128 : i32
        "tpu.region"() ({
          %run_scoped3A = tpu.sem_alloc : memref<!tpu.dma_semaphore, #tpu.memory_space<semaphore_mem>>
          %dma_start3A_47 = arith.constant 0 : i32
          %dma_start3A_48 = arith.constant 0 : i32
          %dma_start3A_49 = tpu.memref_slice %arg11[%dma_start3A_47, %dma_start3A_48] : memref<10000x32xf32, #tpu.memory_space<vmem_shared>> -> memref<10000x32xf32, #tpu.memory_space<vmem_shared>>
          tpu.enqueue_indirect_dma source(%arg10 : memref<128x32xf32, #tpu.memory_space<vmem>>) target(%dma_start3A_49 : memref<10000x32xf32, #tpu.memory_space<vmem_shared>>) offsets(%arg8 : memref<128xi32, #tpu.memory_space<vmem>>) semaphore(%run_scoped3A : memref<!tpu.dma_semaphore, #tpu.memory_space<semaphore_mem>>) {add = true}
          %dma_wait3A_50 = arith.constant 0 : i32
          %dma_wait3A_51 = arith.constant 0 : i32
          %dma_wait3A_52 = tpu.memref_slice %arg11[%dma_wait3A_50, %dma_wait3A_51] : memref<10000x32xf32, #tpu.memory_space<vmem_shared>> -> memref<10000x32xf32, #tpu.memory_space<vmem_shared>>
          tpu.wait_indirect_dma semaphore(%run_scoped3A : memref<!tpu.dma_semaphore, #tpu.memory_space<semaphore_mem>>) src(%arg10 : memref<128x32xf32, #tpu.memory_space<vmem>>) dst(%dma_wait3A_52 : memref<10000x32xf32, #tpu.memory_space<vmem_shared>>)
          tpu.yield
        }) : () -> ()
      } else {
      }
    }
    %scan3A_23 = arith.constant 20 : i32
    %barrier3A_24 = arith.constant 0 : index
    tpu.barrier barrier_id(%barrier3A_24)
    "tpu.region"() ({
      %run_scoped3A = tpu.sem_alloc : memref<!tpu.dma_semaphore, #tpu.memory_space<semaphore_mem>>
      %dma_start3A = arith.constant 0 : i32
      %dma_start3A_25 = tpu.memref_slice %arg6[%arg0, %mul3A_7, %dma_start3A] : memref<2x10000x32xf32, #tpu.memory_space<hbm>> -> memref<1x625x32xf32, #tpu.memory_space<hbm>>
      %dma_start3A_26 = tpu.memref_squeeze %dma_start3A_25 : memref<1x625x32xf32, #tpu.memory_space<hbm>> -> memref<625x32xf32, #tpu.memory_space<hbm>>
      %dma_start3A_27 = arith.constant 0 : i32
      %dma_start3A_28 = tpu.memref_slice %arg11[%mul3A_7, %dma_start3A_27] : memref<10000x32xf32, #tpu.memory_space<vmem_shared>> -> memref<625x32xf32, #tpu.memory_space<vmem_shared>>
      tpu.enqueue_dma source(%dma_start3A_28 : memref<625x32xf32, #tpu.memory_space<vmem_shared>>) target(%dma_start3A_26 : memref<625x32xf32, #tpu.memory_space<hbm>>) target_semaphore(%run_scoped3A : memref<!tpu.dma_semaphore, #tpu.memory_space<semaphore_mem>>)
      %dma_wait3A = arith.constant 0 : i32
      %dma_wait3A_29 = tpu.memref_slice %arg6[%arg0, %mul3A_7, %dma_wait3A] : memref<2x10000x32xf32, #tpu.memory_space<hbm>> -> memref<1x625x32xf32, #tpu.memory_space<hbm>>
      %dma_wait3A_30 = tpu.memref_squeeze %dma_wait3A_29 : memref<1x625x32xf32, #tpu.memory_space<hbm>> -> memref<625x32xf32, #tpu.memory_space<hbm>>
      %dma_wait3A_31 = arith.constant 0 : i32
      %dma_wait3A_32 = tpu.memref_slice %arg11[%mul3A_7, %dma_wait3A_31] : memref<10000x32xf32, #tpu.memory_space<vmem_shared>> -> memref<625x32xf32, #tpu.memory_space<vmem_shared>>
      tpu.wait_dma2 semaphore(%run_scoped3A : memref<!tpu.dma_semaphore, #tpu.memory_space<semaphore_mem>>) src(%dma_wait3A_32 : memref<625x32xf32, #tpu.memory_space<vmem_shared>>) dst(%dma_wait3A_30 : memref<625x32xf32, #tpu.memory_space<hbm>>)
      tpu.yield
    }) : () -> ()
    return
  }
}

#map = affine_map<(d0, d1) -> (0, 0)>
#map1 = affine_map<(d0, d1) -> (0)>
module attributes {stable_mosaic.version = 14 : i64} {
  func.func @k(%arg0: i32, %arg1: i32, %arg2: memref<10000x32xf32, #tpu.memory_space<hbm>>, %arg3: memref<38400xi32, #tpu.memory_space<hbm>>, %arg4: memref<38400x32xf32, #tpu.memory_space<hbm>>, %arg5: memref<128xi32, #tpu.memory_space<vmem>>, %arg6: memref<128x32xf32, #tpu.memory_space<vmem>>, %arg7: memref<!tpu.dma_semaphore, #tpu.memory_space<semaphore_mem>>) attributes {dimension_semantics = [#tpu.dimension_semantics<core_parallel>, #tpu.dimension_semantics<subcore_parallel>], iteration_bounds = array<i64: 2, 16>, scalar_prefetch = 0 : i64, scratch_operands = 3 : i64, tpu.core_type = #tpu.core_type<sc_vector_subcore>, window_params = [{transform_indices = #map}, {transform_indices = #map1}, {transform_indices = #map}]} {
    %mul3A = arith.constant 2 : i32
    %mul3A_0 = arith.muli %arg1, %mul3A : i32
    %add3A = arith.addi %mul3A_0, %arg0 : i32
    %scan3A = arith.constant 0 : i32
    %scan3A_1 = arith.constant 0 : i32
    %scan3A_2 = arith.constant 10 : i32
    %scan3A_3 = arith.addi %scan3A_1, %scan3A_2 : i32
    %scan3A_4 = arith.constant 1 : i32
    scf.for %scan3A_6 = %scan3A_1 to %scan3A_3 step %scan3A_4  : i32 {
      %mul3A_7 = arith.constant 32 : i32
      %mul3A_8 = arith.muli %mul3A_7, %scan3A_6 : i32
      %add3A_9 = arith.addi %add3A, %mul3A_8 : i32
      %lt3A = arith.constant 300 : i32
      %lt3A_10 = arith.cmpi slt, %add3A_9, %lt3A : i32
      %convert_element_type3A = arith.extui %lt3A_10 : i1 to i32
      %cond3A = arith.constant 0 : i32
      %cond3A_11 = arith.cmpi ne, %convert_element_type3A, %cond3A : i32
      scf.if %cond3A_11 {
        %mul3A_12 = arith.constant 128 : i32
        %mul3A_13 = arith.muli %add3A_9, %mul3A_12 : i32
        "tpu.region"() ({
          %run_scoped3A = tpu.sem_alloc : memref<!tpu.dma_semaphore, #tpu.memory_space<semaphore_mem>>
          %dma_start3A_20 = tpu.memref_slice %arg3[%mul3A_13] : memref<38400xi32, #tpu.memory_space<hbm>> -> memref<128xi32, #tpu.memory_space<hbm>>
          %dma_start3A_21 = tpu.memref_slice %arg3[%mul3A_13] : memref<38400xi32, #tpu.memory_space<hbm>> -> memref<128xi32, #tpu.memory_space<hbm>>
          tpu.enqueue_dma source(%dma_start3A_21 : memref<128xi32, #tpu.memory_space<hbm>>) target(%arg5 : memref<128xi32, #tpu.memory_space<vmem>>) target_semaphore(%run_scoped3A : memref<!tpu.dma_semaphore, #tpu.memory_space<semaphore_mem>>)
          %dma_wait3A_22 = tpu.memref_slice %arg3[%mul3A_13] : memref<38400xi32, #tpu.memory_space<hbm>> -> memref<128xi32, #tpu.memory_space<hbm>>
          %dma_wait3A_23 = tpu.memref_slice %arg3[%mul3A_13] : memref<38400xi32, #tpu.memory_space<hbm>> -> memref<128xi32, #tpu.memory_space<hbm>>
          tpu.wait_dma2 semaphore(%run_scoped3A : memref<!tpu.dma_semaphore, #tpu.memory_space<semaphore_mem>>) src(%dma_wait3A_23 : memref<128xi32, #tpu.memory_space<hbm>>) dst(%arg5 : memref<128xi32, #tpu.memory_space<vmem>>)
          tpu.yield
        }) : () -> ()
        %dma_start3A = arith.constant 0 : i32
        %dma_start3A_14 = arith.constant 0 : i32
        %dma_start3A_15 = tpu.memref_slice %arg2[%dma_start3A, %dma_start3A_14] : memref<10000x32xf32, #tpu.memory_space<hbm>> -> memref<10000x32xf32, #tpu.memory_space<hbm>>
        tpu.enqueue_indirect_dma source(%dma_start3A_15 : memref<10000x32xf32, #tpu.memory_space<hbm>>) target(%arg6 : memref<128x32xf32, #tpu.memory_space<vmem>>) offsets(%arg5 : memref<128xi32, #tpu.memory_space<vmem>>) semaphore(%arg7 : memref<!tpu.dma_semaphore, #tpu.memory_space<semaphore_mem>>)
        %dma_wait3A = arith.constant 0 : i32
        %dma_wait3A_16 = arith.constant 0 : i32
        %dma_wait3A_17 = tpu.memref_slice %arg2[%dma_wait3A, %dma_wait3A_16] : memref<10000x32xf32, #tpu.memory_space<hbm>> -> memref<10000x32xf32, #tpu.memory_space<hbm>>
        tpu.wait_indirect_dma semaphore(%arg7 : memref<!tpu.dma_semaphore, #tpu.memory_space<semaphore_mem>>) src(%dma_wait3A_17 : memref<10000x32xf32, #tpu.memory_space<hbm>>) dst(%arg6 : memref<128x32xf32, #tpu.memory_space<vmem>>)
        %mul3A_18 = arith.constant 128 : i32
        %mul3A_19 = arith.muli %add3A_9, %mul3A_18 : i32
        "tpu.region"() ({
          %run_scoped3A = tpu.sem_alloc : memref<!tpu.dma_semaphore, #tpu.memory_space<semaphore_mem>>
          %dma_start3A_20 = arith.constant 0 : i32
          %dma_start3A_21 = tpu.memref_slice %arg4[%mul3A_19, %dma_start3A_20] : memref<38400x32xf32, #tpu.memory_space<hbm>> -> memref<128x32xf32, #tpu.memory_space<hbm>>
          %dma_start3A_22 = arith.constant 0 : i32
          %dma_start3A_23 = tpu.memref_slice %arg4[%mul3A_19, %dma_start3A_22] : memref<38400x32xf32, #tpu.memory_space<hbm>> -> memref<128x32xf32, #tpu.memory_space<hbm>>
          tpu.enqueue_dma source(%arg6 : memref<128x32xf32, #tpu.memory_space<vmem>>) target(%dma_start3A_23 : memref<128x32xf32, #tpu.memory_space<hbm>>) target_semaphore(%run_scoped3A : memref<!tpu.dma_semaphore, #tpu.memory_space<semaphore_mem>>)
          %dma_wait3A_24 = arith.constant 0 : i32
          %dma_wait3A_25 = tpu.memref_slice %arg4[%mul3A_19, %dma_wait3A_24] : memref<38400x32xf32, #tpu.memory_space<hbm>> -> memref<128x32xf32, #tpu.memory_space<hbm>>
          %dma_wait3A_26 = arith.constant 0 : i32
          %dma_wait3A_27 = tpu.memref_slice %arg4[%mul3A_19, %dma_wait3A_26] : memref<38400x32xf32, #tpu.memory_space<hbm>> -> memref<128x32xf32, #tpu.memory_space<hbm>>
          tpu.wait_dma2 semaphore(%run_scoped3A : memref<!tpu.dma_semaphore, #tpu.memory_space<semaphore_mem>>) src(%arg6 : memref<128x32xf32, #tpu.memory_space<vmem>>) dst(%dma_wait3A_27 : memref<128x32xf32, #tpu.memory_space<hbm>>)
          tpu.yield
        }) : () -> ()
      } else {
      }
    }
    %scan3A_5 = arith.constant 10 : i32
    return
  }
}

#map = affine_map<(d0, d1) -> (0, 0)>
#map1 = affine_map<(d0, d1) -> (0)>
module attributes {stable_mosaic.version = 14 : i64} {
  func.func @k(%arg0: i32, %arg1: i32, %arg2: memref<10000x32xf32, #tpu.memory_space<hbm>>, %arg3: memref<38400xi32, #tpu.memory_space<hbm>>, %arg4: memref<38400x32xf32, #tpu.memory_space<hbm>>, %arg5: memref<128xi32, #tpu.memory_space<vmem>>, %arg6: memref<128x32xf32, #tpu.memory_space<vmem>>, %arg7: memref<!tpu.dma_semaphore, #tpu.memory_space<semaphore_mem>>) attributes {dimension_semantics = [#tpu.dimension_semantics<core_parallel>, #tpu.dimension_semantics<subcore_parallel>], iteration_bounds = array<i64: 2, 16>, scalar_prefetch = 0 : i64, scratch_operands = 3 : i64, tpu.core_type = #tpu.core_type<sc_vector_subcore>, window_params = [{transform_indices = #map}, {transform_indices = #map1}, {transform_indices = #map}]} {
    %mul3A = arith.constant 2 : i32
    %mul3A_0 = arith.muli %arg1, %mul3A : i32
    %add3A = arith.addi %mul3A_0, %arg0 : i32
    %scan3A = arith.constant 0 : i32
    %scan3A_1 = arith.constant 0 : i32
    %scan3A_2 = arith.constant 10 : i32
    %scan3A_3 = arith.addi %scan3A_1, %scan3A_2 : i32
    %scan3A_4 = arith.constant 1 : i32
    scf.for %scan3A_6 = %scan3A_1 to %scan3A_3 step %scan3A_4  : i32 {
      %mul3A_7 = arith.constant 32 : i32
      %mul3A_8 = arith.muli %mul3A_7, %scan3A_6 : i32
      %add3A_9 = arith.addi %add3A, %mul3A_8 : i32
      %lt3A = arith.constant 300 : i32
      %lt3A_10 = arith.cmpi slt, %add3A_9, %lt3A : i32
      %convert_element_type3A = arith.extui %lt3A_10 : i1 to i32
      %cond3A = arith.constant 0 : i32
      %cond3A_11 = arith.cmpi ne, %convert_element_type3A, %cond3A : i32
      scf.if %cond3A_11 {
        %mul3A_12 = arith.constant 128 : i32
        %mul3A_13 = arith.muli %add3A_9, %mul3A_12 : i32
        "tpu.region"() ({
          %run_scoped3A = tpu.sem_alloc : memref<!tpu.dma_semaphore, #tpu.memory_space<semaphore_mem>>
          %dma_start3A_20 = tpu.memref_slice %arg3[%mul3A_13] : memref<38400xi32, #tpu.memory_space<hbm>> -> memref<128xi32, #tpu.memory_space<hbm>>
          %dma_start3A_21 = tpu.memref_slice %arg3[%mul3A_13] : memref<38400xi32, #tpu.memory_space<hbm>> -> memref<128xi32, #tpu.memory_space<hbm>>
          tpu.enqueue_dma source(%dma_start3A_21 : memref<128xi32, #tpu.memory_space<hbm>>) target(%arg5 : memref<128xi32, #tpu.memory_space<vmem>>) target_semaphore(%run_scoped3A : memref<!tpu.dma_semaphore, #tpu.memory_space<semaphore_mem>>)
          %dma_wait3A_22 = tpu.memref_slice %arg3[%mul3A_13] : memref<38400xi32, #tpu.memory_space<hbm>> -> memref<128xi32, #tpu.memory_space<hbm>>
          %dma_wait3A_23 = tpu.memref_slice %arg3[%mul3A_13] : memref<38400xi32, #tpu.memory_space<hbm>> -> memref<128xi32, #tpu.memory_space<hbm>>
          tpu.wait_dma2 semaphore(%run_scoped3A : memref<!tpu.dma_semaphore, #tpu.memory_space<semaphore_mem>>) src(%dma_wait3A_23 : memref<128xi32, #tpu.memory_space<hbm>>) dst(%arg5 : memref<128xi32, #tpu.memory_space<vmem>>)
          tpu.yield
        }) : () -> ()
        %dma_start3A = arith.constant 0 : i32
        %dma_start3A_14 = arith.constant 0 : i32
        %dma_start3A_15 = tpu.memref_slice %arg2[%dma_start3A, %dma_start3A_14] : memref<10000x32xf32, #tpu.memory_space<hbm>> -> memref<10000x32xf32, #tpu.memory_space<hbm>>
        tpu.enqueue_indirect_dma source(%dma_start3A_15 : memref<10000x32xf32, #tpu.memory_space<hbm>>) target(%arg6 : memref<128x32xf32, #tpu.memory_space<vmem>>) offsets(%arg5 : memref<128xi32, #tpu.memory_space<vmem>>) semaphore(%arg7 : memref<!tpu.dma_semaphore, #tpu.memory_space<semaphore_mem>>)
        %dma_wait3A = arith.constant 0 : i32
        %dma_wait3A_16 = arith.constant 0 : i32
        %dma_wait3A_17 = tpu.memref_slice %arg2[%dma_wait3A, %dma_wait3A_16] : memref<10000x32xf32, #tpu.memory_space<hbm>> -> memref<10000x32xf32, #tpu.memory_space<hbm>>
        tpu.wait_indirect_dma semaphore(%arg7 : memref<!tpu.dma_semaphore, #tpu.memory_space<semaphore_mem>>) src(%dma_wait3A_17 : memref<10000x32xf32, #tpu.memory_space<hbm>>) dst(%arg6 : memref<128x32xf32, #tpu.memory_space<vmem>>)
        %mul3A_18 = arith.constant 128 : i32
        %mul3A_19 = arith.muli %add3A_9, %mul3A_18 : i32
        "tpu.region"() ({
          %run_scoped3A = tpu.sem_alloc : memref<!tpu.dma_semaphore, #tpu.memory_space<semaphore_mem>>
          %dma_start3A_20 = arith.constant 0 : i32
          %dma_start3A_21 = tpu.memref_slice %arg4[%mul3A_19, %dma_start3A_20] : memref<38400x32xf32, #tpu.memory_space<hbm>> -> memref<128x32xf32, #tpu.memory_space<hbm>>
          %dma_start3A_22 = arith.constant 0 : i32
          %dma_start3A_23 = tpu.memref_slice %arg4[%mul3A_19, %dma_start3A_22] : memref<38400x32xf32, #tpu.memory_space<hbm>> -> memref<128x32xf32, #tpu.memory_space<hbm>>
          tpu.enqueue_dma source(%arg6 : memref<128x32xf32, #tpu.memory_space<vmem>>) target(%dma_start3A_23 : memref<128x32xf32, #tpu.memory_space<hbm>>) target_semaphore(%run_scoped3A : memref<!tpu.dma_semaphore, #tpu.memory_space<semaphore_mem>>)
          %dma_wait3A_24 = arith.constant 0 : i32
          %dma_wait3A_25 = tpu.memref_slice %arg4[%mul3A_19, %dma_wait3A_24] : memref<38400x32xf32, #tpu.memory_space<hbm>> -> memref<128x32xf32, #tpu.memory_space<hbm>>
          %dma_wait3A_26 = arith.constant 0 : i32
          %dma_wait3A_27 = tpu.memref_slice %arg4[%mul3A_19, %dma_wait3A_26] : memref<38400x32xf32, #tpu.memory_space<hbm>> -> memref<128x32xf32, #tpu.memory_space<hbm>>
          tpu.wait_dma2 semaphore(%run_scoped3A : memref<!tpu.dma_semaphore, #tpu.memory_space<semaphore_mem>>) src(%arg6 : memref<128x32xf32, #tpu.memory_space<vmem>>) dst(%dma_wait3A_27 : memref<128x32xf32, #tpu.memory_space<hbm>>)
          tpu.yield
        }) : () -> ()
      } else {
      }
    }
    %scan3A_5 = arith.constant 10 : i32
    return
  }
}

#map = affine_map<(d0, d1) -> (0, 0)>
#map1 = affine_map<(d0, d1) -> (0)>
#map2 = affine_map<(d0, d1) -> (0, 0, 0)>
module attributes {stable_mosaic.version = 14 : i64} {
  func.func @k(%arg0: i32, %arg1: i32, %arg2: memref<83200x64xf32, #tpu.memory_space<hbm>>, %arg3: memref<83200xi32, #tpu.memory_space<hbm>>, %arg4: memref<2x10000x64xf32, #tpu.memory_space<hbm>>, %arg5: memref<128xi32, #tpu.memory_space<vmem>>, %arg6: memref<128x64xf32, #tpu.memory_space<vmem>>, %arg7: memref<10000x64xf32, #tpu.memory_space<vmem_shared>>, %arg8: memref<!tpu.dma_semaphore, #tpu.memory_space<semaphore_mem>>) attributes {dimension_semantics = [#tpu.dimension_semantics<core_parallel>, #tpu.dimension_semantics<subcore_parallel>], iteration_bounds = array<i64: 2, 16>, scalar_prefetch = 0 : i64, scratch_operands = 4 : i64, tpu.core_type = #tpu.core_type<sc_vector_subcore>, window_params = [{transform_indices = #map}, {transform_indices = #map1}, {transform_indices = #map2}]} {
    %mul3A = arith.constant 2 : i32
    %mul3A_0 = arith.muli %arg1, %mul3A : i32
    %add3A = arith.addi %mul3A_0, %arg0 : i32
    %scan3A = arith.constant 0 : i32
    %scan3A_1 = arith.constant 0 : i32
    %scan3A_2 = arith.constant 128 : i32
    %scan3A_3 = arith.addi %scan3A_1, %scan3A_2 : i32
    %scan3A_4 = arith.constant 1 : i32
    scf.for %scan3A_25 = %scan3A_1 to %scan3A_3 step %scan3A_4  : i32 {
      %broadcast_in_dim3A = arith.constant 0.000000e+00 : f32
      %broadcast_in_dim3A_26 = vector.broadcast %broadcast_in_dim3A : f32 to vector<16xf32>
      %swap3A = arith.index_cast %scan3A_25 : i32 to index
      %swap3A_27 = arith.constant 0 : index
      %swap3A_28 = tpu.vector_load %arg6[%swap3A, %swap3A_27] {strides = array<i32>} : memref<128x64xf32, #tpu.memory_space<vmem>>, vector<1x16xf32>,
      %swap3A_29 = vector.shape_cast %swap3A_28 : vector<1x16xf32> to vector<16xf32>
      %swap3A_30 = vector.shape_cast %broadcast_in_dim3A_26 : vector<16xf32> to vector<1x16xf32>
      tpu.vector_store %arg6[%swap3A, %swap3A_27], %swap3A_30 {strides = array<i32>} : memref<128x64xf32, #tpu.memory_space<vmem>>, vector<1x16xf32>,
      %broadcast_in_dim3A_31 = arith.constant 0.000000e+00 : f32
      %broadcast_in_dim3A_32 = vector.broadcast %broadcast_in_dim3A_31 : f32 to vector<16xf32>
      %swap3A_33 = arith.index_cast %scan3A_25 : i32 to index
      %swap3A_34 = arith.constant 16 : index
      %swap3A_35 = tpu.vector_load %arg6[%swap3A_33, %swap3A_34] {strides = array<i32>} : memref<128x64xf32, #tpu.memory_space<vmem>>, vector<1x16xf32>,
      %swap3A_36 = vector.shape_cast %swap3A_35 : vector<1x16xf32> to vector<16xf32>
      %swap3A_37 = vector.shape_cast %broadcast_in_dim3A_32 : vector<16xf32> to vector<1x16xf32>
      tpu.vector_store %arg6[%swap3A_33, %swap3A_34], %swap3A_37 {strides = array<i32>} : memref<128x64xf32, #tpu.memory_space<vmem>>, vector<1x16xf32>,
      %broadcast_in_dim3A_38 = arith.constant 0.000000e+00 : f32
      %broadcast_in_dim3A_39 = vector.broadcast %broadcast_in_dim3A_38 : f32 to vector<16xf32>
      %swap3A_40 = arith.index_cast %scan3A_25 : i32 to index
      %swap3A_41 = arith.constant 32 : index
      %swap3A_42 = tpu.vector_load %arg6[%swap3A_40, %swap3A_41] {strides = array<i32>} : memref<128x64xf32, #tpu.memory_space<vmem>>, vector<1x16xf32>,
      %swap3A_43 = vector.shape_cast %swap3A_42 : vector<1x16xf32> to vector<16xf32>
      %swap3A_44 = vector.shape_cast %broadcast_in_dim3A_39 : vector<16xf32> to vector<1x16xf32>
      tpu.vector_store %arg6[%swap3A_40, %swap3A_41], %swap3A_44 {strides = array<i32>} : memref<128x64xf32, #tpu.memory_space<vmem>>, vector<1x16xf32>,
      %broadcast_in_dim3A_45 = arith.constant 0.000000e+00 : f32
      %broadcast_in_dim3A_46 = vector.broadcast %broadcast_in_dim3A_45 : f32 to vector<16xf32>
      %swap3A_47 = arith.index_cast %scan3A_25 : i32 to index
      %swap3A_48 = arith.constant 48 : index
      %swap3A_49 = tpu.vector_load %arg6[%swap3A_47, %swap3A_48] {strides = array<i32>} : memref<128x64xf32, #tpu.memory_space<vmem>>, vector<1x16xf32>,
      %swap3A_50 = vector.shape_cast %swap3A_49 : vector<1x16xf32> to vector<16xf32>
      %swap3A_51 = vector.shape_cast %broadcast_in_dim3A_46 : vector<16xf32> to vector<1x16xf32>
      tpu.vector_store %arg6[%swap3A_47, %swap3A_48], %swap3A_51 {strides = array<i32>} : memref<128x64xf32, #tpu.memory_space<vmem>>, vector<1x16xf32>,
    }
    %scan3A_5 = arith.constant 128 : i32
    %mul3A_6 = arith.constant 625 : i32
    %mul3A_7 = arith.muli %arg1, %mul3A_6 : i32
    %add3A_8 = arith.constant 0 : i32
    %add3A_9 = arith.addi %mul3A_7, %add3A_8 : i32
    "tpu.region"() ({
      %run_scoped3A = tpu.sem_alloc : memref<!tpu.dma_semaphore, #tpu.memory_space<semaphore_mem>>
      %dma_start3A = arith.constant 0 : i32
      %dma_start3A_25 = arith.constant 0 : i32
      %dma_start3A_26 = tpu.memref_slice %arg6[%dma_start3A, %dma_start3A_25] : memref<128x64xf32, #tpu.memory_space<vmem>> -> memref<128x64xf32, #tpu.memory_space<vmem>>
      %dma_start3A_27 = arith.constant 0 : i32
      %dma_start3A_28 = tpu.memref_slice %arg7[%add3A_9, %dma_start3A_27] : memref<10000x64xf32, #tpu.memory_space<vmem_shared>> -> memref<128x64xf32, #tpu.memory_space<vmem_shared>>
      %dma_start3A_29 = arith.constant 0 : i32
      %dma_start3A_30 = tpu.memref_slice %arg7[%add3A_9, %dma_start3A_29] : memref<10000x64xf32, #tpu.memory_space<vmem_shared>> -> memref<128x64xf32, #tpu.memory_space<vmem_shared>>
      %dma_start3A_31 = arith.constant 0 : i32
      %dma_start3A_32 = arith.constant 0 : i32
      %dma_start3A_33 = tpu.memref_slice %arg6[%dma_start3A_31, %dma_start3A_32] : memref<128x64xf32, #tpu.memory_space<vmem>> -> memref<128x64xf32, #tpu.memory_space<vmem>>
      tpu.enqueue_dma source(%dma_start3A_33 : memref<128x64xf32, #tpu.memory_space<vmem>>) target(%dma_start3A_30 : memref<128x64xf32, #tpu.memory_space<vmem_shared>>) target_semaphore(%run_scoped3A : memref<!tpu.dma_semaphore, #tpu.memory_space<semaphore_mem>>)
      %dma_wait3A = arith.constant 0 : i32
      %dma_wait3A_34 = arith.constant 0 : i32
      %dma_wait3A_35 = tpu.memref_slice %arg6[%dma_wait3A, %dma_wait3A_34] : memref<128x64xf32, #tpu.memory_space<vmem>> -> memref<128x64xf32, #tpu.memory_space<vmem>>
      %dma_wait3A_36 = arith.constant 0 : i32
      %dma_wait3A_37 = tpu.memref_slice %arg7[%add3A_9, %dma_wait3A_36] : memref<10000x64xf32, #tpu.memory_space<vmem_shared>> -> memref<128x64xf32, #tpu.memory_space<vmem_shared>>
      %dma_wait3A_38 = arith.constant 0 : i32
      %dma_wait3A_39 = tpu.memref_slice %arg7[%add3A_9, %dma_wait3A_38] : memref<10000x64xf32, #tpu.memory_space<vmem_shared>> -> memref<128x64xf32, #tpu.memory_space<vmem_shared>>
      %dma_wait3A_40 = arith.constant 0 : i32
      %dma_wait3A_41 = arith.constant 0 : i32
      %dma_wait3A_42 = tpu.memref_slice %arg6[%dma_wait3A_40, %dma_wait3A_41] : memref<128x64xf32, #tpu.memory_space<vmem>> -> memref<128x64xf32, #tpu.memory_space<vmem>>
      tpu.wait_dma2 semaphore(%run_scoped3A : memref<!tpu.dma_semaphore, #tpu.memory_space<semaphore_mem>>) src(%dma_wait3A_42 : memref<128x64xf32, #tpu.memory_space<vmem>>) dst(%dma_wait3A_39 : memref<128x64xf32, #tpu.memory_space<vmem_shared>>)
      tpu.yield
    }) : () -> ()
    %add3A_10 = arith.constant 128 : i32
    %add3A_11 = arith.addi %mul3A_7, %add3A_10 : i32
    "tpu.region"() ({
      %run_scoped3A = tpu.sem_alloc : memref<!tpu.dma_semaphore, #tpu.memory_space<semaphore_mem>>
      %dma_start3A = arith.constant 0 : i32
      %dma_start3A_25 = arith.constant 0 : i32
      %dma_start3A_26 = tpu.memref_slice %arg6[%dma_start3A, %dma_start3A_25] : memref<128x64xf32, #tpu.memory_space<vmem>> -> memref<128x64xf32, #tpu.memory_space<vmem>>
      %dma_start3A_27 = arith.constant 0 : i32
      %dma_start3A_28 = tpu.memref_slice %arg7[%add3A_11, %dma_start3A_27] : memref<10000x64xf32, #tpu.memory_space<vmem_shared>> -> memref<128x64xf32, #tpu.memory_space<vmem_shared>>
      %dma_start3A_29 = arith.constant 0 : i32
      %dma_start3A_30 = tpu.memref_slice %arg7[%add3A_11, %dma_start3A_29] : memref<10000x64xf32, #tpu.memory_space<vmem_shared>> -> memref<128x64xf32, #tpu.memory_space<vmem_shared>>
      %dma_start3A_31 = arith.constant 0 : i32
      %dma_start3A_32 = arith.constant 0 : i32
      %dma_start3A_33 = tpu.memref_slice %arg6[%dma_start3A_31, %dma_start3A_32] : memref<128x64xf32, #tpu.memory_space<vmem>> -> memref<128x64xf32, #tpu.memory_space<vmem>>
      tpu.enqueue_dma source(%dma_start3A_33 : memref<128x64xf32, #tpu.memory_space<vmem>>) target(%dma_start3A_30 : memref<128x64xf32, #tpu.memory_space<vmem_shared>>) target_semaphore(%run_scoped3A : memref<!tpu.dma_semaphore, #tpu.memory_space<semaphore_mem>>)
      %dma_wait3A = arith.constant 0 : i32
      %dma_wait3A_34 = arith.constant 0 : i32
      %dma_wait3A_35 = tpu.memref_slice %arg6[%dma_wait3A, %dma_wait3A_34] : memref<128x64xf32, #tpu.memory_space<vmem>> -> memref<128x64xf32, #tpu.memory_space<vmem>>
      %dma_wait3A_36 = arith.constant 0 : i32
      %dma_wait3A_37 = tpu.memref_slice %arg7[%add3A_11, %dma_wait3A_36] : memref<10000x64xf32, #tpu.memory_space<vmem_shared>> -> memref<128x64xf32, #tpu.memory_space<vmem_shared>>
      %dma_wait3A_38 = arith.constant 0 : i32
      %dma_wait3A_39 = tpu.memref_slice %arg7[%add3A_11, %dma_wait3A_38] : memref<10000x64xf32, #tpu.memory_space<vmem_shared>> -> memref<128x64xf32, #tpu.memory_space<vmem_shared>>
      %dma_wait3A_40 = arith.constant 0 : i32
      %dma_wait3A_41 = arith.constant 0 : i32
      %dma_wait3A_42 = tpu.memref_slice %arg6[%dma_wait3A_40, %dma_wait3A_41] : memref<128x64xf32, #tpu.memory_space<vmem>> -> memref<128x64xf32, #tpu.memory_space<vmem>>
      tpu.wait_dma2 semaphore(%run_scoped3A : memref<!tpu.dma_semaphore, #tpu.memory_space<semaphore_mem>>) src(%dma_wait3A_42 : memref<128x64xf32, #tpu.memory_space<vmem>>) dst(%dma_wait3A_39 : memref<128x64xf32, #tpu.memory_space<vmem_shared>>)
      tpu.yield
    }) : () -> ()
    %add3A_12 = arith.constant 256 : i32
    %add3A_13 = arith.addi %mul3A_7, %add3A_12 : i32
    "tpu.region"() ({
      %run_scoped3A = tpu.sem_alloc : memref<!tpu.dma_semaphore, #tpu.memory_space<semaphore_mem>>
      %dma_start3A = arith.constant 0 : i32
      %dma_start3A_25 = arith.constant 0 : i32
      %dma_start3A_26 = tpu.memref_slice %arg6[%dma_start3A, %dma_start3A_25] : memref<128x64xf32, #tpu.memory_space<vmem>> -> memref<128x64xf32, #tpu.memory_space<vmem>>
      %dma_start3A_27 = arith.constant 0 : i32
      %dma_start3A_28 = tpu.memref_slice %arg7[%add3A_13, %dma_start3A_27] : memref<10000x64xf32, #tpu.memory_space<vmem_shared>> -> memref<128x64xf32, #tpu.memory_space<vmem_shared>>
      %dma_start3A_29 = arith.constant 0 : i32
      %dma_start3A_30 = tpu.memref_slice %arg7[%add3A_13, %dma_start3A_29] : memref<10000x64xf32, #tpu.memory_space<vmem_shared>> -> memref<128x64xf32, #tpu.memory_space<vmem_shared>>
      %dma_start3A_31 = arith.constant 0 : i32
      %dma_start3A_32 = arith.constant 0 : i32
      %dma_start3A_33 = tpu.memref_slice %arg6[%dma_start3A_31, %dma_start3A_32] : memref<128x64xf32, #tpu.memory_space<vmem>> -> memref<128x64xf32, #tpu.memory_space<vmem>>
      tpu.enqueue_dma source(%dma_start3A_33 : memref<128x64xf32, #tpu.memory_space<vmem>>) target(%dma_start3A_30 : memref<128x64xf32, #tpu.memory_space<vmem_shared>>) target_semaphore(%run_scoped3A : memref<!tpu.dma_semaphore, #tpu.memory_space<semaphore_mem>>)
      %dma_wait3A = arith.constant 0 : i32
      %dma_wait3A_34 = arith.constant 0 : i32
      %dma_wait3A_35 = tpu.memref_slice %arg6[%dma_wait3A, %dma_wait3A_34] : memref<128x64xf32, #tpu.memory_space<vmem>> -> memref<128x64xf32, #tpu.memory_space<vmem>>
      %dma_wait3A_36 = arith.constant 0 : i32
      %dma_wait3A_37 = tpu.memref_slice %arg7[%add3A_13, %dma_wait3A_36] : memref<10000x64xf32, #tpu.memory_space<vmem_shared>> -> memref<128x64xf32, #tpu.memory_space<vmem_shared>>
      %dma_wait3A_38 = arith.constant 0 : i32
      %dma_wait3A_39 = tpu.memref_slice %arg7[%add3A_13, %dma_wait3A_38] : memref<10000x64xf32, #tpu.memory_space<vmem_shared>> -> memref<128x64xf32, #tpu.memory_space<vmem_shared>>
      %dma_wait3A_40 = arith.constant 0 : i32
      %dma_wait3A_41 = arith.constant 0 : i32
      %dma_wait3A_42 = tpu.memref_slice %arg6[%dma_wait3A_40, %dma_wait3A_41] : memref<128x64xf32, #tpu.memory_space<vmem>> -> memref<128x64xf32, #tpu.memory_space<vmem>>
      tpu.wait_dma2 semaphore(%run_scoped3A : memref<!tpu.dma_semaphore, #tpu.memory_space<semaphore_mem>>) src(%dma_wait3A_42 : memref<128x64xf32, #tpu.memory_space<vmem>>) dst(%dma_wait3A_39 : memref<128x64xf32, #tpu.memory_space<vmem_shared>>)
      tpu.yield
    }) : () -> ()
    %add3A_14 = arith.constant 384 : i32
    %add3A_15 = arith.addi %mul3A_7, %add3A_14 : i32
    "tpu.region"() ({
      %run_scoped3A = tpu.sem_alloc : memref<!tpu.dma_semaphore, #tpu.memory_space<semaphore_mem>>
      %dma_start3A = arith.constant 0 : i32
      %dma_start3A_25 = arith.constant 0 : i32
      %dma_start3A_26 = tpu.memref_slice %arg6[%dma_start3A, %dma_start3A_25] : memref<128x64xf32, #tpu.memory_space<vmem>> -> memref<128x64xf32, #tpu.memory_space<vmem>>
      %dma_start3A_27 = arith.constant 0 : i32
      %dma_start3A_28 = tpu.memref_slice %arg7[%add3A_15, %dma_start3A_27] : memref<10000x64xf32, #tpu.memory_space<vmem_shared>> -> memref<128x64xf32, #tpu.memory_space<vmem_shared>>
      %dma_start3A_29 = arith.constant 0 : i32
      %dma_start3A_30 = tpu.memref_slice %arg7[%add3A_15, %dma_start3A_29] : memref<10000x64xf32, #tpu.memory_space<vmem_shared>> -> memref<128x64xf32, #tpu.memory_space<vmem_shared>>
      %dma_start3A_31 = arith.constant 0 : i32
      %dma_start3A_32 = arith.constant 0 : i32
      %dma_start3A_33 = tpu.memref_slice %arg6[%dma_start3A_31, %dma_start3A_32] : memref<128x64xf32, #tpu.memory_space<vmem>> -> memref<128x64xf32, #tpu.memory_space<vmem>>
      tpu.enqueue_dma source(%dma_start3A_33 : memref<128x64xf32, #tpu.memory_space<vmem>>) target(%dma_start3A_30 : memref<128x64xf32, #tpu.memory_space<vmem_shared>>) target_semaphore(%run_scoped3A : memref<!tpu.dma_semaphore, #tpu.memory_space<semaphore_mem>>)
      %dma_wait3A = arith.constant 0 : i32
      %dma_wait3A_34 = arith.constant 0 : i32
      %dma_wait3A_35 = tpu.memref_slice %arg6[%dma_wait3A, %dma_wait3A_34] : memref<128x64xf32, #tpu.memory_space<vmem>> -> memref<128x64xf32, #tpu.memory_space<vmem>>
      %dma_wait3A_36 = arith.constant 0 : i32
      %dma_wait3A_37 = tpu.memref_slice %arg7[%add3A_15, %dma_wait3A_36] : memref<10000x64xf32, #tpu.memory_space<vmem_shared>> -> memref<128x64xf32, #tpu.memory_space<vmem_shared>>
      %dma_wait3A_38 = arith.constant 0 : i32
      %dma_wait3A_39 = tpu.memref_slice %arg7[%add3A_15, %dma_wait3A_38] : memref<10000x64xf32, #tpu.memory_space<vmem_shared>> -> memref<128x64xf32, #tpu.memory_space<vmem_shared>>
      %dma_wait3A_40 = arith.constant 0 : i32
      %dma_wait3A_41 = arith.constant 0 : i32
      %dma_wait3A_42 = tpu.memref_slice %arg6[%dma_wait3A_40, %dma_wait3A_41] : memref<128x64xf32, #tpu.memory_space<vmem>> -> memref<128x64xf32, #tpu.memory_space<vmem>>
      tpu.wait_dma2 semaphore(%run_scoped3A : memref<!tpu.dma_semaphore, #tpu.memory_space<semaphore_mem>>) src(%dma_wait3A_42 : memref<128x64xf32, #tpu.memory_space<vmem>>) dst(%dma_wait3A_39 : memref<128x64xf32, #tpu.memory_space<vmem_shared>>)
      tpu.yield
    }) : () -> ()
    %add3A_16 = arith.constant 512 : i32
    %add3A_17 = arith.addi %mul3A_7, %add3A_16 : i32
    "tpu.region"() ({
      %run_scoped3A = tpu.sem_alloc : memref<!tpu.dma_semaphore, #tpu.memory_space<semaphore_mem>>
      %dma_start3A = arith.constant 0 : i32
      %dma_start3A_25 = arith.constant 0 : i32
      %dma_start3A_26 = tpu.memref_slice %arg6[%dma_start3A, %dma_start3A_25] : memref<128x64xf32, #tpu.memory_space<vmem>> -> memref<113x64xf32, #tpu.memory_space<vmem>>
      %dma_start3A_27 = arith.constant 0 : i32
      %dma_start3A_28 = tpu.memref_slice %arg7[%add3A_17, %dma_start3A_27] : memref<10000x64xf32, #tpu.memory_space<vmem_shared>> -> memref<113x64xf32, #tpu.memory_space<vmem_shared>>
      %dma_start3A_29 = arith.constant 0 : i32
      %dma_start3A_30 = tpu.memref_slice %arg7[%add3A_17, %dma_start3A_29] : memref<10000x64xf32, #tpu.memory_space<vmem_shared>> -> memref<113x64xf32, #tpu.memory_space<vmem_shared>>
      %dma_start3A_31 = arith.constant 0 : i32
      %dma_start3A_32 = arith.constant 0 : i32
      %dma_start3A_33 = tpu.memref_slice %arg6[%dma_start3A_31, %dma_start3A_32] : memref<128x64xf32, #tpu.memory_space<vmem>> -> memref<113x64xf32, #tpu.memory_space<vmem>>
      tpu.enqueue_dma source(%dma_start3A_33 : memref<113x64xf32, #tpu.memory_space<vmem>>) target(%dma_start3A_30 : memref<113x64xf32, #tpu.memory_space<vmem_shared>>) target_semaphore(%run_scoped3A : memref<!tpu.dma_semaphore, #tpu.memory_space<semaphore_mem>>)
      %dma_wait3A = arith.constant 0 : i32
      %dma_wait3A_34 = arith.constant 0 : i32
      %dma_wait3A_35 = tpu.memref_slice %arg6[%dma_wait3A, %dma_wait3A_34] : memref<128x64xf32, #tpu.memory_space<vmem>> -> memref<113x64xf32, #tpu.memory_space<vmem>>
      %dma_wait3A_36 = arith.constant 0 : i32
      %dma_wait3A_37 = tpu.memref_slice %arg7[%add3A_17, %dma_wait3A_36] : memref<10000x64xf32, #tpu.memory_space<vmem_shared>> -> memref<113x64xf32, #tpu.memory_space<vmem_shared>>
      %dma_wait3A_38 = arith.constant 0 : i32
      %dma_wait3A_39 = tpu.memref_slice %arg7[%add3A_17, %dma_wait3A_38] : memref<10000x64xf32, #tpu.memory_space<vmem_shared>> -> memref<113x64xf32, #tpu.memory_space<vmem_shared>>
      %dma_wait3A_40 = arith.constant 0 : i32
      %dma_wait3A_41 = arith.constant 0 : i32
      %dma_wait3A_42 = tpu.memref_slice %arg6[%dma_wait3A_40, %dma_wait3A_41] : memref<128x64xf32, #tpu.memory_space<vmem>> -> memref<113x64xf32, #tpu.memory_space<vmem>>
      tpu.wait_dma2 semaphore(%run_scoped3A : memref<!tpu.dma_semaphore, #tpu.memory_space<semaphore_mem>>) src(%dma_wait3A_42 : memref<113x64xf32, #tpu.memory_space<vmem>>) dst(%dma_wait3A_39 : memref<113x64xf32, #tpu.memory_space<vmem_shared>>)
      tpu.yield
    }) : () -> ()
    %barrier3A = arith.constant 0 : index
    tpu.barrier barrier_id(%barrier3A)
    %scan3A_18 = arith.constant 0 : i32
    %scan3A_19 = arith.constant 0 : i32
    %scan3A_20 = arith.constant 21 : i32
    %scan3A_21 = arith.addi %scan3A_19, %scan3A_20 : i32
    %scan3A_22 = arith.constant 1 : i32
    scf.for %scan3A_25 = %scan3A_19 to %scan3A_21 step %scan3A_22  : i32 {
      %mul3A_26 = arith.constant 32 : i32
      %mul3A_27 = arith.muli %mul3A_26, %scan3A_25 : i32
      %add3A_28 = arith.addi %add3A, %mul3A_27 : i32
      %lt3A = arith.constant 650 : i32
      %lt3A_29 = arith.cmpi slt, %add3A_28, %lt3A : i32
      %convert_element_type3A = arith.extui %lt3A_29 : i1 to i32
      %cond3A = arith.constant 0 : i32
      %cond3A_30 = arith.cmpi ne, %convert_element_type3A, %cond3A : i32
      scf.if %cond3A_30 {
        %mul3A_31 = arith.constant 128 : i32
        %mul3A_32 = arith.muli %add3A_28, %mul3A_31 : i32
        "tpu.region"() ({
          %run_scoped3A = tpu.sem_alloc : memref<!tpu.dma_semaphore, #tpu.memory_space<semaphore_mem>>
          %dma_start3A = tpu.memref_slice %arg3[%mul3A_32] : memref<83200xi32, #tpu.memory_space<hbm>> -> memref<128xi32, #tpu.memory_space<hbm>>
          %dma_start3A_35 = tpu.memref_slice %arg3[%mul3A_32] : memref<83200xi32, #tpu.memory_space<hbm>> -> memref<128xi32, #tpu.memory_space<hbm>>
          tpu.enqueue_dma source(%dma_start3A_35 : memref<128xi32, #tpu.memory_space<hbm>>) target(%arg5 : memref<128xi32, #tpu.memory_space<vmem>>) target_semaphore(%run_scoped3A : memref<!tpu.dma_semaphore, #tpu.memory_space<semaphore_mem>>)
          %dma_wait3A = tpu.memref_slice %arg3[%mul3A_32] : memref<83200xi32, #tpu.memory_space<hbm>> -> memref<128xi32, #tpu.memory_space<hbm>>
          %dma_wait3A_36 = tpu.memref_slice %arg3[%mul3A_32] : memref<83200xi32, #tpu.memory_space<hbm>> -> memref<128xi32, #tpu.memory_space<hbm>>
          tpu.wait_dma2 semaphore(%run_scoped3A : memref<!tpu.dma_semaphore, #tpu.memory_space<semaphore_mem>>) src(%dma_wait3A_36 : memref<128xi32, #tpu.memory_space<hbm>>) dst(%arg5 : memref<128xi32, #tpu.memory_space<vmem>>)
          tpu.yield
        }) : () -> ()
        %mul3A_33 = arith.constant 128 : i32
        %mul3A_34 = arith.muli %add3A_28, %mul3A_33 : i32
        "tpu.region"() ({
          %run_scoped3A = tpu.sem_alloc : memref<!tpu.dma_semaphore, #tpu.memory_space<semaphore_mem>>
          %dma_start3A = arith.constant 0 : i32
          %dma_start3A_35 = tpu.memref_slice %arg2[%mul3A_34, %dma_start3A] : memref<83200x64xf32, #tpu.memory_space<hbm>> -> memref<128x64xf32, #tpu.memory_space<hbm>>
          %dma_start3A_36 = arith.constant 0 : i32
          %dma_start3A_37 = tpu.memref_slice %arg2[%mul3A_34, %dma_start3A_36] : memref<83200x64xf32, #tpu.memory_space<hbm>> -> memref<128x64xf32, #tpu.memory_space<hbm>>
          tpu.enqueue_dma source(%dma_start3A_37 : memref<128x64xf32, #tpu.memory_space<hbm>>) target(%arg6 : memref<128x64xf32, #tpu.memory_space<vmem>>) target_semaphore(%run_scoped3A : memref<!tpu.dma_semaphore, #tpu.memory_space<semaphore_mem>>)
          %dma_wait3A = arith.constant 0 : i32
          %dma_wait3A_38 = tpu.memref_slice %arg2[%mul3A_34, %dma_wait3A] : memref<83200x64xf32, #tpu.memory_space<hbm>> -> memref<128x64xf32, #tpu.memory_space<hbm>>
          %dma_wait3A_39 = arith.constant 0 : i32
          %dma_wait3A_40 = tpu.memref_slice %arg2[%mul3A_34, %dma_wait3A_39] : memref<83200x64xf32, #tpu.memory_space<hbm>> -> memref<128x64xf32, #tpu.memory_space<hbm>>
          tpu.wait_dma2 semaphore(%run_scoped3A : memref<!tpu.dma_semaphore, #tpu.memory_space<semaphore_mem>>) src(%dma_wait3A_40 : memref<128x64xf32, #tpu.memory_space<hbm>>) dst(%arg6 : memref<128x64xf32, #tpu.memory_space<vmem>>)
          tpu.yield
        }) : () -> ()
        "tpu.region"() ({
          %run_scoped3A = tpu.sem_alloc : memref<!tpu.dma_semaphore, #tpu.memory_space<semaphore_mem>>
          %dma_start3A = arith.constant 0 : i32
          %dma_start3A_35 = arith.constant 0 : i32
          %dma_start3A_36 = tpu.memref_slice %arg7[%dma_start3A, %dma_start3A_35] : memref<10000x64xf32, #tpu.memory_space<vmem_shared>> -> memref<10000x64xf32, #tpu.memory_space<vmem_shared>>
          tpu.enqueue_indirect_dma source(%arg6 : memref<128x64xf32, #tpu.memory_space<vmem>>) target(%dma_start3A_36 : memref<10000x64xf32, #tpu.memory_space<vmem_shared>>) offsets(%arg5 : memref<128xi32, #tpu.memory_space<vmem>>) semaphore(%run_scoped3A : memref<!tpu.dma_semaphore, #tpu.memory_space<semaphore_mem>>) {add = true}
          %dma_wait3A = arith.constant 0 : i32
          %dma_wait3A_37 = arith.constant 0 : i32
          %dma_wait3A_38 = tpu.memref_slice %arg7[%dma_wait3A, %dma_wait3A_37] : memref<10000x64xf32, #tpu.memory_space<vmem_shared>> -> memref<10000x64xf32, #tpu.memory_space<vmem_shared>>
          tpu.wait_indirect_dma semaphore(%run_scoped3A : memref<!tpu.dma_semaphore, #tpu.memory_space<semaphore_mem>>) src(%arg6 : memref<128x64xf32, #tpu.memory_space<vmem>>) dst(%dma_wait3A_38 : memref<10000x64xf32, #tpu.memory_space<vmem_shared>>)
          tpu.yield
        }) : () -> ()
      } else {
      }
    }
    %scan3A_23 = arith.constant 21 : i32
    %barrier3A_24 = arith.constant 0 : index
    tpu.barrier barrier_id(%barrier3A_24)
    "tpu.region"() ({
      %run_scoped3A = tpu.sem_alloc : memref<!tpu.dma_semaphore, #tpu.memory_space<semaphore_mem>>
      %dma_start3A = arith.constant 0 : i32
      %dma_start3A_25 = tpu.memref_slice %arg4[%arg0, %mul3A_7, %dma_start3A] : memref<2x10000x64xf32, #tpu.memory_space<hbm>> -> memref<1x625x64xf32, #tpu.memory_space<hbm>>
      %dma_start3A_26 = tpu.memref_squeeze %dma_start3A_25 : memref<1x625x64xf32, #tpu.memory_space<hbm>> -> memref<625x64xf32, #tpu.memory_space<hbm>>
      %dma_start3A_27 = arith.constant 0 : i32
      %dma_start3A_28 = tpu.memref_slice %arg7[%mul3A_7, %dma_start3A_27] : memref<10000x64xf32, #tpu.memory_space<vmem_shared>> -> memref<625x64xf32, #tpu.memory_space<vmem_shared>>
      tpu.enqueue_dma source(%dma_start3A_28 : memref<625x64xf32, #tpu.memory_space<vmem_shared>>) target(%dma_start3A_26 : memref<625x64xf32, #tpu.memory_space<hbm>>) target_semaphore(%run_scoped3A : memref<!tpu.dma_semaphore, #tpu.memory_space<semaphore_mem>>)
      %dma_wait3A = arith.constant 0 : i32
      %dma_wait3A_29 = tpu.memref_slice %arg4[%arg0, %mul3A_7, %dma_wait3A] : memref<2x10000x64xf32, #tpu.memory_space<hbm>> -> memref<1x625x64xf32, #tpu.memory_space<hbm>>
      %dma_wait3A_30 = tpu.memref_squeeze %dma_wait3A_29 : memref<1x625x64xf32, #tpu.memory_space<hbm>> -> memref<625x64xf32, #tpu.memory_space<hbm>>
      %dma_wait3A_31 = arith.constant 0 : i32
      %dma_wait3A_32 = tpu.memref_slice %arg7[%mul3A_7, %dma_wait3A_31] : memref<10000x64xf32, #tpu.memory_space<vmem_shared>> -> memref<625x64xf32, #tpu.memory_space<vmem_shared>>
      tpu.wait_dma2 semaphore(%run_scoped3A : memref<!tpu.dma_semaphore, #tpu.memory_space<semaphore_mem>>) src(%dma_wait3A_32 : memref<625x64xf32, #tpu.memory_space<vmem_shared>>) dst(%dma_wait3A_30 : memref<625x64xf32, #tpu.memory_space<hbm>>)
      tpu.yield
    }) : () -> ()
    return
  }
}

#map = affine_map<(d0, d1) -> (0, 0)>
#map1 = affine_map<(d0, d1) -> (0)>
#map2 = affine_map<(d0, d1) -> (0, 0, 0)>
module attributes {stable_mosaic.version = 14 : i64} {
  func.func @k(%arg0: i32, %arg1: i32, %arg2: memref<38400x64xf32, #tpu.memory_space<hbm>>, %arg3: memref<38400xi32, #tpu.memory_space<hbm>>, %arg4: memref<2x10000x64xf32, #tpu.memory_space<hbm>>, %arg5: memref<128xi32, #tpu.memory_space<vmem>>, %arg6: memref<128x64xf32, #tpu.memory_space<vmem>>, %arg7: memref<10000x64xf32, #tpu.memory_space<vmem_shared>>, %arg8: memref<!tpu.dma_semaphore, #tpu.memory_space<semaphore_mem>>) attributes {dimension_semantics = [#tpu.dimension_semantics<core_parallel>, #tpu.dimension_semantics<subcore_parallel>], iteration_bounds = array<i64: 2, 16>, scalar_prefetch = 0 : i64, scratch_operands = 4 : i64, tpu.core_type = #tpu.core_type<sc_vector_subcore>, window_params = [{transform_indices = #map}, {transform_indices = #map1}, {transform_indices = #map2}]} {
    %mul3A = arith.constant 2 : i32
    %mul3A_0 = arith.muli %arg1, %mul3A : i32
    %add3A = arith.addi %mul3A_0, %arg0 : i32
    %scan3A = arith.constant 0 : i32
    %scan3A_1 = arith.constant 0 : i32
    %scan3A_2 = arith.constant 128 : i32
    %scan3A_3 = arith.addi %scan3A_1, %scan3A_2 : i32
    %scan3A_4 = arith.constant 1 : i32
    scf.for %scan3A_25 = %scan3A_1 to %scan3A_3 step %scan3A_4  : i32 {
      %broadcast_in_dim3A = arith.constant 0.000000e+00 : f32
      %broadcast_in_dim3A_26 = vector.broadcast %broadcast_in_dim3A : f32 to vector<16xf32>
      %swap3A = arith.index_cast %scan3A_25 : i32 to index
      %swap3A_27 = arith.constant 0 : index
      %swap3A_28 = tpu.vector_load %arg6[%swap3A, %swap3A_27] {strides = array<i32>} : memref<128x64xf32, #tpu.memory_space<vmem>>, vector<1x16xf32>,
      %swap3A_29 = vector.shape_cast %swap3A_28 : vector<1x16xf32> to vector<16xf32>
      %swap3A_30 = vector.shape_cast %broadcast_in_dim3A_26 : vector<16xf32> to vector<1x16xf32>
      tpu.vector_store %arg6[%swap3A, %swap3A_27], %swap3A_30 {strides = array<i32>} : memref<128x64xf32, #tpu.memory_space<vmem>>, vector<1x16xf32>,
      %broadcast_in_dim3A_31 = arith.constant 0.000000e+00 : f32
      %broadcast_in_dim3A_32 = vector.broadcast %broadcast_in_dim3A_31 : f32 to vector<16xf32>
      %swap3A_33 = arith.index_cast %scan3A_25 : i32 to index
      %swap3A_34 = arith.constant 16 : index
      %swap3A_35 = tpu.vector_load %arg6[%swap3A_33, %swap3A_34] {strides = array<i32>} : memref<128x64xf32, #tpu.memory_space<vmem>>, vector<1x16xf32>,
      %swap3A_36 = vector.shape_cast %swap3A_35 : vector<1x16xf32> to vector<16xf32>
      %swap3A_37 = vector.shape_cast %broadcast_in_dim3A_32 : vector<16xf32> to vector<1x16xf32>
      tpu.vector_store %arg6[%swap3A_33, %swap3A_34], %swap3A_37 {strides = array<i32>} : memref<128x64xf32, #tpu.memory_space<vmem>>, vector<1x16xf32>,
      %broadcast_in_dim3A_38 = arith.constant 0.000000e+00 : f32
      %broadcast_in_dim3A_39 = vector.broadcast %broadcast_in_dim3A_38 : f32 to vector<16xf32>
      %swap3A_40 = arith.index_cast %scan3A_25 : i32 to index
      %swap3A_41 = arith.constant 32 : index
      %swap3A_42 = tpu.vector_load %arg6[%swap3A_40, %swap3A_41] {strides = array<i32>} : memref<128x64xf32, #tpu.memory_space<vmem>>, vector<1x16xf32>,
      %swap3A_43 = vector.shape_cast %swap3A_42 : vector<1x16xf32> to vector<16xf32>
      %swap3A_44 = vector.shape_cast %broadcast_in_dim3A_39 : vector<16xf32> to vector<1x16xf32>
      tpu.vector_store %arg6[%swap3A_40, %swap3A_41], %swap3A_44 {strides = array<i32>} : memref<128x64xf32, #tpu.memory_space<vmem>>, vector<1x16xf32>,
      %broadcast_in_dim3A_45 = arith.constant 0.000000e+00 : f32
      %broadcast_in_dim3A_46 = vector.broadcast %broadcast_in_dim3A_45 : f32 to vector<16xf32>
      %swap3A_47 = arith.index_cast %scan3A_25 : i32 to index
      %swap3A_48 = arith.constant 48 : index
      %swap3A_49 = tpu.vector_load %arg6[%swap3A_47, %swap3A_48] {strides = array<i32>} : memref<128x64xf32, #tpu.memory_space<vmem>>, vector<1x16xf32>,
      %swap3A_50 = vector.shape_cast %swap3A_49 : vector<1x16xf32> to vector<16xf32>
      %swap3A_51 = vector.shape_cast %broadcast_in_dim3A_46 : vector<16xf32> to vector<1x16xf32>
      tpu.vector_store %arg6[%swap3A_47, %swap3A_48], %swap3A_51 {strides = array<i32>} : memref<128x64xf32, #tpu.memory_space<vmem>>, vector<1x16xf32>,
    }
    %scan3A_5 = arith.constant 128 : i32
    %mul3A_6 = arith.constant 625 : i32
    %mul3A_7 = arith.muli %arg1, %mul3A_6 : i32
    %add3A_8 = arith.constant 0 : i32
    %add3A_9 = arith.addi %mul3A_7, %add3A_8 : i32
    "tpu.region"() ({
      %run_scoped3A = tpu.sem_alloc : memref<!tpu.dma_semaphore, #tpu.memory_space<semaphore_mem>>
      %dma_start3A = arith.constant 0 : i32
      %dma_start3A_25 = arith.constant 0 : i32
      %dma_start3A_26 = tpu.memref_slice %arg6[%dma_start3A, %dma_start3A_25] : memref<128x64xf32, #tpu.memory_space<vmem>> -> memref<128x64xf32, #tpu.memory_space<vmem>>
      %dma_start3A_27 = arith.constant 0 : i32
      %dma_start3A_28 = tpu.memref_slice %arg7[%add3A_9, %dma_start3A_27] : memref<10000x64xf32, #tpu.memory_space<vmem_shared>> -> memref<128x64xf32, #tpu.memory_space<vmem_shared>>
      %dma_start3A_29 = arith.constant 0 : i32
      %dma_start3A_30 = tpu.memref_slice %arg7[%add3A_9, %dma_start3A_29] : memref<10000x64xf32, #tpu.memory_space<vmem_shared>> -> memref<128x64xf32, #tpu.memory_space<vmem_shared>>
      %dma_start3A_31 = arith.constant 0 : i32
      %dma_start3A_32 = arith.constant 0 : i32
      %dma_start3A_33 = tpu.memref_slice %arg6[%dma_start3A_31, %dma_start3A_32] : memref<128x64xf32, #tpu.memory_space<vmem>> -> memref<128x64xf32, #tpu.memory_space<vmem>>
      tpu.enqueue_dma source(%dma_start3A_33 : memref<128x64xf32, #tpu.memory_space<vmem>>) target(%dma_start3A_30 : memref<128x64xf32, #tpu.memory_space<vmem_shared>>) target_semaphore(%run_scoped3A : memref<!tpu.dma_semaphore, #tpu.memory_space<semaphore_mem>>)
      %dma_wait3A = arith.constant 0 : i32
      %dma_wait3A_34 = arith.constant 0 : i32
      %dma_wait3A_35 = tpu.memref_slice %arg6[%dma_wait3A, %dma_wait3A_34] : memref<128x64xf32, #tpu.memory_space<vmem>> -> memref<128x64xf32, #tpu.memory_space<vmem>>
      %dma_wait3A_36 = arith.constant 0 : i32
      %dma_wait3A_37 = tpu.memref_slice %arg7[%add3A_9, %dma_wait3A_36] : memref<10000x64xf32, #tpu.memory_space<vmem_shared>> -> memref<128x64xf32, #tpu.memory_space<vmem_shared>>
      %dma_wait3A_38 = arith.constant 0 : i32
      %dma_wait3A_39 = tpu.memref_slice %arg7[%add3A_9, %dma_wait3A_38] : memref<10000x64xf32, #tpu.memory_space<vmem_shared>> -> memref<128x64xf32, #tpu.memory_space<vmem_shared>>
      %dma_wait3A_40 = arith.constant 0 : i32
      %dma_wait3A_41 = arith.constant 0 : i32
      %dma_wait3A_42 = tpu.memref_slice %arg6[%dma_wait3A_40, %dma_wait3A_41] : memref<128x64xf32, #tpu.memory_space<vmem>> -> memref<128x64xf32, #tpu.memory_space<vmem>>
      tpu.wait_dma2 semaphore(%run_scoped3A : memref<!tpu.dma_semaphore, #tpu.memory_space<semaphore_mem>>) src(%dma_wait3A_42 : memref<128x64xf32, #tpu.memory_space<vmem>>) dst(%dma_wait3A_39 : memref<128x64xf32, #tpu.memory_space<vmem_shared>>)
      tpu.yield
    }) : () -> ()
    %add3A_10 = arith.constant 128 : i32
    %add3A_11 = arith.addi %mul3A_7, %add3A_10 : i32
    "tpu.region"() ({
      %run_scoped3A = tpu.sem_alloc : memref<!tpu.dma_semaphore, #tpu.memory_space<semaphore_mem>>
      %dma_start3A = arith.constant 0 : i32
      %dma_start3A_25 = arith.constant 0 : i32
      %dma_start3A_26 = tpu.memref_slice %arg6[%dma_start3A, %dma_start3A_25] : memref<128x64xf32, #tpu.memory_space<vmem>> -> memref<128x64xf32, #tpu.memory_space<vmem>>
      %dma_start3A_27 = arith.constant 0 : i32
      %dma_start3A_28 = tpu.memref_slice %arg7[%add3A_11, %dma_start3A_27] : memref<10000x64xf32, #tpu.memory_space<vmem_shared>> -> memref<128x64xf32, #tpu.memory_space<vmem_shared>>
      %dma_start3A_29 = arith.constant 0 : i32
      %dma_start3A_30 = tpu.memref_slice %arg7[%add3A_11, %dma_start3A_29] : memref<10000x64xf32, #tpu.memory_space<vmem_shared>> -> memref<128x64xf32, #tpu.memory_space<vmem_shared>>
      %dma_start3A_31 = arith.constant 0 : i32
      %dma_start3A_32 = arith.constant 0 : i32
      %dma_start3A_33 = tpu.memref_slice %arg6[%dma_start3A_31, %dma_start3A_32] : memref<128x64xf32, #tpu.memory_space<vmem>> -> memref<128x64xf32, #tpu.memory_space<vmem>>
      tpu.enqueue_dma source(%dma_start3A_33 : memref<128x64xf32, #tpu.memory_space<vmem>>) target(%dma_start3A_30 : memref<128x64xf32, #tpu.memory_space<vmem_shared>>) target_semaphore(%run_scoped3A : memref<!tpu.dma_semaphore, #tpu.memory_space<semaphore_mem>>)
      %dma_wait3A = arith.constant 0 : i32
      %dma_wait3A_34 = arith.constant 0 : i32
      %dma_wait3A_35 = tpu.memref_slice %arg6[%dma_wait3A, %dma_wait3A_34] : memref<128x64xf32, #tpu.memory_space<vmem>> -> memref<128x64xf32, #tpu.memory_space<vmem>>
      %dma_wait3A_36 = arith.constant 0 : i32
      %dma_wait3A_37 = tpu.memref_slice %arg7[%add3A_11, %dma_wait3A_36] : memref<10000x64xf32, #tpu.memory_space<vmem_shared>> -> memref<128x64xf32, #tpu.memory_space<vmem_shared>>
      %dma_wait3A_38 = arith.constant 0 : i32
      %dma_wait3A_39 = tpu.memref_slice %arg7[%add3A_11, %dma_wait3A_38] : memref<10000x64xf32, #tpu.memory_space<vmem_shared>> -> memref<128x64xf32, #tpu.memory_space<vmem_shared>>
      %dma_wait3A_40 = arith.constant 0 : i32
      %dma_wait3A_41 = arith.constant 0 : i32
      %dma_wait3A_42 = tpu.memref_slice %arg6[%dma_wait3A_40, %dma_wait3A_41] : memref<128x64xf32, #tpu.memory_space<vmem>> -> memref<128x64xf32, #tpu.memory_space<vmem>>
      tpu.wait_dma2 semaphore(%run_scoped3A : memref<!tpu.dma_semaphore, #tpu.memory_space<semaphore_mem>>) src(%dma_wait3A_42 : memref<128x64xf32, #tpu.memory_space<vmem>>) dst(%dma_wait3A_39 : memref<128x64xf32, #tpu.memory_space<vmem_shared>>)
      tpu.yield
    }) : () -> ()
    %add3A_12 = arith.constant 256 : i32
    %add3A_13 = arith.addi %mul3A_7, %add3A_12 : i32
    "tpu.region"() ({
      %run_scoped3A = tpu.sem_alloc : memref<!tpu.dma_semaphore, #tpu.memory_space<semaphore_mem>>
      %dma_start3A = arith.constant 0 : i32
      %dma_start3A_25 = arith.constant 0 : i32
      %dma_start3A_26 = tpu.memref_slice %arg6[%dma_start3A, %dma_start3A_25] : memref<128x64xf32, #tpu.memory_space<vmem>> -> memref<128x64xf32, #tpu.memory_space<vmem>>
      %dma_start3A_27 = arith.constant 0 : i32
      %dma_start3A_28 = tpu.memref_slice %arg7[%add3A_13, %dma_start3A_27] : memref<10000x64xf32, #tpu.memory_space<vmem_shared>> -> memref<128x64xf32, #tpu.memory_space<vmem_shared>>
      %dma_start3A_29 = arith.constant 0 : i32
      %dma_start3A_30 = tpu.memref_slice %arg7[%add3A_13, %dma_start3A_29] : memref<10000x64xf32, #tpu.memory_space<vmem_shared>> -> memref<128x64xf32, #tpu.memory_space<vmem_shared>>
      %dma_start3A_31 = arith.constant 0 : i32
      %dma_start3A_32 = arith.constant 0 : i32
      %dma_start3A_33 = tpu.memref_slice %arg6[%dma_start3A_31, %dma_start3A_32] : memref<128x64xf32, #tpu.memory_space<vmem>> -> memref<128x64xf32, #tpu.memory_space<vmem>>
      tpu.enqueue_dma source(%dma_start3A_33 : memref<128x64xf32, #tpu.memory_space<vmem>>) target(%dma_start3A_30 : memref<128x64xf32, #tpu.memory_space<vmem_shared>>) target_semaphore(%run_scoped3A : memref<!tpu.dma_semaphore, #tpu.memory_space<semaphore_mem>>)
      %dma_wait3A = arith.constant 0 : i32
      %dma_wait3A_34 = arith.constant 0 : i32
      %dma_wait3A_35 = tpu.memref_slice %arg6[%dma_wait3A, %dma_wait3A_34] : memref<128x64xf32, #tpu.memory_space<vmem>> -> memref<128x64xf32, #tpu.memory_space<vmem>>
      %dma_wait3A_36 = arith.constant 0 : i32
      %dma_wait3A_37 = tpu.memref_slice %arg7[%add3A_13, %dma_wait3A_36] : memref<10000x64xf32, #tpu.memory_space<vmem_shared>> -> memref<128x64xf32, #tpu.memory_space<vmem_shared>>
      %dma_wait3A_38 = arith.constant 0 : i32
      %dma_wait3A_39 = tpu.memref_slice %arg7[%add3A_13, %dma_wait3A_38] : memref<10000x64xf32, #tpu.memory_space<vmem_shared>> -> memref<128x64xf32, #tpu.memory_space<vmem_shared>>
      %dma_wait3A_40 = arith.constant 0 : i32
      %dma_wait3A_41 = arith.constant 0 : i32
      %dma_wait3A_42 = tpu.memref_slice %arg6[%dma_wait3A_40, %dma_wait3A_41] : memref<128x64xf32, #tpu.memory_space<vmem>> -> memref<128x64xf32, #tpu.memory_space<vmem>>
      tpu.wait_dma2 semaphore(%run_scoped3A : memref<!tpu.dma_semaphore, #tpu.memory_space<semaphore_mem>>) src(%dma_wait3A_42 : memref<128x64xf32, #tpu.memory_space<vmem>>) dst(%dma_wait3A_39 : memref<128x64xf32, #tpu.memory_space<vmem_shared>>)
      tpu.yield
    }) : () -> ()
    %add3A_14 = arith.constant 384 : i32
    %add3A_15 = arith.addi %mul3A_7, %add3A_14 : i32
    "tpu.region"() ({
      %run_scoped3A = tpu.sem_alloc : memref<!tpu.dma_semaphore, #tpu.memory_space<semaphore_mem>>
      %dma_start3A = arith.constant 0 : i32
      %dma_start3A_25 = arith.constant 0 : i32
      %dma_start3A_26 = tpu.memref_slice %arg6[%dma_start3A, %dma_start3A_25] : memref<128x64xf32, #tpu.memory_space<vmem>> -> memref<128x64xf32, #tpu.memory_space<vmem>>
      %dma_start3A_27 = arith.constant 0 : i32
      %dma_start3A_28 = tpu.memref_slice %arg7[%add3A_15, %dma_start3A_27] : memref<10000x64xf32, #tpu.memory_space<vmem_shared>> -> memref<128x64xf32, #tpu.memory_space<vmem_shared>>
      %dma_start3A_29 = arith.constant 0 : i32
      %dma_start3A_30 = tpu.memref_slice %arg7[%add3A_15, %dma_start3A_29] : memref<10000x64xf32, #tpu.memory_space<vmem_shared>> -> memref<128x64xf32, #tpu.memory_space<vmem_shared>>
      %dma_start3A_31 = arith.constant 0 : i32
      %dma_start3A_32 = arith.constant 0 : i32
      %dma_start3A_33 = tpu.memref_slice %arg6[%dma_start3A_31, %dma_start3A_32] : memref<128x64xf32, #tpu.memory_space<vmem>> -> memref<128x64xf32, #tpu.memory_space<vmem>>
      tpu.enqueue_dma source(%dma_start3A_33 : memref<128x64xf32, #tpu.memory_space<vmem>>) target(%dma_start3A_30 : memref<128x64xf32, #tpu.memory_space<vmem_shared>>) target_semaphore(%run_scoped3A : memref<!tpu.dma_semaphore, #tpu.memory_space<semaphore_mem>>)
      %dma_wait3A = arith.constant 0 : i32
      %dma_wait3A_34 = arith.constant 0 : i32
      %dma_wait3A_35 = tpu.memref_slice %arg6[%dma_wait3A, %dma_wait3A_34] : memref<128x64xf32, #tpu.memory_space<vmem>> -> memref<128x64xf32, #tpu.memory_space<vmem>>
      %dma_wait3A_36 = arith.constant 0 : i32
      %dma_wait3A_37 = tpu.memref_slice %arg7[%add3A_15, %dma_wait3A_36] : memref<10000x64xf32, #tpu.memory_space<vmem_shared>> -> memref<128x64xf32, #tpu.memory_space<vmem_shared>>
      %dma_wait3A_38 = arith.constant 0 : i32
      %dma_wait3A_39 = tpu.memref_slice %arg7[%add3A_15, %dma_wait3A_38] : memref<10000x64xf32, #tpu.memory_space<vmem_shared>> -> memref<128x64xf32, #tpu.memory_space<vmem_shared>>
      %dma_wait3A_40 = arith.constant 0 : i32
      %dma_wait3A_41 = arith.constant 0 : i32
      %dma_wait3A_42 = tpu.memref_slice %arg6[%dma_wait3A_40, %dma_wait3A_41] : memref<128x64xf32, #tpu.memory_space<vmem>> -> memref<128x64xf32, #tpu.memory_space<vmem>>
      tpu.wait_dma2 semaphore(%run_scoped3A : memref<!tpu.dma_semaphore, #tpu.memory_space<semaphore_mem>>) src(%dma_wait3A_42 : memref<128x64xf32, #tpu.memory_space<vmem>>) dst(%dma_wait3A_39 : memref<128x64xf32, #tpu.memory_space<vmem_shared>>)
      tpu.yield
    }) : () -> ()
    %add3A_16 = arith.constant 512 : i32
    %add3A_17 = arith.addi %mul3A_7, %add3A_16 : i32
    "tpu.region"() ({
      %run_scoped3A = tpu.sem_alloc : memref<!tpu.dma_semaphore, #tpu.memory_space<semaphore_mem>>
      %dma_start3A = arith.constant 0 : i32
      %dma_start3A_25 = arith.constant 0 : i32
      %dma_start3A_26 = tpu.memref_slice %arg6[%dma_start3A, %dma_start3A_25] : memref<128x64xf32, #tpu.memory_space<vmem>> -> memref<113x64xf32, #tpu.memory_space<vmem>>
      %dma_start3A_27 = arith.constant 0 : i32
      %dma_start3A_28 = tpu.memref_slice %arg7[%add3A_17, %dma_start3A_27] : memref<10000x64xf32, #tpu.memory_space<vmem_shared>> -> memref<113x64xf32, #tpu.memory_space<vmem_shared>>
      %dma_start3A_29 = arith.constant 0 : i32
      %dma_start3A_30 = tpu.memref_slice %arg7[%add3A_17, %dma_start3A_29] : memref<10000x64xf32, #tpu.memory_space<vmem_shared>> -> memref<113x64xf32, #tpu.memory_space<vmem_shared>>
      %dma_start3A_31 = arith.constant 0 : i32
      %dma_start3A_32 = arith.constant 0 : i32
      %dma_start3A_33 = tpu.memref_slice %arg6[%dma_start3A_31, %dma_start3A_32] : memref<128x64xf32, #tpu.memory_space<vmem>> -> memref<113x64xf32, #tpu.memory_space<vmem>>
      tpu.enqueue_dma source(%dma_start3A_33 : memref<113x64xf32, #tpu.memory_space<vmem>>) target(%dma_start3A_30 : memref<113x64xf32, #tpu.memory_space<vmem_shared>>) target_semaphore(%run_scoped3A : memref<!tpu.dma_semaphore, #tpu.memory_space<semaphore_mem>>)
      %dma_wait3A = arith.constant 0 : i32
      %dma_wait3A_34 = arith.constant 0 : i32
      %dma_wait3A_35 = tpu.memref_slice %arg6[%dma_wait3A, %dma_wait3A_34] : memref<128x64xf32, #tpu.memory_space<vmem>> -> memref<113x64xf32, #tpu.memory_space<vmem>>
      %dma_wait3A_36 = arith.constant 0 : i32
      %dma_wait3A_37 = tpu.memref_slice %arg7[%add3A_17, %dma_wait3A_36] : memref<10000x64xf32, #tpu.memory_space<vmem_shared>> -> memref<113x64xf32, #tpu.memory_space<vmem_shared>>
      %dma_wait3A_38 = arith.constant 0 : i32
      %dma_wait3A_39 = tpu.memref_slice %arg7[%add3A_17, %dma_wait3A_38] : memref<10000x64xf32, #tpu.memory_space<vmem_shared>> -> memref<113x64xf32, #tpu.memory_space<vmem_shared>>
      %dma_wait3A_40 = arith.constant 0 : i32
      %dma_wait3A_41 = arith.constant 0 : i32
      %dma_wait3A_42 = tpu.memref_slice %arg6[%dma_wait3A_40, %dma_wait3A_41] : memref<128x64xf32, #tpu.memory_space<vmem>> -> memref<113x64xf32, #tpu.memory_space<vmem>>
      tpu.wait_dma2 semaphore(%run_scoped3A : memref<!tpu.dma_semaphore, #tpu.memory_space<semaphore_mem>>) src(%dma_wait3A_42 : memref<113x64xf32, #tpu.memory_space<vmem>>) dst(%dma_wait3A_39 : memref<113x64xf32, #tpu.memory_space<vmem_shared>>)
      tpu.yield
    }) : () -> ()
    %barrier3A = arith.constant 0 : index
    tpu.barrier barrier_id(%barrier3A)
    %scan3A_18 = arith.constant 0 : i32
    %scan3A_19 = arith.constant 0 : i32
    %scan3A_20 = arith.constant 10 : i32
    %scan3A_21 = arith.addi %scan3A_19, %scan3A_20 : i32
    %scan3A_22 = arith.constant 1 : i32
    scf.for %scan3A_25 = %scan3A_19 to %scan3A_21 step %scan3A_22  : i32 {
      %mul3A_26 = arith.constant 32 : i32
      %mul3A_27 = arith.muli %mul3A_26, %scan3A_25 : i32
      %add3A_28 = arith.addi %add3A, %mul3A_27 : i32
      %lt3A = arith.constant 300 : i32
      %lt3A_29 = arith.cmpi slt, %add3A_28, %lt3A : i32
      %convert_element_type3A = arith.extui %lt3A_29 : i1 to i32
      %cond3A = arith.constant 0 : i32
      %cond3A_30 = arith.cmpi ne, %convert_element_type3A, %cond3A : i32
      scf.if %cond3A_30 {
        %mul3A_31 = arith.constant 128 : i32
        %mul3A_32 = arith.muli %add3A_28, %mul3A_31 : i32
        "tpu.region"() ({
          %run_scoped3A = tpu.sem_alloc : memref<!tpu.dma_semaphore, #tpu.memory_space<semaphore_mem>>
          %dma_start3A = tpu.memref_slice %arg3[%mul3A_32] : memref<38400xi32, #tpu.memory_space<hbm>> -> memref<128xi32, #tpu.memory_space<hbm>>
          %dma_start3A_35 = tpu.memref_slice %arg3[%mul3A_32] : memref<38400xi32, #tpu.memory_space<hbm>> -> memref<128xi32, #tpu.memory_space<hbm>>
          tpu.enqueue_dma source(%dma_start3A_35 : memref<128xi32, #tpu.memory_space<hbm>>) target(%arg5 : memref<128xi32, #tpu.memory_space<vmem>>) target_semaphore(%run_scoped3A : memref<!tpu.dma_semaphore, #tpu.memory_space<semaphore_mem>>)
          %dma_wait3A = tpu.memref_slice %arg3[%mul3A_32] : memref<38400xi32, #tpu.memory_space<hbm>> -> memref<128xi32, #tpu.memory_space<hbm>>
          %dma_wait3A_36 = tpu.memref_slice %arg3[%mul3A_32] : memref<38400xi32, #tpu.memory_space<hbm>> -> memref<128xi32, #tpu.memory_space<hbm>>
          tpu.wait_dma2 semaphore(%run_scoped3A : memref<!tpu.dma_semaphore, #tpu.memory_space<semaphore_mem>>) src(%dma_wait3A_36 : memref<128xi32, #tpu.memory_space<hbm>>) dst(%arg5 : memref<128xi32, #tpu.memory_space<vmem>>)
          tpu.yield
        }) : () -> ()
        %mul3A_33 = arith.constant 128 : i32
        %mul3A_34 = arith.muli %add3A_28, %mul3A_33 : i32
        "tpu.region"() ({
          %run_scoped3A = tpu.sem_alloc : memref<!tpu.dma_semaphore, #tpu.memory_space<semaphore_mem>>
          %dma_start3A = arith.constant 0 : i32
          %dma_start3A_35 = tpu.memref_slice %arg2[%mul3A_34, %dma_start3A] : memref<38400x64xf32, #tpu.memory_space<hbm>> -> memref<128x64xf32, #tpu.memory_space<hbm>>
          %dma_start3A_36 = arith.constant 0 : i32
          %dma_start3A_37 = tpu.memref_slice %arg2[%mul3A_34, %dma_start3A_36] : memref<38400x64xf32, #tpu.memory_space<hbm>> -> memref<128x64xf32, #tpu.memory_space<hbm>>
          tpu.enqueue_dma source(%dma_start3A_37 : memref<128x64xf32, #tpu.memory_space<hbm>>) target(%arg6 : memref<128x64xf32, #tpu.memory_space<vmem>>) target_semaphore(%run_scoped3A : memref<!tpu.dma_semaphore, #tpu.memory_space<semaphore_mem>>)
          %dma_wait3A = arith.constant 0 : i32
          %dma_wait3A_38 = tpu.memref_slice %arg2[%mul3A_34, %dma_wait3A] : memref<38400x64xf32, #tpu.memory_space<hbm>> -> memref<128x64xf32, #tpu.memory_space<hbm>>
          %dma_wait3A_39 = arith.constant 0 : i32
          %dma_wait3A_40 = tpu.memref_slice %arg2[%mul3A_34, %dma_wait3A_39] : memref<38400x64xf32, #tpu.memory_space<hbm>> -> memref<128x64xf32, #tpu.memory_space<hbm>>
          tpu.wait_dma2 semaphore(%run_scoped3A : memref<!tpu.dma_semaphore, #tpu.memory_space<semaphore_mem>>) src(%dma_wait3A_40 : memref<128x64xf32, #tpu.memory_space<hbm>>) dst(%arg6 : memref<128x64xf32, #tpu.memory_space<vmem>>)
          tpu.yield
        }) : () -> ()
        "tpu.region"() ({
          %run_scoped3A = tpu.sem_alloc : memref<!tpu.dma_semaphore, #tpu.memory_space<semaphore_mem>>
          %dma_start3A = arith.constant 0 : i32
          %dma_start3A_35 = arith.constant 0 : i32
          %dma_start3A_36 = tpu.memref_slice %arg7[%dma_start3A, %dma_start3A_35] : memref<10000x64xf32, #tpu.memory_space<vmem_shared>> -> memref<10000x64xf32, #tpu.memory_space<vmem_shared>>
          tpu.enqueue_indirect_dma source(%arg6 : memref<128x64xf32, #tpu.memory_space<vmem>>) target(%dma_start3A_36 : memref<10000x64xf32, #tpu.memory_space<vmem_shared>>) offsets(%arg5 : memref<128xi32, #tpu.memory_space<vmem>>) semaphore(%run_scoped3A : memref<!tpu.dma_semaphore, #tpu.memory_space<semaphore_mem>>) {add = true}
          %dma_wait3A = arith.constant 0 : i32
          %dma_wait3A_37 = arith.constant 0 : i32
          %dma_wait3A_38 = tpu.memref_slice %arg7[%dma_wait3A, %dma_wait3A_37] : memref<10000x64xf32, #tpu.memory_space<vmem_shared>> -> memref<10000x64xf32, #tpu.memory_space<vmem_shared>>
          tpu.wait_indirect_dma semaphore(%run_scoped3A : memref<!tpu.dma_semaphore, #tpu.memory_space<semaphore_mem>>) src(%arg6 : memref<128x64xf32, #tpu.memory_space<vmem>>) dst(%dma_wait3A_38 : memref<10000x64xf32, #tpu.memory_space<vmem_shared>>)
          tpu.yield
        }) : () -> ()
      } else {
      }
    }
    %scan3A_23 = arith.constant 10 : i32
    %barrier3A_24 = arith.constant 0 : index
    tpu.barrier barrier_id(%barrier3A_24)
    "tpu.region"() ({
      %run_scoped3A = tpu.sem_alloc : memref<!tpu.dma_semaphore, #tpu.memory_space<semaphore_mem>>
      %dma_start3A = arith.constant 0 : i32
      %dma_start3A_25 = tpu.memref_slice %arg4[%arg0, %mul3A_7, %dma_start3A] : memref<2x10000x64xf32, #tpu.memory_space<hbm>> -> memref<1x625x64xf32, #tpu.memory_space<hbm>>
      %dma_start3A_26 = tpu.memref_squeeze %dma_start3A_25 : memref<1x625x64xf32, #tpu.memory_space<hbm>> -> memref<625x64xf32, #tpu.memory_space<hbm>>
      %dma_start3A_27 = arith.constant 0 : i32
      %dma_start3A_28 = tpu.memref_slice %arg7[%mul3A_7, %dma_start3A_27] : memref<10000x64xf32, #tpu.memory_space<vmem_shared>> -> memref<625x64xf32, #tpu.memory_space<vmem_shared>>
      tpu.enqueue_dma source(%dma_start3A_28 : memref<625x64xf32, #tpu.memory_space<vmem_shared>>) target(%dma_start3A_26 : memref<625x64xf32, #tpu.memory_space<hbm>>) target_semaphore(%run_scoped3A : memref<!tpu.dma_semaphore, #tpu.memory_space<semaphore_mem>>)
      %dma_wait3A = arith.constant 0 : i32
      %dma_wait3A_29 = tpu.memref_slice %arg4[%arg0, %mul3A_7, %dma_wait3A] : memref<2x10000x64xf32, #tpu.memory_space<hbm>> -> memref<1x625x64xf32, #tpu.memory_space<hbm>>
      %dma_wait3A_30 = tpu.memref_squeeze %dma_wait3A_29 : memref<1x625x64xf32, #tpu.memory_space<hbm>> -> memref<625x64xf32, #tpu.memory_space<hbm>>
      %dma_wait3A_31 = arith.constant 0 : i32
      %dma_wait3A_32 = tpu.memref_slice %arg7[%mul3A_7, %dma_wait3A_31] : memref<10000x64xf32, #tpu.memory_space<vmem_shared>> -> memref<625x64xf32, #tpu.memory_space<vmem_shared>>
      tpu.wait_dma2 semaphore(%run_scoped3A : memref<!tpu.dma_semaphore, #tpu.memory_space<semaphore_mem>>) src(%dma_wait3A_32 : memref<625x64xf32, #tpu.memory_space<vmem_shared>>) dst(%dma_wait3A_30 : memref<625x64xf32, #tpu.memory_space<hbm>>)
      tpu.yield
    }) : () -> ()
    return
  }
}

#map = affine_map<(d0, d1) -> (0, 0)>
#map1 = affine_map<(d0, d1) -> (0)>
#map2 = affine_map<(d0, d1) -> (0, 0, 0)>
module attributes {stable_mosaic.version = 14 : i64} {
  func.func @k(%arg0: i32, %arg1: i32, %arg2: memref<38400x64xf32, #tpu.memory_space<hbm>>, %arg3: memref<38400xi32, #tpu.memory_space<hbm>>, %arg4: memref<2x10000x64xf32, #tpu.memory_space<hbm>>, %arg5: memref<128xi32, #tpu.memory_space<vmem>>, %arg6: memref<128x64xf32, #tpu.memory_space<vmem>>, %arg7: memref<10000x64xf32, #tpu.memory_space<vmem_shared>>, %arg8: memref<!tpu.dma_semaphore, #tpu.memory_space<semaphore_mem>>) attributes {dimension_semantics = [#tpu.dimension_semantics<core_parallel>, #tpu.dimension_semantics<subcore_parallel>], iteration_bounds = array<i64: 2, 16>, scalar_prefetch = 0 : i64, scratch_operands = 4 : i64, tpu.core_type = #tpu.core_type<sc_vector_subcore>, window_params = [{transform_indices = #map}, {transform_indices = #map1}, {transform_indices = #map2}]} {
    %mul3A = arith.constant 2 : i32
    %mul3A_0 = arith.muli %arg1, %mul3A : i32
    %add3A = arith.addi %mul3A_0, %arg0 : i32
    %scan3A = arith.constant 0 : i32
    %scan3A_1 = arith.constant 0 : i32
    %scan3A_2 = arith.constant 128 : i32
    %scan3A_3 = arith.addi %scan3A_1, %scan3A_2 : i32
    %scan3A_4 = arith.constant 1 : i32
    scf.for %scan3A_25 = %scan3A_1 to %scan3A_3 step %scan3A_4  : i32 {
      %broadcast_in_dim3A = arith.constant 0.000000e+00 : f32
      %broadcast_in_dim3A_26 = vector.broadcast %broadcast_in_dim3A : f32 to vector<16xf32>
      %swap3A = arith.index_cast %scan3A_25 : i32 to index
      %swap3A_27 = arith.constant 0 : index
      %swap3A_28 = tpu.vector_load %arg6[%swap3A, %swap3A_27] {strides = array<i32>} : memref<128x64xf32, #tpu.memory_space<vmem>>, vector<1x16xf32>,
      %swap3A_29 = vector.shape_cast %swap3A_28 : vector<1x16xf32> to vector<16xf32>
      %swap3A_30 = vector.shape_cast %broadcast_in_dim3A_26 : vector<16xf32> to vector<1x16xf32>
      tpu.vector_store %arg6[%swap3A, %swap3A_27], %swap3A_30 {strides = array<i32>} : memref<128x64xf32, #tpu.memory_space<vmem>>, vector<1x16xf32>,
      %broadcast_in_dim3A_31 = arith.constant 0.000000e+00 : f32
      %broadcast_in_dim3A_32 = vector.broadcast %broadcast_in_dim3A_31 : f32 to vector<16xf32>
      %swap3A_33 = arith.index_cast %scan3A_25 : i32 to index
      %swap3A_34 = arith.constant 16 : index
      %swap3A_35 = tpu.vector_load %arg6[%swap3A_33, %swap3A_34] {strides = array<i32>} : memref<128x64xf32, #tpu.memory_space<vmem>>, vector<1x16xf32>,
      %swap3A_36 = vector.shape_cast %swap3A_35 : vector<1x16xf32> to vector<16xf32>
      %swap3A_37 = vector.shape_cast %broadcast_in_dim3A_32 : vector<16xf32> to vector<1x16xf32>
      tpu.vector_store %arg6[%swap3A_33, %swap3A_34], %swap3A_37 {strides = array<i32>} : memref<128x64xf32, #tpu.memory_space<vmem>>, vector<1x16xf32>,
      %broadcast_in_dim3A_38 = arith.constant 0.000000e+00 : f32
      %broadcast_in_dim3A_39 = vector.broadcast %broadcast_in_dim3A_38 : f32 to vector<16xf32>
      %swap3A_40 = arith.index_cast %scan3A_25 : i32 to index
      %swap3A_41 = arith.constant 32 : index
      %swap3A_42 = tpu.vector_load %arg6[%swap3A_40, %swap3A_41] {strides = array<i32>} : memref<128x64xf32, #tpu.memory_space<vmem>>, vector<1x16xf32>,
      %swap3A_43 = vector.shape_cast %swap3A_42 : vector<1x16xf32> to vector<16xf32>
      %swap3A_44 = vector.shape_cast %broadcast_in_dim3A_39 : vector<16xf32> to vector<1x16xf32>
      tpu.vector_store %arg6[%swap3A_40, %swap3A_41], %swap3A_44 {strides = array<i32>} : memref<128x64xf32, #tpu.memory_space<vmem>>, vector<1x16xf32>,
      %broadcast_in_dim3A_45 = arith.constant 0.000000e+00 : f32
      %broadcast_in_dim3A_46 = vector.broadcast %broadcast_in_dim3A_45 : f32 to vector<16xf32>
      %swap3A_47 = arith.index_cast %scan3A_25 : i32 to index
      %swap3A_48 = arith.constant 48 : index
      %swap3A_49 = tpu.vector_load %arg6[%swap3A_47, %swap3A_48] {strides = array<i32>} : memref<128x64xf32, #tpu.memory_space<vmem>>, vector<1x16xf32>,
      %swap3A_50 = vector.shape_cast %swap3A_49 : vector<1x16xf32> to vector<16xf32>
      %swap3A_51 = vector.shape_cast %broadcast_in_dim3A_46 : vector<16xf32> to vector<1x16xf32>
      tpu.vector_store %arg6[%swap3A_47, %swap3A_48], %swap3A_51 {strides = array<i32>} : memref<128x64xf32, #tpu.memory_space<vmem>>, vector<1x16xf32>,
    }
    %scan3A_5 = arith.constant 128 : i32
    %mul3A_6 = arith.constant 625 : i32
    %mul3A_7 = arith.muli %arg1, %mul3A_6 : i32
    %add3A_8 = arith.constant 0 : i32
    %add3A_9 = arith.addi %mul3A_7, %add3A_8 : i32
    "tpu.region"() ({
      %run_scoped3A = tpu.sem_alloc : memref<!tpu.dma_semaphore, #tpu.memory_space<semaphore_mem>>
      %dma_start3A = arith.constant 0 : i32
      %dma_start3A_25 = arith.constant 0 : i32
      %dma_start3A_26 = tpu.memref_slice %arg6[%dma_start3A, %dma_start3A_25] : memref<128x64xf32, #tpu.memory_space<vmem>> -> memref<128x64xf32, #tpu.memory_space<vmem>>
      %dma_start3A_27 = arith.constant 0 : i32
      %dma_start3A_28 = tpu.memref_slice %arg7[%add3A_9, %dma_start3A_27] : memref<10000x64xf32, #tpu.memory_space<vmem_shared>> -> memref<128x64xf32, #tpu.memory_space<vmem_shared>>
      %dma_start3A_29 = arith.constant 0 : i32
      %dma_start3A_30 = tpu.memref_slice %arg7[%add3A_9, %dma_start3A_29] : memref<10000x64xf32, #tpu.memory_space<vmem_shared>> -> memref<128x64xf32, #tpu.memory_space<vmem_shared>>
      %dma_start3A_31 = arith.constant 0 : i32
      %dma_start3A_32 = arith.constant 0 : i32
      %dma_start3A_33 = tpu.memref_slice %arg6[%dma_start3A_31, %dma_start3A_32] : memref<128x64xf32, #tpu.memory_space<vmem>> -> memref<128x64xf32, #tpu.memory_space<vmem>>
      tpu.enqueue_dma source(%dma_start3A_33 : memref<128x64xf32, #tpu.memory_space<vmem>>) target(%dma_start3A_30 : memref<128x64xf32, #tpu.memory_space<vmem_shared>>) target_semaphore(%run_scoped3A : memref<!tpu.dma_semaphore, #tpu.memory_space<semaphore_mem>>)
      %dma_wait3A = arith.constant 0 : i32
      %dma_wait3A_34 = arith.constant 0 : i32
      %dma_wait3A_35 = tpu.memref_slice %arg6[%dma_wait3A, %dma_wait3A_34] : memref<128x64xf32, #tpu.memory_space<vmem>> -> memref<128x64xf32, #tpu.memory_space<vmem>>
      %dma_wait3A_36 = arith.constant 0 : i32
      %dma_wait3A_37 = tpu.memref_slice %arg7[%add3A_9, %dma_wait3A_36] : memref<10000x64xf32, #tpu.memory_space<vmem_shared>> -> memref<128x64xf32, #tpu.memory_space<vmem_shared>>
      %dma_wait3A_38 = arith.constant 0 : i32
      %dma_wait3A_39 = tpu.memref_slice %arg7[%add3A_9, %dma_wait3A_38] : memref<10000x64xf32, #tpu.memory_space<vmem_shared>> -> memref<128x64xf32, #tpu.memory_space<vmem_shared>>
      %dma_wait3A_40 = arith.constant 0 : i32
      %dma_wait3A_41 = arith.constant 0 : i32
      %dma_wait3A_42 = tpu.memref_slice %arg6[%dma_wait3A_40, %dma_wait3A_41] : memref<128x64xf32, #tpu.memory_space<vmem>> -> memref<128x64xf32, #tpu.memory_space<vmem>>
      tpu.wait_dma2 semaphore(%run_scoped3A : memref<!tpu.dma_semaphore, #tpu.memory_space<semaphore_mem>>) src(%dma_wait3A_42 : memref<128x64xf32, #tpu.memory_space<vmem>>) dst(%dma_wait3A_39 : memref<128x64xf32, #tpu.memory_space<vmem_shared>>)
      tpu.yield
    }) : () -> ()
    %add3A_10 = arith.constant 128 : i32
    %add3A_11 = arith.addi %mul3A_7, %add3A_10 : i32
    "tpu.region"() ({
      %run_scoped3A = tpu.sem_alloc : memref<!tpu.dma_semaphore, #tpu.memory_space<semaphore_mem>>
      %dma_start3A = arith.constant 0 : i32
      %dma_start3A_25 = arith.constant 0 : i32
      %dma_start3A_26 = tpu.memref_slice %arg6[%dma_start3A, %dma_start3A_25] : memref<128x64xf32, #tpu.memory_space<vmem>> -> memref<128x64xf32, #tpu.memory_space<vmem>>
      %dma_start3A_27 = arith.constant 0 : i32
      %dma_start3A_28 = tpu.memref_slice %arg7[%add3A_11, %dma_start3A_27] : memref<10000x64xf32, #tpu.memory_space<vmem_shared>> -> memref<128x64xf32, #tpu.memory_space<vmem_shared>>
      %dma_start3A_29 = arith.constant 0 : i32
      %dma_start3A_30 = tpu.memref_slice %arg7[%add3A_11, %dma_start3A_29] : memref<10000x64xf32, #tpu.memory_space<vmem_shared>> -> memref<128x64xf32, #tpu.memory_space<vmem_shared>>
      %dma_start3A_31 = arith.constant 0 : i32
      %dma_start3A_32 = arith.constant 0 : i32
      %dma_start3A_33 = tpu.memref_slice %arg6[%dma_start3A_31, %dma_start3A_32] : memref<128x64xf32, #tpu.memory_space<vmem>> -> memref<128x64xf32, #tpu.memory_space<vmem>>
      tpu.enqueue_dma source(%dma_start3A_33 : memref<128x64xf32, #tpu.memory_space<vmem>>) target(%dma_start3A_30 : memref<128x64xf32, #tpu.memory_space<vmem_shared>>) target_semaphore(%run_scoped3A : memref<!tpu.dma_semaphore, #tpu.memory_space<semaphore_mem>>)
      %dma_wait3A = arith.constant 0 : i32
      %dma_wait3A_34 = arith.constant 0 : i32
      %dma_wait3A_35 = tpu.memref_slice %arg6[%dma_wait3A, %dma_wait3A_34] : memref<128x64xf32, #tpu.memory_space<vmem>> -> memref<128x64xf32, #tpu.memory_space<vmem>>
      %dma_wait3A_36 = arith.constant 0 : i32
      %dma_wait3A_37 = tpu.memref_slice %arg7[%add3A_11, %dma_wait3A_36] : memref<10000x64xf32, #tpu.memory_space<vmem_shared>> -> memref<128x64xf32, #tpu.memory_space<vmem_shared>>
      %dma_wait3A_38 = arith.constant 0 : i32
      %dma_wait3A_39 = tpu.memref_slice %arg7[%add3A_11, %dma_wait3A_38] : memref<10000x64xf32, #tpu.memory_space<vmem_shared>> -> memref<128x64xf32, #tpu.memory_space<vmem_shared>>
      %dma_wait3A_40 = arith.constant 0 : i32
      %dma_wait3A_41 = arith.constant 0 : i32
      %dma_wait3A_42 = tpu.memref_slice %arg6[%dma_wait3A_40, %dma_wait3A_41] : memref<128x64xf32, #tpu.memory_space<vmem>> -> memref<128x64xf32, #tpu.memory_space<vmem>>
      tpu.wait_dma2 semaphore(%run_scoped3A : memref<!tpu.dma_semaphore, #tpu.memory_space<semaphore_mem>>) src(%dma_wait3A_42 : memref<128x64xf32, #tpu.memory_space<vmem>>) dst(%dma_wait3A_39 : memref<128x64xf32, #tpu.memory_space<vmem_shared>>)
      tpu.yield
    }) : () -> ()
    %add3A_12 = arith.constant 256 : i32
    %add3A_13 = arith.addi %mul3A_7, %add3A_12 : i32
    "tpu.region"() ({
      %run_scoped3A = tpu.sem_alloc : memref<!tpu.dma_semaphore, #tpu.memory_space<semaphore_mem>>
      %dma_start3A = arith.constant 0 : i32
      %dma_start3A_25 = arith.constant 0 : i32
      %dma_start3A_26 = tpu.memref_slice %arg6[%dma_start3A, %dma_start3A_25] : memref<128x64xf32, #tpu.memory_space<vmem>> -> memref<128x64xf32, #tpu.memory_space<vmem>>
      %dma_start3A_27 = arith.constant 0 : i32
      %dma_start3A_28 = tpu.memref_slice %arg7[%add3A_13, %dma_start3A_27] : memref<10000x64xf32, #tpu.memory_space<vmem_shared>> -> memref<128x64xf32, #tpu.memory_space<vmem_shared>>
      %dma_start3A_29 = arith.constant 0 : i32
      %dma_start3A_30 = tpu.memref_slice %arg7[%add3A_13, %dma_start3A_29] : memref<10000x64xf32, #tpu.memory_space<vmem_shared>> -> memref<128x64xf32, #tpu.memory_space<vmem_shared>>
      %dma_start3A_31 = arith.constant 0 : i32
      %dma_start3A_32 = arith.constant 0 : i32
      %dma_start3A_33 = tpu.memref_slice %arg6[%dma_start3A_31, %dma_start3A_32] : memref<128x64xf32, #tpu.memory_space<vmem>> -> memref<128x64xf32, #tpu.memory_space<vmem>>
      tpu.enqueue_dma source(%dma_start3A_33 : memref<128x64xf32, #tpu.memory_space<vmem>>) target(%dma_start3A_30 : memref<128x64xf32, #tpu.memory_space<vmem_shared>>) target_semaphore(%run_scoped3A : memref<!tpu.dma_semaphore, #tpu.memory_space<semaphore_mem>>)
      %dma_wait3A = arith.constant 0 : i32
      %dma_wait3A_34 = arith.constant 0 : i32
      %dma_wait3A_35 = tpu.memref_slice %arg6[%dma_wait3A, %dma_wait3A_34] : memref<128x64xf32, #tpu.memory_space<vmem>> -> memref<128x64xf32, #tpu.memory_space<vmem>>
      %dma_wait3A_36 = arith.constant 0 : i32
      %dma_wait3A_37 = tpu.memref_slice %arg7[%add3A_13, %dma_wait3A_36] : memref<10000x64xf32, #tpu.memory_space<vmem_shared>> -> memref<128x64xf32, #tpu.memory_space<vmem_shared>>
      %dma_wait3A_38 = arith.constant 0 : i32
      %dma_wait3A_39 = tpu.memref_slice %arg7[%add3A_13, %dma_wait3A_38] : memref<10000x64xf32, #tpu.memory_space<vmem_shared>> -> memref<128x64xf32, #tpu.memory_space<vmem_shared>>
      %dma_wait3A_40 = arith.constant 0 : i32
      %dma_wait3A_41 = arith.constant 0 : i32
      %dma_wait3A_42 = tpu.memref_slice %arg6[%dma_wait3A_40, %dma_wait3A_41] : memref<128x64xf32, #tpu.memory_space<vmem>> -> memref<128x64xf32, #tpu.memory_space<vmem>>
      tpu.wait_dma2 semaphore(%run_scoped3A : memref<!tpu.dma_semaphore, #tpu.memory_space<semaphore_mem>>) src(%dma_wait3A_42 : memref<128x64xf32, #tpu.memory_space<vmem>>) dst(%dma_wait3A_39 : memref<128x64xf32, #tpu.memory_space<vmem_shared>>)
      tpu.yield
    }) : () -> ()
    %add3A_14 = arith.constant 384 : i32
    %add3A_15 = arith.addi %mul3A_7, %add3A_14 : i32
    "tpu.region"() ({
      %run_scoped3A = tpu.sem_alloc : memref<!tpu.dma_semaphore, #tpu.memory_space<semaphore_mem>>
      %dma_start3A = arith.constant 0 : i32
      %dma_start3A_25 = arith.constant 0 : i32
      %dma_start3A_26 = tpu.memref_slice %arg6[%dma_start3A, %dma_start3A_25] : memref<128x64xf32, #tpu.memory_space<vmem>> -> memref<128x64xf32, #tpu.memory_space<vmem>>
      %dma_start3A_27 = arith.constant 0 : i32
      %dma_start3A_28 = tpu.memref_slice %arg7[%add3A_15, %dma_start3A_27] : memref<10000x64xf32, #tpu.memory_space<vmem_shared>> -> memref<128x64xf32, #tpu.memory_space<vmem_shared>>
      %dma_start3A_29 = arith.constant 0 : i32
      %dma_start3A_30 = tpu.memref_slice %arg7[%add3A_15, %dma_start3A_29] : memref<10000x64xf32, #tpu.memory_space<vmem_shared>> -> memref<128x64xf32, #tpu.memory_space<vmem_shared>>
      %dma_start3A_31 = arith.constant 0 : i32
      %dma_start3A_32 = arith.constant 0 : i32
      %dma_start3A_33 = tpu.memref_slice %arg6[%dma_start3A_31, %dma_start3A_32] : memref<128x64xf32, #tpu.memory_space<vmem>> -> memref<128x64xf32, #tpu.memory_space<vmem>>
      tpu.enqueue_dma source(%dma_start3A_33 : memref<128x64xf32, #tpu.memory_space<vmem>>) target(%dma_start3A_30 : memref<128x64xf32, #tpu.memory_space<vmem_shared>>) target_semaphore(%run_scoped3A : memref<!tpu.dma_semaphore, #tpu.memory_space<semaphore_mem>>)
      %dma_wait3A = arith.constant 0 : i32
      %dma_wait3A_34 = arith.constant 0 : i32
      %dma_wait3A_35 = tpu.memref_slice %arg6[%dma_wait3A, %dma_wait3A_34] : memref<128x64xf32, #tpu.memory_space<vmem>> -> memref<128x64xf32, #tpu.memory_space<vmem>>
      %dma_wait3A_36 = arith.constant 0 : i32
      %dma_wait3A_37 = tpu.memref_slice %arg7[%add3A_15, %dma_wait3A_36] : memref<10000x64xf32, #tpu.memory_space<vmem_shared>> -> memref<128x64xf32, #tpu.memory_space<vmem_shared>>
      %dma_wait3A_38 = arith.constant 0 : i32
      %dma_wait3A_39 = tpu.memref_slice %arg7[%add3A_15, %dma_wait3A_38] : memref<10000x64xf32, #tpu.memory_space<vmem_shared>> -> memref<128x64xf32, #tpu.memory_space<vmem_shared>>
      %dma_wait3A_40 = arith.constant 0 : i32
      %dma_wait3A_41 = arith.constant 0 : i32
      %dma_wait3A_42 = tpu.memref_slice %arg6[%dma_wait3A_40, %dma_wait3A_41] : memref<128x64xf32, #tpu.memory_space<vmem>> -> memref<128x64xf32, #tpu.memory_space<vmem>>
      tpu.wait_dma2 semaphore(%run_scoped3A : memref<!tpu.dma_semaphore, #tpu.memory_space<semaphore_mem>>) src(%dma_wait3A_42 : memref<128x64xf32, #tpu.memory_space<vmem>>) dst(%dma_wait3A_39 : memref<128x64xf32, #tpu.memory_space<vmem_shared>>)
      tpu.yield
    }) : () -> ()
    %add3A_16 = arith.constant 512 : i32
    %add3A_17 = arith.addi %mul3A_7, %add3A_16 : i32
    "tpu.region"() ({
      %run_scoped3A = tpu.sem_alloc : memref<!tpu.dma_semaphore, #tpu.memory_space<semaphore_mem>>
      %dma_start3A = arith.constant 0 : i32
      %dma_start3A_25 = arith.constant 0 : i32
      %dma_start3A_26 = tpu.memref_slice %arg6[%dma_start3A, %dma_start3A_25] : memref<128x64xf32, #tpu.memory_space<vmem>> -> memref<113x64xf32, #tpu.memory_space<vmem>>
      %dma_start3A_27 = arith.constant 0 : i32
      %dma_start3A_28 = tpu.memref_slice %arg7[%add3A_17, %dma_start3A_27] : memref<10000x64xf32, #tpu.memory_space<vmem_shared>> -> memref<113x64xf32, #tpu.memory_space<vmem_shared>>
      %dma_start3A_29 = arith.constant 0 : i32
      %dma_start3A_30 = tpu.memref_slice %arg7[%add3A_17, %dma_start3A_29] : memref<10000x64xf32, #tpu.memory_space<vmem_shared>> -> memref<113x64xf32, #tpu.memory_space<vmem_shared>>
      %dma_start3A_31 = arith.constant 0 : i32
      %dma_start3A_32 = arith.constant 0 : i32
      %dma_start3A_33 = tpu.memref_slice %arg6[%dma_start3A_31, %dma_start3A_32] : memref<128x64xf32, #tpu.memory_space<vmem>> -> memref<113x64xf32, #tpu.memory_space<vmem>>
      tpu.enqueue_dma source(%dma_start3A_33 : memref<113x64xf32, #tpu.memory_space<vmem>>) target(%dma_start3A_30 : memref<113x64xf32, #tpu.memory_space<vmem_shared>>) target_semaphore(%run_scoped3A : memref<!tpu.dma_semaphore, #tpu.memory_space<semaphore_mem>>)
      %dma_wait3A = arith.constant 0 : i32
      %dma_wait3A_34 = arith.constant 0 : i32
      %dma_wait3A_35 = tpu.memref_slice %arg6[%dma_wait3A, %dma_wait3A_34] : memref<128x64xf32, #tpu.memory_space<vmem>> -> memref<113x64xf32, #tpu.memory_space<vmem>>
      %dma_wait3A_36 = arith.constant 0 : i32
      %dma_wait3A_37 = tpu.memref_slice %arg7[%add3A_17, %dma_wait3A_36] : memref<10000x64xf32, #tpu.memory_space<vmem_shared>> -> memref<113x64xf32, #tpu.memory_space<vmem_shared>>
      %dma_wait3A_38 = arith.constant 0 : i32
      %dma_wait3A_39 = tpu.memref_slice %arg7[%add3A_17, %dma_wait3A_38] : memref<10000x64xf32, #tpu.memory_space<vmem_shared>> -> memref<113x64xf32, #tpu.memory_space<vmem_shared>>
      %dma_wait3A_40 = arith.constant 0 : i32
      %dma_wait3A_41 = arith.constant 0 : i32
      %dma_wait3A_42 = tpu.memref_slice %arg6[%dma_wait3A_40, %dma_wait3A_41] : memref<128x64xf32, #tpu.memory_space<vmem>> -> memref<113x64xf32, #tpu.memory_space<vmem>>
      tpu.wait_dma2 semaphore(%run_scoped3A : memref<!tpu.dma_semaphore, #tpu.memory_space<semaphore_mem>>) src(%dma_wait3A_42 : memref<113x64xf32, #tpu.memory_space<vmem>>) dst(%dma_wait3A_39 : memref<113x64xf32, #tpu.memory_space<vmem_shared>>)
      tpu.yield
    }) : () -> ()
    %barrier3A = arith.constant 0 : index
    tpu.barrier barrier_id(%barrier3A)
    %scan3A_18 = arith.constant 0 : i32
    %scan3A_19 = arith.constant 0 : i32
    %scan3A_20 = arith.constant 10 : i32
    %scan3A_21 = arith.addi %scan3A_19, %scan3A_20 : i32
    %scan3A_22 = arith.constant 1 : i32
    scf.for %scan3A_25 = %scan3A_19 to %scan3A_21 step %scan3A_22  : i32 {
      %mul3A_26 = arith.constant 32 : i32
      %mul3A_27 = arith.muli %mul3A_26, %scan3A_25 : i32
      %add3A_28 = arith.addi %add3A, %mul3A_27 : i32
      %lt3A = arith.constant 300 : i32
      %lt3A_29 = arith.cmpi slt, %add3A_28, %lt3A : i32
      %convert_element_type3A = arith.extui %lt3A_29 : i1 to i32
      %cond3A = arith.constant 0 : i32
      %cond3A_30 = arith.cmpi ne, %convert_element_type3A, %cond3A : i32
      scf.if %cond3A_30 {
        %mul3A_31 = arith.constant 128 : i32
        %mul3A_32 = arith.muli %add3A_28, %mul3A_31 : i32
        "tpu.region"() ({
          %run_scoped3A = tpu.sem_alloc : memref<!tpu.dma_semaphore, #tpu.memory_space<semaphore_mem>>
          %dma_start3A = tpu.memref_slice %arg3[%mul3A_32] : memref<38400xi32, #tpu.memory_space<hbm>> -> memref<128xi32, #tpu.memory_space<hbm>>
          %dma_start3A_35 = tpu.memref_slice %arg3[%mul3A_32] : memref<38400xi32, #tpu.memory_space<hbm>> -> memref<128xi32, #tpu.memory_space<hbm>>
          tpu.enqueue_dma source(%dma_start3A_35 : memref<128xi32, #tpu.memory_space<hbm>>) target(%arg5 : memref<128xi32, #tpu.memory_space<vmem>>) target_semaphore(%run_scoped3A : memref<!tpu.dma_semaphore, #tpu.memory_space<semaphore_mem>>)
          %dma_wait3A = tpu.memref_slice %arg3[%mul3A_32] : memref<38400xi32, #tpu.memory_space<hbm>> -> memref<128xi32, #tpu.memory_space<hbm>>
          %dma_wait3A_36 = tpu.memref_slice %arg3[%mul3A_32] : memref<38400xi32, #tpu.memory_space<hbm>> -> memref<128xi32, #tpu.memory_space<hbm>>
          tpu.wait_dma2 semaphore(%run_scoped3A : memref<!tpu.dma_semaphore, #tpu.memory_space<semaphore_mem>>) src(%dma_wait3A_36 : memref<128xi32, #tpu.memory_space<hbm>>) dst(%arg5 : memref<128xi32, #tpu.memory_space<vmem>>)
          tpu.yield
        }) : () -> ()
        %mul3A_33 = arith.constant 128 : i32
        %mul3A_34 = arith.muli %add3A_28, %mul3A_33 : i32
        "tpu.region"() ({
          %run_scoped3A = tpu.sem_alloc : memref<!tpu.dma_semaphore, #tpu.memory_space<semaphore_mem>>
          %dma_start3A = arith.constant 0 : i32
          %dma_start3A_35 = tpu.memref_slice %arg2[%mul3A_34, %dma_start3A] : memref<38400x64xf32, #tpu.memory_space<hbm>> -> memref<128x64xf32, #tpu.memory_space<hbm>>
          %dma_start3A_36 = arith.constant 0 : i32
          %dma_start3A_37 = tpu.memref_slice %arg2[%mul3A_34, %dma_start3A_36] : memref<38400x64xf32, #tpu.memory_space<hbm>> -> memref<128x64xf32, #tpu.memory_space<hbm>>
          tpu.enqueue_dma source(%dma_start3A_37 : memref<128x64xf32, #tpu.memory_space<hbm>>) target(%arg6 : memref<128x64xf32, #tpu.memory_space<vmem>>) target_semaphore(%run_scoped3A : memref<!tpu.dma_semaphore, #tpu.memory_space<semaphore_mem>>)
          %dma_wait3A = arith.constant 0 : i32
          %dma_wait3A_38 = tpu.memref_slice %arg2[%mul3A_34, %dma_wait3A] : memref<38400x64xf32, #tpu.memory_space<hbm>> -> memref<128x64xf32, #tpu.memory_space<hbm>>
          %dma_wait3A_39 = arith.constant 0 : i32
          %dma_wait3A_40 = tpu.memref_slice %arg2[%mul3A_34, %dma_wait3A_39] : memref<38400x64xf32, #tpu.memory_space<hbm>> -> memref<128x64xf32, #tpu.memory_space<hbm>>
          tpu.wait_dma2 semaphore(%run_scoped3A : memref<!tpu.dma_semaphore, #tpu.memory_space<semaphore_mem>>) src(%dma_wait3A_40 : memref<128x64xf32, #tpu.memory_space<hbm>>) dst(%arg6 : memref<128x64xf32, #tpu.memory_space<vmem>>)
          tpu.yield
        }) : () -> ()
        "tpu.region"() ({
          %run_scoped3A = tpu.sem_alloc : memref<!tpu.dma_semaphore, #tpu.memory_space<semaphore_mem>>
          %dma_start3A = arith.constant 0 : i32
          %dma_start3A_35 = arith.constant 0 : i32
          %dma_start3A_36 = tpu.memref_slice %arg7[%dma_start3A, %dma_start3A_35] : memref<10000x64xf32, #tpu.memory_space<vmem_shared>> -> memref<10000x64xf32, #tpu.memory_space<vmem_shared>>
          tpu.enqueue_indirect_dma source(%arg6 : memref<128x64xf32, #tpu.memory_space<vmem>>) target(%dma_start3A_36 : memref<10000x64xf32, #tpu.memory_space<vmem_shared>>) offsets(%arg5 : memref<128xi32, #tpu.memory_space<vmem>>) semaphore(%run_scoped3A : memref<!tpu.dma_semaphore, #tpu.memory_space<semaphore_mem>>) {add = true}
          %dma_wait3A = arith.constant 0 : i32
          %dma_wait3A_37 = arith.constant 0 : i32
          %dma_wait3A_38 = tpu.memref_slice %arg7[%dma_wait3A, %dma_wait3A_37] : memref<10000x64xf32, #tpu.memory_space<vmem_shared>> -> memref<10000x64xf32, #tpu.memory_space<vmem_shared>>
          tpu.wait_indirect_dma semaphore(%run_scoped3A : memref<!tpu.dma_semaphore, #tpu.memory_space<semaphore_mem>>) src(%arg6 : memref<128x64xf32, #tpu.memory_space<vmem>>) dst(%dma_wait3A_38 : memref<10000x64xf32, #tpu.memory_space<vmem_shared>>)
          tpu.yield
        }) : () -> ()
      } else {
      }
    }
    %scan3A_23 = arith.constant 10 : i32
    %barrier3A_24 = arith.constant 0 : index
    tpu.barrier barrier_id(%barrier3A_24)
    "tpu.region"() ({
      %run_scoped3A = tpu.sem_alloc : memref<!tpu.dma_semaphore, #tpu.memory_space<semaphore_mem>>
      %dma_start3A = arith.constant 0 : i32
      %dma_start3A_25 = tpu.memref_slice %arg4[%arg0, %mul3A_7, %dma_start3A] : memref<2x10000x64xf32, #tpu.memory_space<hbm>> -> memref<1x625x64xf32, #tpu.memory_space<hbm>>
      %dma_start3A_26 = tpu.memref_squeeze %dma_start3A_25 : memref<1x625x64xf32, #tpu.memory_space<hbm>> -> memref<625x64xf32, #tpu.memory_space<hbm>>
      %dma_start3A_27 = arith.constant 0 : i32
      %dma_start3A_28 = tpu.memref_slice %arg7[%mul3A_7, %dma_start3A_27] : memref<10000x64xf32, #tpu.memory_space<vmem_shared>> -> memref<625x64xf32, #tpu.memory_space<vmem_shared>>
      tpu.enqueue_dma source(%dma_start3A_28 : memref<625x64xf32, #tpu.memory_space<vmem_shared>>) target(%dma_start3A_26 : memref<625x64xf32, #tpu.memory_space<hbm>>) target_semaphore(%run_scoped3A : memref<!tpu.dma_semaphore, #tpu.memory_space<semaphore_mem>>)
      %dma_wait3A = arith.constant 0 : i32
      %dma_wait3A_29 = tpu.memref_slice %arg4[%arg0, %mul3A_7, %dma_wait3A] : memref<2x10000x64xf32, #tpu.memory_space<hbm>> -> memref<1x625x64xf32, #tpu.memory_space<hbm>>
      %dma_wait3A_30 = tpu.memref_squeeze %dma_wait3A_29 : memref<1x625x64xf32, #tpu.memory_space<hbm>> -> memref<625x64xf32, #tpu.memory_space<hbm>>
      %dma_wait3A_31 = arith.constant 0 : i32
      %dma_wait3A_32 = tpu.memref_slice %arg7[%mul3A_7, %dma_wait3A_31] : memref<10000x64xf32, #tpu.memory_space<vmem_shared>> -> memref<625x64xf32, #tpu.memory_space<vmem_shared>>
      tpu.wait_dma2 semaphore(%run_scoped3A : memref<!tpu.dma_semaphore, #tpu.memory_space<semaphore_mem>>) src(%dma_wait3A_32 : memref<625x64xf32, #tpu.memory_space<vmem_shared>>) dst(%dma_wait3A_30 : memref<625x64xf32, #tpu.memory_space<hbm>>)
      tpu.yield
    }) : () -> ()
    return
  }
}

module attributes {stable_mosaic.version = 14 : i64} {
  func.func @body_x(%arg0: i32, %arg1: memref<3200x2xf32, #tpu.memory_space<vmem>>, %arg2: memref<400x1xf32, #tpu.memory_space<vmem>>, %arg3: memref<2x32xf32, #tpu.memory_space<vmem>>, %arg4: memref<1x32xf32, #tpu.memory_space<vmem>>, %arg5: memref<32x32xf32, #tpu.memory_space<vmem>>, %arg6: memref<1x32xf32, #tpu.memory_space<vmem>>, %arg7: memref<3200x32xf32, #tpu.memory_space<vmem>>, %arg8: memref<400x32xf32, #tpu.memory_space<vmem>>) attributes {dimension_semantics = [#tpu.dimension_semantics<arbitrary>], iteration_bounds = array<i64: 25>, scalar_prefetch = 0 : i64, scratch_operands = 0 : i64, tpu.core_type = #tpu.core_type<tc>, window_params = [{transform_indices = @transform_0, window_bounds = array<i64: 3200, 2>}, {transform_indices = @transform_1, window_bounds = array<i64: 400, 1>}, {pipeline_mode = #tpu.pipeline_mode<synchronous>, transform_indices = @transform_2, window_bounds = array<i64: 2, 32>}, {pipeline_mode = #tpu.pipeline_mode<synchronous>, transform_indices = @transform_3, window_bounds = array<i64: 1, 32>}, {pipeline_mode = #tpu.pipeline_mode<synchronous>, transform_indices = @transform_4, window_bounds = array<i64: 32, 32>}, {pipeline_mode = #tpu.pipeline_mode<synchronous>, transform_indices = @transform_5, window_bounds = array<i64: 1, 32>}, {transform_indices = @transform_6, window_bounds = array<i64: 3200, 32>}, {transform_indices = @transform_7, window_bounds = array<i64: 400, 32>}]} {
    %get3A = arith.constant 0 : index
    %get3A_0 = arith.constant 0 : index
    %get3A_1 = vector.load %arg1[%get3A, %get3A_0] : memref<3200x2xf32, #tpu.memory_space<vmem>>, vector<3200x2xf32>
    %slice3A = vector.extract_strided_slice %get3A_1 {offsets = [0, 0], sizes = [3200, 1], strides = [1, 1]} : vector<3200x2xf32> to vector<3200x1xf32>
    %get3A_2 = arith.constant 0 : index
    %get3A_3 = arith.constant 0 : index
    %get3A_4 = vector.load %arg3[%get3A_2, %get3A_3] : memref<2x32xf32, #tpu.memory_space<vmem>>, vector<1x32xf32>
    %mul3A = vector.broadcast %slice3A : vector<3200x1xf32> to vector<3200x32xf32>
    %mul3A_5 = vector.broadcast %get3A_4 : vector<1x32xf32> to vector<3200x32xf32>
    %mul3A_6 = arith.mulf %mul3A, %mul3A_5 : vector<3200x32xf32>
    %slice3A_7 = vector.extract_strided_slice %get3A_1 {offsets = [0, 1], sizes = [3200, 1], strides = [1, 1]} : vector<3200x2xf32> to vector<3200x1xf32>
    %get3A_8 = arith.constant 1 : index
    %get3A_9 = arith.constant 0 : index
    %get3A_10 = vector.load %arg3[%get3A_8, %get3A_9] : memref<2x32xf32, #tpu.memory_space<vmem>>, vector<1x32xf32>
    %mul3A_11 = vector.broadcast %slice3A_7 : vector<3200x1xf32> to vector<3200x32xf32>
    %mul3A_12 = vector.broadcast %get3A_10 : vector<1x32xf32> to vector<3200x32xf32>
    %mul3A_13 = arith.mulf %mul3A_11, %mul3A_12 : vector<3200x32xf32>
    %add3A = arith.addf %mul3A_6, %mul3A_13 : vector<3200x32xf32>
    %get3A_14 = arith.constant 0 : index
    %get3A_15 = arith.constant 0 : index
    %get3A_16 = vector.load %arg4[%get3A_14, %get3A_15] : memref<1x32xf32, #tpu.memory_space<vmem>>, vector<1x32xf32>
    %add3A_17 = vector.broadcast %get3A_16 : vector<1x32xf32> to vector<3200x32xf32>
    %add3A_18 = arith.addf %add3A, %add3A_17 : vector<3200x32xf32>
    %max3A = arith.constant 0.000000e+00 : f32
    %max3A_19 = vector.broadcast %max3A : f32 to vector<3200x32xf32>
    %max3A_20 = arith.maximumf %add3A_18, %max3A_19 : vector<3200x32xf32>
    %get3A_21 = arith.constant 0 : index
    %get3A_22 = arith.constant 0 : index
    %get3A_23 = vector.load %arg5[%get3A_21, %get3A_22] : memref<32x32xf32, #tpu.memory_space<vmem>>, vector<32x32xf32>
    %dot_general3A = arith.constant dense<0.000000e+00> : vector<3200x32xf32>
    %dot_general3A_24 = tpu.matmul %max3A_20, %get3A_23, %dot_general3A {dimension_numbers = #tpu.dot_dimension_numbers<[1], [0], [0], [1], [0, 0, 1, 1], [], []>, transpose_lhs_hint = false} : vector<3200x32xf32>, vector<32x32xf32>, vector<3200x32xf32> -> vector<3200x32xf32>
    %get3A_25 = arith.constant 0 : index
    %get3A_26 = arith.constant 0 : index
    %get3A_27 = vector.load %arg6[%get3A_25, %get3A_26] : memref<1x32xf32, #tpu.memory_space<vmem>>, vector<1x32xf32>
    %add3A_28 = vector.broadcast %get3A_27 : vector<1x32xf32> to vector<3200x32xf32>
    %add3A_29 = arith.addf %dot_general3A_24, %add3A_28 : vector<3200x32xf32>
    %swap3A = arith.constant 0 : index
    %swap3A_30 = arith.constant 0 : index
    %swap3A_31 = vector.load %arg7[%swap3A, %swap3A_30] : memref<3200x32xf32, #tpu.memory_space<vmem>>, vector<3200x32xf32>
    tpu.vector_store %arg7[%swap3A, %swap3A_30], %add3A_29 {strides = array<i32>} : memref<3200x32xf32, #tpu.memory_space<vmem>>, vector<3200x32xf32>,
    %get3A_32 = arith.constant 0 : index
    %get3A_33 = arith.constant 0 : index
    %get3A_34 = vector.load %arg2[%get3A_32, %get3A_33] : memref<400x1xf32, #tpu.memory_space<vmem>>, vector<400x1xf32>
    %broadcast_in_dim3A = vector.shape_cast %get3A_34 : vector<400x1xf32> to vector<400x1xf32>
    %broadcast_in_dim3A_35 = vector.broadcast %broadcast_in_dim3A : vector<400x1xf32> to vector<400x32xf32>
    %swap3A_36 = arith.constant 0 : index
    %swap3A_37 = arith.constant 0 : index
    %swap3A_38 = vector.load %arg8[%swap3A_36, %swap3A_37] : memref<400x32xf32, #tpu.memory_space<vmem>>, vector<400x32xf32>
    tpu.vector_store %arg8[%swap3A_36, %swap3A_37], %broadcast_in_dim3A_35 {strides = array<i32>} : memref<400x32xf32, #tpu.memory_space<vmem>>, vector<400x32xf32>,
    return
  }
  func.func @transform_0(%arg0: i32) -> (i32, i32) {
    %c0_i32 = arith.constant 0 : i32
    %c0_i32_0 = arith.constant 0 : i32
    return %arg0, %c0_i32 : i32, i32
  }
  func.func @transform_1(%arg0: i32) -> (i32, i32) {
    %c0_i32 = arith.constant 0 : i32
    %c0_i32_0 = arith.constant 0 : i32
    return %arg0, %c0_i32 : i32, i32
  }
  func.func @transform_2(%arg0: i32) -> (i32, i32) {
    %c0_i32 = arith.constant 0 : i32
    %c0_i32_0 = arith.constant 0 : i32
    %c0_i32_1 = arith.constant 0 : i32
    return %c0_i32, %c0_i32_0 : i32, i32
  }
  func.func @transform_3(%arg0: i32) -> (i32, i32) {
    %c0_i32 = arith.constant 0 : i32
    %c0_i32_0 = arith.constant 0 : i32
    %c0_i32_1 = arith.constant 0 : i32
    return %c0_i32, %c0_i32_0 : i32, i32
  }
  func.func @transform_4(%arg0: i32) -> (i32, i32) {
    %c0_i32 = arith.constant 0 : i32
    %c0_i32_0 = arith.constant 0 : i32
    %c0_i32_1 = arith.constant 0 : i32
    return %c0_i32, %c0_i32_0 : i32, i32
  }
  func.func @transform_5(%arg0: i32) -> (i32, i32) {
    %c0_i32 = arith.constant 0 : i32
    %c0_i32_0 = arith.constant 0 : i32
    %c0_i32_1 = arith.constant 0 : i32
    return %c0_i32, %c0_i32_0 : i32, i32
  }
  func.func @transform_6(%arg0: i32) -> (i32, i32) {
    %c0_i32 = arith.constant 0 : i32
    %c0_i32_0 = arith.constant 0 : i32
    return %arg0, %c0_i32 : i32, i32
  }
  func.func @transform_7(%arg0: i32) -> (i32, i32) {
    %c0_i32 = arith.constant 0 : i32
    %c0_i32_0 = arith.constant 0 : i32
    return %arg0, %c0_i32 : i32, i32
  }
}

module attributes {stable_mosaic.version = 14 : i64} {
  func.func @body_p(%arg0: i32, %arg1: memref<3200x2xf32, #tpu.memory_space<vmem>>, %arg2: memref<400x1xf32, #tpu.memory_space<vmem>>, %arg3: memref<2x32xf32, #tpu.memory_space<vmem>>, %arg4: memref<1x32xf32, #tpu.memory_space<vmem>>, %arg5: memref<32x32xf32, #tpu.memory_space<vmem>>, %arg6: memref<1x32xf32, #tpu.memory_space<vmem>>, %arg7: memref<3200x32xf32, #tpu.memory_space<vmem>>) attributes {dimension_semantics = [#tpu.dimension_semantics<arbitrary>], iteration_bounds = array<i64: 25>, scalar_prefetch = 0 : i64, scratch_operands = 0 : i64, tpu.core_type = #tpu.core_type<tc>, window_params = [{transform_indices = @transform_0, window_bounds = array<i64: 3200, 2>}, {transform_indices = @transform_1, window_bounds = array<i64: 400, 1>}, {pipeline_mode = #tpu.pipeline_mode<synchronous>, transform_indices = @transform_2, window_bounds = array<i64: 2, 32>}, {pipeline_mode = #tpu.pipeline_mode<synchronous>, transform_indices = @transform_3, window_bounds = array<i64: 1, 32>}, {pipeline_mode = #tpu.pipeline_mode<synchronous>, transform_indices = @transform_4, window_bounds = array<i64: 32, 32>}, {pipeline_mode = #tpu.pipeline_mode<synchronous>, transform_indices = @transform_5, window_bounds = array<i64: 1, 32>}, {transform_indices = @transform_6, window_bounds = array<i64: 3200, 32>}]} {
    %get3A = arith.constant 0 : index
    %get3A_0 = arith.constant 0 : index
    %get3A_1 = vector.load %arg1[%get3A, %get3A_0] : memref<3200x2xf32, #tpu.memory_space<vmem>>, vector<3200x2xf32>
    %slice3A = vector.extract_strided_slice %get3A_1 {offsets = [0, 0], sizes = [3200, 1], strides = [1, 1]} : vector<3200x2xf32> to vector<3200x1xf32>
    %get3A_2 = arith.constant 0 : index
    %get3A_3 = arith.constant 0 : index
    %get3A_4 = vector.load %arg3[%get3A_2, %get3A_3] : memref<2x32xf32, #tpu.memory_space<vmem>>, vector<1x32xf32>
    %mul3A = vector.broadcast %slice3A : vector<3200x1xf32> to vector<3200x32xf32>
    %mul3A_5 = vector.broadcast %get3A_4 : vector<1x32xf32> to vector<3200x32xf32>
    %mul3A_6 = arith.mulf %mul3A, %mul3A_5 : vector<3200x32xf32>
    %slice3A_7 = vector.extract_strided_slice %get3A_1 {offsets = [0, 1], sizes = [3200, 1], strides = [1, 1]} : vector<3200x2xf32> to vector<3200x1xf32>
    %get3A_8 = arith.constant 1 : index
    %get3A_9 = arith.constant 0 : index
    %get3A_10 = vector.load %arg3[%get3A_8, %get3A_9] : memref<2x32xf32, #tpu.memory_space<vmem>>, vector<1x32xf32>
    %mul3A_11 = vector.broadcast %slice3A_7 : vector<3200x1xf32> to vector<3200x32xf32>
    %mul3A_12 = vector.broadcast %get3A_10 : vector<1x32xf32> to vector<3200x32xf32>
    %mul3A_13 = arith.mulf %mul3A_11, %mul3A_12 : vector<3200x32xf32>
    %add3A = arith.addf %mul3A_6, %mul3A_13 : vector<3200x32xf32>
    %get3A_14 = arith.constant 0 : index
    %get3A_15 = arith.constant 0 : index
    %get3A_16 = vector.load %arg4[%get3A_14, %get3A_15] : memref<1x32xf32, #tpu.memory_space<vmem>>, vector<1x32xf32>
    %add3A_17 = vector.broadcast %get3A_16 : vector<1x32xf32> to vector<3200x32xf32>
    %add3A_18 = arith.addf %add3A, %add3A_17 : vector<3200x32xf32>
    %max3A = arith.constant 0.000000e+00 : f32
    %max3A_19 = vector.broadcast %max3A : f32 to vector<3200x32xf32>
    %max3A_20 = arith.maximumf %add3A_18, %max3A_19 : vector<3200x32xf32>
    %get3A_21 = arith.constant 0 : index
    %get3A_22 = arith.constant 0 : index
    %get3A_23 = vector.load %arg5[%get3A_21, %get3A_22] : memref<32x32xf32, #tpu.memory_space<vmem>>, vector<32x32xf32>
    %dot_general3A = arith.constant dense<0.000000e+00> : vector<3200x32xf32>
    %dot_general3A_24 = tpu.matmul %max3A_20, %get3A_23, %dot_general3A {dimension_numbers = #tpu.dot_dimension_numbers<[1], [0], [0], [1], [0, 0, 1, 1], [], []>, transpose_lhs_hint = false} : vector<3200x32xf32>, vector<32x32xf32>, vector<3200x32xf32> -> vector<3200x32xf32>
    %get3A_25 = arith.constant 0 : index
    %get3A_26 = arith.constant 0 : index
    %get3A_27 = vector.load %arg6[%get3A_25, %get3A_26] : memref<1x32xf32, #tpu.memory_space<vmem>>, vector<1x32xf32>
    %add3A_28 = vector.broadcast %get3A_27 : vector<1x32xf32> to vector<3200x32xf32>
    %add3A_29 = arith.addf %dot_general3A_24, %add3A_28 : vector<3200x32xf32>
    %swap3A = arith.constant 0 : index
    %swap3A_30 = arith.constant 0 : index
    %swap3A_31 = vector.load %arg7[%swap3A, %swap3A_30] : memref<3200x32xf32, #tpu.memory_space<vmem>>, vector<3200x32xf32>
    tpu.vector_store %arg7[%swap3A, %swap3A_30], %add3A_29 {strides = array<i32>} : memref<3200x32xf32, #tpu.memory_space<vmem>>, vector<3200x32xf32>,
    return
  }
  func.func @transform_0(%arg0: i32) -> (i32, i32) {
    %c0_i32 = arith.constant 0 : i32
    %c0_i32_0 = arith.constant 0 : i32
    return %arg0, %c0_i32 : i32, i32
  }
  func.func @transform_1(%arg0: i32) -> (i32, i32) {
    %c0_i32 = arith.constant 0 : i32
    %c0_i32_0 = arith.constant 0 : i32
    return %arg0, %c0_i32 : i32, i32
  }
  func.func @transform_2(%arg0: i32) -> (i32, i32) {
    %c0_i32 = arith.constant 0 : i32
    %c0_i32_0 = arith.constant 0 : i32
    %c0_i32_1 = arith.constant 0 : i32
    return %c0_i32, %c0_i32_0 : i32, i32
  }
  func.func @transform_3(%arg0: i32) -> (i32, i32) {
    %c0_i32 = arith.constant 0 : i32
    %c0_i32_0 = arith.constant 0 : i32
    %c0_i32_1 = arith.constant 0 : i32
    return %c0_i32, %c0_i32_0 : i32, i32
  }
  func.func @transform_4(%arg0: i32) -> (i32, i32) {
    %c0_i32 = arith.constant 0 : i32
    %c0_i32_0 = arith.constant 0 : i32
    %c0_i32_1 = arith.constant 0 : i32
    return %c0_i32, %c0_i32_0 : i32, i32
  }
  func.func @transform_5(%arg0: i32) -> (i32, i32) {
    %c0_i32 = arith.constant 0 : i32
    %c0_i32_0 = arith.constant 0 : i32
    %c0_i32_1 = arith.constant 0 : i32
    return %c0_i32, %c0_i32_0 : i32, i32
  }
  func.func @transform_6(%arg0: i32) -> (i32, i32) {
    %c0_i32 = arith.constant 0 : i32
    %c0_i32_0 = arith.constant 0 : i32
    return %arg0, %c0_i32 : i32, i32
  }
}

module attributes {stable_mosaic.version = 14 : i64} {
  func.func @body(%arg0: memref<2x10000x32xf32, #tpu.memory_space<vmem>>, %arg1: memref<2x10000x32xf32, #tpu.memory_space<vmem>>, %arg2: memref<10000x1xf32, #tpu.memory_space<vmem>>, %arg3: memref<1x32xf32, #tpu.memory_space<vmem>>, %arg4: memref<1x32xf32, #tpu.memory_space<vmem>>, %arg5: memref<10000x32xf32, #tpu.memory_space<vmem>>) attributes {dimension_semantics = [], scalar_prefetch = 0 : i64, scratch_operands = 0 : i64, tpu.core_type = #tpu.core_type<tc>} {
    %get3A = arith.constant 0 : index
    %get3A_0 = arith.constant 0 : index
    %get3A_1 = arith.constant 0 : index
    %get3A_2 = vector.load %arg0[%get3A, %get3A_0, %get3A_1] : memref<2x10000x32xf32, #tpu.memory_space<vmem>>, vector<1x10000x32xf32>
    %get3A_3 = vector.shape_cast %get3A_2 : vector<1x10000x32xf32> to vector<10000x32xf32>
    %get3A_4 = arith.constant 1 : index
    %get3A_5 = arith.constant 0 : index
    %get3A_6 = arith.constant 0 : index
    %get3A_7 = vector.load %arg0[%get3A_4, %get3A_5, %get3A_6] : memref<2x10000x32xf32, #tpu.memory_space<vmem>>, vector<1x10000x32xf32>
    %get3A_8 = vector.shape_cast %get3A_7 : vector<1x10000x32xf32> to vector<10000x32xf32>
    %add3A = arith.addf %get3A_3, %get3A_8 : vector<10000x32xf32>
    %get3A_9 = arith.constant 0 : index
    %get3A_10 = arith.constant 0 : index
    %get3A_11 = arith.constant 0 : index
    %get3A_12 = vector.load %arg1[%get3A_9, %get3A_10, %get3A_11] : memref<2x10000x32xf32, #tpu.memory_space<vmem>>, vector<1x10000x32xf32>
    %get3A_13 = vector.shape_cast %get3A_12 : vector<1x10000x32xf32> to vector<10000x32xf32>
    %add3A_14 = arith.addf %add3A, %get3A_13 : vector<10000x32xf32>
    %get3A_15 = arith.constant 1 : index
    %get3A_16 = arith.constant 0 : index
    %get3A_17 = arith.constant 0 : index
    %get3A_18 = vector.load %arg1[%get3A_15, %get3A_16, %get3A_17] : memref<2x10000x32xf32, #tpu.memory_space<vmem>>, vector<1x10000x32xf32>
    %get3A_19 = vector.shape_cast %get3A_18 : vector<1x10000x32xf32> to vector<10000x32xf32>
    %add3A_20 = arith.addf %add3A_14, %get3A_19 : vector<10000x32xf32>
    %get3A_21 = arith.constant 0 : index
    %get3A_22 = arith.constant 0 : index
    %get3A_23 = vector.load %arg2[%get3A_21, %get3A_22] : memref<10000x1xf32, #tpu.memory_space<vmem>>, vector<10000x1xf32>
    %get3A_24 = arith.constant 0 : index
    %get3A_25 = arith.constant 0 : index
    %get3A_26 = vector.load %arg3[%get3A_24, %get3A_25] : memref<1x32xf32, #tpu.memory_space<vmem>>, vector<1x32xf32>
    %mul3A = vector.broadcast %get3A_23 : vector<10000x1xf32> to vector<10000x32xf32>
    %mul3A_27 = vector.broadcast %get3A_26 : vector<1x32xf32> to vector<10000x32xf32>
    %mul3A_28 = arith.mulf %mul3A, %mul3A_27 : vector<10000x32xf32>
    %add3A_29 = arith.addf %add3A_20, %mul3A_28 : vector<10000x32xf32>
    %get3A_30 = arith.constant 0 : index
    %get3A_31 = arith.constant 0 : index
    %get3A_32 = vector.load %arg4[%get3A_30, %get3A_31] : memref<1x32xf32, #tpu.memory_space<vmem>>, vector<1x32xf32>
    %add3A_33 = vector.broadcast %get3A_32 : vector<1x32xf32> to vector<10000x32xf32>
    %add3A_34 = arith.addf %add3A_29, %add3A_33 : vector<10000x32xf32>
    %gt3A = arith.constant 0.000000e+00 : f32
    %gt3A_35 = vector.broadcast %gt3A : f32 to vector<10000x32xf32>
    %gt3A_36 = arith.cmpf ogt, %add3A_34, %gt3A_35 : vector<10000x32xf32>
    %min3A = arith.constant 0.000000e+00 : f32
    %min3A_37 = vector.broadcast %min3A : f32 to vector<10000x32xf32>
    %min3A_38 = arith.minimumf %add3A_34, %min3A_37 : vector<10000x32xf32>
    %exp3A = math.exp %min3A_38 : vector<10000x32xf32>
    %sub3A = arith.constant 1.000000e+00 : f32
    %sub3A_39 = vector.broadcast %sub3A : f32 to vector<10000x32xf32>
    %sub3A_40 = arith.subf %exp3A, %sub3A_39 : vector<10000x32xf32>
    %select_n3A = arith.select %gt3A_36, %add3A_34, %sub3A_40 : vector<10000x32xi1>, vector<10000x32xf32>
    %swap3A = arith.constant 0 : index
    %swap3A_41 = arith.constant 0 : index
    %swap3A_42 = vector.load %arg5[%swap3A, %swap3A_41] : memref<10000x32xf32, #tpu.memory_space<vmem>>, vector<10000x32xf32>
    tpu.vector_store %arg5[%swap3A, %swap3A_41], %select_n3A {strides = array<i32>} : memref<10000x32xf32, #tpu.memory_space<vmem>>, vector<10000x32xf32>,
    return
  }
}

module attributes {stable_mosaic.version = 14 : i64} {
  func.func @body(%arg0: i32, %arg1: memref<2x640xf32, #tpu.memory_space<vmem>>, %arg2: memref<640x32xf32, #tpu.memory_space<vmem>>, %arg3: memref<64x2xf32, #tpu.memory_space<vmem>>, %arg4: memref<64x1xf32, #tpu.memory_space<vmem>>, %arg5: memref<64x2048xf32, #tpu.memory_space<vmem>>, %arg6: memref<64x32xf32, #tpu.memory_space<vmem>>, %arg7: memref<640x64xf32, #tpu.memory_space<vmem>>) attributes {dimension_semantics = [#tpu.dimension_semantics<arbitrary>], iteration_bounds = array<i64: 60>, scalar_prefetch = 0 : i64, scratch_operands = 0 : i64, tpu.core_type = #tpu.core_type<tc>, window_params = [{transform_indices = @transform_0, window_bounds = array<i64: 2, 640>}, {transform_indices = @transform_1, window_bounds = array<i64: 640, 32>}, {pipeline_mode = #tpu.pipeline_mode<synchronous>, transform_indices = @transform_2, window_bounds = array<i64: 64, 2>}, {pipeline_mode = #tpu.pipeline_mode<synchronous>, transform_indices = @transform_3, window_bounds = array<i64: 64, 1>}, {pipeline_mode = #tpu.pipeline_mode<synchronous>, transform_indices = @transform_4, window_bounds = array<i64: 64, 2048>}, {pipeline_mode = #tpu.pipeline_mode<synchronous>, transform_indices = @transform_5, window_bounds = array<i64: 64, 32>}, {transform_indices = @transform_6, window_bounds = array<i64: 640, 64>}]} {
    %get3A = arith.constant 0 : index
    %get3A_0 = arith.constant 0 : index
    %get3A_1 = vector.load %arg3[%get3A, %get3A_0] : memref<64x2xf32, #tpu.memory_space<vmem>>, vector<64x2xf32>
    %get3A_2 = arith.constant 0 : index
    %get3A_3 = arith.constant 0 : index
    %get3A_4 = vector.load %arg1[%get3A_2, %get3A_3] : memref<2x640xf32, #tpu.memory_space<vmem>>, vector<2x640xf32>
    %dot_general3A = arith.constant dense<0.000000e+00> : vector<64x640xf32>
    %dot_general3A_5 = tpu.matmul %get3A_1, %get3A_4, %dot_general3A {dimension_numbers = #tpu.dot_dimension_numbers<[1], [0], [0], [1], [0, 0, 1, 1], [], []>, transpose_lhs_hint = false} : vector<64x2xf32>, vector<2x640xf32>, vector<64x640xf32> -> vector<64x640xf32>
    %get3A_6 = arith.constant 0 : index
    %get3A_7 = arith.constant 0 : index
    %get3A_8 = vector.load %arg4[%get3A_6, %get3A_7] : memref<64x1xf32, #tpu.memory_space<vmem>>, vector<64x1xf32>
    %add3A = vector.broadcast %get3A_8 : vector<64x1xf32> to vector<64x640xf32>
    %add3A_9 = arith.addf %dot_general3A_5, %add3A : vector<64x640xf32>
    %max3A = arith.constant 0.000000e+00 : f32
    %max3A_10 = vector.broadcast %max3A : f32 to vector<64x640xf32>
    %max3A_11 = arith.maximumf %add3A_9, %max3A_10 : vector<64x640xf32>
    %get3A_12 = arith.constant 0 : index
    %get3A_13 = arith.constant 0 : index
    %get3A_14 = vector.load %arg2[%get3A_12, %get3A_13] : memref<640x32xf32, #tpu.memory_space<vmem>>, vector<640x32xf32>
    %transpose3A = tpu.transpose %get3A_14, [1, 0] : vector<640x32xf32> -> vector<32x640xf32>
    %slice3A = vector.extract_strided_slice %transpose3A {offsets = [0, 0], sizes = [1, 640], strides = [1, 1]} : vector<32x640xf32> to vector<1x640xf32>
    %mul3A = vector.broadcast %slice3A : vector<1x640xf32> to vector<64x640xf32>
    %mul3A_15 = arith.mulf %max3A_11, %mul3A : vector<64x640xf32>
    %slice3A_16 = vector.extract_strided_slice %transpose3A {offsets = [1, 0], sizes = [1, 640], strides = [1, 1]} : vector<32x640xf32> to vector<1x640xf32>
    %mul3A_17 = vector.broadcast %slice3A_16 : vector<1x640xf32> to vector<64x640xf32>
    %mul3A_18 = arith.mulf %max3A_11, %mul3A_17 : vector<64x640xf32>
    %slice3A_19 = vector.extract_strided_slice %transpose3A {offsets = [2, 0], sizes = [1, 640], strides = [1, 1]} : vector<32x640xf32> to vector<1x640xf32>
    %mul3A_20 = vector.broadcast %slice3A_19 : vector<1x640xf32> to vector<64x640xf32>
    %mul3A_21 = arith.mulf %max3A_11, %mul3A_20 : vector<64x640xf32>
    %slice3A_22 = vector.extract_strided_slice %transpose3A {offsets = [3, 0], sizes = [1, 640], strides = [1, 1]} : vector<32x640xf32> to vector<1x640xf32>
    %mul3A_23 = vector.broadcast %slice3A_22 : vector<1x640xf32> to vector<64x640xf32>
    %mul3A_24 = arith.mulf %max3A_11, %mul3A_23 : vector<64x640xf32>
    %slice3A_25 = vector.extract_strided_slice %transpose3A {offsets = [4, 0], sizes = [1, 640], strides = [1, 1]} : vector<32x640xf32> to vector<1x640xf32>
    %mul3A_26 = vector.broadcast %slice3A_25 : vector<1x640xf32> to vector<64x640xf32>
    %mul3A_27 = arith.mulf %max3A_11, %mul3A_26 : vector<64x640xf32>
    %slice3A_28 = vector.extract_strided_slice %transpose3A {offsets = [5, 0], sizes = [1, 640], strides = [1, 1]} : vector<32x640xf32> to vector<1x640xf32>
    %mul3A_29 = vector.broadcast %slice3A_28 : vector<1x640xf32> to vector<64x640xf32>
    %mul3A_30 = arith.mulf %max3A_11, %mul3A_29 : vector<64x640xf32>
    %slice3A_31 = vector.extract_strided_slice %transpose3A {offsets = [6, 0], sizes = [1, 640], strides = [1, 1]} : vector<32x640xf32> to vector<1x640xf32>
    %mul3A_32 = vector.broadcast %slice3A_31 : vector<1x640xf32> to vector<64x640xf32>
    %mul3A_33 = arith.mulf %max3A_11, %mul3A_32 : vector<64x640xf32>
    %slice3A_34 = vector.extract_strided_slice %transpose3A {offsets = [7, 0], sizes = [1, 640], strides = [1, 1]} : vector<32x640xf32> to vector<1x640xf32>
    %mul3A_35 = vector.broadcast %slice3A_34 : vector<1x640xf32> to vector<64x640xf32>
    %mul3A_36 = arith.mulf %max3A_11, %mul3A_35 : vector<64x640xf32>
    %slice3A_37 = vector.extract_strided_slice %transpose3A {offsets = [8, 0], sizes = [1, 640], strides = [1, 1]} : vector<32x640xf32> to vector<1x640xf32>
    %mul3A_38 = vector.broadcast %slice3A_37 : vector<1x640xf32> to vector<64x640xf32>
    %mul3A_39 = arith.mulf %max3A_11, %mul3A_38 : vector<64x640xf32>
    %slice3A_40 = vector.extract_strided_slice %transpose3A {offsets = [9, 0], sizes = [1, 640], strides = [1, 1]} : vector<32x640xf32> to vector<1x640xf32>
    %mul3A_41 = vector.broadcast %slice3A_40 : vector<1x640xf32> to vector<64x640xf32>
    %mul3A_42 = arith.mulf %max3A_11, %mul3A_41 : vector<64x640xf32>
    %slice3A_43 = vector.extract_strided_slice %transpose3A {offsets = [10, 0], sizes = [1, 640], strides = [1, 1]} : vector<32x640xf32> to vector<1x640xf32>
    %mul3A_44 = vector.broadcast %slice3A_43 : vector<1x640xf32> to vector<64x640xf32>
    %mul3A_45 = arith.mulf %max3A_11, %mul3A_44 : vector<64x640xf32>
    %slice3A_46 = vector.extract_strided_slice %transpose3A {offsets = [11, 0], sizes = [1, 640], strides = [1, 1]} : vector<32x640xf32> to vector<1x640xf32>
    %mul3A_47 = vector.broadcast %slice3A_46 : vector<1x640xf32> to vector<64x640xf32>
    %mul3A_48 = arith.mulf %max3A_11, %mul3A_47 : vector<64x640xf32>
    %slice3A_49 = vector.extract_strided_slice %transpose3A {offsets = [12, 0], sizes = [1, 640], strides = [1, 1]} : vector<32x640xf32> to vector<1x640xf32>
    %mul3A_50 = vector.broadcast %slice3A_49 : vector<1x640xf32> to vector<64x640xf32>
    %mul3A_51 = arith.mulf %max3A_11, %mul3A_50 : vector<64x640xf32>
    %slice3A_52 = vector.extract_strided_slice %transpose3A {offsets = [13, 0], sizes = [1, 640], strides = [1, 1]} : vector<32x640xf32> to vector<1x640xf32>
    %mul3A_53 = vector.broadcast %slice3A_52 : vector<1x640xf32> to vector<64x640xf32>
    %mul3A_54 = arith.mulf %max3A_11, %mul3A_53 : vector<64x640xf32>
    %slice3A_55 = vector.extract_strided_slice %transpose3A {offsets = [14, 0], sizes = [1, 640], strides = [1, 1]} : vector<32x640xf32> to vector<1x640xf32>
    %mul3A_56 = vector.broadcast %slice3A_55 : vector<1x640xf32> to vector<64x640xf32>
    %mul3A_57 = arith.mulf %max3A_11, %mul3A_56 : vector<64x640xf32>
    %slice3A_58 = vector.extract_strided_slice %transpose3A {offsets = [15, 0], sizes = [1, 640], strides = [1, 1]} : vector<32x640xf32> to vector<1x640xf32>
    %mul3A_59 = vector.broadcast %slice3A_58 : vector<1x640xf32> to vector<64x640xf32>
    %mul3A_60 = arith.mulf %max3A_11, %mul3A_59 : vector<64x640xf32>
    %slice3A_61 = vector.extract_strided_slice %transpose3A {offsets = [16, 0], sizes = [1, 640], strides = [1, 1]} : vector<32x640xf32> to vector<1x640xf32>
    %mul3A_62 = vector.broadcast %slice3A_61 : vector<1x640xf32> to vector<64x640xf32>
    %mul3A_63 = arith.mulf %max3A_11, %mul3A_62 : vector<64x640xf32>
    %slice3A_64 = vector.extract_strided_slice %transpose3A {offsets = [17, 0], sizes = [1, 640], strides = [1, 1]} : vector<32x640xf32> to vector<1x640xf32>
    %mul3A_65 = vector.broadcast %slice3A_64 : vector<1x640xf32> to vector<64x640xf32>
    %mul3A_66 = arith.mulf %max3A_11, %mul3A_65 : vector<64x640xf32>
    %slice3A_67 = vector.extract_strided_slice %transpose3A {offsets = [18, 0], sizes = [1, 640], strides = [1, 1]} : vector<32x640xf32> to vector<1x640xf32>
    %mul3A_68 = vector.broadcast %slice3A_67 : vector<1x640xf32> to vector<64x640xf32>
    %mul3A_69 = arith.mulf %max3A_11, %mul3A_68 : vector<64x640xf32>
    %slice3A_70 = vector.extract_strided_slice %transpose3A {offsets = [19, 0], sizes = [1, 640], strides = [1, 1]} : vector<32x640xf32> to vector<1x640xf32>
    %mul3A_71 = vector.broadcast %slice3A_70 : vector<1x640xf32> to vector<64x640xf32>
    %mul3A_72 = arith.mulf %max3A_11, %mul3A_71 : vector<64x640xf32>
    %slice3A_73 = vector.extract_strided_slice %transpose3A {offsets = [20, 0], sizes = [1, 640], strides = [1, 1]} : vector<32x640xf32> to vector<1x640xf32>
    %mul3A_74 = vector.broadcast %slice3A_73 : vector<1x640xf32> to vector<64x640xf32>
    %mul3A_75 = arith.mulf %max3A_11, %mul3A_74 : vector<64x640xf32>
    %slice3A_76 = vector.extract_strided_slice %transpose3A {offsets = [21, 0], sizes = [1, 640], strides = [1, 1]} : vector<32x640xf32> to vector<1x640xf32>
    %mul3A_77 = vector.broadcast %slice3A_76 : vector<1x640xf32> to vector<64x640xf32>
    %mul3A_78 = arith.mulf %max3A_11, %mul3A_77 : vector<64x640xf32>
    %slice3A_79 = vector.extract_strided_slice %transpose3A {offsets = [22, 0], sizes = [1, 640], strides = [1, 1]} : vector<32x640xf32> to vector<1x640xf32>
    %mul3A_80 = vector.broadcast %slice3A_79 : vector<1x640xf32> to vector<64x640xf32>
    %mul3A_81 = arith.mulf %max3A_11, %mul3A_80 : vector<64x640xf32>
    %slice3A_82 = vector.extract_strided_slice %transpose3A {offsets = [23, 0], sizes = [1, 640], strides = [1, 1]} : vector<32x640xf32> to vector<1x640xf32>
    %mul3A_83 = vector.broadcast %slice3A_82 : vector<1x640xf32> to vector<64x640xf32>
    %mul3A_84 = arith.mulf %max3A_11, %mul3A_83 : vector<64x640xf32>
    %slice3A_85 = vector.extract_strided_slice %transpose3A {offsets = [24, 0], sizes = [1, 640], strides = [1, 1]} : vector<32x640xf32> to vector<1x640xf32>
    %mul3A_86 = vector.broadcast %slice3A_85 : vector<1x640xf32> to vector<64x640xf32>
    %mul3A_87 = arith.mulf %max3A_11, %mul3A_86 : vector<64x640xf32>
    %slice3A_88 = vector.extract_strided_slice %transpose3A {offsets = [25, 0], sizes = [1, 640], strides = [1, 1]} : vector<32x640xf32> to vector<1x640xf32>
    %mul3A_89 = vector.broadcast %slice3A_88 : vector<1x640xf32> to vector<64x640xf32>
    %mul3A_90 = arith.mulf %max3A_11, %mul3A_89 : vector<64x640xf32>
    %slice3A_91 = vector.extract_strided_slice %transpose3A {offsets = [26, 0], sizes = [1, 640], strides = [1, 1]} : vector<32x640xf32> to vector<1x640xf32>
    %mul3A_92 = vector.broadcast %slice3A_91 : vector<1x640xf32> to vector<64x640xf32>
    %mul3A_93 = arith.mulf %max3A_11, %mul3A_92 : vector<64x640xf32>
    %slice3A_94 = vector.extract_strided_slice %transpose3A {offsets = [27, 0], sizes = [1, 640], strides = [1, 1]} : vector<32x640xf32> to vector<1x640xf32>
    %mul3A_95 = vector.broadcast %slice3A_94 : vector<1x640xf32> to vector<64x640xf32>
    %mul3A_96 = arith.mulf %max3A_11, %mul3A_95 : vector<64x640xf32>
    %slice3A_97 = vector.extract_strided_slice %transpose3A {offsets = [28, 0], sizes = [1, 640], strides = [1, 1]} : vector<32x640xf32> to vector<1x640xf32>
    %mul3A_98 = vector.broadcast %slice3A_97 : vector<1x640xf32> to vector<64x640xf32>
    %mul3A_99 = arith.mulf %max3A_11, %mul3A_98 : vector<64x640xf32>
    %slice3A_100 = vector.extract_strided_slice %transpose3A {offsets = [29, 0], sizes = [1, 640], strides = [1, 1]} : vector<32x640xf32> to vector<1x640xf32>
    %mul3A_101 = vector.broadcast %slice3A_100 : vector<1x640xf32> to vector<64x640xf32>
    %mul3A_102 = arith.mulf %max3A_11, %mul3A_101 : vector<64x640xf32>
    %slice3A_103 = vector.extract_strided_slice %transpose3A {offsets = [30, 0], sizes = [1, 640], strides = [1, 1]} : vector<32x640xf32> to vector<1x640xf32>
    %mul3A_104 = vector.broadcast %slice3A_103 : vector<1x640xf32> to vector<64x640xf32>
    %mul3A_105 = arith.mulf %max3A_11, %mul3A_104 : vector<64x640xf32>
    %slice3A_106 = vector.extract_strided_slice %transpose3A {offsets = [31, 0], sizes = [1, 640], strides = [1, 1]} : vector<32x640xf32> to vector<1x640xf32>
    %mul3A_107 = vector.broadcast %slice3A_106 : vector<1x640xf32> to vector<64x640xf32>
    %mul3A_108 = arith.mulf %max3A_11, %mul3A_107 : vector<64x640xf32>
    %concatenate3A = tpu.concatenate %mul3A_15, %mul3A_18, %mul3A_21, %mul3A_24, %mul3A_27, %mul3A_30, %mul3A_33, %mul3A_36, %mul3A_39, %mul3A_42, %mul3A_45, %mul3A_48, %mul3A_51, %mul3A_54, %mul3A_57, %mul3A_60, %mul3A_63, %mul3A_66, %mul3A_69, %mul3A_72, %mul3A_75, %mul3A_78, %mul3A_81, %mul3A_84, %mul3A_87, %mul3A_90, %mul3A_93, %mul3A_96, %mul3A_99, %mul3A_102, %mul3A_105, %mul3A_108 in 0 : vector<64x640xf32>, vector<64x640xf32>, vector<64x640xf32>, vector<64x640xf32>, vector<64x640xf32>, vector<64x640xf32>, vector<64x640xf32>, vector<64x640xf32>, vector<64x640xf32>, vector<64x640xf32>, vector<64x640xf32>, vector<64x640xf32>, vector<64x640xf32>, vector<64x640xf32>, vector<64x640xf32>, vector<64x640xf32>, vector<64x640xf32>, vector<64x640xf32>, vector<64x640xf32>, vector<64x640xf32>, vector<64x640xf32>, vector<64x640xf32>, vector<64x640xf32>, vector<64x640xf32>, vector<64x640xf32>, vector<64x640xf32>, vector<64x640xf32>, vector<64x640xf32>, vector<64x640xf32>, vector<64x640xf32>, vector<64x640xf32>, vector<64x640xf32> -> vector<2048x640xf32>
    %get3A_109 = arith.constant 0 : index
    %get3A_110 = arith.constant 0 : index
    %get3A_111 = vector.load %arg5[%get3A_109, %get3A_110] : memref<64x2048xf32, #tpu.memory_space<vmem>>, vector<64x2048xf32>
    %dot_general3A_112 = arith.constant dense<0.000000e+00> : vector<64x640xf32>
    %dot_general3A_113 = tpu.matmul %get3A_111, %concatenate3A, %dot_general3A_112 {dimension_numbers = #tpu.dot_dimension_numbers<[1], [0], [0], [1], [0, 0, 1, 1], [], []>, transpose_lhs_hint = false} : vector<64x2048xf32>, vector<2048x640xf32>, vector<64x640xf32> -> vector<64x640xf32>
    %get3A_114 = arith.constant 0 : index
    %get3A_115 = arith.constant 0 : index
    %get3A_116 = vector.load %arg6[%get3A_114, %get3A_115] : memref<64x32xf32, #tpu.memory_space<vmem>>, vector<64x32xf32>
    %dot_general3A_117 = arith.constant dense<0.000000e+00> : vector<64x640xf32>
    %dot_general3A_118 = tpu.matmul %get3A_116, %transpose3A, %dot_general3A_117 {dimension_numbers = #tpu.dot_dimension_numbers<[1], [0], [0], [1], [0, 0, 1, 1], [], []>, transpose_lhs_hint = false} : vector<64x32xf32>, vector<32x640xf32>, vector<64x640xf32> -> vector<64x640xf32>
    %add3A_119 = arith.addf %dot_general3A_113, %dot_general3A_118 : vector<64x640xf32>
    %transpose3A_120 = tpu.transpose %add3A_119, [1, 0] : vector<64x640xf32> -> vector<640x64xf32>
    %swap3A = arith.constant 0 : index
    %swap3A_121 = arith.constant 0 : index
    %swap3A_122 = vector.load %arg7[%swap3A, %swap3A_121] : memref<640x64xf32, #tpu.memory_space<vmem>>, vector<640x64xf32>
    tpu.vector_store %arg7[%swap3A, %swap3A_121], %transpose3A_120 {strides = array<i32>} : memref<640x64xf32, #tpu.memory_space<vmem>>, vector<640x64xf32>,
    return
  }
  func.func @transform_0(%arg0: i32) -> (i32, i32) {
    %c0_i32 = arith.constant 0 : i32
    %c0_i32_0 = arith.constant 0 : i32
    return %c0_i32, %arg0 : i32, i32
  }
  func.func @transform_1(%arg0: i32) -> (i32, i32) {
    %c0_i32 = arith.constant 0 : i32
    %c0_i32_0 = arith.constant 0 : i32
    return %arg0, %c0_i32 : i32, i32
  }
  func.func @transform_2(%arg0: i32) -> (i32, i32) {
    %c0_i32 = arith.constant 0 : i32
    %c0_i32_0 = arith.constant 0 : i32
    %c0_i32_1 = arith.constant 0 : i32
    return %c0_i32, %c0_i32_0 : i32, i32
  }
  func.func @transform_3(%arg0: i32) -> (i32, i32) {
    %c0_i32 = arith.constant 0 : i32
    %c0_i32_0 = arith.constant 0 : i32
    %c0_i32_1 = arith.constant 0 : i32
    return %c0_i32, %c0_i32_0 : i32, i32
  }
  func.func @transform_4(%arg0: i32) -> (i32, i32) {
    %c0_i32 = arith.constant 0 : i32
    %c0_i32_0 = arith.constant 0 : i32
    %c0_i32_1 = arith.constant 0 : i32
    return %c0_i32, %c0_i32_0 : i32, i32
  }
  func.func @transform_5(%arg0: i32) -> (i32, i32) {
    %c0_i32 = arith.constant 0 : i32
    %c0_i32_0 = arith.constant 0 : i32
    %c0_i32_1 = arith.constant 0 : i32
    return %c0_i32, %c0_i32_0 : i32, i32
  }
  func.func @transform_6(%arg0: i32) -> (i32, i32) {
    %c0_i32 = arith.constant 0 : i32
    %c0_i32_0 = arith.constant 0 : i32
    return %arg0, %c0_i32 : i32, i32
  }
}

module attributes {stable_mosaic.version = 14 : i64} {
  func.func @body(%arg0: i32, %arg1: memref<2x640xf32, #tpu.memory_space<vmem>>, %arg2: memref<640x32xf32, #tpu.memory_space<vmem>>, %arg3: memref<64x2xf32, #tpu.memory_space<vmem>>, %arg4: memref<64x1xf32, #tpu.memory_space<vmem>>, %arg5: memref<64x2048xf32, #tpu.memory_space<vmem>>, %arg6: memref<64x32xf32, #tpu.memory_space<vmem>>, %arg7: memref<640x64xf32, #tpu.memory_space<vmem>>) attributes {dimension_semantics = [#tpu.dimension_semantics<arbitrary>], iteration_bounds = array<i64: 130>, scalar_prefetch = 0 : i64, scratch_operands = 0 : i64, tpu.core_type = #tpu.core_type<tc>, window_params = [{transform_indices = @transform_0, window_bounds = array<i64: 2, 640>}, {transform_indices = @transform_1, window_bounds = array<i64: 640, 32>}, {pipeline_mode = #tpu.pipeline_mode<synchronous>, transform_indices = @transform_2, window_bounds = array<i64: 64, 2>}, {pipeline_mode = #tpu.pipeline_mode<synchronous>, transform_indices = @transform_3, window_bounds = array<i64: 64, 1>}, {pipeline_mode = #tpu.pipeline_mode<synchronous>, transform_indices = @transform_4, window_bounds = array<i64: 64, 2048>}, {pipeline_mode = #tpu.pipeline_mode<synchronous>, transform_indices = @transform_5, window_bounds = array<i64: 64, 32>}, {transform_indices = @transform_6, window_bounds = array<i64: 640, 64>}]} {
    %get3A = arith.constant 0 : index
    %get3A_0 = arith.constant 0 : index
    %get3A_1 = vector.load %arg3[%get3A, %get3A_0] : memref<64x2xf32, #tpu.memory_space<vmem>>, vector<64x2xf32>
    %get3A_2 = arith.constant 0 : index
    %get3A_3 = arith.constant 0 : index
    %get3A_4 = vector.load %arg1[%get3A_2, %get3A_3] : memref<2x640xf32, #tpu.memory_space<vmem>>, vector<2x640xf32>
    %dot_general3A = arith.constant dense<0.000000e+00> : vector<64x640xf32>
    %dot_general3A_5 = tpu.matmul %get3A_1, %get3A_4, %dot_general3A {dimension_numbers = #tpu.dot_dimension_numbers<[1], [0], [0], [1], [0, 0, 1, 1], [], []>, transpose_lhs_hint = false} : vector<64x2xf32>, vector<2x640xf32>, vector<64x640xf32> -> vector<64x640xf32>
    %get3A_6 = arith.constant 0 : index
    %get3A_7 = arith.constant 0 : index
    %get3A_8 = vector.load %arg4[%get3A_6, %get3A_7] : memref<64x1xf32, #tpu.memory_space<vmem>>, vector<64x1xf32>
    %add3A = vector.broadcast %get3A_8 : vector<64x1xf32> to vector<64x640xf32>
    %add3A_9 = arith.addf %dot_general3A_5, %add3A : vector<64x640xf32>
    %max3A = arith.constant 0.000000e+00 : f32
    %max3A_10 = vector.broadcast %max3A : f32 to vector<64x640xf32>
    %max3A_11 = arith.maximumf %add3A_9, %max3A_10 : vector<64x640xf32>
    %get3A_12 = arith.constant 0 : index
    %get3A_13 = arith.constant 0 : index
    %get3A_14 = vector.load %arg2[%get3A_12, %get3A_13] : memref<640x32xf32, #tpu.memory_space<vmem>>, vector<640x32xf32>
    %transpose3A = tpu.transpose %get3A_14, [1, 0] : vector<640x32xf32> -> vector<32x640xf32>
    %slice3A = vector.extract_strided_slice %transpose3A {offsets = [0, 0], sizes = [1, 640], strides = [1, 1]} : vector<32x640xf32> to vector<1x640xf32>
    %mul3A = vector.broadcast %slice3A : vector<1x640xf32> to vector<64x640xf32>
    %mul3A_15 = arith.mulf %max3A_11, %mul3A : vector<64x640xf32>
    %slice3A_16 = vector.extract_strided_slice %transpose3A {offsets = [1, 0], sizes = [1, 640], strides = [1, 1]} : vector<32x640xf32> to vector<1x640xf32>
    %mul3A_17 = vector.broadcast %slice3A_16 : vector<1x640xf32> to vector<64x640xf32>
    %mul3A_18 = arith.mulf %max3A_11, %mul3A_17 : vector<64x640xf32>
    %slice3A_19 = vector.extract_strided_slice %transpose3A {offsets = [2, 0], sizes = [1, 640], strides = [1, 1]} : vector<32x640xf32> to vector<1x640xf32>
    %mul3A_20 = vector.broadcast %slice3A_19 : vector<1x640xf32> to vector<64x640xf32>
    %mul3A_21 = arith.mulf %max3A_11, %mul3A_20 : vector<64x640xf32>
    %slice3A_22 = vector.extract_strided_slice %transpose3A {offsets = [3, 0], sizes = [1, 640], strides = [1, 1]} : vector<32x640xf32> to vector<1x640xf32>
    %mul3A_23 = vector.broadcast %slice3A_22 : vector<1x640xf32> to vector<64x640xf32>
    %mul3A_24 = arith.mulf %max3A_11, %mul3A_23 : vector<64x640xf32>
    %slice3A_25 = vector.extract_strided_slice %transpose3A {offsets = [4, 0], sizes = [1, 640], strides = [1, 1]} : vector<32x640xf32> to vector<1x640xf32>
    %mul3A_26 = vector.broadcast %slice3A_25 : vector<1x640xf32> to vector<64x640xf32>
    %mul3A_27 = arith.mulf %max3A_11, %mul3A_26 : vector<64x640xf32>
    %slice3A_28 = vector.extract_strided_slice %transpose3A {offsets = [5, 0], sizes = [1, 640], strides = [1, 1]} : vector<32x640xf32> to vector<1x640xf32>
    %mul3A_29 = vector.broadcast %slice3A_28 : vector<1x640xf32> to vector<64x640xf32>
    %mul3A_30 = arith.mulf %max3A_11, %mul3A_29 : vector<64x640xf32>
    %slice3A_31 = vector.extract_strided_slice %transpose3A {offsets = [6, 0], sizes = [1, 640], strides = [1, 1]} : vector<32x640xf32> to vector<1x640xf32>
    %mul3A_32 = vector.broadcast %slice3A_31 : vector<1x640xf32> to vector<64x640xf32>
    %mul3A_33 = arith.mulf %max3A_11, %mul3A_32 : vector<64x640xf32>
    %slice3A_34 = vector.extract_strided_slice %transpose3A {offsets = [7, 0], sizes = [1, 640], strides = [1, 1]} : vector<32x640xf32> to vector<1x640xf32>
    %mul3A_35 = vector.broadcast %slice3A_34 : vector<1x640xf32> to vector<64x640xf32>
    %mul3A_36 = arith.mulf %max3A_11, %mul3A_35 : vector<64x640xf32>
    %slice3A_37 = vector.extract_strided_slice %transpose3A {offsets = [8, 0], sizes = [1, 640], strides = [1, 1]} : vector<32x640xf32> to vector<1x640xf32>
    %mul3A_38 = vector.broadcast %slice3A_37 : vector<1x640xf32> to vector<64x640xf32>
    %mul3A_39 = arith.mulf %max3A_11, %mul3A_38 : vector<64x640xf32>
    %slice3A_40 = vector.extract_strided_slice %transpose3A {offsets = [9, 0], sizes = [1, 640], strides = [1, 1]} : vector<32x640xf32> to vector<1x640xf32>
    %mul3A_41 = vector.broadcast %slice3A_40 : vector<1x640xf32> to vector<64x640xf32>
    %mul3A_42 = arith.mulf %max3A_11, %mul3A_41 : vector<64x640xf32>
    %slice3A_43 = vector.extract_strided_slice %transpose3A {offsets = [10, 0], sizes = [1, 640], strides = [1, 1]} : vector<32x640xf32> to vector<1x640xf32>
    %mul3A_44 = vector.broadcast %slice3A_43 : vector<1x640xf32> to vector<64x640xf32>
    %mul3A_45 = arith.mulf %max3A_11, %mul3A_44 : vector<64x640xf32>
    %slice3A_46 = vector.extract_strided_slice %transpose3A {offsets = [11, 0], sizes = [1, 640], strides = [1, 1]} : vector<32x640xf32> to vector<1x640xf32>
    %mul3A_47 = vector.broadcast %slice3A_46 : vector<1x640xf32> to vector<64x640xf32>
    %mul3A_48 = arith.mulf %max3A_11, %mul3A_47 : vector<64x640xf32>
    %slice3A_49 = vector.extract_strided_slice %transpose3A {offsets = [12, 0], sizes = [1, 640], strides = [1, 1]} : vector<32x640xf32> to vector<1x640xf32>
    %mul3A_50 = vector.broadcast %slice3A_49 : vector<1x640xf32> to vector<64x640xf32>
    %mul3A_51 = arith.mulf %max3A_11, %mul3A_50 : vector<64x640xf32>
    %slice3A_52 = vector.extract_strided_slice %transpose3A {offsets = [13, 0], sizes = [1, 640], strides = [1, 1]} : vector<32x640xf32> to vector<1x640xf32>
    %mul3A_53 = vector.broadcast %slice3A_52 : vector<1x640xf32> to vector<64x640xf32>
    %mul3A_54 = arith.mulf %max3A_11, %mul3A_53 : vector<64x640xf32>
    %slice3A_55 = vector.extract_strided_slice %transpose3A {offsets = [14, 0], sizes = [1, 640], strides = [1, 1]} : vector<32x640xf32> to vector<1x640xf32>
    %mul3A_56 = vector.broadcast %slice3A_55 : vector<1x640xf32> to vector<64x640xf32>
    %mul3A_57 = arith.mulf %max3A_11, %mul3A_56 : vector<64x640xf32>
    %slice3A_58 = vector.extract_strided_slice %transpose3A {offsets = [15, 0], sizes = [1, 640], strides = [1, 1]} : vector<32x640xf32> to vector<1x640xf32>
    %mul3A_59 = vector.broadcast %slice3A_58 : vector<1x640xf32> to vector<64x640xf32>
    %mul3A_60 = arith.mulf %max3A_11, %mul3A_59 : vector<64x640xf32>
    %slice3A_61 = vector.extract_strided_slice %transpose3A {offsets = [16, 0], sizes = [1, 640], strides = [1, 1]} : vector<32x640xf32> to vector<1x640xf32>
    %mul3A_62 = vector.broadcast %slice3A_61 : vector<1x640xf32> to vector<64x640xf32>
    %mul3A_63 = arith.mulf %max3A_11, %mul3A_62 : vector<64x640xf32>
    %slice3A_64 = vector.extract_strided_slice %transpose3A {offsets = [17, 0], sizes = [1, 640], strides = [1, 1]} : vector<32x640xf32> to vector<1x640xf32>
    %mul3A_65 = vector.broadcast %slice3A_64 : vector<1x640xf32> to vector<64x640xf32>
    %mul3A_66 = arith.mulf %max3A_11, %mul3A_65 : vector<64x640xf32>
    %slice3A_67 = vector.extract_strided_slice %transpose3A {offsets = [18, 0], sizes = [1, 640], strides = [1, 1]} : vector<32x640xf32> to vector<1x640xf32>
    %mul3A_68 = vector.broadcast %slice3A_67 : vector<1x640xf32> to vector<64x640xf32>
    %mul3A_69 = arith.mulf %max3A_11, %mul3A_68 : vector<64x640xf32>
    %slice3A_70 = vector.extract_strided_slice %transpose3A {offsets = [19, 0], sizes = [1, 640], strides = [1, 1]} : vector<32x640xf32> to vector<1x640xf32>
    %mul3A_71 = vector.broadcast %slice3A_70 : vector<1x640xf32> to vector<64x640xf32>
    %mul3A_72 = arith.mulf %max3A_11, %mul3A_71 : vector<64x640xf32>
    %slice3A_73 = vector.extract_strided_slice %transpose3A {offsets = [20, 0], sizes = [1, 640], strides = [1, 1]} : vector<32x640xf32> to vector<1x640xf32>
    %mul3A_74 = vector.broadcast %slice3A_73 : vector<1x640xf32> to vector<64x640xf32>
    %mul3A_75 = arith.mulf %max3A_11, %mul3A_74 : vector<64x640xf32>
    %slice3A_76 = vector.extract_strided_slice %transpose3A {offsets = [21, 0], sizes = [1, 640], strides = [1, 1]} : vector<32x640xf32> to vector<1x640xf32>
    %mul3A_77 = vector.broadcast %slice3A_76 : vector<1x640xf32> to vector<64x640xf32>
    %mul3A_78 = arith.mulf %max3A_11, %mul3A_77 : vector<64x640xf32>
    %slice3A_79 = vector.extract_strided_slice %transpose3A {offsets = [22, 0], sizes = [1, 640], strides = [1, 1]} : vector<32x640xf32> to vector<1x640xf32>
    %mul3A_80 = vector.broadcast %slice3A_79 : vector<1x640xf32> to vector<64x640xf32>
    %mul3A_81 = arith.mulf %max3A_11, %mul3A_80 : vector<64x640xf32>
    %slice3A_82 = vector.extract_strided_slice %transpose3A {offsets = [23, 0], sizes = [1, 640], strides = [1, 1]} : vector<32x640xf32> to vector<1x640xf32>
    %mul3A_83 = vector.broadcast %slice3A_82 : vector<1x640xf32> to vector<64x640xf32>
    %mul3A_84 = arith.mulf %max3A_11, %mul3A_83 : vector<64x640xf32>
    %slice3A_85 = vector.extract_strided_slice %transpose3A {offsets = [24, 0], sizes = [1, 640], strides = [1, 1]} : vector<32x640xf32> to vector<1x640xf32>
    %mul3A_86 = vector.broadcast %slice3A_85 : vector<1x640xf32> to vector<64x640xf32>
    %mul3A_87 = arith.mulf %max3A_11, %mul3A_86 : vector<64x640xf32>
    %slice3A_88 = vector.extract_strided_slice %transpose3A {offsets = [25, 0], sizes = [1, 640], strides = [1, 1]} : vector<32x640xf32> to vector<1x640xf32>
    %mul3A_89 = vector.broadcast %slice3A_88 : vector<1x640xf32> to vector<64x640xf32>
    %mul3A_90 = arith.mulf %max3A_11, %mul3A_89 : vector<64x640xf32>
    %slice3A_91 = vector.extract_strided_slice %transpose3A {offsets = [26, 0], sizes = [1, 640], strides = [1, 1]} : vector<32x640xf32> to vector<1x640xf32>
    %mul3A_92 = vector.broadcast %slice3A_91 : vector<1x640xf32> to vector<64x640xf32>
    %mul3A_93 = arith.mulf %max3A_11, %mul3A_92 : vector<64x640xf32>
    %slice3A_94 = vector.extract_strided_slice %transpose3A {offsets = [27, 0], sizes = [1, 640], strides = [1, 1]} : vector<32x640xf32> to vector<1x640xf32>
    %mul3A_95 = vector.broadcast %slice3A_94 : vector<1x640xf32> to vector<64x640xf32>
    %mul3A_96 = arith.mulf %max3A_11, %mul3A_95 : vector<64x640xf32>
    %slice3A_97 = vector.extract_strided_slice %transpose3A {offsets = [28, 0], sizes = [1, 640], strides = [1, 1]} : vector<32x640xf32> to vector<1x640xf32>
    %mul3A_98 = vector.broadcast %slice3A_97 : vector<1x640xf32> to vector<64x640xf32>
    %mul3A_99 = arith.mulf %max3A_11, %mul3A_98 : vector<64x640xf32>
    %slice3A_100 = vector.extract_strided_slice %transpose3A {offsets = [29, 0], sizes = [1, 640], strides = [1, 1]} : vector<32x640xf32> to vector<1x640xf32>
    %mul3A_101 = vector.broadcast %slice3A_100 : vector<1x640xf32> to vector<64x640xf32>
    %mul3A_102 = arith.mulf %max3A_11, %mul3A_101 : vector<64x640xf32>
    %slice3A_103 = vector.extract_strided_slice %transpose3A {offsets = [30, 0], sizes = [1, 640], strides = [1, 1]} : vector<32x640xf32> to vector<1x640xf32>
    %mul3A_104 = vector.broadcast %slice3A_103 : vector<1x640xf32> to vector<64x640xf32>
    %mul3A_105 = arith.mulf %max3A_11, %mul3A_104 : vector<64x640xf32>
    %slice3A_106 = vector.extract_strided_slice %transpose3A {offsets = [31, 0], sizes = [1, 640], strides = [1, 1]} : vector<32x640xf32> to vector<1x640xf32>
    %mul3A_107 = vector.broadcast %slice3A_106 : vector<1x640xf32> to vector<64x640xf32>
    %mul3A_108 = arith.mulf %max3A_11, %mul3A_107 : vector<64x640xf32>
    %concatenate3A = tpu.concatenate %mul3A_15, %mul3A_18, %mul3A_21, %mul3A_24, %mul3A_27, %mul3A_30, %mul3A_33, %mul3A_36, %mul3A_39, %mul3A_42, %mul3A_45, %mul3A_48, %mul3A_51, %mul3A_54, %mul3A_57, %mul3A_60, %mul3A_63, %mul3A_66, %mul3A_69, %mul3A_72, %mul3A_75, %mul3A_78, %mul3A_81, %mul3A_84, %mul3A_87, %mul3A_90, %mul3A_93, %mul3A_96, %mul3A_99, %mul3A_102, %mul3A_105, %mul3A_108 in 0 : vector<64x640xf32>, vector<64x640xf32>, vector<64x640xf32>, vector<64x640xf32>, vector<64x640xf32>, vector<64x640xf32>, vector<64x640xf32>, vector<64x640xf32>, vector<64x640xf32>, vector<64x640xf32>, vector<64x640xf32>, vector<64x640xf32>, vector<64x640xf32>, vector<64x640xf32>, vector<64x640xf32>, vector<64x640xf32>, vector<64x640xf32>, vector<64x640xf32>, vector<64x640xf32>, vector<64x640xf32>, vector<64x640xf32>, vector<64x640xf32>, vector<64x640xf32>, vector<64x640xf32>, vector<64x640xf32>, vector<64x640xf32>, vector<64x640xf32>, vector<64x640xf32>, vector<64x640xf32>, vector<64x640xf32>, vector<64x640xf32>, vector<64x640xf32> -> vector<2048x640xf32>
    %get3A_109 = arith.constant 0 : index
    %get3A_110 = arith.constant 0 : index
    %get3A_111 = vector.load %arg5[%get3A_109, %get3A_110] : memref<64x2048xf32, #tpu.memory_space<vmem>>, vector<64x2048xf32>
    %dot_general3A_112 = arith.constant dense<0.000000e+00> : vector<64x640xf32>
    %dot_general3A_113 = tpu.matmul %get3A_111, %concatenate3A, %dot_general3A_112 {dimension_numbers = #tpu.dot_dimension_numbers<[1], [0], [0], [1], [0, 0, 1, 1], [], []>, transpose_lhs_hint = false} : vector<64x2048xf32>, vector<2048x640xf32>, vector<64x640xf32> -> vector<64x640xf32>
    %get3A_114 = arith.constant 0 : index
    %get3A_115 = arith.constant 0 : index
    %get3A_116 = vector.load %arg6[%get3A_114, %get3A_115] : memref<64x32xf32, #tpu.memory_space<vmem>>, vector<64x32xf32>
    %dot_general3A_117 = arith.constant dense<0.000000e+00> : vector<64x640xf32>
    %dot_general3A_118 = tpu.matmul %get3A_116, %transpose3A, %dot_general3A_117 {dimension_numbers = #tpu.dot_dimension_numbers<[1], [0], [0], [1], [0, 0, 1, 1], [], []>, transpose_lhs_hint = false} : vector<64x32xf32>, vector<32x640xf32>, vector<64x640xf32> -> vector<64x640xf32>
    %add3A_119 = arith.addf %dot_general3A_113, %dot_general3A_118 : vector<64x640xf32>
    %transpose3A_120 = tpu.transpose %add3A_119, [1, 0] : vector<64x640xf32> -> vector<640x64xf32>
    %swap3A = arith.constant 0 : index
    %swap3A_121 = arith.constant 0 : index
    %swap3A_122 = vector.load %arg7[%swap3A, %swap3A_121] : memref<640x64xf32, #tpu.memory_space<vmem>>, vector<640x64xf32>
    tpu.vector_store %arg7[%swap3A, %swap3A_121], %transpose3A_120 {strides = array<i32>} : memref<640x64xf32, #tpu.memory_space<vmem>>, vector<640x64xf32>,
    return
  }
  func.func @transform_0(%arg0: i32) -> (i32, i32) {
    %c0_i32 = arith.constant 0 : i32
    %c0_i32_0 = arith.constant 0 : i32
    return %c0_i32, %arg0 : i32, i32
  }
  func.func @transform_1(%arg0: i32) -> (i32, i32) {
    %c0_i32 = arith.constant 0 : i32
    %c0_i32_0 = arith.constant 0 : i32
    return %arg0, %c0_i32 : i32, i32
  }
  func.func @transform_2(%arg0: i32) -> (i32, i32) {
    %c0_i32 = arith.constant 0 : i32
    %c0_i32_0 = arith.constant 0 : i32
    %c0_i32_1 = arith.constant 0 : i32
    return %c0_i32, %c0_i32_0 : i32, i32
  }
  func.func @transform_3(%arg0: i32) -> (i32, i32) {
    %c0_i32 = arith.constant 0 : i32
    %c0_i32_0 = arith.constant 0 : i32
    %c0_i32_1 = arith.constant 0 : i32
    return %c0_i32, %c0_i32_0 : i32, i32
  }
  func.func @transform_4(%arg0: i32) -> (i32, i32) {
    %c0_i32 = arith.constant 0 : i32
    %c0_i32_0 = arith.constant 0 : i32
    %c0_i32_1 = arith.constant 0 : i32
    return %c0_i32, %c0_i32_0 : i32, i32
  }
  func.func @transform_5(%arg0: i32) -> (i32, i32) {
    %c0_i32 = arith.constant 0 : i32
    %c0_i32_0 = arith.constant 0 : i32
    %c0_i32_1 = arith.constant 0 : i32
    return %c0_i32, %c0_i32_0 : i32, i32
  }
  func.func @transform_6(%arg0: i32) -> (i32, i32) {
    %c0_i32 = arith.constant 0 : i32
    %c0_i32_0 = arith.constant 0 : i32
    return %arg0, %c0_i32 : i32, i32
  }
}

module attributes {stable_mosaic.version = 14 : i64} {
  func.func @body(%arg0: memref<2x10000x64xf32, #tpu.memory_space<vmem>>, %arg1: memref<2x10000x64xf32, #tpu.memory_space<vmem>>, %arg2: memref<2x10000x64xf32, #tpu.memory_space<vmem>>, %arg3: memref<10000x32xf32, #tpu.memory_space<vmem>>, %arg4: memref<32x64xf32, #tpu.memory_space<vmem>>, %arg5: memref<1x64xf32, #tpu.memory_space<vmem>>, %arg6: memref<1x10000xi32, #tpu.memory_space<vmem>>, %arg7: memref<64x128xf32, #tpu.memory_space<vmem>>, %arg8: memref<1x128xf32, #tpu.memory_space<vmem>>, %arg9: memref<128x10xf32, #tpu.memory_space<vmem>>, %arg10: memref<1x10xf32, #tpu.memory_space<vmem>>, %arg11: memref<64x10xf32, #tpu.memory_space<vmem>>) attributes {dimension_semantics = [], scalar_prefetch = 0 : i64, scratch_operands = 0 : i64, tpu.core_type = #tpu.core_type<tc>} {
    %get3A = arith.constant 0 : index
    %get3A_0 = arith.constant 0 : index
    %get3A_1 = arith.constant 0 : index
    %get3A_2 = vector.load %arg0[%get3A, %get3A_0, %get3A_1] : memref<2x10000x64xf32, #tpu.memory_space<vmem>>, vector<1x10000x64xf32>
    %get3A_3 = vector.shape_cast %get3A_2 : vector<1x10000x64xf32> to vector<10000x64xf32>
    %get3A_4 = arith.constant 1 : index
    %get3A_5 = arith.constant 0 : index
    %get3A_6 = arith.constant 0 : index
    %get3A_7 = vector.load %arg0[%get3A_4, %get3A_5, %get3A_6] : memref<2x10000x64xf32, #tpu.memory_space<vmem>>, vector<1x10000x64xf32>
    %get3A_8 = vector.shape_cast %get3A_7 : vector<1x10000x64xf32> to vector<10000x64xf32>
    %add3A = arith.addf %get3A_3, %get3A_8 : vector<10000x64xf32>
    %get3A_9 = arith.constant 0 : index
    %get3A_10 = arith.constant 0 : index
    %get3A_11 = arith.constant 0 : index
    %get3A_12 = vector.load %arg1[%get3A_9, %get3A_10, %get3A_11] : memref<2x10000x64xf32, #tpu.memory_space<vmem>>, vector<1x10000x64xf32>
    %get3A_13 = vector.shape_cast %get3A_12 : vector<1x10000x64xf32> to vector<10000x64xf32>
    %add3A_14 = arith.addf %add3A, %get3A_13 : vector<10000x64xf32>
    %get3A_15 = arith.constant 1 : index
    %get3A_16 = arith.constant 0 : index
    %get3A_17 = arith.constant 0 : index
    %get3A_18 = vector.load %arg1[%get3A_15, %get3A_16, %get3A_17] : memref<2x10000x64xf32, #tpu.memory_space<vmem>>, vector<1x10000x64xf32>
    %get3A_19 = vector.shape_cast %get3A_18 : vector<1x10000x64xf32> to vector<10000x64xf32>
    %add3A_20 = arith.addf %add3A_14, %get3A_19 : vector<10000x64xf32>
    %get3A_21 = arith.constant 0 : index
    %get3A_22 = arith.constant 0 : index
    %get3A_23 = arith.constant 0 : index
    %get3A_24 = vector.load %arg2[%get3A_21, %get3A_22, %get3A_23] : memref<2x10000x64xf32, #tpu.memory_space<vmem>>, vector<1x10000x64xf32>
    %get3A_25 = vector.shape_cast %get3A_24 : vector<1x10000x64xf32> to vector<10000x64xf32>
    %add3A_26 = arith.addf %add3A_20, %get3A_25 : vector<10000x64xf32>
    %get3A_27 = arith.constant 1 : index
    %get3A_28 = arith.constant 0 : index
    %get3A_29 = arith.constant 0 : index
    %get3A_30 = vector.load %arg2[%get3A_27, %get3A_28, %get3A_29] : memref<2x10000x64xf32, #tpu.memory_space<vmem>>, vector<1x10000x64xf32>
    %get3A_31 = vector.shape_cast %get3A_30 : vector<1x10000x64xf32> to vector<10000x64xf32>
    %add3A_32 = arith.addf %add3A_26, %get3A_31 : vector<10000x64xf32>
    %get3A_33 = arith.constant 0 : index
    %get3A_34 = arith.constant 0 : index
    %get3A_35 = vector.load %arg3[%get3A_33, %get3A_34] : memref<10000x32xf32, #tpu.memory_space<vmem>>, vector<10000x32xf32>
    %get3A_36 = arith.constant 0 : index
    %get3A_37 = arith.constant 0 : index
    %get3A_38 = vector.load %arg4[%get3A_36, %get3A_37] : memref<32x64xf32, #tpu.memory_space<vmem>>, vector<32x64xf32>
    %dot_general3A = arith.constant dense<0.000000e+00> : vector<10000x64xf32>
    %dot_general3A_39 = tpu.matmul %get3A_35, %get3A_38, %dot_general3A {dimension_numbers = #tpu.dot_dimension_numbers<[1], [0], [0], [1], [0, 0, 1, 1], [], []>, transpose_lhs_hint = false} : vector<10000x32xf32>, vector<32x64xf32>, vector<10000x64xf32> -> vector<10000x64xf32>
    %add3A_40 = arith.addf %add3A_32, %dot_general3A_39 : vector<10000x64xf32>
    %get3A_41 = arith.constant 0 : index
    %get3A_42 = arith.constant 0 : index
    %get3A_43 = vector.load %arg5[%get3A_41, %get3A_42] : memref<1x64xf32, #tpu.memory_space<vmem>>, vector<1x64xf32>
    %add3A_44 = vector.broadcast %get3A_43 : vector<1x64xf32> to vector<10000x64xf32>
    %add3A_45 = arith.addf %add3A_40, %add3A_44 : vector<10000x64xf32>
    %gt3A = arith.constant 0.000000e+00 : f32
    %gt3A_46 = vector.broadcast %gt3A : f32 to vector<10000x64xf32>
    %gt3A_47 = arith.cmpf ogt, %add3A_45, %gt3A_46 : vector<10000x64xf32>
    %min3A = arith.constant 0.000000e+00 : f32
    %min3A_48 = vector.broadcast %min3A : f32 to vector<10000x64xf32>
    %min3A_49 = arith.minimumf %add3A_45, %min3A_48 : vector<10000x64xf32>
    %exp3A = math.exp %min3A_49 : vector<10000x64xf32>
    %sub3A = arith.constant 1.000000e+00 : f32
    %sub3A_50 = vector.broadcast %sub3A : f32 to vector<10000x64xf32>
    %sub3A_51 = arith.subf %exp3A, %sub3A_50 : vector<10000x64xf32>
    %select_n3A = arith.select %gt3A_47, %add3A_45, %sub3A_51 : vector<10000x64xi1>, vector<10000x64xf32>
    %iota3A = tpu.iota {dimensions = array<i32: 0>} : vector<64x10000xi32>
    %get3A_52 = arith.constant 0 : index
    %get3A_53 = arith.constant 0 : index
    %get3A_54 = vector.load %arg6[%get3A_52, %get3A_53] : memref<1x10000xi32, #tpu.memory_space<vmem>>, vector<1x10000xi32>
    %eq3A = vector.broadcast %get3A_54 : vector<1x10000xi32> to vector<64x10000xi32>
    %eq3A_55 = arith.cmpi eq, %iota3A, %eq3A : vector<64x10000xi32>
    %jit3A = arith.constant 1.000000e+00 : f32
    %jit3A_56 = arith.constant 0.000000e+00 : f32
    %broadcast_in_dim3A = vector.broadcast %jit3A : f32 to vector<64x10000xf32>
    %broadcast_in_dim3A_57 = vector.broadcast %jit3A_56 : f32 to vector<64x10000xf32>
    %select_n3A_58 = arith.select %eq3A_55, %broadcast_in_dim3A, %broadcast_in_dim3A_57 : vector<64x10000xi1>, vector<64x10000xf32>
    %dot_general3A_59 = arith.constant dense<0.000000e+00> : vector<64x64xf32>
    %dot_general3A_60 = tpu.matmul %select_n3A_58, %select_n3A, %dot_general3A_59 {dimension_numbers = #tpu.dot_dimension_numbers<[1], [0], [0], [1], [0, 0, 1, 1], [], []>, transpose_lhs_hint = false} : vector<64x10000xf32>, vector<10000x64xf32>, vector<64x64xf32> -> vector<64x64xf32>
    %reduce_sum3A = arith.constant dense<0.000000e+00> : vector<64xf32>
    %reduce_sum3A_61 = vector.multi_reduction <add>, %select_n3A_58, %reduce_sum3A [1] : vector<64x10000xf32> to vector<64xf32>
    %broadcast_in_dim3A_62 = vector.shape_cast %reduce_sum3A_61 : vector<64xf32> to vector<64x1xf32>
    %max3A = arith.constant 1.000000e+00 : f32
    %max3A_63 = vector.broadcast %max3A : f32 to vector<64x1xf32>
    %max3A_64 = arith.maximumf %broadcast_in_dim3A_62, %max3A_63 : vector<64x1xf32>
    %div3A = vector.broadcast %max3A_64 : vector<64x1xf32> to vector<64x64xf32>
    %div3A_65 = arith.divf %dot_general3A_60, %div3A : vector<64x64xf32>
    %get3A_66 = arith.constant 0 : index
    %get3A_67 = arith.constant 0 : index
    %get3A_68 = vector.load %arg7[%get3A_66, %get3A_67] : memref<64x128xf32, #tpu.memory_space<vmem>>, vector<64x128xf32>
    %dot_general3A_69 = arith.constant dense<0.000000e+00> : vector<64x128xf32>
    %dot_general3A_70 = tpu.matmul %div3A_65, %get3A_68, %dot_general3A_69 {dimension_numbers = #tpu.dot_dimension_numbers<[1], [0], [0], [1], [0, 0, 1, 1], [], []>, transpose_lhs_hint = false} : vector<64x64xf32>, vector<64x128xf32>, vector<64x128xf32> -> vector<64x128xf32>
    %get3A_71 = arith.constant 0 : index
    %get3A_72 = arith.constant 0 : index
    %get3A_73 = vector.load %arg8[%get3A_71, %get3A_72] : memref<1x128xf32, #tpu.memory_space<vmem>>, vector<1x128xf32>
    %add3A_74 = vector.broadcast %get3A_73 : vector<1x128xf32> to vector<64x128xf32>
    %add3A_75 = arith.addf %dot_general3A_70, %add3A_74 : vector<64x128xf32>
    %gt3A_76 = arith.constant 0.000000e+00 : f32
    %gt3A_77 = vector.broadcast %gt3A_76 : f32 to vector<64x128xf32>
    %gt3A_78 = arith.cmpf ogt, %add3A_75, %gt3A_77 : vector<64x128xf32>
    %min3A_79 = arith.constant 0.000000e+00 : f32
    %min3A_80 = vector.broadcast %min3A_79 : f32 to vector<64x128xf32>
    %min3A_81 = arith.minimumf %add3A_75, %min3A_80 : vector<64x128xf32>
    %exp3A_82 = math.exp %min3A_81 : vector<64x128xf32>
    %sub3A_83 = arith.constant 1.000000e+00 : f32
    %sub3A_84 = vector.broadcast %sub3A_83 : f32 to vector<64x128xf32>
    %sub3A_85 = arith.subf %exp3A_82, %sub3A_84 : vector<64x128xf32>
    %select_n3A_86 = arith.select %gt3A_78, %add3A_75, %sub3A_85 : vector<64x128xi1>, vector<64x128xf32>
    %get3A_87 = arith.constant 0 : index
    %get3A_88 = arith.constant 0 : index
    %get3A_89 = vector.load %arg9[%get3A_87, %get3A_88] : memref<128x10xf32, #tpu.memory_space<vmem>>, vector<128x10xf32>
    %dot_general3A_90 = arith.constant dense<0.000000e+00> : vector<64x10xf32>
    %dot_general3A_91 = tpu.matmul %select_n3A_86, %get3A_89, %dot_general3A_90 {dimension_numbers = #tpu.dot_dimension_numbers<[1], [0], [0], [1], [0, 0, 1, 1], [], []>, transpose_lhs_hint = false} : vector<64x128xf32>, vector<128x10xf32>, vector<64x10xf32> -> vector<64x10xf32>
    %get3A_92 = arith.constant 0 : index
    %get3A_93 = arith.constant 0 : index
    %get3A_94 = vector.load %arg10[%get3A_92, %get3A_93] : memref<1x10xf32, #tpu.memory_space<vmem>>, vector<1x10xf32>
    %add3A_95 = vector.broadcast %get3A_94 : vector<1x10xf32> to vector<64x10xf32>
    %add3A_96 = arith.addf %dot_general3A_91, %add3A_95 : vector<64x10xf32>
    %reduce_max3A = arith.constant dense<0xFF800000> : vector<64xf32>
    %reduce_max3A_97 = vector.multi_reduction <maximumf>, %add3A_96, %reduce_max3A [1] : vector<64x10xf32> to vector<64xf32>
    %broadcast_in_dim3A_98 = vector.shape_cast %reduce_max3A_97 : vector<64xf32> to vector<64x1xf32>
    %sub3A_99 = vector.broadcast %broadcast_in_dim3A_98 : vector<64x1xf32> to vector<64x10xf32>
    %sub3A_100 = arith.subf %add3A_96, %sub3A_99 : vector<64x10xf32>
    %exp3A_101 = math.exp %sub3A_100 : vector<64x10xf32>
    %reduce_sum3A_102 = arith.constant dense<0.000000e+00> : vector<64xf32>
    %reduce_sum3A_103 = vector.multi_reduction <add>, %exp3A_101, %reduce_sum3A_102 [1] : vector<64x10xf32> to vector<64xf32>
    %broadcast_in_dim3A_104 = vector.shape_cast %reduce_sum3A_103 : vector<64xf32> to vector<64x1xf32>
    %log3A = math.log %broadcast_in_dim3A_104 : vector<64x1xf32>
    %add3A_105 = arith.addf %log3A, %broadcast_in_dim3A_98 : vector<64x1xf32>
    %sub3A_106 = vector.broadcast %add3A_105 : vector<64x1xf32> to vector<64x10xf32>
    %sub3A_107 = arith.subf %add3A_96, %sub3A_106 : vector<64x10xf32>
    %swap3A = arith.constant 0 : index
    %swap3A_108 = arith.constant 0 : index
    %swap3A_109 = vector.load %arg11[%swap3A, %swap3A_108] : memref<64x10xf32, #tpu.memory_space<vmem>>, vector<64x10xf32>
    tpu.vector_store %arg11[%swap3A, %swap3A_108], %sub3A_107 {strides = array<i32>} : memref<64x10xf32, #tpu.memory_space<vmem>>, vector<64x10xf32>,
    return
  }
}

</mosaic_0001>

<sc_bundles>
// kernel: kernel.17.cloned.1.call-start
scs
__scs_entry_jumppad:
0x0: {  	(pc) =	sbr.rel $0x88, $3  }
0x1: {  	(tag) =	ssettag $0x0;
	lr =	simm.s32 $0x1  }
0x2: {  	[smem:$0x3F8D] =	sst lr;
	_ =	strace $0xD0000000  }
0x3: {  	_ = 	snop  }
0x4: {  	_ = 	snop  }
0x5: {  	_ = 	snop  }
0x6: {  	_ = 	snop  }
0x7: {  	_ = 	snop  }
__scs_overlays_trampoline_lowered:
0x8: {  	[smem:$0x3F9C] =	sst s0  }
0x9: {  	[smem:$0x3F9D] =	sst s1  }
0xa: {  	[smem:$0x3F9E] =	sst s2  }
0xb: {  	[smem:$0x3F9F] =	sst s3  }
0xc: {  	[smem:$0x3FA0] =	sst s4  }
0xd: {  	[smem:$0x3FA1] =	sst s5  }
0xe: {  	[smem:$0x3FA2] =	sst s6  }
0xf: {  	[smem:$0x3FA3] =	sst s7  }
0x10: {  	[smem:$0x3FA4] =	sst s8  }
0x11: {  	[smem:$0x3FA5] =	sst s9;
	s0 =	simm.s32 @!p0 $0x0  }
0x12: {  	s1 =	sld [smem:$0x3F8B];
	s0 =	simm.s32 @p0 $0x1  }
0x13: {  	[smem:$0x3FA6] =	sst s0;
	s0 =	simm.s32 @!p1 $0x0  }
0x14: {  	s2 =	sld [smem:$0x3F8A];
	s0 =	simm.s32 @p1 $0x1  }
0x15: {  	[smem:$0x3FA7] =	sst s0;
	s0 =	simm.s32 @!p2 $0x0  }
0x16: {  	s3 =	sld [smem:$0x3FDB];
	s0 =	simm.s32 @p2 $0x1  }
0x17: {  	s4 =	simm.s32 $0x1BF5;
	[smem:$0x3FA9] =	sst s0  }
0x18: {  	s0 =	sld [smem:$0x3F8C];
	_ =	swait.ge [sflag:s4], $0x0  }
0x19: {  	s7 =	sld [smem:$0x3F8D]  }
0x1a: {  	s8 =	sadd.s32 $0xFFFFE003, lr  }
0x1b: {  	s9 =	sadd.s32 $0xFFFFFEF7, lr;
	s5 =	simm.s32 $0xFFFFFFFF;
	p2 =	slt.u32 s8, $0xFFFFF086  }
0x1c: {  	p1 =	slt.u32 s9, $0xF7A;
	s5 =	simm.s32 @!p2 $0x0  }
0x1d: {  	s5 =	simm.s32 @p1 $0x1;
	p0 =	seq.s32 s7, s2  }
0x1e: {  	s7 =	smul.u32 @!p0 $0xF7A, s2;
	p2 =	seq.s32 @!p0 s5, $0x0  }
0x1f: {  	s9 =	smul.u32 $0xF7A, s1;
	s8 =	simm.s32 @!p0 $0x1BF5;
	p2 =	por !p2, p0  }
0x20: {  	[sflag:s8] =	ssyncset.s32 @!p0 $0xFFFFF086;
	s6 =	sadd.s32 @!p0 s3, s7;
	s7 =	simm.s32 @!p0 $0x108  }
0x21: {  	s3 =	sadd.s32 s3, s9;
	s6 =	sadd.s32 @!p0 $0x88, s6;
	s7 =	simm.s32 @p2 $0x1082  }
0x22: {  	[simem:s7], [sflag:s8] =	dma.local @!p0 [hbm:s6], $0xF7A  }
0x23: {  	s9 =	sor.u32 $0xD0000000, s2;
	s6 =	simm.s32 $0x108;
	_ =	swait.ge @!p0 [sflag:s8], $0x0  }
0x24: {  	s3 =	sadd.s32 $0x88, s3;
	s6 =	simm.s32 @!p1 $0x1082;
	[sflag:s4] =	ssyncset.s32 $0xFFFFF086  }
0x25: {  	[simem:s6], [sflag:s4] =	dma.local [hbm:s3], $0xF7A  }
0x26: {  	[smem:$0x3F8D] =	sst s1;
	(tag) =	ssettag s2;
	_ =	strace s9  }
0x27: {  	s1 =	sld [smem:$0x3F9D]  }
0x28: {  	s2 =	sld [smem:$0x3F9E]  }
0x29: {  	s4 =	sld [smem:$0x3FA0]  }
0x2a: {  	p0 =	seq.s32 s5, $0x0;
	s5 =	sld [smem:$0x3FA1]  }
0x2b: {  	s6 =	sld [smem:$0x3FA2]  }
0x2c: {  	s7 =	sld [smem:$0x3FA3]  }
0x2d: {  	s3 =	simm.s32 $0x108;
	s8 =	sld [smem:$0x3FA4]  }
0x2e: {  	s3 =	simm.s32 @!p0 $0x1082;
	s9 =	sld [smem:$0x3FA5]  }
0x2f: {  	lr =	sadd.s32 s0, s3;
	s0 =	sld [smem:$0x3F9C]  }
0x30: {  	s3 =	sld [smem:$0x3F9F]  }
0x31: {  	[smem:$0x3FA8] =	sst s10  }
0x32: {  	s10 =	sld [smem:$0x3FA6];
	_ =	sdelay $0x3  }
0x33: {  	p0 =	seq.s32 s10, $0x1;
	s10 =	sld [smem:$0x3FA8];
	_ =	sdelay $0x3  }
0x34: {  	[smem:$0x3FA8] =	sst s10  }
0x35: {  	s10 =	sld [smem:$0x3FA7];
	_ =	sdelay $0x3  }
0x36: {  	p1 =	seq.s32 s10, $0x1;
	s10 =	sld [smem:$0x3FA8];
	_ =	sdelay $0x3  }
0x37: {  	[smem:$0x3FA8] =	sst s10  }
0x38: {  	s10 =	sld [smem:$0x3FA9]  }
0x39: {  	_ = 	snop;
	(pc) =	sbr.ind lr, $3  }
0x3a: {  	_ = 	snop  }
0x3b: {  	_ = 	snop  }
0x3c: {  	p2 =	seq.s32 s10, $0x1;
	s10 =	sld [smem:$0x3FA8]  }
0x3d: {  	_ =	shalt  }
0x3e: {  	_ =	shalt  }
0x3f: {  	_ =	shalt  }
0x40: {  	_ =	shalt  }
0x41: {  	_ =	shalt  }
0x42: {  	_ =	shalt  }
0x43: {  	_ =	shalt  }
0x44: {  	_ =	shalt  }
0x45: {  	_ =	shalt  }
0x46: {  	_ =	shalt  }
0x47: {  	_ =	shalt  }
0x48: {  	_ =	shalt  }
0x49: {  	_ =	shalt  }
0x4a: {  	_ =	shalt  }
0x4b: {  	_ =	shalt  }
0x4c: {  	_ =	shalt  }
0x4d: {  	_ =	shalt  }
0x4e: {  	_ =	shalt  }
0x4f: {  	_ =	shalt  }
0x50: {  	_ =	shalt  }
0x51: {  	_ =	shalt  }
0x52: {  	_ =	shalt  }
0x53: {  	_ =	shalt  }
0x54: {  	_ =	shalt  }
0x55: {  	_ =	shalt  }
0x56: {  	_ =	shalt  }
0x57: {  	_ =	shalt  }
0x58: {  	_ =	shalt  }
0x59: {  	_ =	shalt  }
0x5a: {  	_ =	shalt  }
0x5b: {  	_ =	shalt  }
0x5c: {  	_ =	shalt  }
0x5d: {  	_ =	shalt  }
0x5e: {  	_ =	shalt  }
0x5f: {  	_ =	shalt  }
0x60: {  	_ =	shalt  }
0x61: {  	_ =	shalt  }
0x62: {  	_ =	shalt  }
0x63: {  	_ =	shalt  }
0x64: {  	_ =	shalt  }
0x65: {  	_ =	shalt  }
0x66: {  	_ =	shalt  }
0x67: {  	_ =	shalt  }
0x68: {  	_ =	shalt  }
0x69: {  	_ =	shalt  }
0x6a: {  	_ =	shalt  }
0x6b: {  	_ =	shalt  }
0x6c: {  	_ =	shalt  }
0x6d: {  	_ =	shalt  }
0x6e: {  	_ =	shalt  }
0x6f: {  	_ =	shalt  }
0x70: {  	_ =	shalt  }
0x71: {  	_ =	shalt  }
0x72: {  	_ =	shalt  }
0x73: {  	_ =	shalt  }
0x74: {  	_ =	shalt  }
0x75: {  	_ =	shalt  }
0x76: {  	_ =	shalt  }
0x77: {  	_ =	shalt  }
0x78: {  	_ =	shalt  }
0x79: {  	_ =	shalt  }
0x7a: {  	_ =	shalt  }
0x7b: {  	_ =	shalt  }
0x7c: {  	_ =	shalt  }
0x7d: {  	_ =	shalt  }
0x7e: {  	_ =	shalt  }
0x7f: {  	_ =	shalt  }
0x80: {  	_ =	shalt  }
0x81: {  	_ =	shalt  }
0x82: {  	_ =	shalt  }
0x83: {  	_ =	shalt  }
0x84: {  	_ =	shalt  }
0x85: {  	_ =	shalt  }
0x86: {  	_ =	shalt  }
0x87: {  	_ =	shalt  }
.Lfunc_end0:
.L_simem_size_0:
called_computation_lowered:
.L_overlay_start_0:
0x88: {  	s2 =	sld [smem:$0x3FD9]  }
0x89: {  	s3 =	sld [smem:$0x3FFE];
	_ =	sdelay $0x1  }
0x8a: {  	s1 =	srdreg.scid  }
0x8b: {  	s0 =	sand.u32 $0x1, s1  }
0x8c: {  	s16 =	sshll.u32 s0, $0xA;
	s2 =	sadd.s32 s3, s2  }
0x8d: {  	s2 =	sadd.s32 s2, s16  }
0x8e: {  	[smem:$0x3FB4] =	sst s2  }
0x8f: {  	_ = 	snop  }
0x90: {  	(tm) =	ssettm $0x1  }
0x91: {  	s17 =	sld [smem:$0x3FFB];
	_ =	sdelay $0x3  }
0x92: {  	_ =	strace s17  }
0x93: {  	s2 =	sld [smem:$0x3FFC];
	_ =	sdelay $0x3  }
0x94: {  	_ =	strace s2  }
0x95: {  	s2 =	sld [smem:$0x3FFD];
	_ =	sdelay $0x3  }
0x96: {  	_ =	strace s2  }
0x97: {  	_ =	strace $0x8FFFFFFF  }
0x98: {  	s18 =	sld [smem:$0x3FDB];
	_ =	sdelay $0x1  }
0x99: {  	s19 =	simm.s32 $_scs_section_size  }
0x9a: {  	s4 =	simm.s32 $_size__tile_overlayer_lowered;
	s5 =	simm.s32 $_tile_overlayer_lowered  }
0x9b: {  	s22 =	simm.s32 $0x1BFF;
	s21 =	sshll.u32 s5, $0x1;
	s2 =	sadd.s32 s19, s18  }
0x9c: {  	s6 =	simm.s32 $0x0;
	s20 =	sshll.u32 s4, $0x1;
	s4 =	sadd.s32 s21, s2  }
0x9d: {  	[timem:s6], [sflag:s22] =	dma.local [hbm:s4], s20  }
0x9e: {  	_ =	swait.ge [sflag:s22], s20  }
0x9f: {  	s3 =	ssub.s32 $0x0, s20;
	[sflag:s22] =	ssyncset.done $0x0  }
0xa0: {  	[sflag:s22] =	ssyncadd.s32 s3;
	_ =	sdelay $0x1  }
0xa1: {  	s23 =	simm.s32 $0x1B8B  }
0xa2: {  	_ =	swait.ge [sflag:s23], $0x1  }
0xa3: {  	[sflag:s23] =	ssyncset.done $0x0  }
0xa4: {  	s25 =	simm.s32 $0x1B8E;
	s24 =	sld [smem:$0x3FFE];
	[sflag:s23] =	ssyncadd.s32 $0xFFFFFFFF  }
0xa5: {  	s26 =	simm.s32 $execute0_lowered;
	[smem:$0x3FD2] =	sst s25  }
0xa6: {  	s4 =	sshll.u32 s26, $0x1;
	_ =	strace $0x80000046;
	[dreg:$0x1] =	wrdreg $0xFFFFFFFF  }
0xa7: {  	s28 =	simm.s32 $_size_execute0_lowered;
	s2 =	sadd.s32 s2, s4;
	[dreg:$0x0] =	wrdreg $0x0  }
0xa8: {  	s4 =	sshll.u32 s28, $0x1;
	[dreg:$0x2] =	wrdreg s2  }
0xa9: {  	[dreg:$0x3] =	wrdreg s4  }
0xaa: {  	[dreg:$0x4] =	wrdreg $0xC0  }
0xab: {  	_ =	task [dreg:s6], $0x5FFFF  }
0xac: {  	[dreg:$0x1] =	wrdreg $0xFFFFFFFF  }
0xad: {  	[dreg:$0x0] =	wrdreg $0x60  }
0xae: {  	[dreg:$0x2] =	wrdreg s24  }
0xaf: {  	[dreg:$0x3] =	wrdreg $0x21000  }
0xb0: {  	[dreg:$0x4] =	wrdreg $0x9  }
0xb1: {  	_ =	task.clear_ibuf [dreg:s6], $0x5FFFF;
	_ =	strace $0x90000046  }
0xb2: {  	s29 =	simm.s32 $0x9;
	_ =	strace $0x80000048  }
0xb3: {  	_ =	swait.ge [sflag:s29], $0x1  }
0xb4: {  	[sflag:s29] =	ssyncadd.s32 $0xFFFFFFFF  }
0xb5: {  	_ =	strace $0x90000048  }
0xb6: {  	_ =	sfence  }
0xb7: {  	s30 =	sld [smem:$0x0];
	_ =	sdelay $0x2  }
0xb8: {  	s31 =	sshll.u32 s1, $0xD;
	s1 =	sshrl.u32 s1, $0x2  }
0xb9: {  	s3 =	sand.u32 $0x4000, s31;
	s1 =	sadd.s32 s1, s30  }
0xba: {  	s0 =	sor.u32 s3, s0;
	s1 =	sshll.u32 s1, $0x11  }
0xbb: {  	s0 =	sor.u32 s1, s0  }
0xbc: {  	s0 =	sadd.s32 $0x8F2B, s0  }
0xbd: {  	[sflag:s0] =	ssyncadd.remote.s32 $0x1  }
0xbe: {  	_ =	sfence.sel $0xFFFF  }
0xbf: {  	[dreg:$0x0] =	wrdreg $0xFFFFFFFF;
	(pc) =	sbr.abs _section_cstart, $3  }
0xc0: {  	[dreg:$0x1] =	wrdreg $0xFFFFFFFF  }
0xc1: {  	_ =	task.clear_ibuf [dreg:s6], $0x2FFFF;
	_ =	strace $0x9FFFFFFF  }
0xc2: {  	(tm) =	ssettm $0x7FFFFFFF  }
0xc3: {  	_ =	shalt  }
tec
execute0_lowered:
.L_overlay_start_1:
0x0: {  	(tag) =	ssettag $0x1  }
0x1: {  	s9 =	rddreg [dreg:$0x0]  }
0x2: {  	s2 =	rddreg [dreg:$0x1]  }
0x3: {  	s0 =	rddreg [dreg:$0x2];
	s3 =	simm.s32 $0x0  }
0x4: {  	s4 =	srdreg.scid;
	s1 =	stileid.u32;
	s17 =	simm.s32 $0x1100  }
0x5: {  	s18 =	simm.s32 $0x2;
	s19 =	simm.s32 $0x3;
	s20 =	simm.s32 $0x80  }
0x6: {  	s21 =	simm.s32 $0x100;
	s22 =	simm.s32 $0x1;
	s28 =	simm.s32 $0x0  }
0x7: {  	[smem:$0x7FF] =	sst s3;
	s4 =	sand.u32 $0x1, s4;
	s10 =	smul.u32 $0x4E20, s1  }
0x8: {  	s5 =	sadd.s32 $0x3C00, s9;
	s6 =	sadd.s32 $0xDA00, s9;
	s13 =	smul.u32 $0x13880, s1  }
0x9: {  	s7 =	sadd.s32 $0x5E400, s9;
	s8 =	smul.u32 $0x4E200, s4;
	s12 =	ssub.s32 $0x2, s4  }
0xa: {  	_ =	strace $0x80000047;
	s14 =	sshrl.u32 s12, $0x1;
	s30 =	sshrl.u32 s13, $0x2  }
.Ltmp0:
0xb: {  	s11 =	sadd.s32 s10, s8;
	s8 =	sadd.s32 $0x5BC00, s9;
	(pc) =	sbr.rel .LBB2_1-.Ltmp0, $4  }
0xc: {  	s16 =	ssub.s32 s12, s14;
	s10 =	sadd.s32 s10, s2;
	s31 =	sadd.s32 s30, s2  }
0xd: {  	s11 =	sshrl.u32 s11, $0x3;
	s12 =	sadd.s32 $0x2000, s31;
	s13 =	sadd.s32 $0x3000, s31  }
0xe: {  	s14 =	sadd.s32 $0x4000, s31;
	s16 =	smax.u32 s16, $0x1;
	s15 =	sadd.s32 s11, s9  }
0xf: {  	v0 =	vimm.f32 $0.0e+00;
	s9 =	sshll.u32 s1, $0x1;
	s11 =	sadd.s32 $0x1000, s31;
	s15 =	sadd.s32 $0x60C00, s15  }
.LBB2_9:
0x10: {  	s3 =	sadd.s32 $0x1, s3  }
0x11: {  	s23 =	sshll.u32 s1, $0x6;
	[bflag:$0x0] =	sbarrier.arrive $0xFFFF;
	p0 =	sne.s32 s3, s16  }
.Ltmp1:
0x12: {  	s24 =	sshrl.u32 s10, $0x3;
	s23 =	sor.u32 $0x1C02, s23;
	(pc) =	sbr.rel @!p0 .LBB2_10-.Ltmp1, $4  }
0x13: {  	[hbm:s15], [sflag:s23] =	dma.local [spmem:s24], $0x9C4  }
0x14: {  	_ =	swait.ge [sflag:s18], $0x9C4  }
0x15: {  	[sflag:s18] =	ssyncset.done $0x0  }
0x16: {  	[sflag:s18] =	ssyncadd.s32 $0xFFFFF63C  }
.LBB2_1:
0x17: {  	s23 =	simm.s32 $0x80;
	s24 =	simm.s32 $0x0  }
.LBB2_2:
0x18: {  	p0 =	sne.s32 s23, $0x3F80;
	[tilespmem:s24+$0x1100] =	vst v0;
	s25 =	smov.u32 s23;
	s23 =	sadd.s32 $0x80, s23  }
.Ltmp2:
0x19: {  	[tilespmem:s24+$0x1110] =	vst v0;
	(pc) =	sbr.rel @p0 .LBB2_2-.Ltmp2, $2  }
0x1a: {  	_ =	sdelay $0x2  }
0x1b: {  	s24 =	sshra.s32 s25, $0x2  }
0x1c: {  	[tilespmem:s24+$0x1100] =	vst v0  }
0x1d: {  	[tilespmem:s24+$0x1110] =	vst v0  }
0x1e: {  	[spmem:s10] =	stream.linear.scatter [tilespmem:s17], [sflag:$0x2], $0x1000, $0x38;
	[tilespmem:$0x6F20] =	vst v63  }
0x1f: {  	_ =	swait.ge [sflag:s18], $0x1000  }
0x20: {  	[sflag:s18] =	ssyncset.done $0x0  }
0x21: {  	[sflag:s18] =	ssyncadd.s32 $0xFFFFF000  }
0x22: {  	[spmem:s11] =	stream.linear.scatter [tilespmem:s17], [sflag:$0x2], $0x1000, $0x38;
	[tilespmem:$0x6F20] =	vst v63  }
0x23: {  	_ =	swait.ge [sflag:s18], $0x1000  }
0x24: {  	[sflag:s18] =	ssyncset.done $0x0  }
0x25: {  	[sflag:s18] =	ssyncadd.s32 $0xFFFFF000  }
0x26: {  	[spmem:s12] =	stream.linear.scatter [tilespmem:s17], [sflag:$0x2], $0x1000, $0x38;
	[tilespmem:$0x6F20] =	vst v63  }
0x27: {  	_ =	swait.ge [sflag:s18], $0x1000  }
0x28: {  	[sflag:s18] =	ssyncset.done $0x0  }
0x29: {  	[sflag:s18] =	ssyncadd.s32 $0xFFFFF000  }
0x2a: {  	[spmem:s13] =	stream.linear.scatter [tilespmem:s17], [sflag:$0x2], $0x1000, $0x38;
	[tilespmem:$0x6F20] =	vst v63  }
0x2b: {  	_ =	swait.ge [sflag:s18], $0x1000  }
0x2c: {  	[sflag:s18] =	ssyncset.done $0x0  }
0x2d: {  	[sflag:s18] =	ssyncadd.s32 $0xFFFFF000  }
0x2e: {  	[spmem:s14] =	stream.linear.scatter [tilespmem:s17], [sflag:$0x2], $0xE20, $0x38;
	[tilespmem:$0x6F20] =	vst v63  }
.Ltmp3:
0x2f: {  	_ =	swait.ge [sflag:s18], $0xE20;
	(pc) =	sbr.rel .LBB2_4-.Ltmp3, $4  }
0x30: {  	[sflag:s18] =	ssyncset.done $0x0  }
0x31: {  	[sflag:s18] =	ssyncadd.s32 $0xFFFFF1E0  }
0x32: {  	[bflag:$0x0] =	sbarrier.arrive $0xFFFF  }
0x33: {  	s23 =	simm.s32 $0x0  }
.LBB2_8:
0x34: {  	s23 =	sadd.s32 $0x1, s23  }
0x35: {  	p0 =	sne.s32 s23, $0x14  }
.Ltmp4:
0x36: {  	_ = 	snop;
	(pc) =	sbr.rel @!p0 .LBB2_9-.Ltmp4, $1  }
0x37: {  	_ =	sdelay $0x3  }
.LBB2_4:
0x38: {  	s24 =	sshll.u32 s23, $0x5  }
0x39: {  	s24 =	sor.u32 s24, s9  }
0x3a: {  	s24 =	sor.u32 s4, s24  }
0x3b: {  	p0 =	sgt.u32 s24, $0x270  }
.Ltmp5:
0x3c: {  	_ = 	snop;
	(pc) =	sbr.rel @p0 .LBB2_8-.Ltmp5, $1  }
0x3d: {  	_ =	sdelay $0x3  }
0x3e: {  	s25 =	sshll.u32 s24, $0x4  }
0x3f: {  	s26 =	sadd.s32 s7, s25  }
0x40: {  	[tilespmem:s28], [sflag:$0x3] =	stream.linear.gather [hbm4b:s26+s28], $0x80, $0x38;
	[tilespmem:$0x6F20] =	vst v63  }
0x41: {  	_ =	swait.ge [sflag:s19], $0x80  }
0x42: {  	[sflag:s19] =	ssyncset.done $0x0  }
0x43: {  	s25 =	sadd.s32 s8, s25;
	[sflag:s19] =	ssyncadd.s32 $0xFFFFFF80  }
0x44: {  	[tilespmem:s20], [sflag:$0x3] =	stream.linear.gather [hbm4b:s25+s28], $0x80, $0x38;
	[tilespmem:$0x6F20] =	vst v63  }
0x45: {  	_ =	swait.ge [sflag:s19], $0x80  }
0x46: {  	[sflag:s19] =	ssyncset.done $0x0  }
0x47: {  	[sflag:s19] =	ssyncadd.s32 $0xFFFFFF80  }
0x48: {  	[tilespmem:s21], [sflag:$0x1] =	stream.indirect.gather [hbm4b:s5+s20], $0x20, s28, s20, $0xb8;
	[tilespmem:$0x6F20] =	vst v63  }
0x49: {  	_ =	swait.ge [sflag:s22], $0x1000  }
0x4a: {  	s31 =	sshll.u32 s24, $0x9;
	[sflag:s22] =	ssyncset.done $0x0  }
0x4b: {  	s24 =	sadd.s32 s6, s31;
	[sflag:s22] =	ssyncadd.s32 $0xFFFFF000  }
0x4c: {  	[tilespmem:s17], [sflag:$0x3] =	stream.linear.gather [hbm4b:s24+s28], $0x1000, $0x38;
	[tilespmem:$0x6F20] =	vst v63  }
0x4d: {  	_ =	swait.ge [sflag:s19], $0x1000  }
0x4e: {  	[sflag:s19] =	ssyncset.done $0x0  }
0x4f: {  	s24 =	simm.s32 $0x0;
	[sflag:s19] =	ssyncadd.s32 $0xFFFFF000  }
0x50: {  	v1 =	vld [tilespmem:s24+$0x100]  }
0x51: {  	v2 =	vld [tilespmem:s24+$0x110]  }
0x52: {  	s25 =	simm.s32 $0x80;
	v3 =	vld [tilespmem:s24+$0x1100]  }
.LBB2_6:
0x53: {  	p0 =	sne.s32 s25, $0x3F80;
	v4 =	vld [tilespmem:s24+$0x1110];
	_ =	sdelay $0x2  }
.Ltmp6:
0x54: {  	(pc) =	sbr.rel @p0 .LBB2_6-.Ltmp6, $4  }
0x55: {  	s26 =	sshra.s32 s25, $0x2;
	v3 =	vmul.f32 v1, v3  }
0x56: {  	v1 =	vld [tilespmem:s26+$0x100];
	v4 =	vmul.f32 v2, v4  }
0x57: {  	v2 =	vld [tilespmem:s26+$0x110];
	[tilespmem:s24+$0x1100] =	vst v3  }
0x58: {  	s25 =	sadd.s32 $0x80, s25;
	v3 =	vld [tilespmem:s26+$0x1100];
	[tilespmem:s24+$0x1110] =	vst v4;
	s24 =	smov.u32 s26  }
0x59: {  	v4 =	vld [tilespmem:s24+$0x1110];
	_ =	sdelay $0x3  }
0x5a: {  	v1 =	vmul.f32 v1, v3  }
0x5b: {  	v2 =	vmul.f32 v2, v4  }
0x5c: {  	[tilespmem:s24+$0x1100] =	vst v1  }
.Ltmp7:
0x5d: {  	[tilespmem:s24+$0x1110] =	vst v2;
	(pc) =	sbr.rel .LBB2_8-.Ltmp7, $4  }
0x5e: {  	[spmem:s2] =	stream.indirect.scatter.add.f32 [tilespmem:s17], [sflag:$0x2], $0x20, s20, s20, $0xb8;
	[tilespmem:$0x6F20] =	vst v63  }
0x5f: {  	_ =	swait.ge [sflag:s18], $0x1000  }
0x60: {  	[sflag:s18] =	ssyncset.done $0x0  }
0x61: {  	[sflag:s18] =	ssyncadd.s32 $0xFFFFF000  }
.LBB2_10:
0x62: {  	_ =	sfence.sel $0x180000  }
0x63: {  	[bflag:$0x0] =	sbarrier.arrive $0xFFFF  }
0x64: {  	p0 =	sne.s32 s1, $0x0;
	_ =	strace $0x90000047  }
0x65: {  	s0 =	sadd.s32 @!p0 $0x100000, s0;
	[bflag:$0x2] =	sbarrier.arrive $0xFFFF  }
0x66: {  	[sflag:s0] =	ssyncadd.tile.s32 @!p0 $0x1;
	_ =	shalt  }
.Lfunc_end2:
_tile_overlayer_lowered:
.L_overlay_start_2:
0x67: {  	(tag) =	ssettag $0x2  }
0x68: {  	s0 =	rddreg [dreg:$0x0];
	s2 =	stileid.u32  }
0x69: {  	s1 =	rddreg [dreg:$0x1];
	p0 =	sne.s32 s2, $0x0  }
0x6a: {  	s3 =	rddreg [dreg:$0x2];
	[bflag:$0x3] =	sbarrier.arrive $0xFFFF;
	s2 =	simm.s32 @!p0 $0x1C02  }
0x6b: {  	[timem:s3], [sflag:s2] =	dma.local @!p0 [hbm:s0], s1  }
0x6c: {  	s0 =	simm.s32 @!p0 $0x2  }
0x6d: {  	_ =	swait.ge @!p0 [sflag:s0], s1  }
0x6e: {  	s1 =	ssub.s32 @!p0 $0x0, s1;
	[sflag:s0] =	ssyncset.done @!p0 $0x0  }
0x6f: {  	[sflag:s0] =	ssyncadd.s32 @!p0 s1  }
0x70: {  	[bflag:$0x3] =	sbarrier.arrive $0xFFFF  }
0x71: {  	_ =	shalt  }

// kernel: kernel.20.cloned.1.call-start
scs
__scs_entry_jumppad:
0x0: {  	(pc) =	sbr.rel $0x88, $3  }
0x1: {  	(tag) =	ssettag $0x0;
	lr =	simm.s32 $0x1  }
0x2: {  	[smem:$0x3F8D] =	sst lr;
	_ =	strace $0xD0000000  }
0x3: {  	_ = 	snop  }
0x4: {  	_ = 	snop  }
0x5: {  	_ = 	snop  }
0x6: {  	_ = 	snop  }
0x7: {  	_ = 	snop  }
__scs_overlays_trampoline_lowered:
0x8: {  	[smem:$0x3F9C] =	sst s0  }
0x9: {  	[smem:$0x3F9D] =	sst s1  }
0xa: {  	[smem:$0x3F9E] =	sst s2  }
0xb: {  	[smem:$0x3F9F] =	sst s3  }
0xc: {  	[smem:$0x3FA0] =	sst s4  }
0xd: {  	[smem:$0x3FA1] =	sst s5  }
0xe: {  	[smem:$0x3FA2] =	sst s6  }
0xf: {  	[smem:$0x3FA3] =	sst s7  }
0x10: {  	[smem:$0x3FA4] =	sst s8  }
0x11: {  	[smem:$0x3FA5] =	sst s9;
	s0 =	simm.s32 @!p0 $0x0  }
0x12: {  	s1 =	sld [smem:$0x3F8B];
	s0 =	simm.s32 @p0 $0x1  }
0x13: {  	[smem:$0x3FA6] =	sst s0;
	s0 =	simm.s32 @!p1 $0x0  }
0x14: {  	s2 =	sld [smem:$0x3F8A];
	s0 =	simm.s32 @p1 $0x1  }
0x15: {  	[smem:$0x3FA7] =	sst s0;
	s0 =	simm.s32 @!p2 $0x0  }
0x16: {  	s3 =	sld [smem:$0x3FDB];
	s0 =	simm.s32 @p2 $0x1  }
0x17: {  	s4 =	simm.s32 $0x1BF5;
	[smem:$0x3FA9] =	sst s0  }
0x18: {  	s0 =	sld [smem:$0x3F8C];
	_ =	swait.ge [sflag:s4], $0x0  }
0x19: {  	s7 =	sld [smem:$0x3F8D]  }
0x1a: {  	s8 =	sadd.s32 $0xFFFFE003, lr  }
0x1b: {  	s9 =	sadd.s32 $0xFFFFFEF7, lr;
	s5 =	simm.s32 $0xFFFFFFFF;
	p2 =	slt.u32 s8, $0xFFFFF086  }
0x1c: {  	p1 =	slt.u32 s9, $0xF7A;
	s5 =	simm.s32 @!p2 $0x0  }
0x1d: {  	s5 =	simm.s32 @p1 $0x1;
	p0 =	seq.s32 s7, s2  }
0x1e: {  	s7 =	smul.u32 @!p0 $0xF7A, s2;
	p2 =	seq.s32 @!p0 s5, $0x0  }
0x1f: {  	s9 =	smul.u32 $0xF7A, s1;
	s8 =	simm.s32 @!p0 $0x1BF5;
	p2 =	por !p2, p0  }
0x20: {  	[sflag:s8] =	ssyncset.s32 @!p0 $0xFFFFF086;
	s6 =	sadd.s32 @!p0 s3, s7;
	s7 =	simm.s32 @!p0 $0x108  }
0x21: {  	s3 =	sadd.s32 s3, s9;
	s6 =	sadd.s32 @!p0 $0x88, s6;
	s7 =	simm.s32 @p2 $0x1082  }
0x22: {  	[simem:s7], [sflag:s8] =	dma.local @!p0 [hbm:s6], $0xF7A  }
0x23: {  	s9 =	sor.u32 $0xD0000000, s2;
	s6 =	simm.s32 $0x108;
	_ =	swait.ge @!p0 [sflag:s8], $0x0  }
0x24: {  	s3 =	sadd.s32 $0x88, s3;
	s6 =	simm.s32 @!p1 $0x1082;
	[sflag:s4] =	ssyncset.s32 $0xFFFFF086  }
0x25: {  	[simem:s6], [sflag:s4] =	dma.local [hbm:s3], $0xF7A  }
0x26: {  	[smem:$0x3F8D] =	sst s1;
	(tag) =	ssettag s2;
	_ =	strace s9  }
0x27: {  	s1 =	sld [smem:$0x3F9D]  }
0x28: {  	s2 =	sld [smem:$0x3F9E]  }
0x29: {  	s4 =	sld [smem:$0x3FA0]  }
0x2a: {  	p0 =	seq.s32 s5, $0x0;
	s5 =	sld [smem:$0x3FA1]  }
0x2b: {  	s6 =	sld [smem:$0x3FA2]  }
0x2c: {  	s7 =	sld [smem:$0x3FA3]  }
0x2d: {  	s3 =	simm.s32 $0x108;
	s8 =	sld [smem:$0x3FA4]  }
0x2e: {  	s3 =	simm.s32 @!p0 $0x1082;
	s9 =	sld [smem:$0x3FA5]  }
0x2f: {  	lr =	sadd.s32 s0, s3;
	s0 =	sld [smem:$0x3F9C]  }
0x30: {  	s3 =	sld [smem:$0x3F9F]  }
0x31: {  	[smem:$0x3FA8] =	sst s10  }
0x32: {  	s10 =	sld [smem:$0x3FA6];
	_ =	sdelay $0x3  }
0x33: {  	p0 =	seq.s32 s10, $0x1;
	s10 =	sld [smem:$0x3FA8];
	_ =	sdelay $0x3  }
0x34: {  	[smem:$0x3FA8] =	sst s10  }
0x35: {  	s10 =	sld [smem:$0x3FA7];
	_ =	sdelay $0x3  }
0x36: {  	p1 =	seq.s32 s10, $0x1;
	s10 =	sld [smem:$0x3FA8];
	_ =	sdelay $0x3  }
0x37: {  	[smem:$0x3FA8] =	sst s10  }
0x38: {  	s10 =	sld [smem:$0x3FA9]  }
0x39: {  	_ = 	snop;
	(pc) =	sbr.ind lr, $3  }
0x3a: {  	_ = 	snop  }
0x3b: {  	_ = 	snop  }
0x3c: {  	p2 =	seq.s32 s10, $0x1;
	s10 =	sld [smem:$0x3FA8]  }
0x3d: {  	_ =	shalt  }
0x3e: {  	_ =	shalt  }
0x3f: {  	_ =	shalt  }
0x40: {  	_ =	shalt  }
0x41: {  	_ =	shalt  }
0x42: {  	_ =	shalt  }
0x43: {  	_ =	shalt  }
0x44: {  	_ =	shalt  }
0x45: {  	_ =	shalt  }
0x46: {  	_ =	shalt  }
0x47: {  	_ =	shalt  }
0x48: {  	_ =	shalt  }
0x49: {  	_ =	shalt  }
0x4a: {  	_ =	shalt  }
0x4b: {  	_ =	shalt  }
0x4c: {  	_ =	shalt  }
0x4d: {  	_ =	shalt  }
0x4e: {  	_ =	shalt  }
0x4f: {  	_ =	shalt  }
0x50: {  	_ =	shalt  }
0x51: {  	_ =	shalt  }
0x52: {  	_ =	shalt  }
0x53: {  	_ =	shalt  }
0x54: {  	_ =	shalt  }
0x55: {  	_ =	shalt  }
0x56: {  	_ =	shalt  }
0x57: {  	_ =	shalt  }
0x58: {  	_ =	shalt  }
0x59: {  	_ =	shalt  }
0x5a: {  	_ =	shalt  }
0x5b: {  	_ =	shalt  }
0x5c: {  	_ =	shalt  }
0x5d: {  	_ =	shalt  }
0x5e: {  	_ =	shalt  }
0x5f: {  	_ =	shalt  }
0x60: {  	_ =	shalt  }
0x61: {  	_ =	shalt  }
0x62: {  	_ =	shalt  }
0x63: {  	_ =	shalt  }
0x64: {  	_ =	shalt  }
0x65: {  	_ =	shalt  }
0x66: {  	_ =	shalt  }
0x67: {  	_ =	shalt  }
0x68: {  	_ =	shalt  }
0x69: {  	_ =	shalt  }
0x6a: {  	_ =	shalt  }
0x6b: {  	_ =	shalt  }
0x6c: {  	_ =	shalt  }
0x6d: {  	_ =	shalt  }
0x6e: {  	_ =	shalt  }
0x6f: {  	_ =	shalt  }
0x70: {  	_ =	shalt  }
0x71: {  	_ =	shalt  }
0x72: {  	_ =	shalt  }
0x73: {  	_ =	shalt  }
0x74: {  	_ =	shalt  }
0x75: {  	_ =	shalt  }
0x76: {  	_ =	shalt  }
0x77: {  	_ =	shalt  }
0x78: {  	_ =	shalt  }
0x79: {  	_ =	shalt  }
0x7a: {  	_ =	shalt  }
0x7b: {  	_ =	shalt  }
0x7c: {  	_ =	shalt  }
0x7d: {  	_ =	shalt  }
0x7e: {  	_ =	shalt  }
0x7f: {  	_ =	shalt  }
0x80: {  	_ =	shalt  }
0x81: {  	_ =	shalt  }
0x82: {  	_ =	shalt  }
0x83: {  	_ =	shalt  }
0x84: {  	_ =	shalt  }
0x85: {  	_ =	shalt  }
0x86: {  	_ =	shalt  }
0x87: {  	_ =	shalt  }
.Lfunc_end0:
.L_simem_size_0:
called_computation.1_lowered:
.L_overlay_start_0:
0x88: {  	s2 =	sld [smem:$0x3FD9]  }
0x89: {  	s3 =	sld [smem:$0x3FFE];
	_ =	sdelay $0x1  }
0x8a: {  	s1 =	srdreg.scid  }
0x8b: {  	s0 =	sand.u32 $0x1, s1  }
0x8c: {  	s17 =	sshll.u32 s0, $0xA;
	s2 =	sadd.s32 s3, s2  }
0x8d: {  	s2 =	sadd.s32 s2, s17  }
0x8e: {  	[smem:$0x3FB4] =	sst s2  }
0x8f: {  	_ = 	snop  }
0x90: {  	(tm) =	ssettm $0x1  }
0x91: {  	s18 =	sld [smem:$0x3FFB];
	_ =	sdelay $0x3  }
0x92: {  	_ =	strace s18  }
0x93: {  	s2 =	sld [smem:$0x3FFC];
	_ =	sdelay $0x3  }
0x94: {  	_ =	strace s2  }
0x95: {  	s2 =	sld [smem:$0x3FFD];
	_ =	sdelay $0x3  }
0x96: {  	_ =	strace s2  }
0x97: {  	_ =	strace $0x8FFFFFFF  }
0x98: {  	s19 =	sld [smem:$0x3FDB];
	_ =	sdelay $0x1  }
0x99: {  	s20 =	simm.s32 $_scs_section_size  }
0x9a: {  	s4 =	simm.s32 $_size__tile_overlayer_lowered;
	s5 =	simm.s32 $_tile_overlayer_lowered  }
0x9b: {  	s6 =	simm.s32 $0x1BFF;
	s21 =	sshll.u32 s5, $0x1;
	s3 =	sadd.s32 s20, s19  }
0x9c: {  	s22 =	simm.s32 $0x0;
	s4 =	sshll.u32 s4, $0x1;
	s5 =	sadd.s32 s21, s3  }
0x9d: {  	[timem:s22], [sflag:s6] =	dma.local [hbm:s5], s4  }
0x9e: {  	_ =	swait.ge [sflag:s6], s4  }
0x9f: {  	s4 =	ssub.s32 $0x0, s4;
	[sflag:s6] =	ssyncset.done $0x0  }
0xa0: {  	[sflag:s6] =	ssyncadd.s32 s4;
	_ =	sdelay $0x1  }
0xa1: {  	s23 =	simm.s32 $0x1B8B  }
0xa2: {  	_ =	swait.ge [sflag:s23], $0x1  }
0xa3: {  	[sflag:s23] =	ssyncset.done $0x0  }
0xa4: {  	[sflag:s23] =	ssyncadd.s32 $0xFFFFFFFF  }
0xa5: {  	s4 =	sld [smem:$0x0]  }
0xa6: {  	s5 =	sand.u32 $0xFFFFFFFE, s1  }
0xa7: {  	p0 =	sne.s32 s1, s5  }
0xa8: {  	s5 =	sshll.u32 @p0 s5, $0xE  }
0xa9: {  	s5 =	sadd.s32 @p0 $0x11B8D, s5;
	s6 =	sshll.u32 @p0 s4, $0x11  }
0xaa: {  	s5 =	sor.u32 @p0 s6, s5  }
0xab: {  	[sflag:s5] =	ssyncadd.remote.s32 @p0 $0x1;
	_ =	sdelay $0x1  }
0xac: {  	s5 =	simm.s32 @p0 $0x1B8D  }
0xad: {  	_ =	swait.eq @p0 [sflag:s5], $0x1  }
0xae: {  	[sflag:s5] =	ssyncadd.s32 @p0 $0xFFFFFFFF  }
0xaf: {  	s6 =	sshll.u32 @!p0 s1, $0xE  }
0xb0: {  	s6 =	sor.u32 @!p0 $0x4000, s6;
	s5 =	simm.s32 @!p0 $0x1B8D  }
0xb1: {  	s4 =	sshll.u32 @!p0 s4, $0x11;
	s6 =	sadd.s32 @!p0 $0x11B8D, s6;
	_ =	swait.eq @!p0 [sflag:s5], $0x1  }
0xb2: {  	s4 =	sor.u32 @!p0 s4, s6;
	[sflag:s5] =	ssyncadd.s32 @!p0 $0xFFFFFFFF  }
0xb3: {  	s25 =	simm.s32 $0x1B8E;
	s24 =	sld [smem:$0x3FFE];
	[sflag:s4] =	ssyncadd.remote.s32 @!p0 $0x1  }
0xb4: {  	s26 =	simm.s32 $execute0_lowered;
	[smem:$0x3FD2] =	sst s25  }
0xb5: {  	s5 =	sshll.u32 s26, $0x1;
	_ =	strace $0x80000049;
	[dreg:$0x1] =	wrdreg $0xFFFFFFFF  }
0xb6: {  	s28 =	simm.s32 $_size_execute0_lowered;
	s3 =	sadd.s32 s3, s5;
	[dreg:$0x0] =	wrdreg $0x0  }
0xb7: {  	s5 =	sshll.u32 s28, $0x1;
	[dreg:$0x2] =	wrdreg s3  }
0xb8: {  	[dreg:$0x3] =	wrdreg s5  }
0xb9: {  	[dreg:$0x4] =	wrdreg $0xC0  }
0xba: {  	_ =	task [dreg:s22], $0x5FFFF  }
0xbb: {  	[dreg:$0x1] =	wrdreg $0xFFFFFFFF  }
0xbc: {  	[dreg:$0x0] =	wrdreg $0x60  }
0xbd: {  	[dreg:$0x2] =	wrdreg s24  }
0xbe: {  	[dreg:$0x3] =	wrdreg $0x21000  }
0xbf: {  	[dreg:$0x4] =	wrdreg $0xA  }
0xc0: {  	_ =	task.clear_ibuf [dreg:s22], $0x5FFFF;
	_ =	strace $0x90000049  }
0xc1: {  	s29 =	simm.s32 $0xA;
	_ =	strace $0x8000004B  }
0xc2: {  	_ =	swait.ge [sflag:s29], $0x1  }
0xc3: {  	[sflag:s29] =	ssyncadd.s32 $0xFFFFFFFF  }
0xc4: {  	_ =	strace $0x9000004B  }
0xc5: {  	_ =	sfence  }
0xc6: {  	s30 =	sld [smem:$0x0];
	_ =	sdelay $0x2  }
0xc7: {  	s31 =	sshll.u32 s1, $0xD;
	s1 =	sshrl.u32 s1, $0x2  }
0xc8: {  	s4 =	sand.u32 $0x4000, s31;
	s1 =	sadd.s32 s1, s30  }
0xc9: {  	s0 =	sor.u32 s4, s0;
	s1 =	sshll.u32 s1, $0x11  }
0xca: {  	s0 =	sor.u32 s1, s0  }
0xcb: {  	s0 =	sadd.s32 $0x8F2B, s0  }
0xcc: {  	[sflag:s0] =	ssyncadd.remote.s32 $0x1  }
0xcd: {  	_ =	sfence.sel $0xFFFF  }
0xce: {  	[dreg:$0x0] =	wrdreg $0xFFFFFFFF;
	(pc) =	sbr.abs _section_cstart, $3  }
0xcf: {  	[dreg:$0x1] =	wrdreg $0xFFFFFFFF  }
0xd0: {  	_ =	task.clear_ibuf [dreg:s22], $0x2FFFF;
	_ =	strace $0x9FFFFFFF  }
0xd1: {  	(tm) =	ssettm $0x7FFFFFFF  }
tec
execute0_lowered:
.L_overlay_start_1:
0x0: {  	(tag) =	ssettag $0x1  }
0x1: {  	s9 =	rddreg [dreg:$0x0]  }
0x2: {  	s2 =	rddreg [dreg:$0x1]  }
0x3: {  	s0 =	rddreg [dreg:$0x2];
	s3 =	simm.s32 $0x0  }
0x4: {  	s4 =	srdreg.scid;
	s1 =	stileid.u32;
	s17 =	simm.s32 $0x1100  }
0x5: {  	s18 =	simm.s32 $0x2;
	s19 =	simm.s32 $0x3;
	s20 =	simm.s32 $0x80  }
0x6: {  	s21 =	simm.s32 $0x100;
	s22 =	simm.s32 $0x1;
	s28 =	simm.s32 $0x0  }
0x7: {  	[smem:$0x7FF] =	sst s3;
	s4 =	sand.u32 $0x1, s4;
	s10 =	smul.u32 $0x4E20, s1  }
0x8: {  	s5 =	sadd.s32 $0x3C00, s9;
	s6 =	sadd.s32 $0x74600, s9;
	s13 =	smul.u32 $0x13880, s1  }
0x9: {  	s7 =	sadd.s32 $0xC2800, s9;
	s8 =	smul.u32 $0x4E200, s4;
	s12 =	ssub.s32 $0x2, s4  }
0xa: {  	_ =	strace $0x8000004A;
	s14 =	sshrl.u32 s12, $0x1;
	s30 =	sshrl.u32 s13, $0x2  }
.Ltmp0:
0xb: {  	s11 =	sadd.s32 s10, s8;
	s8 =	sadd.s32 $0xC5000, s9;
	(pc) =	sbr.rel .LBB2_1-.Ltmp0, $4  }
0xc: {  	s16 =	ssub.s32 s12, s14;
	s10 =	sadd.s32 s10, s2;
	s31 =	sadd.s32 s30, s2  }
0xd: {  	s11 =	sshrl.u32 s11, $0x3;
	s12 =	sadd.s32 $0x2000, s31;
	s13 =	sadd.s32 $0x3000, s31  }
0xe: {  	s14 =	sadd.s32 $0x4000, s31;
	s16 =	smax.u32 s16, $0x1;
	s15 =	sadd.s32 s11, s9  }
0xf: {  	v0 =	vimm.f32 $0.0e+00;
	s9 =	sshll.u32 s1, $0x1;
	s11 =	sadd.s32 $0x1000, s31;
	s15 =	sadd.s32 $0xC7800, s15  }
.LBB2_9:
0x10: {  	s3 =	sadd.s32 $0x1, s3  }
0x11: {  	s23 =	sshll.u32 s1, $0x6;
	[bflag:$0x0] =	sbarrier.arrive $0xFFFF;
	p0 =	sne.s32 s3, s16  }
.Ltmp1:
0x12: {  	s24 =	sshrl.u32 s10, $0x3;
	s23 =	sor.u32 $0x1C02, s23;
	(pc) =	sbr.rel @!p0 .LBB2_10-.Ltmp1, $4  }
0x13: {  	[hbm:s15], [sflag:s23] =	dma.local [spmem:s24], $0x9C4  }
0x14: {  	_ =	swait.ge [sflag:s18], $0x9C4  }
0x15: {  	[sflag:s18] =	ssyncset.done $0x0  }
0x16: {  	[sflag:s18] =	ssyncadd.s32 $0xFFFFF63C  }
.LBB2_1:
0x17: {  	s23 =	simm.s32 $0x80;
	s24 =	simm.s32 $0x0  }
.LBB2_2:
0x18: {  	p0 =	sne.s32 s23, $0x3F80;
	[tilespmem:s24+$0x1100] =	vst v0;
	s25 =	smov.u32 s23;
	s23 =	sadd.s32 $0x80, s23  }
.Ltmp2:
0x19: {  	[tilespmem:s24+$0x1110] =	vst v0;
	(pc) =	sbr.rel @p0 .LBB2_2-.Ltmp2, $2  }
0x1a: {  	_ =	sdelay $0x2  }
0x1b: {  	s24 =	sshra.s32 s25, $0x2  }
0x1c: {  	[tilespmem:s24+$0x1100] =	vst v0  }
0x1d: {  	[tilespmem:s24+$0x1110] =	vst v0  }
0x1e: {  	[spmem:s10] =	stream.linear.scatter [tilespmem:s17], [sflag:$0x2], $0x1000, $0x38;
	[tilespmem:$0x6F20] =	vst v63  }
0x1f: {  	_ =	swait.ge [sflag:s18], $0x1000  }
0x20: {  	[sflag:s18] =	ssyncset.done $0x0  }
0x21: {  	[sflag:s18] =	ssyncadd.s32 $0xFFFFF000  }
0x22: {  	[spmem:s11] =	stream.linear.scatter [tilespmem:s17], [sflag:$0x2], $0x1000, $0x38;
	[tilespmem:$0x6F20] =	vst v63  }
0x23: {  	_ =	swait.ge [sflag:s18], $0x1000  }
0x24: {  	[sflag:s18] =	ssyncset.done $0x0  }
0x25: {  	[sflag:s18] =	ssyncadd.s32 $0xFFFFF000  }
0x26: {  	[spmem:s12] =	stream.linear.scatter [tilespmem:s17], [sflag:$0x2], $0x1000, $0x38;
	[tilespmem:$0x6F20] =	vst v63  }
0x27: {  	_ =	swait.ge [sflag:s18], $0x1000  }
0x28: {  	[sflag:s18] =	ssyncset.done $0x0  }
0x29: {  	[sflag:s18] =	ssyncadd.s32 $0xFFFFF000  }
0x2a: {  	[spmem:s13] =	stream.linear.scatter [tilespmem:s17], [sflag:$0x2], $0x1000, $0x38;
	[tilespmem:$0x6F20] =	vst v63  }
0x2b: {  	_ =	swait.ge [sflag:s18], $0x1000  }
0x2c: {  	[sflag:s18] =	ssyncset.done $0x0  }
0x2d: {  	[sflag:s18] =	ssyncadd.s32 $0xFFFFF000  }
0x2e: {  	[spmem:s14] =	stream.linear.scatter [tilespmem:s17], [sflag:$0x2], $0xE20, $0x38;
	[tilespmem:$0x6F20] =	vst v63  }
.Ltmp3:
0x2f: {  	_ =	swait.ge [sflag:s18], $0xE20;
	(pc) =	sbr.rel .LBB2_4-.Ltmp3, $4  }
0x30: {  	[sflag:s18] =	ssyncset.done $0x0  }
0x31: {  	[sflag:s18] =	ssyncadd.s32 $0xFFFFF1E0  }
0x32: {  	[bflag:$0x0] =	sbarrier.arrive $0xFFFF  }
0x33: {  	s23 =	simm.s32 $0x0  }
.LBB2_8:
0x34: {  	s23 =	sadd.s32 $0x1, s23  }
0x35: {  	p0 =	sne.s32 s23, $0x14  }
.Ltmp4:
0x36: {  	_ = 	snop;
	(pc) =	sbr.rel @!p0 .LBB2_9-.Ltmp4, $1  }
0x37: {  	_ =	sdelay $0x3  }
.LBB2_4:
0x38: {  	s24 =	sshll.u32 s23, $0x5  }
0x39: {  	s24 =	sor.u32 s24, s9  }
0x3a: {  	s24 =	sor.u32 s4, s24  }
0x3b: {  	p0 =	sgt.u32 s24, $0x270  }
.Ltmp5:
0x3c: {  	_ = 	snop;
	(pc) =	sbr.rel @p0 .LBB2_8-.Ltmp5, $1  }
0x3d: {  	_ =	sdelay $0x3  }
0x3e: {  	s25 =	sshll.u32 s24, $0x4  }
0x3f: {  	s26 =	sadd.s32 s7, s25  }
0x40: {  	[tilespmem:s28], [sflag:$0x3] =	stream.linear.gather [hbm4b:s26+s28], $0x80, $0x38;
	[tilespmem:$0x6F20] =	vst v63  }
0x41: {  	_ =	swait.ge [sflag:s19], $0x80  }
0x42: {  	[sflag:s19] =	ssyncset.done $0x0  }
0x43: {  	s25 =	sadd.s32 s8, s25;
	[sflag:s19] =	ssyncadd.s32 $0xFFFFFF80  }
0x44: {  	[tilespmem:s20], [sflag:$0x3] =	stream.linear.gather [hbm4b:s25+s28], $0x80, $0x38;
	[tilespmem:$0x6F20] =	vst v63  }
0x45: {  	_ =	swait.ge [sflag:s19], $0x80  }
0x46: {  	[sflag:s19] =	ssyncset.done $0x0  }
0x47: {  	[sflag:s19] =	ssyncadd.s32 $0xFFFFFF80  }
0x48: {  	[tilespmem:s21], [sflag:$0x1] =	stream.indirect.gather [hbm4b:s5+s20], $0x20, s28, s20, $0xb8;
	[tilespmem:$0x6F20] =	vst v63  }
0x49: {  	_ =	swait.ge [sflag:s22], $0x1000  }
0x4a: {  	s31 =	sshll.u32 s24, $0x9;
	[sflag:s22] =	ssyncset.done $0x0  }
0x4b: {  	s24 =	sadd.s32 s6, s31;
	[sflag:s22] =	ssyncadd.s32 $0xFFFFF000  }
0x4c: {  	[tilespmem:s17], [sflag:$0x3] =	stream.linear.gather [hbm4b:s24+s28], $0x1000, $0x38;
	[tilespmem:$0x6F20] =	vst v63  }
0x4d: {  	_ =	swait.ge [sflag:s19], $0x1000  }
0x4e: {  	[sflag:s19] =	ssyncset.done $0x0  }
0x4f: {  	s24 =	simm.s32 $0x0;
	[sflag:s19] =	ssyncadd.s32 $0xFFFFF000  }
0x50: {  	v1 =	vld [tilespmem:s24+$0x100]  }
0x51: {  	v2 =	vld [tilespmem:s24+$0x110]  }
0x52: {  	s25 =	simm.s32 $0x80;
	v3 =	vld [tilespmem:s24+$0x1100]  }
.LBB2_6:
0x53: {  	p0 =	sne.s32 s25, $0x3F80;
	v4 =	vld [tilespmem:s24+$0x1110];
	_ =	sdelay $0x2  }
.Ltmp6:
0x54: {  	(pc) =	sbr.rel @p0 .LBB2_6-.Ltmp6, $4  }
0x55: {  	s26 =	sshra.s32 s25, $0x2;
	v3 =	vmul.f32 v1, v3  }
0x56: {  	v1 =	vld [tilespmem:s26+$0x100];
	v4 =	vmul.f32 v2, v4  }
0x57: {  	v2 =	vld [tilespmem:s26+$0x110];
	[tilespmem:s24+$0x1100] =	vst v3  }
0x58: {  	s25 =	sadd.s32 $0x80, s25;
	v3 =	vld [tilespmem:s26+$0x1100];
	[tilespmem:s24+$0x1110] =	vst v4;
	s24 =	smov.u32 s26  }
0x59: {  	v4 =	vld [tilespmem:s24+$0x1110];
	_ =	sdelay $0x3  }
0x5a: {  	v1 =	vmul.f32 v1, v3  }
0x5b: {  	v2 =	vmul.f32 v2, v4  }
0x5c: {  	[tilespmem:s24+$0x1100] =	vst v1  }
.Ltmp7:
0x5d: {  	[tilespmem:s24+$0x1110] =	vst v2;
	(pc) =	sbr.rel .LBB2_8-.Ltmp7, $4  }
0x5e: {  	[spmem:s2] =	stream.indirect.scatter.add.f32 [tilespmem:s17], [sflag:$0x2], $0x20, s20, s20, $0xb8;
	[tilespmem:$0x6F20] =	vst v63  }
0x5f: {  	_ =	swait.ge [sflag:s18], $0x1000  }
0x60: {  	[sflag:s18] =	ssyncset.done $0x0  }
0x61: {  	[sflag:s18] =	ssyncadd.s32 $0xFFFFF000  }
.LBB2_10:
0x62: {  	_ =	sfence.sel $0x180000  }
0x63: {  	[bflag:$0x0] =	sbarrier.arrive $0xFFFF  }
0x64: {  	p0 =	sne.s32 s1, $0x0;
	_ =	strace $0x9000004A  }
0x65: {  	s0 =	sadd.s32 @!p0 $0x100000, s0;
	[bflag:$0x2] =	sbarrier.arrive $0xFFFF  }
0x66: {  	[sflag:s0] =	ssyncadd.tile.s32 @!p0 $0x1;
	_ =	shalt  }
.Lfunc_end2:
_tile_overlayer_lowered:
.L_overlay_start_2:
0x67: {  	(tag) =	ssettag $0x2  }
0x68: {  	s0 =	rddreg [dreg:$0x0];
	s2 =	stileid.u32  }
0x69: {  	s1 =	rddreg [dreg:$0x1];
	p0 =	sne.s32 s2, $0x0  }
0x6a: {  	s3 =	rddreg [dreg:$0x2];
	[bflag:$0x3] =	sbarrier.arrive $0xFFFF;
	s2 =	simm.s32 @!p0 $0x1C02  }
0x6b: {  	[timem:s3], [sflag:s2] =	dma.local @!p0 [hbm:s0], s1  }
0x6c: {  	s0 =	simm.s32 @!p0 $0x2  }
0x6d: {  	_ =	swait.ge @!p0 [sflag:s0], s1  }
0x6e: {  	s1 =	ssub.s32 @!p0 $0x0, s1;
	[sflag:s0] =	ssyncset.done @!p0 $0x0  }
0x6f: {  	[sflag:s0] =	ssyncadd.s32 @!p0 s1  }
0x70: {  	[bflag:$0x3] =	sbarrier.arrive $0xFFFF  }
0x71: {  	_ =	shalt  }

// kernel: kernel.23.cloned.1.call-start
scs
__scs_entry_jumppad:
0x0: {  	(pc) =	sbr.rel $0x88, $3  }
0x1: {  	(tag) =	ssettag $0x0;
	lr =	simm.s32 $0x1  }
0x2: {  	[smem:$0x3F8D] =	sst lr;
	_ =	strace $0xD0000000  }
0x3: {  	_ = 	snop  }
0x4: {  	_ = 	snop  }
0x5: {  	_ = 	snop  }
0x6: {  	_ = 	snop  }
0x7: {  	_ = 	snop  }
__scs_overlays_trampoline_lowered:
0x8: {  	[smem:$0x3F9C] =	sst s0  }
0x9: {  	[smem:$0x3F9D] =	sst s1  }
0xa: {  	[smem:$0x3F9E] =	sst s2  }
0xb: {  	[smem:$0x3F9F] =	sst s3  }
0xc: {  	[smem:$0x3FA0] =	sst s4  }
0xd: {  	[smem:$0x3FA1] =	sst s5  }
0xe: {  	[smem:$0x3FA2] =	sst s6  }
0xf: {  	[smem:$0x3FA3] =	sst s7  }
0x10: {  	[smem:$0x3FA4] =	sst s8  }
0x11: {  	[smem:$0x3FA5] =	sst s9;
	s0 =	simm.s32 @!p0 $0x0  }
0x12: {  	s1 =	sld [smem:$0x3F8B];
	s0 =	simm.s32 @p0 $0x1  }
0x13: {  	[smem:$0x3FA6] =	sst s0;
	s0 =	simm.s32 @!p1 $0x0  }
0x14: {  	s2 =	sld [smem:$0x3F8A];
	s0 =	simm.s32 @p1 $0x1  }
0x15: {  	[smem:$0x3FA7] =	sst s0;
	s0 =	simm.s32 @!p2 $0x0  }
0x16: {  	s3 =	sld [smem:$0x3FDB];
	s0 =	simm.s32 @p2 $0x1  }
0x17: {  	s4 =	simm.s32 $0x1BF5;
	[smem:$0x3FA9] =	sst s0  }
0x18: {  	s0 =	sld [smem:$0x3F8C];
	_ =	swait.ge [sflag:s4], $0x0  }
0x19: {  	s7 =	sld [smem:$0x3F8D]  }
0x1a: {  	s8 =	sadd.s32 $0xFFFFE003, lr  }
0x1b: {  	s9 =	sadd.s32 $0xFFFFFEF7, lr;
	s5 =	simm.s32 $0xFFFFFFFF;
	p2 =	slt.u32 s8, $0xFFFFF086  }
0x1c: {  	p1 =	slt.u32 s9, $0xF7A;
	s5 =	simm.s32 @!p2 $0x0  }
0x1d: {  	s5 =	simm.s32 @p1 $0x1;
	p0 =	seq.s32 s7, s2  }
0x1e: {  	s7 =	smul.u32 @!p0 $0xF7A, s2;
	p2 =	seq.s32 @!p0 s5, $0x0  }
0x1f: {  	s9 =	smul.u32 $0xF7A, s1;
	s8 =	simm.s32 @!p0 $0x1BF5;
	p2 =	por !p2, p0  }
0x20: {  	[sflag:s8] =	ssyncset.s32 @!p0 $0xFFFFF086;
	s6 =	sadd.s32 @!p0 s3, s7;
	s7 =	simm.s32 @!p0 $0x108  }
0x21: {  	s3 =	sadd.s32 s3, s9;
	s6 =	sadd.s32 @!p0 $0x88, s6;
	s7 =	simm.s32 @p2 $0x1082  }
0x22: {  	[simem:s7], [sflag:s8] =	dma.local @!p0 [hbm:s6], $0xF7A  }
0x23: {  	s9 =	sor.u32 $0xD0000000, s2;
	s6 =	simm.s32 $0x108;
	_ =	swait.ge @!p0 [sflag:s8], $0x0  }
0x24: {  	s3 =	sadd.s32 $0x88, s3;
	s6 =	simm.s32 @!p1 $0x1082;
	[sflag:s4] =	ssyncset.s32 $0xFFFFF086  }
0x25: {  	[simem:s6], [sflag:s4] =	dma.local [hbm:s3], $0xF7A  }
0x26: {  	[smem:$0x3F8D] =	sst s1;
	(tag) =	ssettag s2;
	_ =	strace s9  }
0x27: {  	s1 =	sld [smem:$0x3F9D]  }
0x28: {  	s2 =	sld [smem:$0x3F9E]  }
0x29: {  	s4 =	sld [smem:$0x3FA0]  }
0x2a: {  	p0 =	seq.s32 s5, $0x0;
	s5 =	sld [smem:$0x3FA1]  }
0x2b: {  	s6 =	sld [smem:$0x3FA2]  }
0x2c: {  	s7 =	sld [smem:$0x3FA3]  }
0x2d: {  	s3 =	simm.s32 $0x108;
	s8 =	sld [smem:$0x3FA4]  }
0x2e: {  	s3 =	simm.s32 @!p0 $0x1082;
	s9 =	sld [smem:$0x3FA5]  }
0x2f: {  	lr =	sadd.s32 s0, s3;
	s0 =	sld [smem:$0x3F9C]  }
0x30: {  	s3 =	sld [smem:$0x3F9F]  }
0x31: {  	[smem:$0x3FA8] =	sst s10  }
0x32: {  	s10 =	sld [smem:$0x3FA6];
	_ =	sdelay $0x3  }
0x33: {  	p0 =	seq.s32 s10, $0x1;
	s10 =	sld [smem:$0x3FA8];
	_ =	sdelay $0x3  }
0x34: {  	[smem:$0x3FA8] =	sst s10  }
0x35: {  	s10 =	sld [smem:$0x3FA7];
	_ =	sdelay $0x3  }
0x36: {  	p1 =	seq.s32 s10, $0x1;
	s10 =	sld [smem:$0x3FA8];
	_ =	sdelay $0x3  }
0x37: {  	[smem:$0x3FA8] =	sst s10  }
0x38: {  	s10 =	sld [smem:$0x3FA9]  }
0x39: {  	_ = 	snop;
	(pc) =	sbr.ind lr, $3  }
0x3a: {  	_ = 	snop  }
0x3b: {  	_ = 	snop  }
0x3c: {  	p2 =	seq.s32 s10, $0x1;
	s10 =	sld [smem:$0x3FA8]  }
0x3d: {  	_ =	shalt  }
0x3e: {  	_ =	shalt  }
0x3f: {  	_ =	shalt  }
0x40: {  	_ =	shalt  }
0x41: {  	_ =	shalt  }
0x42: {  	_ =	shalt  }
0x43: {  	_ =	shalt  }
0x44: {  	_ =	shalt  }
0x45: {  	_ =	shalt  }
0x46: {  	_ =	shalt  }
0x47: {  	_ =	shalt  }
0x48: {  	_ =	shalt  }
0x49: {  	_ =	shalt  }
0x4a: {  	_ =	shalt  }
0x4b: {  	_ =	shalt  }
0x4c: {  	_ =	shalt  }
0x4d: {  	_ =	shalt  }
0x4e: {  	_ =	shalt  }
0x4f: {  	_ =	shalt  }
0x50: {  	_ =	shalt  }
0x51: {  	_ =	shalt  }
0x52: {  	_ =	shalt  }
0x53: {  	_ =	shalt  }
0x54: {  	_ =	shalt  }
0x55: {  	_ =	shalt  }
0x56: {  	_ =	shalt  }
0x57: {  	_ =	shalt  }
0x58: {  	_ =	shalt  }
0x59: {  	_ =	shalt  }
0x5a: {  	_ =	shalt  }
0x5b: {  	_ =	shalt  }
0x5c: {  	_ =	shalt  }
0x5d: {  	_ =	shalt  }
0x5e: {  	_ =	shalt  }
0x5f: {  	_ =	shalt  }
0x60: {  	_ =	shalt  }
0x61: {  	_ =	shalt  }
0x62: {  	_ =	shalt  }
0x63: {  	_ =	shalt  }
0x64: {  	_ =	shalt  }
0x65: {  	_ =	shalt  }
0x66: {  	_ =	shalt  }
0x67: {  	_ =	shalt  }
0x68: {  	_ =	shalt  }
0x69: {  	_ =	shalt  }
0x6a: {  	_ =	shalt  }
0x6b: {  	_ =	shalt  }
0x6c: {  	_ =	shalt  }
0x6d: {  	_ =	shalt  }
0x6e: {  	_ =	shalt  }
0x6f: {  	_ =	shalt  }
0x70: {  	_ =	shalt  }
0x71: {  	_ =	shalt  }
0x72: {  	_ =	shalt  }
0x73: {  	_ =	shalt  }
0x74: {  	_ =	shalt  }
0x75: {  	_ =	shalt  }
0x76: {  	_ =	shalt  }
0x77: {  	_ =	shalt  }
0x78: {  	_ =	shalt  }
0x79: {  	_ =	shalt  }
0x7a: {  	_ =	shalt  }
0x7b: {  	_ =	shalt  }
0x7c: {  	_ =	shalt  }
0x7d: {  	_ =	shalt  }
0x7e: {  	_ =	shalt  }
0x7f: {  	_ =	shalt  }
0x80: {  	_ =	shalt  }
0x81: {  	_ =	shalt  }
0x82: {  	_ =	shalt  }
0x83: {  	_ =	shalt  }
0x84: {  	_ =	shalt  }
0x85: {  	_ =	shalt  }
0x86: {  	_ =	shalt  }
0x87: {  	_ =	shalt  }
.Lfunc_end0:
.L_simem_size_0:
called_computation.2_lowered:
.L_overlay_start_0:
0x88: {  	s2 =	sld [smem:$0x3FD9]  }
0x89: {  	s3 =	sld [smem:$0x3FFE];
	_ =	sdelay $0x1  }
0x8a: {  	s1 =	srdreg.scid  }
0x8b: {  	s0 =	sand.u32 $0x1, s1  }
0x8c: {  	s16 =	sshll.u32 s0, $0xA;
	s2 =	sadd.s32 s3, s2  }
0x8d: {  	s2 =	sadd.s32 s2, s16  }
0x8e: {  	[smem:$0x3FB4] =	sst s2  }
0x8f: {  	_ = 	snop  }
0x90: {  	(tm) =	ssettm $0x1  }
0x91: {  	s17 =	sld [smem:$0x3FFB];
	_ =	sdelay $0x3  }
0x92: {  	_ =	strace s17  }
0x93: {  	s2 =	sld [smem:$0x3FFC];
	_ =	sdelay $0x3  }
0x94: {  	_ =	strace s2  }
0x95: {  	s2 =	sld [smem:$0x3FFD];
	_ =	sdelay $0x3  }
0x96: {  	_ =	strace s2  }
0x97: {  	_ =	strace $0x8FFFFFFF  }
0x98: {  	s18 =	sld [smem:$0x3FDB];
	_ =	sdelay $0x1  }
0x99: {  	s19 =	simm.s32 $_scs_section_size  }
0x9a: {  	s4 =	simm.s32 $_size__tile_overlayer_lowered;
	s5 =	simm.s32 $_tile_overlayer_lowered  }
0x9b: {  	s22 =	simm.s32 $0x1BFF;
	s21 =	sshll.u32 s5, $0x1;
	s2 =	sadd.s32 s19, s18  }
0x9c: {  	s6 =	simm.s32 $0x0;
	s20 =	sshll.u32 s4, $0x1;
	s4 =	sadd.s32 s21, s2  }
0x9d: {  	[timem:s6], [sflag:s22] =	dma.local [hbm:s4], s20  }
0x9e: {  	_ =	swait.ge [sflag:s22], s20  }
0x9f: {  	s3 =	ssub.s32 $0x0, s20;
	[sflag:s22] =	ssyncset.done $0x0  }
0xa0: {  	[sflag:s22] =	ssyncadd.s32 s3;
	_ =	sdelay $0x1  }
0xa1: {  	s23 =	simm.s32 $0x1B8B  }
0xa2: {  	_ =	swait.ge [sflag:s23], $0x1  }
0xa3: {  	[sflag:s23] =	ssyncset.done $0x0  }
0xa4: {  	s25 =	simm.s32 $0x1B8E;
	s24 =	sld [smem:$0x3FFE];
	[sflag:s23] =	ssyncadd.s32 $0xFFFFFFFF  }
0xa5: {  	s26 =	simm.s32 $execute0_lowered;
	[smem:$0x3FD2] =	sst s25  }
0xa6: {  	s4 =	sshll.u32 s26, $0x1;
	_ =	strace $0x8000004C;
	[dreg:$0x1] =	wrdreg $0xFFFFFFFF  }
0xa7: {  	s28 =	simm.s32 $_size_execute0_lowered;
	s2 =	sadd.s32 s2, s4;
	[dreg:$0x0] =	wrdreg $0x0  }
0xa8: {  	s4 =	sshll.u32 s28, $0x1;
	[dreg:$0x2] =	wrdreg s2  }
0xa9: {  	[dreg:$0x3] =	wrdreg s4  }
0xaa: {  	[dreg:$0x4] =	wrdreg $0xC0  }
0xab: {  	_ =	task [dreg:s6], $0x5FFFF  }
0xac: {  	[dreg:$0x1] =	wrdreg $0xFFFFFFFF  }
0xad: {  	[dreg:$0x0] =	wrdreg $0x60  }
0xae: {  	[dreg:$0x2] =	wrdreg s24  }
0xaf: {  	[dreg:$0x3] =	wrdreg $0x9  }
0xb0: {  	_ =	task.clear_ibuf [dreg:s6], $0x4FFFF;
	_ =	strace $0x9000004C  }
0xb1: {  	s29 =	simm.s32 $0x9;
	_ =	strace $0x8000004E  }
0xb2: {  	_ =	swait.ge [sflag:s29], $0x1  }
0xb3: {  	[sflag:s29] =	ssyncadd.s32 $0xFFFFFFFF  }
0xb4: {  	_ =	strace $0x9000004E  }
0xb5: {  	_ =	sfence  }
0xb6: {  	s30 =	sld [smem:$0x0];
	_ =	sdelay $0x2  }
0xb7: {  	s31 =	sshll.u32 s1, $0xD;
	s1 =	sshrl.u32 s1, $0x2  }
0xb8: {  	s3 =	sand.u32 $0x4000, s31;
	s1 =	sadd.s32 s1, s30  }
0xb9: {  	s0 =	sor.u32 s3, s0;
	s1 =	sshll.u32 s1, $0x11  }
0xba: {  	s0 =	sor.u32 s1, s0  }
0xbb: {  	s0 =	sadd.s32 $0x8F2B, s0  }
0xbc: {  	[sflag:s0] =	ssyncadd.remote.s32 $0x1  }
0xbd: {  	_ =	sfence.sel $0xFFFF  }
0xbe: {  	[dreg:$0x0] =	wrdreg $0xFFFFFFFF;
	(pc) =	sbr.abs _section_cstart, $3  }
0xbf: {  	[dreg:$0x1] =	wrdreg $0xFFFFFFFF  }
0xc0: {  	_ =	task.clear_ibuf [dreg:s6], $0x2FFFF;
	_ =	strace $0x9FFFFFFF  }
0xc1: {  	(tm) =	ssettm $0x7FFFFFFF  }
tec
execute0_lowered:
.L_overlay_start_1:
0x0: {  	(tag) =	ssettag $0x1  }
0x1: {  	s4 =	rddreg [dreg:$0x0]  }
0x2: {  	s0 =	rddreg [dreg:$0x1];
	s1 =	simm.s32 $0x0;
	s5 =	srdreg.scid  }
0x3: {  	s2 =	stileid.u32;
	[smem:$0x7FF] =	sst s1  }
0x4: {  	s3 =	sadd.s32 $0x2AE00, s4;
	s5 =	sand.u32 $0x1, s5;
	s6 =	sshll.u32 s2, $0x5  }
0x5: {  	s7 =	sshll.u32 s2, $0xA;
	_ =	strace $0x8000004D;
	s8 =	ssub.s32 $0x2, s5  }
0x6: {  	s6 =	sadd.s32 s6, s4;
	s7 =	sadd.s32 s7, s4;
	s9 =	sshll.u32 s5, $0x9  }
0x7: {  	s5 =	sshll.u32 s5, $0x4;
	s4 =	sshll.u32 s2, $0x1;
	s30 =	sshrl.u32 s8, $0x1  }
0x8: {  	s7 =	sadd.s32 s9, s7;
	s31 =	sadd.s32 s5, s6;
	s8 =	ssub.s32 s8, s30  }
0x9: {  	s6 =	sadd.s32 $0x34C00, s7;
	s7 =	sadd.s32 $0xDB200, s31;
	s5 =	smax.u32 s8, $0x1  }
.LBB2_1:
0xa: {  	s8 =	sadd.s32 $0x0, s4  }
0xb: {  	p0 =	sgt.u32 s8, $0x12B  }
0xc: {  	s8 =	simm.s32 @!p0 $0x0;
	s9 =	simm.s32 @!p0 $0x3  }
0xd: {  	[tilespmem:s8], [sflag:$0x3] =	stream.linear.gather @!p0 [hbm4b:s7+s8], $0x80, $0x38;
	[tilespmem:$0x1080] =	vst v63  }
0xe: {  	_ =	swait.ge @!p0 [sflag:s9], $0x80  }
0xf: {  	[sflag:s9] =	ssyncset.done @!p0 $0x0;
	p0 =	por p0, p0  }
0x10: {  	[sflag:s9] =	ssyncadd.s32 @!p0 $0xFFFFFF80;
	s10 =	simm.s32 @!p0 $0x80;
	s11 =	simm.s32 @!p0 $0x1  }
0x11: {  	[tilespmem:s10], [sflag:$0x1] =	stream.indirect.gather @!p0 [hbm4b:s3+s10], $0x20, s8, s10, $0xb8;
	[tilespmem:$0x1080] =	vst v63  }
0x12: {  	_ =	swait.ge @!p0 [sflag:s11], $0x1000  }
0x13: {  	[sflag:s11] =	ssyncset.done @!p0 $0x0  }
0x14: {  	s31 =	sadd.s32 $0x20, s4;
	[sflag:s11] =	ssyncadd.s32 @!p0 $0xFFFFF000;
	s11 =	simm.s32 @!p0 $0x2  }
0x15: {  	[hbm4b:s6+s8] =	stream.linear.scatter @!p0 [tilespmem:s10], [sflag:$0x2], $0x1000, $0x38;
	[tilespmem:$0x1080] =	vst v63  }
0x16: {  	p1 =	sgt.u32 s31, $0x12B;
	s9 =	simm.s32 $0x40;
	_ =	swait.ge @!p0 [sflag:s11], $0x1000  }
0x17: {  	s10 =	sadd.s32 $0x200, s7;
	s8 =	sadd.s32 $0x4000, s6;
	[sflag:s11] =	ssyncset.done @!p0 $0x0  }
.LBB2_2:
0x18: {  	s12 =	simm.s32 @!p1 $0x0;
	s13 =	simm.s32 @!p1 $0x3;
	[sflag:s11] =	ssyncadd.s32 @!p0 $0xFFFFF000  }
0x19: {  	[tilespmem:s12], [sflag:$0x3] =	stream.linear.gather @!p1 [hbm4b:s10+s12], $0x80, $0x38;
	[tilespmem:$0x1080] =	vst v63  }
0x1a: {  	s14 =	smov.u32 s9;
	s9 =	sadd.s32 $0x20, s9;
	_ =	swait.ge @!p1 [sflag:s13], $0x80  }
0x1b: {  	p0 =	por p1, p1;
	p2 =	sne.s32 s9, $0x140;
	[sflag:s13] =	ssyncset.done @!p1 $0x0  }
0x1c: {  	s11 =	simm.s32 @!p0 $0x1;
	[sflag:s13] =	ssyncadd.s32 @!p0 $0xFFFFFF80;
	s13 =	simm.s32 @!p0 $0x80  }
0x1d: {  	[tilespmem:s13], [sflag:$0x1] =	stream.indirect.gather @!p0 [hbm4b:s3+s13], $0x20, s12, s13, $0xb8;
	[tilespmem:$0x1080] =	vst v63  }
0x1e: {  	_ =	swait.ge @!p0 [sflag:s11], $0x1000  }
.Ltmp0:
0x1f: {  	[sflag:s11] =	ssyncset.done @!p0 $0x0;
	(pc) =	sbr.rel @p2 .LBB2_2-.Ltmp0, $4  }
0x20: {  	[sflag:s11] =	ssyncadd.s32 @!p0 $0xFFFFF000;
	s11 =	simm.s32 @!p0 $0x2  }
0x21: {  	[hbm4b:s8+s12] =	stream.linear.scatter @!p0 [tilespmem:s13], [sflag:$0x2], $0x1000, $0x38;
	[tilespmem:$0x1080] =	vst v63  }
0x22: {  	s10 =	sadd.s32 $0x200, s10;
	s12 =	sadd.s32 s14, s4;
	_ =	swait.ge @!p0 [sflag:s11], $0x1000  }
0x23: {  	s8 =	sadd.s32 $0x4000, s8;
	p1 =	sgt.u32 s12, $0x12B;
	[sflag:s11] =	ssyncset.done @!p0 $0x0  }
0x24: {  	s9 =	simm.s32 @!p1 $0x0;
	s12 =	simm.s32 @!p1 $0x3;
	[sflag:s11] =	ssyncadd.s32 @!p0 $0xFFFFF000  }
0x25: {  	[tilespmem:s9], [sflag:$0x3] =	stream.linear.gather @!p1 [hbm4b:s10+s9], $0x80, $0x38;
	[tilespmem:$0x1080] =	vst v63  }
0x26: {  	_ =	swait.ge @!p1 [sflag:s12], $0x80  }
0x27: {  	p0 =	por p1, p1;
	[sflag:s12] =	ssyncset.done @!p1 $0x0  }
0x28: {  	s10 =	simm.s32 @!p0 $0x80;
	s11 =	simm.s32 @!p0 $0x1;
	[sflag:s12] =	ssyncadd.s32 @!p0 $0xFFFFFF80  }
0x29: {  	[tilespmem:s10], [sflag:$0x1] =	stream.indirect.gather @!p0 [hbm4b:s3+s10], $0x20, s9, s10, $0xb8;
	[tilespmem:$0x1080] =	vst v63  }
0x2a: {  	s1 =	sadd.s32 $0x1, s1;
	_ =	swait.ge @!p0 [sflag:s11], $0x1000  }
0x2b: {  	p1 =	sne.s32 s1, s5;
	[sflag:s11] =	ssyncset.done @!p0 $0x0  }
.Ltmp1:
0x2c: {  	[sflag:s11] =	ssyncadd.s32 @!p0 $0xFFFFF000;
	s11 =	simm.s32 @!p0 $0x2;
	(pc) =	sbr.rel @p1 .LBB2_1-.Ltmp1, $4  }
0x2d: {  	[hbm4b:s8+s9] =	stream.linear.scatter @!p0 [tilespmem:s10], [sflag:$0x2], $0x1000, $0x38;
	[tilespmem:$0x1080] =	vst v63  }
0x2e: {  	_ =	swait.ge @!p0 [sflag:s11], $0x1000  }
0x2f: {  	[sflag:s11] =	ssyncset.done @!p0 $0x0  }
0x30: {  	[sflag:s11] =	ssyncadd.s32 @!p0 $0xFFFFF000  }
0x31: {  	_ =	sfence.sel $0x180000  }
0x32: {  	[bflag:$0x0] =	sbarrier.arrive $0xFFFF  }
0x33: {  	p0 =	sne.s32 s2, $0x0;
	_ =	strace $0x9000004D  }
0x34: {  	s0 =	sadd.s32 @!p0 $0x100000, s0;
	[bflag:$0x2] =	sbarrier.arrive $0xFFFF  }
0x35: {  	[sflag:s0] =	ssyncadd.tile.s32 @!p0 $0x1;
	_ =	shalt  }
.Lfunc_end2:
_tile_overlayer_lowered:
.L_overlay_start_2:
0x36: {  	(tag) =	ssettag $0x2  }
0x37: {  	s0 =	rddreg [dreg:$0x0];
	s2 =	stileid.u32  }
0x38: {  	s1 =	rddreg [dreg:$0x1];
	p0 =	sne.s32 s2, $0x0  }
0x39: {  	s3 =	rddreg [dreg:$0x2];
	[bflag:$0x3] =	sbarrier.arrive $0xFFFF;
	s2 =	simm.s32 @!p0 $0x1C02  }
0x3a: {  	[timem:s3], [sflag:s2] =	dma.local @!p0 [hbm:s0], s1  }
0x3b: {  	s0 =	simm.s32 @!p0 $0x2  }
0x3c: {  	_ =	swait.ge @!p0 [sflag:s0], s1  }
0x3d: {  	s1 =	ssub.s32 @!p0 $0x0, s1;
	[sflag:s0] =	ssyncset.done @!p0 $0x0  }
0x3e: {  	[sflag:s0] =	ssyncadd.s32 @!p0 s1  }
0x3f: {  	[bflag:$0x3] =	sbarrier.arrive $0xFFFF  }
0x40: {  	_ =	shalt  }

// kernel: kernel.26.cloned.1.call-start
scs
__scs_entry_jumppad:
0x0: {  	(pc) =	sbr.rel $0x88, $3  }
0x1: {  	(tag) =	ssettag $0x0;
	lr =	simm.s32 $0x1  }
0x2: {  	[smem:$0x3F8D] =	sst lr;
	_ =	strace $0xD0000000  }
0x3: {  	_ = 	snop  }
0x4: {  	_ = 	snop  }
0x5: {  	_ = 	snop  }
0x6: {  	_ = 	snop  }
0x7: {  	_ = 	snop  }
__scs_overlays_trampoline_lowered:
0x8: {  	[smem:$0x3F9C] =	sst s0  }
0x9: {  	[smem:$0x3F9D] =	sst s1  }
0xa: {  	[smem:$0x3F9E] =	sst s2  }
0xb: {  	[smem:$0x3F9F] =	sst s3  }
0xc: {  	[smem:$0x3FA0] =	sst s4  }
0xd: {  	[smem:$0x3FA1] =	sst s5  }
0xe: {  	[smem:$0x3FA2] =	sst s6  }
0xf: {  	[smem:$0x3FA3] =	sst s7  }
0x10: {  	[smem:$0x3FA4] =	sst s8  }
0x11: {  	[smem:$0x3FA5] =	sst s9;
	s0 =	simm.s32 @!p0 $0x0  }
0x12: {  	s1 =	sld [smem:$0x3F8B];
	s0 =	simm.s32 @p0 $0x1  }
0x13: {  	[smem:$0x3FA6] =	sst s0;
	s0 =	simm.s32 @!p1 $0x0  }
0x14: {  	s2 =	sld [smem:$0x3F8A];
	s0 =	simm.s32 @p1 $0x1  }
0x15: {  	[smem:$0x3FA7] =	sst s0;
	s0 =	simm.s32 @!p2 $0x0  }
0x16: {  	s3 =	sld [smem:$0x3FDB];
	s0 =	simm.s32 @p2 $0x1  }
0x17: {  	s4 =	simm.s32 $0x1BF5;
	[smem:$0x3FA9] =	sst s0  }
0x18: {  	s0 =	sld [smem:$0x3F8C];
	_ =	swait.ge [sflag:s4], $0x0  }
0x19: {  	s7 =	sld [smem:$0x3F8D]  }
0x1a: {  	s8 =	sadd.s32 $0xFFFFE003, lr  }
0x1b: {  	s9 =	sadd.s32 $0xFFFFFEF7, lr;
	s5 =	simm.s32 $0xFFFFFFFF;
	p2 =	slt.u32 s8, $0xFFFFF086  }
0x1c: {  	p1 =	slt.u32 s9, $0xF7A;
	s5 =	simm.s32 @!p2 $0x0  }
0x1d: {  	s5 =	simm.s32 @p1 $0x1;
	p0 =	seq.s32 s7, s2  }
0x1e: {  	s7 =	smul.u32 @!p0 $0xF7A, s2;
	p2 =	seq.s32 @!p0 s5, $0x0  }
0x1f: {  	s9 =	smul.u32 $0xF7A, s1;
	s8 =	simm.s32 @!p0 $0x1BF5;
	p2 =	por !p2, p0  }
0x20: {  	[sflag:s8] =	ssyncset.s32 @!p0 $0xFFFFF086;
	s6 =	sadd.s32 @!p0 s3, s7;
	s7 =	simm.s32 @!p0 $0x108  }
0x21: {  	s3 =	sadd.s32 s3, s9;
	s6 =	sadd.s32 @!p0 $0x88, s6;
	s7 =	simm.s32 @p2 $0x1082  }
0x22: {  	[simem:s7], [sflag:s8] =	dma.local @!p0 [hbm:s6], $0xF7A  }
0x23: {  	s9 =	sor.u32 $0xD0000000, s2;
	s6 =	simm.s32 $0x108;
	_ =	swait.ge @!p0 [sflag:s8], $0x0  }
0x24: {  	s3 =	sadd.s32 $0x88, s3;
	s6 =	simm.s32 @!p1 $0x1082;
	[sflag:s4] =	ssyncset.s32 $0xFFFFF086  }
0x25: {  	[simem:s6], [sflag:s4] =	dma.local [hbm:s3], $0xF7A  }
0x26: {  	[smem:$0x3F8D] =	sst s1;
	(tag) =	ssettag s2;
	_ =	strace s9  }
0x27: {  	s1 =	sld [smem:$0x3F9D]  }
0x28: {  	s2 =	sld [smem:$0x3F9E]  }
0x29: {  	s4 =	sld [smem:$0x3FA0]  }
0x2a: {  	p0 =	seq.s32 s5, $0x0;
	s5 =	sld [smem:$0x3FA1]  }
0x2b: {  	s6 =	sld [smem:$0x3FA2]  }
0x2c: {  	s7 =	sld [smem:$0x3FA3]  }
0x2d: {  	s3 =	simm.s32 $0x108;
	s8 =	sld [smem:$0x3FA4]  }
0x2e: {  	s3 =	simm.s32 @!p0 $0x1082;
	s9 =	sld [smem:$0x3FA5]  }
0x2f: {  	lr =	sadd.s32 s0, s3;
	s0 =	sld [smem:$0x3F9C]  }
0x30: {  	s3 =	sld [smem:$0x3F9F]  }
0x31: {  	[smem:$0x3FA8] =	sst s10  }
0x32: {  	s10 =	sld [smem:$0x3FA6];
	_ =	sdelay $0x3  }
0x33: {  	p0 =	seq.s32 s10, $0x1;
	s10 =	sld [smem:$0x3FA8];
	_ =	sdelay $0x3  }
0x34: {  	[smem:$0x3FA8] =	sst s10  }
0x35: {  	s10 =	sld [smem:$0x3FA7];
	_ =	sdelay $0x3  }
0x36: {  	p1 =	seq.s32 s10, $0x1;
	s10 =	sld [smem:$0x3FA8];
	_ =	sdelay $0x3  }
0x37: {  	[smem:$0x3FA8] =	sst s10  }
0x38: {  	s10 =	sld [smem:$0x3FA9]  }
0x39: {  	_ = 	snop;
	(pc) =	sbr.ind lr, $3  }
0x3a: {  	_ = 	snop  }
0x3b: {  	_ = 	snop  }
0x3c: {  	p2 =	seq.s32 s10, $0x1;
	s10 =	sld [smem:$0x3FA8]  }
0x3d: {  	_ =	shalt  }
0x3e: {  	_ =	shalt  }
0x3f: {  	_ =	shalt  }
0x40: {  	_ =	shalt  }
0x41: {  	_ =	shalt  }
0x42: {  	_ =	shalt  }
0x43: {  	_ =	shalt  }
0x44: {  	_ =	shalt  }
0x45: {  	_ =	shalt  }
0x46: {  	_ =	shalt  }
0x47: {  	_ =	shalt  }
0x48: {  	_ =	shalt  }
0x49: {  	_ =	shalt  }
0x4a: {  	_ =	shalt  }
0x4b: {  	_ =	shalt  }
0x4c: {  	_ =	shalt  }
0x4d: {  	_ =	shalt  }
0x4e: {  	_ =	shalt  }
0x4f: {  	_ =	shalt  }
0x50: {  	_ =	shalt  }
0x51: {  	_ =	shalt  }
0x52: {  	_ =	shalt  }
0x53: {  	_ =	shalt  }
0x54: {  	_ =	shalt  }
0x55: {  	_ =	shalt  }
0x56: {  	_ =	shalt  }
0x57: {  	_ =	shalt  }
0x58: {  	_ =	shalt  }
0x59: {  	_ =	shalt  }
0x5a: {  	_ =	shalt  }
0x5b: {  	_ =	shalt  }
0x5c: {  	_ =	shalt  }
0x5d: {  	_ =	shalt  }
0x5e: {  	_ =	shalt  }
0x5f: {  	_ =	shalt  }
0x60: {  	_ =	shalt  }
0x61: {  	_ =	shalt  }
0x62: {  	_ =	shalt  }
0x63: {  	_ =	shalt  }
0x64: {  	_ =	shalt  }
0x65: {  	_ =	shalt  }
0x66: {  	_ =	shalt  }
0x67: {  	_ =	shalt  }
0x68: {  	_ =	shalt  }
0x69: {  	_ =	shalt  }
0x6a: {  	_ =	shalt  }
0x6b: {  	_ =	shalt  }
0x6c: {  	_ =	shalt  }
0x6d: {  	_ =	shalt  }
0x6e: {  	_ =	shalt  }
0x6f: {  	_ =	shalt  }
0x70: {  	_ =	shalt  }
0x71: {  	_ =	shalt  }
0x72: {  	_ =	shalt  }
0x73: {  	_ =	shalt  }
0x74: {  	_ =	shalt  }
0x75: {  	_ =	shalt  }
0x76: {  	_ =	shalt  }
0x77: {  	_ =	shalt  }
0x78: {  	_ =	shalt  }
0x79: {  	_ =	shalt  }
0x7a: {  	_ =	shalt  }
0x7b: {  	_ =	shalt  }
0x7c: {  	_ =	shalt  }
0x7d: {  	_ =	shalt  }
0x7e: {  	_ =	shalt  }
0x7f: {  	_ =	shalt  }
0x80: {  	_ =	shalt  }
0x81: {  	_ =	shalt  }
0x82: {  	_ =	shalt  }
0x83: {  	_ =	shalt  }
0x84: {  	_ =	shalt  }
0x85: {  	_ =	shalt  }
0x86: {  	_ =	shalt  }
0x87: {  	_ =	shalt  }
.Lfunc_end0:
.L_simem_size_0:
called_computation.3_lowered:
.L_overlay_start_0:
0x88: {  	s2 =	sld [smem:$0x3FD9]  }
0x89: {  	s3 =	sld [smem:$0x3FFE];
	_ =	sdelay $0x1  }
0x8a: {  	s1 =	srdreg.scid  }
0x8b: {  	s0 =	sand.u32 $0x1, s1  }
0x8c: {  	s17 =	sshll.u32 s0, $0xA;
	s2 =	sadd.s32 s3, s2  }
0x8d: {  	s2 =	sadd.s32 s2, s17  }
0x8e: {  	[smem:$0x3FB4] =	sst s2  }
0x8f: {  	_ = 	snop  }
0x90: {  	(tm) =	ssettm $0x1  }
0x91: {  	s18 =	sld [smem:$0x3FFB];
	_ =	sdelay $0x3  }
0x92: {  	_ =	strace s18  }
0x93: {  	s2 =	sld [smem:$0x3FFC];
	_ =	sdelay $0x3  }
0x94: {  	_ =	strace s2  }
0x95: {  	s2 =	sld [smem:$0x3FFD];
	_ =	sdelay $0x3  }
0x96: {  	_ =	strace s2  }
0x97: {  	_ =	strace $0x8FFFFFFF  }
0x98: {  	s19 =	sld [smem:$0x3FDB];
	_ =	sdelay $0x1  }
0x99: {  	s20 =	simm.s32 $_scs_section_size  }
0x9a: {  	s4 =	simm.s32 $_size__tile_overlayer_lowered;
	s5 =	simm.s32 $_tile_overlayer_lowered  }
0x9b: {  	s6 =	simm.s32 $0x1BFF;
	s21 =	sshll.u32 s5, $0x1;
	s3 =	sadd.s32 s20, s19  }
0x9c: {  	s22 =	simm.s32 $0x0;
	s4 =	sshll.u32 s4, $0x1;
	s5 =	sadd.s32 s21, s3  }
0x9d: {  	[timem:s22], [sflag:s6] =	dma.local [hbm:s5], s4  }
0x9e: {  	_ =	swait.ge [sflag:s6], s4  }
0x9f: {  	s4 =	ssub.s32 $0x0, s4;
	[sflag:s6] =	ssyncset.done $0x0  }
0xa0: {  	[sflag:s6] =	ssyncadd.s32 s4;
	_ =	sdelay $0x1  }
0xa1: {  	s23 =	simm.s32 $0x1B8B  }
0xa2: {  	_ =	swait.ge [sflag:s23], $0x1  }
0xa3: {  	[sflag:s23] =	ssyncset.done $0x0  }
0xa4: {  	[sflag:s23] =	ssyncadd.s32 $0xFFFFFFFF  }
0xa5: {  	s4 =	sld [smem:$0x0]  }
0xa6: {  	s5 =	sand.u32 $0xFFFFFFFE, s1  }
0xa7: {  	p0 =	sne.s32 s1, s5  }
0xa8: {  	s5 =	sshll.u32 @p0 s5, $0xE  }
0xa9: {  	s5 =	sadd.s32 @p0 $0x11B8D, s5;
	s6 =	sshll.u32 @p0 s4, $0x11  }
0xaa: {  	s5 =	sor.u32 @p0 s6, s5  }
0xab: {  	[sflag:s5] =	ssyncadd.remote.s32 @p0 $0x1;
	_ =	sdelay $0x1  }
0xac: {  	s5 =	simm.s32 @p0 $0x1B8D  }
0xad: {  	_ =	swait.eq @p0 [sflag:s5], $0x1  }
0xae: {  	[sflag:s5] =	ssyncadd.s32 @p0 $0xFFFFFFFF  }
0xaf: {  	s6 =	sshll.u32 @!p0 s1, $0xE  }
0xb0: {  	s6 =	sor.u32 @!p0 $0x4000, s6;
	s5 =	simm.s32 @!p0 $0x1B8D  }
0xb1: {  	s4 =	sshll.u32 @!p0 s4, $0x11;
	s6 =	sadd.s32 @!p0 $0x11B8D, s6;
	_ =	swait.eq @!p0 [sflag:s5], $0x1  }
0xb2: {  	s4 =	sor.u32 @!p0 s4, s6;
	[sflag:s5] =	ssyncadd.s32 @!p0 $0xFFFFFFFF  }
0xb3: {  	s25 =	simm.s32 $0x1B8E;
	s24 =	sld [smem:$0x3FFE];
	[sflag:s4] =	ssyncadd.remote.s32 @!p0 $0x1  }
0xb4: {  	s26 =	simm.s32 $execute0_lowered;
	[smem:$0x3FD2] =	sst s25  }
0xb5: {  	s5 =	sshll.u32 s26, $0x1;
	_ =	strace $0x80000055;
	[dreg:$0x1] =	wrdreg $0xFFFFFFFF  }
0xb6: {  	s28 =	simm.s32 $_size_execute0_lowered;
	s3 =	sadd.s32 s3, s5;
	[dreg:$0x0] =	wrdreg $0x0  }
0xb7: {  	s5 =	sshll.u32 s28, $0x1;
	[dreg:$0x2] =	wrdreg s3  }
0xb8: {  	[dreg:$0x3] =	wrdreg s5  }
0xb9: {  	[dreg:$0x4] =	wrdreg $0xC0  }
0xba: {  	_ =	task [dreg:s22], $0x5FFFF  }
0xbb: {  	[dreg:$0x1] =	wrdreg $0xFFFFFFFF  }
0xbc: {  	[dreg:$0x0] =	wrdreg $0x60  }
0xbd: {  	[dreg:$0x2] =	wrdreg s24  }
0xbe: {  	[dreg:$0x3] =	wrdreg $0x20800  }
0xbf: {  	[dreg:$0x4] =	wrdreg $0x9  }
0xc0: {  	_ =	task.clear_ibuf [dreg:s22], $0x5FFFF;
	_ =	strace $0x90000055  }
0xc1: {  	s29 =	simm.s32 $0x9;
	_ =	strace $0x80000057  }
0xc2: {  	_ =	swait.ge [sflag:s29], $0x1  }
0xc3: {  	[sflag:s29] =	ssyncadd.s32 $0xFFFFFFFF  }
0xc4: {  	_ =	strace $0x90000057  }
0xc5: {  	_ =	sfence  }
0xc6: {  	s30 =	sld [smem:$0x0];
	_ =	sdelay $0x2  }
0xc7: {  	s31 =	sshll.u32 s1, $0xD;
	s1 =	sshrl.u32 s1, $0x2  }
0xc8: {  	s4 =	sand.u32 $0x4000, s31;
	s1 =	sadd.s32 s1, s30  }
0xc9: {  	s0 =	sor.u32 s4, s0;
	s1 =	sshll.u32 s1, $0x11  }
0xca: {  	s0 =	sor.u32 s1, s0  }
0xcb: {  	s0 =	sadd.s32 $0x8F2B, s0  }
0xcc: {  	[sflag:s0] =	ssyncadd.remote.s32 $0x1  }
0xcd: {  	_ =	sfence.sel $0xFFFF  }
0xce: {  	[dreg:$0x0] =	wrdreg $0xFFFFFFFF;
	(pc) =	sbr.abs _section_cstart, $3  }
0xcf: {  	[dreg:$0x1] =	wrdreg $0xFFFFFFFF  }
0xd0: {  	_ =	task.clear_ibuf [dreg:s22], $0x2FFFF;
	_ =	strace $0x9FFFFFFF  }
0xd1: {  	(tm) =	ssettm $0x7FFFFFFF  }
tec
execute0_lowered:
.L_overlay_start_1:
0x0: {  	(tag) =	ssettag $0x1  }
0x1: {  	s4 =	rddreg [dreg:$0x0]  }
0x2: {  	s2 =	rddreg [dreg:$0x1]  }
0x3: {  	s0 =	rddreg [dreg:$0x2];
	s1 =	stileid.u32  }
0x4: {  	s5 =	srdreg.scid;
	s3 =	simm.s32 $0x0;
	s24 =	smul.u32 $0x9C40, s1  }
0x5: {  	s11 =	sand.u32 $0x1, s5;
	[smem:$0x7FF] =	sst s3;
	s8 =	smul.u32 $0x27100, s1  }
0x6: {  	s6 =	sshll.u32 s1, $0xB;
	s25 =	sshll.u32 s1, $0x5;
	s7 =	smul.u32 $0x9C400, s11  }
0x7: {  	_ =	strace $0x80000056;
	s12 =	sadd.s32 s6, s4;
	s13 =	sadd.s32 s25, s4  }
0x8: {  	s28 =	ssub.s32 $0x2, s11;
	s15 =	sshll.u32 s11, $0xA;
	s31 =	sshll.u32 s11, $0x4  }
0x9: {  	s29 =	sshrl.u32 s28, $0x1;
	s30 =	sshrl.u32 s8, $0x2;
	s5 =	sadd.s32 s24, s2  }
0xa: {  	s12 =	sadd.s32 s15, s12;
	s13 =	sadd.s32 s31, s13;
	s15 =	simm.s32 $0x1  }
0xb: {  	s7 =	sadd.s32 s24, s7;
	s14 =	ssub.s32 s28, s29;
	s9 =	sadd.s32 s30, s2  }
0xc: {  	s12 =	sadd.s32 $0xDDA00, s12;
	s13 =	sadd.s32 $0xDC600, s13;
	s26 =	sshrl.u32 s7, $0x3  }
0xd: {  	s6 =	sadd.s32 $0x2000, s9;
	s7 =	sadd.s32 $0x4000, s9;
	s8 =	sadd.s32 $0x6000, s9  }
0xe: {  	s9 =	sadd.s32 $0x8000, s9;
	s11 =	smax.u32 s14, $0x1;
	s10 =	sadd.s32 s26, s4  }
0xf: {  	v0 =	vimm.f32 $0.0e+00;
	s14 =	simm.s32 $0x80;
	s4 =	sshll.u32 s1, $0x1;
	s10 =	sadd.s32 $0x128A00, s10  }
.LBB2_1:
0x10: {  	s17 =	simm.s32 $0x100;
	s16 =	simm.s32 $0x0  }
.LBB2_2:
0x11: {  	p0 =	sne.s32 s17, $0x7F00;
	[tilespmem:s16+$0xB0] =	vst v0;
	s18 =	smov.u32 s17;
	s17 =	sadd.s32 $0x100, s17  }
.Ltmp0:
0x12: {  	[tilespmem:s16+$0xA0] =	vst v0;
	(pc) =	sbr.rel @p0 .LBB2_2-.Ltmp0, $3  }
0x13: {  	[tilespmem:s16+$0x80] =	vst v0  }
0x14: {  	[tilespmem:s16+$0x90] =	vst v0;
	_ =	sdelay $0x1  }
0x15: {  	s16 =	sshra.s32 s18, $0x2  }
0x16: {  	[tilespmem:s16+$0xB0] =	vst v0  }
0x17: {  	[tilespmem:s16+$0xA0] =	vst v0  }
0x18: {  	[tilespmem:s16+$0x80] =	vst v0  }
0x19: {  	[tilespmem:s16+$0x90] =	vst v0  }
0x1a: {  	[spmem:s5] =	stream.linear.scatter [tilespmem:s14], [sflag:$0x1], $0x2000, $0x38;
	[tilespmem:$0xBCC0] =	vst v63  }
0x1b: {  	_ =	swait.ge [sflag:s15], $0x2000  }
0x1c: {  	[sflag:s15] =	ssyncset.done $0x0  }
0x1d: {  	[sflag:s15] =	ssyncadd.s32 $0xFFFFE000  }
0x1e: {  	[spmem:s6] =	stream.linear.scatter [tilespmem:s14], [sflag:$0x1], $0x2000, $0x38;
	[tilespmem:$0xBCC0] =	vst v63  }
0x1f: {  	_ =	swait.ge [sflag:s15], $0x2000  }
0x20: {  	[sflag:s15] =	ssyncset.done $0x0  }
0x21: {  	[sflag:s15] =	ssyncadd.s32 $0xFFFFE000  }
0x22: {  	[spmem:s7] =	stream.linear.scatter [tilespmem:s14], [sflag:$0x1], $0x2000, $0x38;
	[tilespmem:$0xBCC0] =	vst v63  }
0x23: {  	_ =	swait.ge [sflag:s15], $0x2000  }
0x24: {  	[sflag:s15] =	ssyncset.done $0x0  }
0x25: {  	[sflag:s15] =	ssyncadd.s32 $0xFFFFE000  }
0x26: {  	[spmem:s8] =	stream.linear.scatter [tilespmem:s14], [sflag:$0x1], $0x2000, $0x38;
	[tilespmem:$0xBCC0] =	vst v63  }
0x27: {  	_ =	swait.ge [sflag:s15], $0x2000  }
0x28: {  	[sflag:s15] =	ssyncset.done $0x0  }
0x29: {  	[sflag:s15] =	ssyncadd.s32 $0xFFFFE000  }
0x2a: {  	[spmem:s9] =	stream.linear.scatter [tilespmem:s14], [sflag:$0x1], $0x1C40, $0x38;
	[tilespmem:$0xBCC0] =	vst v63  }
0x2b: {  	_ =	swait.ge [sflag:s15], $0x1C40  }
0x2c: {  	s30 =	sadd.s32 $0x0, s4;
	[sflag:s15] =	ssyncset.done $0x0  }
0x2d: {  	p0 =	sgt.u32 s30, $0x12B;
	[sflag:s15] =	ssyncadd.s32 $0xFFFFE3C0  }
0x2e: {  	s16 =	simm.s32 @!p0 $0x0;
	s18 =	simm.s32 @!p0 $0x2;
	[bflag:$0x0] =	sbarrier.arrive $0xFFFF  }
0x2f: {  	[tilespmem:s16], [sflag:$0x2] =	stream.linear.gather @!p0 [hbm4b:s13+s16], $0x80, $0x38;
	[tilespmem:$0xBCC0] =	vst v63  }
0x30: {  	_ =	swait.ge @!p0 [sflag:s18], $0x80  }
0x31: {  	[sflag:s18] =	ssyncset.done @!p0 $0x0;
	p0 =	por p0, p0  }
0x32: {  	[sflag:s18] =	ssyncadd.s32 @!p0 $0xFFFFFF80;
	s20 =	simm.s32 @!p0 $0x80  }
0x33: {  	[tilespmem:s20], [sflag:$0x2] =	stream.linear.gather @!p0 [hbm4b:s12+s16], $0x2000, $0x38;
	[tilespmem:$0xBCC0] =	vst v63  }
0x34: {  	_ =	swait.ge @!p0 [sflag:s18], $0x2000  }
0x35: {  	[sflag:s18] =	ssyncset.done @!p0 $0x0  }
0x36: {  	s31 =	sadd.s32 $0x20, s4;
	s19 =	simm.s32 @!p0 $0x1;
	[sflag:s18] =	ssyncadd.s32 @!p0 $0xFFFFE000  }
0x37: {  	[spmem:s2] =	stream.indirect.scatter.add.f32 @!p0 [tilespmem:s20], [sflag:$0x1], $0x40, s16, s20, $0xb8;
	[tilespmem:$0xBCC0] =	vst v63  }
0x38: {  	s17 =	simm.s32 $0x40;
	p1 =	sgt.u32 s31, $0x12B;
	_ =	swait.ge @!p0 [sflag:s19], $0x2000  }
0x39: {  	s18 =	sadd.s32 $0x200, s13;
	s16 =	sadd.s32 $0x8000, s12;
	[sflag:s19] =	ssyncset.done @!p0 $0x0  }
.LBB2_4:
0x3a: {  	s20 =	simm.s32 @!p1 $0x0;
	s21 =	simm.s32 @!p1 $0x2;
	[sflag:s19] =	ssyncadd.s32 @!p0 $0xFFFFE000  }
0x3b: {  	[tilespmem:s20], [sflag:$0x2] =	stream.linear.gather @!p1 [hbm4b:s18+s20], $0x80, $0x38;
	[tilespmem:$0xBCC0] =	vst v63  }
0x3c: {  	s22 =	smov.u32 s17;
	s17 =	sadd.s32 $0x20, s17;
	_ =	swait.ge @!p1 [sflag:s21], $0x80  }
0x3d: {  	p0 =	por p1, p1;
	p2 =	sne.s32 s17, $0x140;
	[sflag:s21] =	ssyncset.done @!p1 $0x0  }
0x3e: {  	s23 =	simm.s32 @!p0 $0x80;
	[sflag:s21] =	ssyncadd.s32 @!p0 $0xFFFFFF80  }
0x3f: {  	[tilespmem:s23], [sflag:$0x2] =	stream.linear.gather @!p0 [hbm4b:s16+s20], $0x2000, $0x38;
	[tilespmem:$0xBCC0] =	vst v63  }
0x40: {  	_ =	swait.ge @!p0 [sflag:s21], $0x2000  }
.Ltmp1:
0x41: {  	[sflag:s21] =	ssyncset.done @!p0 $0x0;
	(pc) =	sbr.rel @p2 .LBB2_4-.Ltmp1, $4  }
0x42: {  	s19 =	simm.s32 @!p0 $0x1;
	[sflag:s21] =	ssyncadd.s32 @!p0 $0xFFFFE000  }
0x43: {  	[spmem:s2] =	stream.indirect.scatter.add.f32 @!p0 [tilespmem:s23], [sflag:$0x1], $0x40, s20, s23, $0xb8;
	[tilespmem:$0xBCC0] =	vst v63  }
0x44: {  	s18 =	sadd.s32 $0x200, s18;
	s20 =	sadd.s32 s22, s4;
	_ =	swait.ge @!p0 [sflag:s19], $0x2000  }
0x45: {  	s16 =	sadd.s32 $0x8000, s16;
	p1 =	sgt.u32 s20, $0x12B;
	[sflag:s19] =	ssyncset.done @!p0 $0x0  }
0x46: {  	s17 =	simm.s32 @!p1 $0x0;
	s20 =	simm.s32 @!p1 $0x2;
	[sflag:s19] =	ssyncadd.s32 @!p0 $0xFFFFE000  }
0x47: {  	[tilespmem:s17], [sflag:$0x2] =	stream.linear.gather @!p1 [hbm4b:s18+s17], $0x80, $0x38;
	[tilespmem:$0xBCC0] =	vst v63  }
0x48: {  	_ =	swait.ge @!p1 [sflag:s20], $0x80  }
0x49: {  	p0 =	por p1, p1;
	[sflag:s20] =	ssyncset.done @!p1 $0x0  }
0x4a: {  	s18 =	simm.s32 @!p0 $0x80;
	[sflag:s20] =	ssyncadd.s32 @!p0 $0xFFFFFF80  }
0x4b: {  	[tilespmem:s18], [sflag:$0x2] =	stream.linear.gather @!p0 [hbm4b:s16+s17], $0x2000, $0x38;
	[tilespmem:$0xBCC0] =	vst v63  }
0x4c: {  	_ =	swait.ge @!p0 [sflag:s20], $0x2000  }
0x4d: {  	[sflag:s20] =	ssyncset.done @!p0 $0x0  }
0x4e: {  	s16 =	simm.s32 @!p0 $0x1;
	[sflag:s20] =	ssyncadd.s32 @!p0 $0xFFFFE000  }
0x4f: {  	[spmem:s2] =	stream.indirect.scatter.add.f32 @!p0 [tilespmem:s18], [sflag:$0x1], $0x40, s17, s18, $0xb8;
	[tilespmem:$0xBCC0] =	vst v63  }
0x50: {  	_ =	swait.ge @!p0 [sflag:s16], $0x2000  }
0x51: {  	s30 =	sshll.u32 s1, $0x6;
	s3 =	sadd.s32 $0x1, s3;
	[sflag:s16] =	ssyncset.done @!p0 $0x0  }
0x52: {  	s31 =	sshrl.u32 s5, $0x3;
	[sflag:s16] =	ssyncadd.s32 @!p0 $0xFFFFE000;
	p0 =	sne.s32 s3, s11  }
.Ltmp2:
0x53: {  	s16 =	sor.u32 $0x1C01, s30;
	[bflag:$0x0] =	sbarrier.arrive $0xFFFF;
	(pc) =	sbr.rel @p0 .LBB2_1-.Ltmp2, $4  }
0x54: {  	[hbm:s10], [sflag:s16] =	dma.local [spmem:s31], $0x1388  }
0x55: {  	_ =	swait.ge [sflag:s15], $0x1388  }
0x56: {  	[sflag:s15] =	ssyncset.done $0x0  }
0x57: {  	[sflag:s15] =	ssyncadd.s32 $0xFFFFEC78  }
0x58: {  	_ =	sfence.sel $0x180000  }
0x59: {  	[bflag:$0x0] =	sbarrier.arrive $0xFFFF  }
0x5a: {  	p0 =	sne.s32 s1, $0x0;
	_ =	strace $0x90000056  }
0x5b: {  	s0 =	sadd.s32 @!p0 $0x100000, s0;
	[bflag:$0x2] =	sbarrier.arrive $0xFFFF  }
0x5c: {  	[sflag:s0] =	ssyncadd.tile.s32 @!p0 $0x1;
	_ =	shalt  }
.Lfunc_end2:
_tile_overlayer_lowered:
.L_overlay_start_2:
0x5d: {  	(tag) =	ssettag $0x2  }
0x5e: {  	s0 =	rddreg [dreg:$0x0];
	s2 =	stileid.u32  }
0x5f: {  	s1 =	rddreg [dreg:$0x1];
	p0 =	sne.s32 s2, $0x0  }
0x60: {  	s3 =	rddreg [dreg:$0x2];
	[bflag:$0x3] =	sbarrier.arrive $0xFFFF;
	s2 =	simm.s32 @!p0 $0x1C01  }
0x61: {  	[timem:s3], [sflag:s2] =	dma.local @!p0 [hbm:s0], s1  }
0x62: {  	s0 =	simm.s32 @!p0 $0x1  }
0x63: {  	_ =	swait.ge @!p0 [sflag:s0], s1  }
0x64: {  	s1 =	ssub.s32 @!p0 $0x0, s1;
	[sflag:s0] =	ssyncset.done @!p0 $0x0  }
0x65: {  	[sflag:s0] =	ssyncadd.s32 @!p0 s1  }
0x66: {  	[bflag:$0x3] =	sbarrier.arrive $0xFFFF  }
0x67: {  	_ =	shalt  }

// kernel: kernel.29.cloned.1.call-start
scs
__scs_entry_jumppad:
0x0: {  	(pc) =	sbr.rel $0x88, $3  }
0x1: {  	(tag) =	ssettag $0x0;
	lr =	simm.s32 $0x1  }
0x2: {  	[smem:$0x3F8D] =	sst lr;
	_ =	strace $0xD0000000  }
0x3: {  	_ = 	snop  }
0x4: {  	_ = 	snop  }
0x5: {  	_ = 	snop  }
0x6: {  	_ = 	snop  }
0x7: {  	_ = 	snop  }
__scs_overlays_trampoline_lowered:
0x8: {  	[smem:$0x3F9C] =	sst s0  }
0x9: {  	[smem:$0x3F9D] =	sst s1  }
0xa: {  	[smem:$0x3F9E] =	sst s2  }
0xb: {  	[smem:$0x3F9F] =	sst s3  }
0xc: {  	[smem:$0x3FA0] =	sst s4  }
0xd: {  	[smem:$0x3FA1] =	sst s5  }
0xe: {  	[smem:$0x3FA2] =	sst s6  }
0xf: {  	[smem:$0x3FA3] =	sst s7  }
0x10: {  	[smem:$0x3FA4] =	sst s8  }
0x11: {  	[smem:$0x3FA5] =	sst s9;
	s0 =	simm.s32 @!p0 $0x0  }
0x12: {  	s1 =	sld [smem:$0x3F8B];
	s0 =	simm.s32 @p0 $0x1  }
0x13: {  	[smem:$0x3FA6] =	sst s0;
	s0 =	simm.s32 @!p1 $0x0  }
0x14: {  	s2 =	sld [smem:$0x3F8A];
	s0 =	simm.s32 @p1 $0x1  }
0x15: {  	[smem:$0x3FA7] =	sst s0;
	s0 =	simm.s32 @!p2 $0x0  }
0x16: {  	s3 =	sld [smem:$0x3FDB];
	s0 =	simm.s32 @p2 $0x1  }
0x17: {  	s4 =	simm.s32 $0x1BF5;
	[smem:$0x3FA9] =	sst s0  }
0x18: {  	s0 =	sld [smem:$0x3F8C];
	_ =	swait.ge [sflag:s4], $0x0  }
0x19: {  	s7 =	sld [smem:$0x3F8D]  }
0x1a: {  	s8 =	sadd.s32 $0xFFFFE003, lr  }
0x1b: {  	s9 =	sadd.s32 $0xFFFFFEF7, lr;
	s5 =	simm.s32 $0xFFFFFFFF;
	p2 =	slt.u32 s8, $0xFFFFF086  }
0x1c: {  	p1 =	slt.u32 s9, $0xF7A;
	s5 =	simm.s32 @!p2 $0x0  }
0x1d: {  	s5 =	simm.s32 @p1 $0x1;
	p0 =	seq.s32 s7, s2  }
0x1e: {  	s7 =	smul.u32 @!p0 $0xF7A, s2;
	p2 =	seq.s32 @!p0 s5, $0x0  }
0x1f: {  	s9 =	smul.u32 $0xF7A, s1;
	s8 =	simm.s32 @!p0 $0x1BF5;
	p2 =	por !p2, p0  }
0x20: {  	[sflag:s8] =	ssyncset.s32 @!p0 $0xFFFFF086;
	s6 =	sadd.s32 @!p0 s3, s7;
	s7 =	simm.s32 @!p0 $0x108  }
0x21: {  	s3 =	sadd.s32 s3, s9;
	s6 =	sadd.s32 @!p0 $0x88, s6;
	s7 =	simm.s32 @p2 $0x1082  }
0x22: {  	[simem:s7], [sflag:s8] =	dma.local @!p0 [hbm:s6], $0xF7A  }
0x23: {  	s9 =	sor.u32 $0xD0000000, s2;
	s6 =	simm.s32 $0x108;
	_ =	swait.ge @!p0 [sflag:s8], $0x0  }
0x24: {  	s3 =	sadd.s32 $0x88, s3;
	s6 =	simm.s32 @!p1 $0x1082;
	[sflag:s4] =	ssyncset.s32 $0xFFFFF086  }
0x25: {  	[simem:s6], [sflag:s4] =	dma.local [hbm:s3], $0xF7A  }
0x26: {  	[smem:$0x3F8D] =	sst s1;
	(tag) =	ssettag s2;
	_ =	strace s9  }
0x27: {  	s1 =	sld [smem:$0x3F9D]  }
0x28: {  	s2 =	sld [smem:$0x3F9E]  }
0x29: {  	s4 =	sld [smem:$0x3FA0]  }
0x2a: {  	p0 =	seq.s32 s5, $0x0;
	s5 =	sld [smem:$0x3FA1]  }
0x2b: {  	s6 =	sld [smem:$0x3FA2]  }
0x2c: {  	s7 =	sld [smem:$0x3FA3]  }
0x2d: {  	s3 =	simm.s32 $0x108;
	s8 =	sld [smem:$0x3FA4]  }
0x2e: {  	s3 =	simm.s32 @!p0 $0x1082;
	s9 =	sld [smem:$0x3FA5]  }
0x2f: {  	lr =	sadd.s32 s0, s3;
	s0 =	sld [smem:$0x3F9C]  }
0x30: {  	s3 =	sld [smem:$0x3F9F]  }
0x31: {  	[smem:$0x3FA8] =	sst s10  }
0x32: {  	s10 =	sld [smem:$0x3FA6];
	_ =	sdelay $0x3  }
0x33: {  	p0 =	seq.s32 s10, $0x1;
	s10 =	sld [smem:$0x3FA8];
	_ =	sdelay $0x3  }
0x34: {  	[smem:$0x3FA8] =	sst s10  }
0x35: {  	s10 =	sld [smem:$0x3FA7];
	_ =	sdelay $0x3  }
0x36: {  	p1 =	seq.s32 s10, $0x1;
	s10 =	sld [smem:$0x3FA8];
	_ =	sdelay $0x3  }
0x37: {  	[smem:$0x3FA8] =	sst s10  }
0x38: {  	s10 =	sld [smem:$0x3FA9]  }
0x39: {  	_ = 	snop;
	(pc) =	sbr.ind lr, $3  }
0x3a: {  	_ = 	snop  }
0x3b: {  	_ = 	snop  }
0x3c: {  	p2 =	seq.s32 s10, $0x1;
	s10 =	sld [smem:$0x3FA8]  }
0x3d: {  	_ =	shalt  }
0x3e: {  	_ =	shalt  }
0x3f: {  	_ =	shalt  }
0x40: {  	_ =	shalt  }
0x41: {  	_ =	shalt  }
0x42: {  	_ =	shalt  }
0x43: {  	_ =	shalt  }
0x44: {  	_ =	shalt  }
0x45: {  	_ =	shalt  }
0x46: {  	_ =	shalt  }
0x47: {  	_ =	shalt  }
0x48: {  	_ =	shalt  }
0x49: {  	_ =	shalt  }
0x4a: {  	_ =	shalt  }
0x4b: {  	_ =	shalt  }
0x4c: {  	_ =	shalt  }
0x4d: {  	_ =	shalt  }
0x4e: {  	_ =	shalt  }
0x4f: {  	_ =	shalt  }
0x50: {  	_ =	shalt  }
0x51: {  	_ =	shalt  }
0x52: {  	_ =	shalt  }
0x53: {  	_ =	shalt  }
0x54: {  	_ =	shalt  }
0x55: {  	_ =	shalt  }
0x56: {  	_ =	shalt  }
0x57: {  	_ =	shalt  }
0x58: {  	_ =	shalt  }
0x59: {  	_ =	shalt  }
0x5a: {  	_ =	shalt  }
0x5b: {  	_ =	shalt  }
0x5c: {  	_ =	shalt  }
0x5d: {  	_ =	shalt  }
0x5e: {  	_ =	shalt  }
0x5f: {  	_ =	shalt  }
0x60: {  	_ =	shalt  }
0x61: {  	_ =	shalt  }
0x62: {  	_ =	shalt  }
0x63: {  	_ =	shalt  }
0x64: {  	_ =	shalt  }
0x65: {  	_ =	shalt  }
0x66: {  	_ =	shalt  }
0x67: {  	_ =	shalt  }
0x68: {  	_ =	shalt  }
0x69: {  	_ =	shalt  }
0x6a: {  	_ =	shalt  }
0x6b: {  	_ =	shalt  }
0x6c: {  	_ =	shalt  }
0x6d: {  	_ =	shalt  }
0x6e: {  	_ =	shalt  }
0x6f: {  	_ =	shalt  }
0x70: {  	_ =	shalt  }
0x71: {  	_ =	shalt  }
0x72: {  	_ =	shalt  }
0x73: {  	_ =	shalt  }
0x74: {  	_ =	shalt  }
0x75: {  	_ =	shalt  }
0x76: {  	_ =	shalt  }
0x77: {  	_ =	shalt  }
0x78: {  	_ =	shalt  }
0x79: {  	_ =	shalt  }
0x7a: {  	_ =	shalt  }
0x7b: {  	_ =	shalt  }
0x7c: {  	_ =	shalt  }
0x7d: {  	_ =	shalt  }
0x7e: {  	_ =	shalt  }
0x7f: {  	_ =	shalt  }
0x80: {  	_ =	shalt  }
0x81: {  	_ =	shalt  }
0x82: {  	_ =	shalt  }
0x83: {  	_ =	shalt  }
0x84: {  	_ =	shalt  }
0x85: {  	_ =	shalt  }
0x86: {  	_ =	shalt  }
0x87: {  	_ =	shalt  }
.Lfunc_end0:
.L_simem_size_0:
called_computation.4_lowered:
.L_overlay_start_0:
0x88: {  	s2 =	sld [smem:$0x3FD9]  }
0x89: {  	s3 =	sld [smem:$0x3FFE];
	_ =	sdelay $0x1  }
0x8a: {  	s1 =	srdreg.scid  }
0x8b: {  	s0 =	sand.u32 $0x1, s1  }
0x8c: {  	s17 =	sshll.u32 s0, $0xA;
	s2 =	sadd.s32 s3, s2  }
0x8d: {  	s2 =	sadd.s32 s2, s17  }
0x8e: {  	[smem:$0x3FB4] =	sst s2  }
0x8f: {  	_ = 	snop  }
0x90: {  	(tm) =	ssettm $0x1  }
0x91: {  	s18 =	sld [smem:$0x3FFB];
	_ =	sdelay $0x3  }
0x92: {  	_ =	strace s18  }
0x93: {  	s2 =	sld [smem:$0x3FFC];
	_ =	sdelay $0x3  }
0x94: {  	_ =	strace s2  }
0x95: {  	s2 =	sld [smem:$0x3FFD];
	_ =	sdelay $0x3  }
0x96: {  	_ =	strace s2  }
0x97: {  	_ =	strace $0x8FFFFFFF  }
0x98: {  	s19 =	sld [smem:$0x3FDB];
	_ =	sdelay $0x1  }
0x99: {  	s20 =	simm.s32 $_scs_section_size  }
0x9a: {  	s4 =	simm.s32 $_size__tile_overlayer_lowered;
	s5 =	simm.s32 $_tile_overlayer_lowered  }
0x9b: {  	s6 =	simm.s32 $0x1BFF;
	s21 =	sshll.u32 s5, $0x1;
	s3 =	sadd.s32 s20, s19  }
0x9c: {  	s22 =	simm.s32 $0x0;
	s4 =	sshll.u32 s4, $0x1;
	s5 =	sadd.s32 s21, s3  }
0x9d: {  	[timem:s22], [sflag:s6] =	dma.local [hbm:s5], s4  }
0x9e: {  	_ =	swait.ge [sflag:s6], s4  }
0x9f: {  	s4 =	ssub.s32 $0x0, s4;
	[sflag:s6] =	ssyncset.done $0x0  }
0xa0: {  	[sflag:s6] =	ssyncadd.s32 s4;
	_ =	sdelay $0x1  }
0xa1: {  	s23 =	simm.s32 $0x1B8B  }
0xa2: {  	_ =	swait.ge [sflag:s23], $0x1  }
0xa3: {  	[sflag:s23] =	ssyncset.done $0x0  }
0xa4: {  	[sflag:s23] =	ssyncadd.s32 $0xFFFFFFFF  }
0xa5: {  	s4 =	sld [smem:$0x0]  }
0xa6: {  	s5 =	sand.u32 $0xFFFFFFFE, s1  }
0xa7: {  	p0 =	sne.s32 s1, s5  }
0xa8: {  	s5 =	sshll.u32 @p0 s5, $0xE  }
0xa9: {  	s5 =	sadd.s32 @p0 $0x11B8D, s5;
	s6 =	sshll.u32 @p0 s4, $0x11  }
0xaa: {  	s5 =	sor.u32 @p0 s6, s5  }
0xab: {  	[sflag:s5] =	ssyncadd.remote.s32 @p0 $0x1;
	_ =	sdelay $0x1  }
0xac: {  	s5 =	simm.s32 @p0 $0x1B8D  }
0xad: {  	_ =	swait.eq @p0 [sflag:s5], $0x1  }
0xae: {  	[sflag:s5] =	ssyncadd.s32 @p0 $0xFFFFFFFF  }
0xaf: {  	s6 =	sshll.u32 @!p0 s1, $0xE  }
0xb0: {  	s6 =	sor.u32 @!p0 $0x4000, s6;
	s5 =	simm.s32 @!p0 $0x1B8D  }
0xb1: {  	s4 =	sshll.u32 @!p0 s4, $0x11;
	s6 =	sadd.s32 @!p0 $0x11B8D, s6;
	_ =	swait.eq @!p0 [sflag:s5], $0x1  }
0xb2: {  	s4 =	sor.u32 @!p0 s4, s6;
	[sflag:s5] =	ssyncadd.s32 @!p0 $0xFFFFFFFF  }
0xb3: {  	s25 =	simm.s32 $0x1B8E;
	s24 =	sld [smem:$0x3FFE];
	[sflag:s4] =	ssyncadd.remote.s32 @!p0 $0x1  }
0xb4: {  	s26 =	simm.s32 $execute0_lowered;
	[smem:$0x3FD2] =	sst s25  }
0xb5: {  	s5 =	sshll.u32 s26, $0x1;
	_ =	strace $0x8000004F;
	[dreg:$0x1] =	wrdreg $0xFFFFFFFF  }
0xb6: {  	s28 =	simm.s32 $_size_execute0_lowered;
	s3 =	sadd.s32 s3, s5;
	[dreg:$0x0] =	wrdreg $0x0  }
0xb7: {  	s5 =	sshll.u32 s28, $0x1;
	[dreg:$0x2] =	wrdreg s3  }
0xb8: {  	[dreg:$0x3] =	wrdreg s5  }
0xb9: {  	[dreg:$0x4] =	wrdreg $0xC0  }
0xba: {  	_ =	task [dreg:s22], $0x5FFFF  }
0xbb: {  	[dreg:$0x1] =	wrdreg $0xFFFFFFFF  }
0xbc: {  	[dreg:$0x0] =	wrdreg $0x60  }
0xbd: {  	[dreg:$0x2] =	wrdreg s24  }
0xbe: {  	[dreg:$0x3] =	wrdreg $0xB  }
0xbf: {  	_ =	task.clear_ibuf [dreg:s22], $0x4FFFF;
	_ =	strace $0x9000004F  }
0xc0: {  	s29 =	simm.s32 $0xB;
	_ =	strace $0x80000051  }
0xc1: {  	_ =	swait.ge [sflag:s29], $0x1  }
0xc2: {  	[sflag:s29] =	ssyncadd.s32 $0xFFFFFFFF  }
0xc3: {  	_ =	strace $0x90000051  }
0xc4: {  	_ =	sfence  }
0xc5: {  	s30 =	sld [smem:$0x0];
	_ =	sdelay $0x2  }
0xc6: {  	s31 =	sshll.u32 s1, $0xD;
	s1 =	sshrl.u32 s1, $0x2  }
0xc7: {  	s4 =	sand.u32 $0x4000, s31;
	s1 =	sadd.s32 s1, s30  }
0xc8: {  	s0 =	sor.u32 s4, s0;
	s1 =	sshll.u32 s1, $0x11  }
0xc9: {  	s0 =	sor.u32 s1, s0  }
0xca: {  	s0 =	sadd.s32 $0x8F2B, s0  }
0xcb: {  	[sflag:s0] =	ssyncadd.remote.s32 $0x1  }
0xcc: {  	_ =	sfence.sel $0xFFFF  }
0xcd: {  	[dreg:$0x0] =	wrdreg $0xFFFFFFFF;
	(pc) =	sbr.abs _section_cstart, $3  }
0xce: {  	[dreg:$0x1] =	wrdreg $0xFFFFFFFF  }
0xcf: {  	_ =	task.clear_ibuf [dreg:s22], $0x2FFFF;
	_ =	strace $0x9FFFFFFF  }
0xd0: {  	(tm) =	ssettm $0x7FFFFFFF  }
0xd1: {  	_ =	shalt  }
tec
execute0_lowered:
.L_overlay_start_1:
0x0: {  	(tag) =	ssettag $0x1  }
0x1: {  	s4 =	rddreg [dreg:$0x0]  }
0x2: {  	s0 =	rddreg [dreg:$0x1];
	s1 =	simm.s32 $0x0;
	s5 =	srdreg.scid  }
0x3: {  	s2 =	stileid.u32;
	[smem:$0x7FF] =	sst s1  }
0x4: {  	s3 =	sadd.s32 $0x2AE00, s4;
	s5 =	sand.u32 $0x1, s5;
	s6 =	sshll.u32 s2, $0x5  }
0x5: {  	s7 =	sshll.u32 s2, $0xA;
	_ =	strace $0x80000050;
	s8 =	ssub.s32 $0x2, s5  }
0x6: {  	s6 =	sadd.s32 s6, s4;
	s7 =	sadd.s32 s7, s4;
	s9 =	sshll.u32 s5, $0x9  }
0x7: {  	s5 =	sshll.u32 s5, $0x4;
	s4 =	sshll.u32 s2, $0x1;
	s30 =	sshrl.u32 s8, $0x1  }
0x8: {  	s7 =	sadd.s32 s9, s7;
	s31 =	sadd.s32 s5, s6;
	s8 =	ssub.s32 s8, s30  }
0x9: {  	s6 =	sadd.s32 $0x5CE00, s7;
	s7 =	sadd.s32 $0x5A400, s31;
	s5 =	smax.u32 s8, $0x1  }
.LBB2_1:
0xa: {  	s8 =	sadd.s32 $0x0, s4  }
0xb: {  	p0 =	sgt.u32 s8, $0x289  }
0xc: {  	s8 =	simm.s32 @!p0 $0x0;
	s9 =	simm.s32 @!p0 $0x3  }
0xd: {  	[tilespmem:s8], [sflag:$0x3] =	stream.linear.gather @!p0 [hbm4b:s7+s8], $0x80, $0x38;
	[tilespmem:$0x1080] =	vst v63  }
0xe: {  	_ =	swait.ge @!p0 [sflag:s9], $0x80  }
0xf: {  	[sflag:s9] =	ssyncset.done @!p0 $0x0;
	p0 =	por p0, p0  }
0x10: {  	[sflag:s9] =	ssyncadd.s32 @!p0 $0xFFFFFF80;
	s10 =	simm.s32 @!p0 $0x80;
	s11 =	simm.s32 @!p0 $0x1  }
0x11: {  	[tilespmem:s10], [sflag:$0x1] =	stream.indirect.gather @!p0 [hbm4b:s3+s10], $0x20, s8, s10, $0xb8;
	[tilespmem:$0x1080] =	vst v63  }
0x12: {  	_ =	swait.ge @!p0 [sflag:s11], $0x1000  }
0x13: {  	[sflag:s11] =	ssyncset.done @!p0 $0x0  }
0x14: {  	s31 =	sadd.s32 $0x20, s4;
	[sflag:s11] =	ssyncadd.s32 @!p0 $0xFFFFF000;
	s11 =	simm.s32 @!p0 $0x2  }
0x15: {  	[hbm4b:s6+s8] =	stream.linear.scatter @!p0 [tilespmem:s10], [sflag:$0x2], $0x1000, $0x38;
	[tilespmem:$0x1080] =	vst v63  }
0x16: {  	p1 =	sgt.u32 s31, $0x289;
	s9 =	simm.s32 $0x40;
	_ =	swait.ge @!p0 [sflag:s11], $0x1000  }
0x17: {  	s10 =	sadd.s32 $0x200, s7;
	s8 =	sadd.s32 $0x4000, s6;
	[sflag:s11] =	ssyncset.done @!p0 $0x0  }
.LBB2_2:
0x18: {  	s12 =	simm.s32 @!p1 $0x0;
	s13 =	simm.s32 @!p1 $0x3;
	[sflag:s11] =	ssyncadd.s32 @!p0 $0xFFFFF000  }
0x19: {  	[tilespmem:s12], [sflag:$0x3] =	stream.linear.gather @!p1 [hbm4b:s10+s12], $0x80, $0x38;
	[tilespmem:$0x1080] =	vst v63  }
0x1a: {  	s14 =	smov.u32 s9;
	s9 =	sadd.s32 $0x20, s9;
	_ =	swait.ge @!p1 [sflag:s13], $0x80  }
0x1b: {  	p0 =	por p1, p1;
	p2 =	sne.s32 s9, $0x2A0;
	[sflag:s13] =	ssyncset.done @!p1 $0x0  }
0x1c: {  	s11 =	simm.s32 @!p0 $0x1;
	[sflag:s13] =	ssyncadd.s32 @!p0 $0xFFFFFF80;
	s13 =	simm.s32 @!p0 $0x80  }
0x1d: {  	[tilespmem:s13], [sflag:$0x1] =	stream.indirect.gather @!p0 [hbm4b:s3+s13], $0x20, s12, s13, $0xb8;
	[tilespmem:$0x1080] =	vst v63  }
0x1e: {  	_ =	swait.ge @!p0 [sflag:s11], $0x1000  }
.Ltmp0:
0x1f: {  	[sflag:s11] =	ssyncset.done @!p0 $0x0;
	(pc) =	sbr.rel @p2 .LBB2_2-.Ltmp0, $4  }
0x20: {  	[sflag:s11] =	ssyncadd.s32 @!p0 $0xFFFFF000;
	s11 =	simm.s32 @!p0 $0x2  }
0x21: {  	[hbm4b:s8+s12] =	stream.linear.scatter @!p0 [tilespmem:s13], [sflag:$0x2], $0x1000, $0x38;
	[tilespmem:$0x1080] =	vst v63  }
0x22: {  	s10 =	sadd.s32 $0x200, s10;
	s12 =	sadd.s32 s14, s4;
	_ =	swait.ge @!p0 [sflag:s11], $0x1000  }
0x23: {  	s8 =	sadd.s32 $0x4000, s8;
	p1 =	sgt.u32 s12, $0x289;
	[sflag:s11] =	ssyncset.done @!p0 $0x0  }
0x24: {  	s9 =	simm.s32 @!p1 $0x0;
	s12 =	simm.s32 @!p1 $0x3;
	[sflag:s11] =	ssyncadd.s32 @!p0 $0xFFFFF000  }
0x25: {  	[tilespmem:s9], [sflag:$0x3] =	stream.linear.gather @!p1 [hbm4b:s10+s9], $0x80, $0x38;
	[tilespmem:$0x1080] =	vst v63  }
0x26: {  	_ =	swait.ge @!p1 [sflag:s12], $0x80  }
0x27: {  	p0 =	por p1, p1;
	[sflag:s12] =	ssyncset.done @!p1 $0x0  }
0x28: {  	s10 =	simm.s32 @!p0 $0x80;
	s11 =	simm.s32 @!p0 $0x1;
	[sflag:s12] =	ssyncadd.s32 @!p0 $0xFFFFFF80  }
0x29: {  	[tilespmem:s10], [sflag:$0x1] =	stream.indirect.gather @!p0 [hbm4b:s3+s10], $0x20, s9, s10, $0xb8;
	[tilespmem:$0x1080] =	vst v63  }
0x2a: {  	s1 =	sadd.s32 $0x1, s1;
	_ =	swait.ge @!p0 [sflag:s11], $0x1000  }
0x2b: {  	p1 =	sne.s32 s1, s5;
	[sflag:s11] =	ssyncset.done @!p0 $0x0  }
.Ltmp1:
0x2c: {  	[sflag:s11] =	ssyncadd.s32 @!p0 $0xFFFFF000;
	s11 =	simm.s32 @!p0 $0x2;
	(pc) =	sbr.rel @p1 .LBB2_1-.Ltmp1, $4  }
0x2d: {  	[hbm4b:s8+s9] =	stream.linear.scatter @!p0 [tilespmem:s10], [sflag:$0x2], $0x1000, $0x38;
	[tilespmem:$0x1080] =	vst v63  }
0x2e: {  	_ =	swait.ge @!p0 [sflag:s11], $0x1000  }
0x2f: {  	[sflag:s11] =	ssyncset.done @!p0 $0x0  }
0x30: {  	[sflag:s11] =	ssyncadd.s32 @!p0 $0xFFFFF000  }
0x31: {  	_ =	sfence.sel $0x180000  }
0x32: {  	[bflag:$0x0] =	sbarrier.arrive $0xFFFF  }
0x33: {  	p0 =	sne.s32 s2, $0x0;
	_ =	strace $0x90000050  }
0x34: {  	s0 =	sadd.s32 @!p0 $0x100000, s0;
	[bflag:$0x2] =	sbarrier.arrive $0xFFFF  }
0x35: {  	[sflag:s0] =	ssyncadd.tile.s32 @!p0 $0x1;
	_ =	shalt  }
.Lfunc_end2:
_tile_overlayer_lowered:
.L_overlay_start_2:
0x36: {  	(tag) =	ssettag $0x2  }
0x37: {  	s0 =	rddreg [dreg:$0x0];
	s2 =	stileid.u32  }
0x38: {  	s1 =	rddreg [dreg:$0x1];
	p0 =	sne.s32 s2, $0x0  }
0x39: {  	s3 =	rddreg [dreg:$0x2];
	[bflag:$0x3] =	sbarrier.arrive $0xFFFF;
	s2 =	simm.s32 @!p0 $0x1C02  }
0x3a: {  	[timem:s3], [sflag:s2] =	dma.local @!p0 [hbm:s0], s1  }
0x3b: {  	s0 =	simm.s32 @!p0 $0x2  }
0x3c: {  	_ =	swait.ge @!p0 [sflag:s0], s1  }
0x3d: {  	s1 =	ssub.s32 @!p0 $0x0, s1;
	[sflag:s0] =	ssyncset.done @!p0 $0x0  }
0x3e: {  	[sflag:s0] =	ssyncadd.s32 @!p0 s1  }
0x3f: {  	[bflag:$0x3] =	sbarrier.arrive $0xFFFF  }
0x40: {  	_ =	shalt  }

// kernel: kernel.32.cloned.1.call-start
scs
__scs_entry_jumppad:
0x0: {  	(pc) =	sbr.rel $0x88, $3  }
0x1: {  	(tag) =	ssettag $0x0;
	lr =	simm.s32 $0x1  }
0x2: {  	[smem:$0x3F8D] =	sst lr;
	_ =	strace $0xD0000000  }
0x3: {  	_ = 	snop  }
0x4: {  	_ = 	snop  }
0x5: {  	_ = 	snop  }
0x6: {  	_ = 	snop  }
0x7: {  	_ = 	snop  }
__scs_overlays_trampoline_lowered:
0x8: {  	[smem:$0x3F9C] =	sst s0  }
0x9: {  	[smem:$0x3F9D] =	sst s1  }
0xa: {  	[smem:$0x3F9E] =	sst s2  }
0xb: {  	[smem:$0x3F9F] =	sst s3  }
0xc: {  	[smem:$0x3FA0] =	sst s4  }
0xd: {  	[smem:$0x3FA1] =	sst s5  }
0xe: {  	[smem:$0x3FA2] =	sst s6  }
0xf: {  	[smem:$0x3FA3] =	sst s7  }
0x10: {  	[smem:$0x3FA4] =	sst s8  }
0x11: {  	[smem:$0x3FA5] =	sst s9;
	s0 =	simm.s32 @!p0 $0x0  }
0x12: {  	s1 =	sld [smem:$0x3F8B];
	s0 =	simm.s32 @p0 $0x1  }
0x13: {  	[smem:$0x3FA6] =	sst s0;
	s0 =	simm.s32 @!p1 $0x0  }
0x14: {  	s2 =	sld [smem:$0x3F8A];
	s0 =	simm.s32 @p1 $0x1  }
0x15: {  	[smem:$0x3FA7] =	sst s0;
	s0 =	simm.s32 @!p2 $0x0  }
0x16: {  	s3 =	sld [smem:$0x3FDB];
	s0 =	simm.s32 @p2 $0x1  }
0x17: {  	s4 =	simm.s32 $0x1BF5;
	[smem:$0x3FA9] =	sst s0  }
0x18: {  	s0 =	sld [smem:$0x3F8C];
	_ =	swait.ge [sflag:s4], $0x0  }
0x19: {  	s7 =	sld [smem:$0x3F8D]  }
0x1a: {  	s8 =	sadd.s32 $0xFFFFE003, lr  }
0x1b: {  	s9 =	sadd.s32 $0xFFFFFEF7, lr;
	s5 =	simm.s32 $0xFFFFFFFF;
	p2 =	slt.u32 s8, $0xFFFFF086  }
0x1c: {  	p1 =	slt.u32 s9, $0xF7A;
	s5 =	simm.s32 @!p2 $0x0  }
0x1d: {  	s5 =	simm.s32 @p1 $0x1;
	p0 =	seq.s32 s7, s2  }
0x1e: {  	s7 =	smul.u32 @!p0 $0xF7A, s2;
	p2 =	seq.s32 @!p0 s5, $0x0  }
0x1f: {  	s9 =	smul.u32 $0xF7A, s1;
	s8 =	simm.s32 @!p0 $0x1BF5;
	p2 =	por !p2, p0  }
0x20: {  	[sflag:s8] =	ssyncset.s32 @!p0 $0xFFFFF086;
	s6 =	sadd.s32 @!p0 s3, s7;
	s7 =	simm.s32 @!p0 $0x108  }
0x21: {  	s3 =	sadd.s32 s3, s9;
	s6 =	sadd.s32 @!p0 $0x88, s6;
	s7 =	simm.s32 @p2 $0x1082  }
0x22: {  	[simem:s7], [sflag:s8] =	dma.local @!p0 [hbm:s6], $0xF7A  }
0x23: {  	s9 =	sor.u32 $0xD0000000, s2;
	s6 =	simm.s32 $0x108;
	_ =	swait.ge @!p0 [sflag:s8], $0x0  }
0x24: {  	s3 =	sadd.s32 $0x88, s3;
	s6 =	simm.s32 @!p1 $0x1082;
	[sflag:s4] =	ssyncset.s32 $0xFFFFF086  }
0x25: {  	[simem:s6], [sflag:s4] =	dma.local [hbm:s3], $0xF7A  }
0x26: {  	[smem:$0x3F8D] =	sst s1;
	(tag) =	ssettag s2;
	_ =	strace s9  }
0x27: {  	s1 =	sld [smem:$0x3F9D]  }
0x28: {  	s2 =	sld [smem:$0x3F9E]  }
0x29: {  	s4 =	sld [smem:$0x3FA0]  }
0x2a: {  	p0 =	seq.s32 s5, $0x0;
	s5 =	sld [smem:$0x3FA1]  }
0x2b: {  	s6 =	sld [smem:$0x3FA2]  }
0x2c: {  	s7 =	sld [smem:$0x3FA3]  }
0x2d: {  	s3 =	simm.s32 $0x108;
	s8 =	sld [smem:$0x3FA4]  }
0x2e: {  	s3 =	simm.s32 @!p0 $0x1082;
	s9 =	sld [smem:$0x3FA5]  }
0x2f: {  	lr =	sadd.s32 s0, s3;
	s0 =	sld [smem:$0x3F9C]  }
0x30: {  	s3 =	sld [smem:$0x3F9F]  }
0x31: {  	[smem:$0x3FA8] =	sst s10  }
0x32: {  	s10 =	sld [smem:$0x3FA6];
	_ =	sdelay $0x3  }
0x33: {  	p0 =	seq.s32 s10, $0x1;
	s10 =	sld [smem:$0x3FA8];
	_ =	sdelay $0x3  }
0x34: {  	[smem:$0x3FA8] =	sst s10  }
0x35: {  	s10 =	sld [smem:$0x3FA7];
	_ =	sdelay $0x3  }
0x36: {  	p1 =	seq.s32 s10, $0x1;
	s10 =	sld [smem:$0x3FA8];
	_ =	sdelay $0x3  }
0x37: {  	[smem:$0x3FA8] =	sst s10  }
0x38: {  	s10 =	sld [smem:$0x3FA9]  }
0x39: {  	_ = 	snop;
	(pc) =	sbr.ind lr, $3  }
0x3a: {  	_ = 	snop  }
0x3b: {  	_ = 	snop  }
0x3c: {  	p2 =	seq.s32 s10, $0x1;
	s10 =	sld [smem:$0x3FA8]  }
0x3d: {  	_ =	shalt  }
0x3e: {  	_ =	shalt  }
0x3f: {  	_ =	shalt  }
0x40: {  	_ =	shalt  }
0x41: {  	_ =	shalt  }
0x42: {  	_ =	shalt  }
0x43: {  	_ =	shalt  }
0x44: {  	_ =	shalt  }
0x45: {  	_ =	shalt  }
0x46: {  	_ =	shalt  }
0x47: {  	_ =	shalt  }
0x48: {  	_ =	shalt  }
0x49: {  	_ =	shalt  }
0x4a: {  	_ =	shalt  }
0x4b: {  	_ =	shalt  }
0x4c: {  	_ =	shalt  }
0x4d: {  	_ =	shalt  }
0x4e: {  	_ =	shalt  }
0x4f: {  	_ =	shalt  }
0x50: {  	_ =	shalt  }
0x51: {  	_ =	shalt  }
0x52: {  	_ =	shalt  }
0x53: {  	_ =	shalt  }
0x54: {  	_ =	shalt  }
0x55: {  	_ =	shalt  }
0x56: {  	_ =	shalt  }
0x57: {  	_ =	shalt  }
0x58: {  	_ =	shalt  }
0x59: {  	_ =	shalt  }
0x5a: {  	_ =	shalt  }
0x5b: {  	_ =	shalt  }
0x5c: {  	_ =	shalt  }
0x5d: {  	_ =	shalt  }
0x5e: {  	_ =	shalt  }
0x5f: {  	_ =	shalt  }
0x60: {  	_ =	shalt  }
0x61: {  	_ =	shalt  }
0x62: {  	_ =	shalt  }
0x63: {  	_ =	shalt  }
0x64: {  	_ =	shalt  }
0x65: {  	_ =	shalt  }
0x66: {  	_ =	shalt  }
0x67: {  	_ =	shalt  }
0x68: {  	_ =	shalt  }
0x69: {  	_ =	shalt  }
0x6a: {  	_ =	shalt  }
0x6b: {  	_ =	shalt  }
0x6c: {  	_ =	shalt  }
0x6d: {  	_ =	shalt  }
0x6e: {  	_ =	shalt  }
0x6f: {  	_ =	shalt  }
0x70: {  	_ =	shalt  }
0x71: {  	_ =	shalt  }
0x72: {  	_ =	shalt  }
0x73: {  	_ =	shalt  }
0x74: {  	_ =	shalt  }
0x75: {  	_ =	shalt  }
0x76: {  	_ =	shalt  }
0x77: {  	_ =	shalt  }
0x78: {  	_ =	shalt  }
0x79: {  	_ =	shalt  }
0x7a: {  	_ =	shalt  }
0x7b: {  	_ =	shalt  }
0x7c: {  	_ =	shalt  }
0x7d: {  	_ =	shalt  }
0x7e: {  	_ =	shalt  }
0x7f: {  	_ =	shalt  }
0x80: {  	_ =	shalt  }
0x81: {  	_ =	shalt  }
0x82: {  	_ =	shalt  }
0x83: {  	_ =	shalt  }
0x84: {  	_ =	shalt  }
0x85: {  	_ =	shalt  }
0x86: {  	_ =	shalt  }
0x87: {  	_ =	shalt  }
.Lfunc_end0:
.L_simem_size_0:
called_computation.5_lowered:
.L_overlay_start_0:
0x88: {  	s2 =	sld [smem:$0x3FD9]  }
0x89: {  	s3 =	sld [smem:$0x3FFE];
	_ =	sdelay $0x1  }
0x8a: {  	s1 =	srdreg.scid  }
0x8b: {  	s0 =	sand.u32 $0x1, s1  }
0x8c: {  	s17 =	sshll.u32 s0, $0xA;
	s2 =	sadd.s32 s3, s2  }
0x8d: {  	s2 =	sadd.s32 s2, s17  }
0x8e: {  	[smem:$0x3FB4] =	sst s2  }
0x8f: {  	_ = 	snop  }
0x90: {  	(tm) =	ssettm $0x1  }
0x91: {  	s18 =	sld [smem:$0x3FFB];
	_ =	sdelay $0x3  }
0x92: {  	_ =	strace s18  }
0x93: {  	s2 =	sld [smem:$0x3FFC];
	_ =	sdelay $0x3  }
0x94: {  	_ =	strace s2  }
0x95: {  	s2 =	sld [smem:$0x3FFD];
	_ =	sdelay $0x3  }
0x96: {  	_ =	strace s2  }
0x97: {  	_ =	strace $0x8FFFFFFF  }
0x98: {  	s19 =	sld [smem:$0x3FDB];
	_ =	sdelay $0x1  }
0x99: {  	s20 =	simm.s32 $_scs_section_size  }
0x9a: {  	s4 =	simm.s32 $_size__tile_overlayer_lowered;
	s5 =	simm.s32 $_tile_overlayer_lowered  }
0x9b: {  	s6 =	simm.s32 $0x1BFF;
	s21 =	sshll.u32 s5, $0x1;
	s3 =	sadd.s32 s20, s19  }
0x9c: {  	s22 =	simm.s32 $0x0;
	s4 =	sshll.u32 s4, $0x1;
	s5 =	sadd.s32 s21, s3  }
0x9d: {  	[timem:s22], [sflag:s6] =	dma.local [hbm:s5], s4  }
0x9e: {  	_ =	swait.ge [sflag:s6], s4  }
0x9f: {  	s4 =	ssub.s32 $0x0, s4;
	[sflag:s6] =	ssyncset.done $0x0  }
0xa0: {  	[sflag:s6] =	ssyncadd.s32 s4;
	_ =	sdelay $0x1  }
0xa1: {  	s23 =	simm.s32 $0x1B8B  }
0xa2: {  	_ =	swait.ge [sflag:s23], $0x1  }
0xa3: {  	[sflag:s23] =	ssyncset.done $0x0  }
0xa4: {  	[sflag:s23] =	ssyncadd.s32 $0xFFFFFFFF  }
0xa5: {  	s4 =	sld [smem:$0x0]  }
0xa6: {  	s5 =	sand.u32 $0xFFFFFFFE, s1  }
0xa7: {  	p0 =	sne.s32 s1, s5  }
0xa8: {  	s5 =	sshll.u32 @p0 s5, $0xE  }
0xa9: {  	s5 =	sadd.s32 @p0 $0x11B8D, s5;
	s6 =	sshll.u32 @p0 s4, $0x11  }
0xaa: {  	s5 =	sor.u32 @p0 s6, s5  }
0xab: {  	[sflag:s5] =	ssyncadd.remote.s32 @p0 $0x1;
	_ =	sdelay $0x1  }
0xac: {  	s5 =	simm.s32 @p0 $0x1B8D  }
0xad: {  	_ =	swait.eq @p0 [sflag:s5], $0x1  }
0xae: {  	[sflag:s5] =	ssyncadd.s32 @p0 $0xFFFFFFFF  }
0xaf: {  	s6 =	sshll.u32 @!p0 s1, $0xE  }
0xb0: {  	s6 =	sor.u32 @!p0 $0x4000, s6;
	s5 =	simm.s32 @!p0 $0x1B8D  }
0xb1: {  	s4 =	sshll.u32 @!p0 s4, $0x11;
	s6 =	sadd.s32 @!p0 $0x11B8D, s6;
	_ =	swait.eq @!p0 [sflag:s5], $0x1  }
0xb2: {  	s4 =	sor.u32 @!p0 s4, s6;
	[sflag:s5] =	ssyncadd.s32 @!p0 $0xFFFFFFFF  }
0xb3: {  	s25 =	simm.s32 $0x1B8E;
	s24 =	sld [smem:$0x3FFE];
	[sflag:s4] =	ssyncadd.remote.s32 @!p0 $0x1  }
0xb4: {  	s26 =	simm.s32 $execute0_lowered;
	[smem:$0x3FD2] =	sst s25  }
0xb5: {  	s5 =	sshll.u32 s26, $0x1;
	_ =	strace $0x80000058;
	[dreg:$0x1] =	wrdreg $0xFFFFFFFF  }
0xb6: {  	s28 =	simm.s32 $_size_execute0_lowered;
	s3 =	sadd.s32 s3, s5;
	[dreg:$0x0] =	wrdreg $0x0  }
0xb7: {  	s5 =	sshll.u32 s28, $0x1;
	[dreg:$0x2] =	wrdreg s3  }
0xb8: {  	[dreg:$0x3] =	wrdreg s5  }
0xb9: {  	[dreg:$0x4] =	wrdreg $0xC0  }
0xba: {  	_ =	task [dreg:s22], $0x5FFFF  }
0xbb: {  	[dreg:$0x1] =	wrdreg $0xFFFFFFFF  }
0xbc: {  	[dreg:$0x0] =	wrdreg $0x60  }
0xbd: {  	[dreg:$0x2] =	wrdreg s24  }
0xbe: {  	[dreg:$0x3] =	wrdreg $0x20800  }
0xbf: {  	[dreg:$0x4] =	wrdreg $0xB  }
0xc0: {  	_ =	task.clear_ibuf [dreg:s22], $0x5FFFF;
	_ =	strace $0x90000058  }
0xc1: {  	s29 =	simm.s32 $0xB;
	_ =	strace $0x8000005A  }
0xc2: {  	_ =	swait.ge [sflag:s29], $0x1  }
0xc3: {  	[sflag:s29] =	ssyncadd.s32 $0xFFFFFFFF  }
0xc4: {  	_ =	strace $0x9000005A  }
0xc5: {  	_ =	sfence  }
0xc6: {  	s30 =	sld [smem:$0x0];
	_ =	sdelay $0x2  }
0xc7: {  	s31 =	sshll.u32 s1, $0xD;
	s1 =	sshrl.u32 s1, $0x2  }
0xc8: {  	s4 =	sand.u32 $0x4000, s31;
	s1 =	sadd.s32 s1, s30  }
0xc9: {  	s0 =	sor.u32 s4, s0;
	s1 =	sshll.u32 s1, $0x11  }
0xca: {  	s0 =	sor.u32 s1, s0  }
0xcb: {  	s0 =	sadd.s32 $0x8F2B, s0  }
0xcc: {  	[sflag:s0] =	ssyncadd.remote.s32 $0x1  }
0xcd: {  	_ =	sfence.sel $0xFFFF  }
0xce: {  	[dreg:$0x0] =	wrdreg $0xFFFFFFFF;
	(pc) =	sbr.abs _section_cstart, $3  }
0xcf: {  	[dreg:$0x1] =	wrdreg $0xFFFFFFFF  }
0xd0: {  	_ =	task.clear_ibuf [dreg:s22], $0x2FFFF;
	_ =	strace $0x9FFFFFFF  }
0xd1: {  	(tm) =	ssettm $0x7FFFFFFF  }
tec
execute0_lowered:
.L_overlay_start_1:
0x0: {  	(tag) =	ssettag $0x1  }
0x1: {  	s4 =	rddreg [dreg:$0x0]  }
0x2: {  	s2 =	rddreg [dreg:$0x1]  }
0x3: {  	s0 =	rddreg [dreg:$0x2];
	s1 =	stileid.u32  }
0x4: {  	s5 =	srdreg.scid;
	s3 =	simm.s32 $0x0;
	s24 =	smul.u32 $0x9C40, s1  }
0x5: {  	s11 =	sand.u32 $0x1, s5;
	[smem:$0x7FF] =	sst s3;
	s8 =	smul.u32 $0x27100, s1  }
0x6: {  	s6 =	sshll.u32 s1, $0xB;
	s25 =	sshll.u32 s1, $0x5;
	s7 =	smul.u32 $0x9C400, s11  }
0x7: {  	_ =	strace $0x80000059;
	s12 =	sadd.s32 s6, s4;
	s13 =	sadd.s32 s25, s4  }
0x8: {  	s28 =	ssub.s32 $0x2, s11;
	s15 =	sshll.u32 s11, $0xA;
	s31 =	sshll.u32 s11, $0x4  }
0x9: {  	s29 =	sshrl.u32 s28, $0x1;
	s30 =	sshrl.u32 s8, $0x2;
	s5 =	sadd.s32 s24, s2  }
0xa: {  	s12 =	sadd.s32 s15, s12;
	s13 =	sadd.s32 s31, s13;
	s15 =	simm.s32 $0x1  }
0xb: {  	s7 =	sadd.s32 s24, s7;
	s14 =	ssub.s32 s28, s29;
	s9 =	sadd.s32 s30, s2  }
0xc: {  	s12 =	sadd.s32 $0x14FC00, s12;
	s13 =	sadd.s32 $0xD4E00, s13;
	s26 =	sshrl.u32 s7, $0x3  }
0xd: {  	s6 =	sadd.s32 $0x2000, s9;
	s7 =	sadd.s32 $0x4000, s9;
	s8 =	sadd.s32 $0x6000, s9  }
0xe: {  	s9 =	sadd.s32 $0x8000, s9;
	s11 =	smax.u32 s14, $0x1;
	s10 =	sadd.s32 s26, s4  }
0xf: {  	v0 =	vimm.f32 $0.0e+00;
	s14 =	simm.s32 $0x80;
	s4 =	sshll.u32 s1, $0x1;
	s10 =	sadd.s32 $0x34C00, s10  }
.LBB2_1:
0x10: {  	s17 =	simm.s32 $0x100;
	s16 =	simm.s32 $0x0  }
.LBB2_2:
0x11: {  	p0 =	sne.s32 s17, $0x7F00;
	[tilespmem:s16+$0xB0] =	vst v0;
	s18 =	smov.u32 s17;
	s17 =	sadd.s32 $0x100, s17  }
.Ltmp0:
0x12: {  	[tilespmem:s16+$0xA0] =	vst v0;
	(pc) =	sbr.rel @p0 .LBB2_2-.Ltmp0, $3  }
0x13: {  	[tilespmem:s16+$0x80] =	vst v0  }
0x14: {  	[tilespmem:s16+$0x90] =	vst v0;
	_ =	sdelay $0x1  }
0x15: {  	s16 =	sshra.s32 s18, $0x2  }
0x16: {  	[tilespmem:s16+$0xB0] =	vst v0  }
0x17: {  	[tilespmem:s16+$0xA0] =	vst v0  }
0x18: {  	[tilespmem:s16+$0x80] =	vst v0  }
0x19: {  	[tilespmem:s16+$0x90] =	vst v0  }
0x1a: {  	[spmem:s5] =	stream.linear.scatter [tilespmem:s14], [sflag:$0x1], $0x2000, $0x38;
	[tilespmem:$0xBCC0] =	vst v63  }
0x1b: {  	_ =	swait.ge [sflag:s15], $0x2000  }
0x1c: {  	[sflag:s15] =	ssyncset.done $0x0  }
0x1d: {  	[sflag:s15] =	ssyncadd.s32 $0xFFFFE000  }
0x1e: {  	[spmem:s6] =	stream.linear.scatter [tilespmem:s14], [sflag:$0x1], $0x2000, $0x38;
	[tilespmem:$0xBCC0] =	vst v63  }
0x1f: {  	_ =	swait.ge [sflag:s15], $0x2000  }
0x20: {  	[sflag:s15] =	ssyncset.done $0x0  }
0x21: {  	[sflag:s15] =	ssyncadd.s32 $0xFFFFE000  }
0x22: {  	[spmem:s7] =	stream.linear.scatter [tilespmem:s14], [sflag:$0x1], $0x2000, $0x38;
	[tilespmem:$0xBCC0] =	vst v63  }
0x23: {  	_ =	swait.ge [sflag:s15], $0x2000  }
0x24: {  	[sflag:s15] =	ssyncset.done $0x0  }
0x25: {  	[sflag:s15] =	ssyncadd.s32 $0xFFFFE000  }
0x26: {  	[spmem:s8] =	stream.linear.scatter [tilespmem:s14], [sflag:$0x1], $0x2000, $0x38;
	[tilespmem:$0xBCC0] =	vst v63  }
0x27: {  	_ =	swait.ge [sflag:s15], $0x2000  }
0x28: {  	[sflag:s15] =	ssyncset.done $0x0  }
0x29: {  	[sflag:s15] =	ssyncadd.s32 $0xFFFFE000  }
0x2a: {  	[spmem:s9] =	stream.linear.scatter [tilespmem:s14], [sflag:$0x1], $0x1C40, $0x38;
	[tilespmem:$0xBCC0] =	vst v63  }
0x2b: {  	_ =	swait.ge [sflag:s15], $0x1C40  }
0x2c: {  	s30 =	sadd.s32 $0x0, s4;
	[sflag:s15] =	ssyncset.done $0x0  }
0x2d: {  	p0 =	sgt.u32 s30, $0x289;
	[sflag:s15] =	ssyncadd.s32 $0xFFFFE3C0  }
0x2e: {  	s16 =	simm.s32 @!p0 $0x0;
	s18 =	simm.s32 @!p0 $0x2;
	[bflag:$0x0] =	sbarrier.arrive $0xFFFF  }
0x2f: {  	[tilespmem:s16], [sflag:$0x2] =	stream.linear.gather @!p0 [hbm4b:s13+s16], $0x80, $0x38;
	[tilespmem:$0xBCC0] =	vst v63  }
0x30: {  	_ =	swait.ge @!p0 [sflag:s18], $0x80  }
0x31: {  	[sflag:s18] =	ssyncset.done @!p0 $0x0;
	p0 =	por p0, p0  }
0x32: {  	[sflag:s18] =	ssyncadd.s32 @!p0 $0xFFFFFF80;
	s20 =	simm.s32 @!p0 $0x80  }
0x33: {  	[tilespmem:s20], [sflag:$0x2] =	stream.linear.gather @!p0 [hbm4b:s12+s16], $0x2000, $0x38;
	[tilespmem:$0xBCC0] =	vst v63  }
0x34: {  	_ =	swait.ge @!p0 [sflag:s18], $0x2000  }
0x35: {  	[sflag:s18] =	ssyncset.done @!p0 $0x0  }
0x36: {  	s31 =	sadd.s32 $0x20, s4;
	s19 =	simm.s32 @!p0 $0x1;
	[sflag:s18] =	ssyncadd.s32 @!p0 $0xFFFFE000  }
0x37: {  	[spmem:s2] =	stream.indirect.scatter.add.f32 @!p0 [tilespmem:s20], [sflag:$0x1], $0x40, s16, s20, $0xb8;
	[tilespmem:$0xBCC0] =	vst v63  }
0x38: {  	s17 =	simm.s32 $0x40;
	p1 =	sgt.u32 s31, $0x289;
	_ =	swait.ge @!p0 [sflag:s19], $0x2000  }
0x39: {  	s18 =	sadd.s32 $0x200, s13;
	s16 =	sadd.s32 $0x8000, s12;
	[sflag:s19] =	ssyncset.done @!p0 $0x0  }
.LBB2_4:
0x3a: {  	s20 =	simm.s32 @!p1 $0x0;
	s21 =	simm.s32 @!p1 $0x2;
	[sflag:s19] =	ssyncadd.s32 @!p0 $0xFFFFE000  }
0x3b: {  	[tilespmem:s20], [sflag:$0x2] =	stream.linear.gather @!p1 [hbm4b:s18+s20], $0x80, $0x38;
	[tilespmem:$0xBCC0] =	vst v63  }
0x3c: {  	s22 =	smov.u32 s17;
	s17 =	sadd.s32 $0x20, s17;
	_ =	swait.ge @!p1 [sflag:s21], $0x80  }
0x3d: {  	p0 =	por p1, p1;
	p2 =	sne.s32 s17, $0x2A0;
	[sflag:s21] =	ssyncset.done @!p1 $0x0  }
0x3e: {  	s23 =	simm.s32 @!p0 $0x80;
	[sflag:s21] =	ssyncadd.s32 @!p0 $0xFFFFFF80  }
0x3f: {  	[tilespmem:s23], [sflag:$0x2] =	stream.linear.gather @!p0 [hbm4b:s16+s20], $0x2000, $0x38;
	[tilespmem:$0xBCC0] =	vst v63  }
0x40: {  	_ =	swait.ge @!p0 [sflag:s21], $0x2000  }
.Ltmp1:
0x41: {  	[sflag:s21] =	ssyncset.done @!p0 $0x0;
	(pc) =	sbr.rel @p2 .LBB2_4-.Ltmp1, $4  }
0x42: {  	s19 =	simm.s32 @!p0 $0x1;
	[sflag:s21] =	ssyncadd.s32 @!p0 $0xFFFFE000  }
0x43: {  	[spmem:s2] =	stream.indirect.scatter.add.f32 @!p0 [tilespmem:s23], [sflag:$0x1], $0x40, s20, s23, $0xb8;
	[tilespmem:$0xBCC0] =	vst v63  }
0x44: {  	s18 =	sadd.s32 $0x200, s18;
	s20 =	sadd.s32 s22, s4;
	_ =	swait.ge @!p0 [sflag:s19], $0x2000  }
0x45: {  	s16 =	sadd.s32 $0x8000, s16;
	p1 =	sgt.u32 s20, $0x289;
	[sflag:s19] =	ssyncset.done @!p0 $0x0  }
0x46: {  	s17 =	simm.s32 @!p1 $0x0;
	s20 =	simm.s32 @!p1 $0x2;
	[sflag:s19] =	ssyncadd.s32 @!p0 $0xFFFFE000  }
0x47: {  	[tilespmem:s17], [sflag:$0x2] =	stream.linear.gather @!p1 [hbm4b:s18+s17], $0x80, $0x38;
	[tilespmem:$0xBCC0] =	vst v63  }
0x48: {  	_ =	swait.ge @!p1 [sflag:s20], $0x80  }
0x49: {  	p0 =	por p1, p1;
	[sflag:s20] =	ssyncset.done @!p1 $0x0  }
0x4a: {  	s18 =	simm.s32 @!p0 $0x80;
	[sflag:s20] =	ssyncadd.s32 @!p0 $0xFFFFFF80  }
0x4b: {  	[tilespmem:s18], [sflag:$0x2] =	stream.linear.gather @!p0 [hbm4b:s16+s17], $0x2000, $0x38;
	[tilespmem:$0xBCC0] =	vst v63  }
0x4c: {  	_ =	swait.ge @!p0 [sflag:s20], $0x2000  }
0x4d: {  	[sflag:s20] =	ssyncset.done @!p0 $0x0  }
0x4e: {  	s16 =	simm.s32 @!p0 $0x1;
	[sflag:s20] =	ssyncadd.s32 @!p0 $0xFFFFE000  }
0x4f: {  	[spmem:s2] =	stream.indirect.scatter.add.f32 @!p0 [tilespmem:s18], [sflag:$0x1], $0x40, s17, s18, $0xb8;
	[tilespmem:$0xBCC0] =	vst v63  }
0x50: {  	_ =	swait.ge @!p0 [sflag:s16], $0x2000  }
0x51: {  	s30 =	sshll.u32 s1, $0x6;
	s3 =	sadd.s32 $0x1, s3;
	[sflag:s16] =	ssyncset.done @!p0 $0x0  }
0x52: {  	s31 =	sshrl.u32 s5, $0x3;
	[sflag:s16] =	ssyncadd.s32 @!p0 $0xFFFFE000;
	p0 =	sne.s32 s3, s11  }
.Ltmp2:
0x53: {  	s16 =	sor.u32 $0x1C01, s30;
	[bflag:$0x0] =	sbarrier.arrive $0xFFFF;
	(pc) =	sbr.rel @p0 .LBB2_1-.Ltmp2, $4  }
0x54: {  	[hbm:s10], [sflag:s16] =	dma.local [spmem:s31], $0x1388  }
0x55: {  	_ =	swait.ge [sflag:s15], $0x1388  }
0x56: {  	[sflag:s15] =	ssyncset.done $0x0  }
0x57: {  	[sflag:s15] =	ssyncadd.s32 $0xFFFFEC78  }
0x58: {  	_ =	sfence.sel $0x180000  }
0x59: {  	[bflag:$0x0] =	sbarrier.arrive $0xFFFF  }
0x5a: {  	p0 =	sne.s32 s1, $0x0;
	_ =	strace $0x90000059  }
0x5b: {  	s0 =	sadd.s32 @!p0 $0x100000, s0;
	[bflag:$0x2] =	sbarrier.arrive $0xFFFF  }
0x5c: {  	[sflag:s0] =	ssyncadd.tile.s32 @!p0 $0x1;
	_ =	shalt  }
.Lfunc_end2:
_tile_overlayer_lowered:
.L_overlay_start_2:
0x5d: {  	(tag) =	ssettag $0x2  }
0x5e: {  	s0 =	rddreg [dreg:$0x0];
	s2 =	stileid.u32  }
0x5f: {  	s1 =	rddreg [dreg:$0x1];
	p0 =	sne.s32 s2, $0x0  }
0x60: {  	s3 =	rddreg [dreg:$0x2];
	[bflag:$0x3] =	sbarrier.arrive $0xFFFF;
	s2 =	simm.s32 @!p0 $0x1C01  }
0x61: {  	[timem:s3], [sflag:s2] =	dma.local @!p0 [hbm:s0], s1  }
0x62: {  	s0 =	simm.s32 @!p0 $0x1  }
0x63: {  	_ =	swait.ge @!p0 [sflag:s0], s1  }
0x64: {  	s1 =	ssub.s32 @!p0 $0x0, s1;
	[sflag:s0] =	ssyncset.done @!p0 $0x0  }
0x65: {  	[sflag:s0] =	ssyncadd.s32 @!p0 s1  }
0x66: {  	[bflag:$0x3] =	sbarrier.arrive $0xFFFF  }
0x67: {  	_ =	shalt  }

// kernel: kernel.35.cloned.1.call-start
scs
__scs_entry_jumppad:
0x0: {  	(pc) =	sbr.rel $0x88, $3  }
0x1: {  	(tag) =	ssettag $0x0;
	lr =	simm.s32 $0x1  }
0x2: {  	[smem:$0x3F8D] =	sst lr;
	_ =	strace $0xD0000000  }
0x3: {  	_ = 	snop  }
0x4: {  	_ = 	snop  }
0x5: {  	_ = 	snop  }
0x6: {  	_ = 	snop  }
0x7: {  	_ = 	snop  }
__scs_overlays_trampoline_lowered:
0x8: {  	[smem:$0x3F9C] =	sst s0  }
0x9: {  	[smem:$0x3F9D] =	sst s1  }
0xa: {  	[smem:$0x3F9E] =	sst s2  }
0xb: {  	[smem:$0x3F9F] =	sst s3  }
0xc: {  	[smem:$0x3FA0] =	sst s4  }
0xd: {  	[smem:$0x3FA1] =	sst s5  }
0xe: {  	[smem:$0x3FA2] =	sst s6  }
0xf: {  	[smem:$0x3FA3] =	sst s7  }
0x10: {  	[smem:$0x3FA4] =	sst s8  }
0x11: {  	[smem:$0x3FA5] =	sst s9;
	s0 =	simm.s32 @!p0 $0x0  }
0x12: {  	s1 =	sld [smem:$0x3F8B];
	s0 =	simm.s32 @p0 $0x1  }
0x13: {  	[smem:$0x3FA6] =	sst s0;
	s0 =	simm.s32 @!p1 $0x0  }
0x14: {  	s2 =	sld [smem:$0x3F8A];
	s0 =	simm.s32 @p1 $0x1  }
0x15: {  	[smem:$0x3FA7] =	sst s0;
	s0 =	simm.s32 @!p2 $0x0  }
0x16: {  	s3 =	sld [smem:$0x3FDB];
	s0 =	simm.s32 @p2 $0x1  }
0x17: {  	s4 =	simm.s32 $0x1BF5;
	[smem:$0x3FA9] =	sst s0  }
0x18: {  	s0 =	sld [smem:$0x3F8C];
	_ =	swait.ge [sflag:s4], $0x0  }
0x19: {  	s7 =	sld [smem:$0x3F8D]  }
0x1a: {  	s8 =	sadd.s32 $0xFFFFE003, lr  }
0x1b: {  	s9 =	sadd.s32 $0xFFFFFEF7, lr;
	s5 =	simm.s32 $0xFFFFFFFF;
	p2 =	slt.u32 s8, $0xFFFFF086  }
0x1c: {  	p1 =	slt.u32 s9, $0xF7A;
	s5 =	simm.s32 @!p2 $0x0  }
0x1d: {  	s5 =	simm.s32 @p1 $0x1;
	p0 =	seq.s32 s7, s2  }
0x1e: {  	s7 =	smul.u32 @!p0 $0xF7A, s2;
	p2 =	seq.s32 @!p0 s5, $0x0  }
0x1f: {  	s9 =	smul.u32 $0xF7A, s1;
	s8 =	simm.s32 @!p0 $0x1BF5;
	p2 =	por !p2, p0  }
0x20: {  	[sflag:s8] =	ssyncset.s32 @!p0 $0xFFFFF086;
	s6 =	sadd.s32 @!p0 s3, s7;
	s7 =	simm.s32 @!p0 $0x108  }
0x21: {  	s3 =	sadd.s32 s3, s9;
	s6 =	sadd.s32 @!p0 $0x88, s6;
	s7 =	simm.s32 @p2 $0x1082  }
0x22: {  	[simem:s7], [sflag:s8] =	dma.local @!p0 [hbm:s6], $0xF7A  }
0x23: {  	s9 =	sor.u32 $0xD0000000, s2;
	s6 =	simm.s32 $0x108;
	_ =	swait.ge @!p0 [sflag:s8], $0x0  }
0x24: {  	s3 =	sadd.s32 $0x88, s3;
	s6 =	simm.s32 @!p1 $0x1082;
	[sflag:s4] =	ssyncset.s32 $0xFFFFF086  }
0x25: {  	[simem:s6], [sflag:s4] =	dma.local [hbm:s3], $0xF7A  }
0x26: {  	[smem:$0x3F8D] =	sst s1;
	(tag) =	ssettag s2;
	_ =	strace s9  }
0x27: {  	s1 =	sld [smem:$0x3F9D]  }
0x28: {  	s2 =	sld [smem:$0x3F9E]  }
0x29: {  	s4 =	sld [smem:$0x3FA0]  }
0x2a: {  	p0 =	seq.s32 s5, $0x0;
	s5 =	sld [smem:$0x3FA1]  }
0x2b: {  	s6 =	sld [smem:$0x3FA2]  }
0x2c: {  	s7 =	sld [smem:$0x3FA3]  }
0x2d: {  	s3 =	simm.s32 $0x108;
	s8 =	sld [smem:$0x3FA4]  }
0x2e: {  	s3 =	simm.s32 @!p0 $0x1082;
	s9 =	sld [smem:$0x3FA5]  }
0x2f: {  	lr =	sadd.s32 s0, s3;
	s0 =	sld [smem:$0x3F9C]  }
0x30: {  	s3 =	sld [smem:$0x3F9F]  }
0x31: {  	[smem:$0x3FA8] =	sst s10  }
0x32: {  	s10 =	sld [smem:$0x3FA6];
	_ =	sdelay $0x3  }
0x33: {  	p0 =	seq.s32 s10, $0x1;
	s10 =	sld [smem:$0x3FA8];
	_ =	sdelay $0x3  }
0x34: {  	[smem:$0x3FA8] =	sst s10  }
0x35: {  	s10 =	sld [smem:$0x3FA7];
	_ =	sdelay $0x3  }
0x36: {  	p1 =	seq.s32 s10, $0x1;
	s10 =	sld [smem:$0x3FA8];
	_ =	sdelay $0x3  }
0x37: {  	[smem:$0x3FA8] =	sst s10  }
0x38: {  	s10 =	sld [smem:$0x3FA9]  }
0x39: {  	_ = 	snop;
	(pc) =	sbr.ind lr, $3  }
0x3a: {  	_ = 	snop  }
0x3b: {  	_ = 	snop  }
0x3c: {  	p2 =	seq.s32 s10, $0x1;
	s10 =	sld [smem:$0x3FA8]  }
0x3d: {  	_ =	shalt  }
0x3e: {  	_ =	shalt  }
0x3f: {  	_ =	shalt  }
0x40: {  	_ =	shalt  }
0x41: {  	_ =	shalt  }
0x42: {  	_ =	shalt  }
0x43: {  	_ =	shalt  }
0x44: {  	_ =	shalt  }
0x45: {  	_ =	shalt  }
0x46: {  	_ =	shalt  }
0x47: {  	_ =	shalt  }
0x48: {  	_ =	shalt  }
0x49: {  	_ =	shalt  }
0x4a: {  	_ =	shalt  }
0x4b: {  	_ =	shalt  }
0x4c: {  	_ =	shalt  }
0x4d: {  	_ =	shalt  }
0x4e: {  	_ =	shalt  }
0x4f: {  	_ =	shalt  }
0x50: {  	_ =	shalt  }
0x51: {  	_ =	shalt  }
0x52: {  	_ =	shalt  }
0x53: {  	_ =	shalt  }
0x54: {  	_ =	shalt  }
0x55: {  	_ =	shalt  }
0x56: {  	_ =	shalt  }
0x57: {  	_ =	shalt  }
0x58: {  	_ =	shalt  }
0x59: {  	_ =	shalt  }
0x5a: {  	_ =	shalt  }
0x5b: {  	_ =	shalt  }
0x5c: {  	_ =	shalt  }
0x5d: {  	_ =	shalt  }
0x5e: {  	_ =	shalt  }
0x5f: {  	_ =	shalt  }
0x60: {  	_ =	shalt  }
0x61: {  	_ =	shalt  }
0x62: {  	_ =	shalt  }
0x63: {  	_ =	shalt  }
0x64: {  	_ =	shalt  }
0x65: {  	_ =	shalt  }
0x66: {  	_ =	shalt  }
0x67: {  	_ =	shalt  }
0x68: {  	_ =	shalt  }
0x69: {  	_ =	shalt  }
0x6a: {  	_ =	shalt  }
0x6b: {  	_ =	shalt  }
0x6c: {  	_ =	shalt  }
0x6d: {  	_ =	shalt  }
0x6e: {  	_ =	shalt  }
0x6f: {  	_ =	shalt  }
0x70: {  	_ =	shalt  }
0x71: {  	_ =	shalt  }
0x72: {  	_ =	shalt  }
0x73: {  	_ =	shalt  }
0x74: {  	_ =	shalt  }
0x75: {  	_ =	shalt  }
0x76: {  	_ =	shalt  }
0x77: {  	_ =	shalt  }
0x78: {  	_ =	shalt  }
0x79: {  	_ =	shalt  }
0x7a: {  	_ =	shalt  }
0x7b: {  	_ =	shalt  }
0x7c: {  	_ =	shalt  }
0x7d: {  	_ =	shalt  }
0x7e: {  	_ =	shalt  }
0x7f: {  	_ =	shalt  }
0x80: {  	_ =	shalt  }
0x81: {  	_ =	shalt  }
0x82: {  	_ =	shalt  }
0x83: {  	_ =	shalt  }
0x84: {  	_ =	shalt  }
0x85: {  	_ =	shalt  }
0x86: {  	_ =	shalt  }
0x87: {  	_ =	shalt  }
.Lfunc_end0:
.L_simem_size_0:
called_computation.6_lowered:
.L_overlay_start_0:
0x88: {  	s2 =	sld [smem:$0x3FD9]  }
0x89: {  	s3 =	sld [smem:$0x3FFE];
	_ =	sdelay $0x1  }
0x8a: {  	s1 =	srdreg.scid  }
0x8b: {  	s0 =	sand.u32 $0x1, s1  }
0x8c: {  	s17 =	sshll.u32 s0, $0xA;
	s2 =	sadd.s32 s3, s2  }
0x8d: {  	s2 =	sadd.s32 s2, s17  }
0x8e: {  	[smem:$0x3FB4] =	sst s2  }
0x8f: {  	_ = 	snop  }
0x90: {  	(tm) =	ssettm $0x1  }
0x91: {  	s18 =	sld [smem:$0x3FFB];
	_ =	sdelay $0x3  }
0x92: {  	_ =	strace s18  }
0x93: {  	s2 =	sld [smem:$0x3FFC];
	_ =	sdelay $0x3  }
0x94: {  	_ =	strace s2  }
0x95: {  	s2 =	sld [smem:$0x3FFD];
	_ =	sdelay $0x3  }
0x96: {  	_ =	strace s2  }
0x97: {  	_ =	strace $0x8FFFFFFF  }
0x98: {  	s19 =	sld [smem:$0x3FDB];
	_ =	sdelay $0x1  }
0x99: {  	s20 =	simm.s32 $_scs_section_size  }
0x9a: {  	s4 =	simm.s32 $_size__tile_overlayer_lowered;
	s5 =	simm.s32 $_tile_overlayer_lowered  }
0x9b: {  	s6 =	simm.s32 $0x1BFF;
	s21 =	sshll.u32 s5, $0x1;
	s3 =	sadd.s32 s20, s19  }
0x9c: {  	s22 =	simm.s32 $0x0;
	s4 =	sshll.u32 s4, $0x1;
	s5 =	sadd.s32 s21, s3  }
0x9d: {  	[timem:s22], [sflag:s6] =	dma.local [hbm:s5], s4  }
0x9e: {  	_ =	swait.ge [sflag:s6], s4  }
0x9f: {  	s4 =	ssub.s32 $0x0, s4;
	[sflag:s6] =	ssyncset.done $0x0  }
0xa0: {  	[sflag:s6] =	ssyncadd.s32 s4;
	_ =	sdelay $0x1  }
0xa1: {  	s23 =	simm.s32 $0x1B8B  }
0xa2: {  	_ =	swait.ge [sflag:s23], $0x1  }
0xa3: {  	[sflag:s23] =	ssyncset.done $0x0  }
0xa4: {  	[sflag:s23] =	ssyncadd.s32 $0xFFFFFFFF  }
0xa5: {  	s4 =	sld [smem:$0x0]  }
0xa6: {  	s5 =	sand.u32 $0xFFFFFFFE, s1  }
0xa7: {  	p0 =	sne.s32 s1, s5  }
0xa8: {  	s5 =	sshll.u32 @p0 s5, $0xE  }
0xa9: {  	s5 =	sadd.s32 @p0 $0x11B8D, s5;
	s6 =	sshll.u32 @p0 s4, $0x11  }
0xaa: {  	s5 =	sor.u32 @p0 s6, s5  }
0xab: {  	[sflag:s5] =	ssyncadd.remote.s32 @p0 $0x1;
	_ =	sdelay $0x1  }
0xac: {  	s5 =	simm.s32 @p0 $0x1B8D  }
0xad: {  	_ =	swait.eq @p0 [sflag:s5], $0x1  }
0xae: {  	[sflag:s5] =	ssyncadd.s32 @p0 $0xFFFFFFFF  }
0xaf: {  	s6 =	sshll.u32 @!p0 s1, $0xE  }
0xb0: {  	s6 =	sor.u32 @!p0 $0x4000, s6;
	s5 =	simm.s32 @!p0 $0x1B8D  }
0xb1: {  	s4 =	sshll.u32 @!p0 s4, $0x11;
	s6 =	sadd.s32 @!p0 $0x11B8D, s6;
	_ =	swait.eq @!p0 [sflag:s5], $0x1  }
0xb2: {  	s4 =	sor.u32 @!p0 s4, s6;
	[sflag:s5] =	ssyncadd.s32 @!p0 $0xFFFFFFFF  }
0xb3: {  	s25 =	simm.s32 $0x1B8E;
	s24 =	sld [smem:$0x3FFE];
	[sflag:s4] =	ssyncadd.remote.s32 @!p0 $0x1  }
0xb4: {  	s26 =	simm.s32 $execute0_lowered;
	[smem:$0x3FD2] =	sst s25  }
0xb5: {  	s5 =	sshll.u32 s26, $0x1;
	_ =	strace $0x80000052;
	[dreg:$0x1] =	wrdreg $0xFFFFFFFF  }
0xb6: {  	s28 =	simm.s32 $_size_execute0_lowered;
	s3 =	sadd.s32 s3, s5;
	[dreg:$0x0] =	wrdreg $0x0  }
0xb7: {  	s5 =	sshll.u32 s28, $0x1;
	[dreg:$0x2] =	wrdreg s3  }
0xb8: {  	[dreg:$0x3] =	wrdreg s5  }
0xb9: {  	[dreg:$0x4] =	wrdreg $0xC0  }
0xba: {  	_ =	task [dreg:s22], $0x5FFFF  }
0xbb: {  	[dreg:$0x1] =	wrdreg $0xFFFFFFFF  }
0xbc: {  	[dreg:$0x0] =	wrdreg $0x60  }
0xbd: {  	[dreg:$0x2] =	wrdreg s24  }
0xbe: {  	[dreg:$0x3] =	wrdreg $0xA  }
0xbf: {  	_ =	task.clear_ibuf [dreg:s22], $0x4FFFF;
	_ =	strace $0x90000052  }
0xc0: {  	s29 =	simm.s32 $0xA;
	_ =	strace $0x80000054  }
0xc1: {  	_ =	swait.ge [sflag:s29], $0x1  }
0xc2: {  	[sflag:s29] =	ssyncadd.s32 $0xFFFFFFFF  }
0xc3: {  	_ =	strace $0x90000054  }
0xc4: {  	_ =	sfence  }
0xc5: {  	s30 =	sld [smem:$0x0];
	_ =	sdelay $0x2  }
0xc6: {  	s31 =	sshll.u32 s1, $0xD;
	s1 =	sshrl.u32 s1, $0x2  }
0xc7: {  	s4 =	sand.u32 $0x4000, s31;
	s1 =	sadd.s32 s1, s30  }
0xc8: {  	s0 =	sor.u32 s4, s0;
	s1 =	sshll.u32 s1, $0x11  }
0xc9: {  	s0 =	sor.u32 s1, s0  }
0xca: {  	s0 =	sadd.s32 $0x8F2B, s0  }
0xcb: {  	[sflag:s0] =	ssyncadd.remote.s32 $0x1  }
0xcc: {  	_ =	sfence.sel $0xFFFF  }
0xcd: {  	[dreg:$0x0] =	wrdreg $0xFFFFFFFF;
	(pc) =	sbr.abs _section_cstart, $3  }
0xce: {  	[dreg:$0x1] =	wrdreg $0xFFFFFFFF  }
0xcf: {  	_ =	task.clear_ibuf [dreg:s22], $0x2FFFF;
	_ =	strace $0x9FFFFFFF  }
0xd0: {  	(tm) =	ssettm $0x7FFFFFFF  }
0xd1: {  	_ =	shalt  }
tec
execute0_lowered:
.L_overlay_start_1:
0x0: {  	(tag) =	ssettag $0x1  }
0x1: {  	s4 =	rddreg [dreg:$0x0]  }
0x2: {  	s0 =	rddreg [dreg:$0x1];
	s1 =	simm.s32 $0x0;
	s5 =	srdreg.scid  }
0x3: {  	s2 =	stileid.u32;
	[smem:$0x7FF] =	sst s1  }
0x4: {  	s3 =	sadd.s32 $0x2AE00, s4;
	s5 =	sand.u32 $0x1, s5;
	s6 =	sshll.u32 s2, $0x5  }
0x5: {  	s7 =	sshll.u32 s2, $0xA;
	_ =	strace $0x80000053;
	s8 =	ssub.s32 $0x2, s5  }
0x6: {  	s6 =	sadd.s32 s6, s4;
	s7 =	sadd.s32 s7, s4;
	s9 =	sshll.u32 s5, $0x9  }
0x7: {  	s5 =	sshll.u32 s5, $0x4;
	s4 =	sshll.u32 s2, $0x1;
	s30 =	sshrl.u32 s8, $0x1  }
0x8: {  	s7 =	sadd.s32 s9, s7;
	s31 =	sadd.s32 s5, s6;
	s8 =	ssub.s32 s8, s30  }
0x9: {  	s6 =	sadd.s32 $0xAF600, s7;
	s7 =	sadd.s32 $0xAE200, s31;
	s5 =	smax.u32 s8, $0x1  }
.LBB2_1:
0xa: {  	s8 =	sadd.s32 $0x0, s4  }
0xb: {  	p0 =	sgt.u32 s8, $0x12B  }
0xc: {  	s8 =	simm.s32 @!p0 $0x0;
	s9 =	simm.s32 @!p0 $0x3  }
0xd: {  	[tilespmem:s8], [sflag:$0x3] =	stream.linear.gather @!p0 [hbm4b:s7+s8], $0x80, $0x38;
	[tilespmem:$0x1080] =	vst v63  }
0xe: {  	_ =	swait.ge @!p0 [sflag:s9], $0x80  }
0xf: {  	[sflag:s9] =	ssyncset.done @!p0 $0x0;
	p0 =	por p0, p0  }
0x10: {  	[sflag:s9] =	ssyncadd.s32 @!p0 $0xFFFFFF80;
	s10 =	simm.s32 @!p0 $0x80;
	s11 =	simm.s32 @!p0 $0x1  }
0x11: {  	[tilespmem:s10], [sflag:$0x1] =	stream.indirect.gather @!p0 [hbm4b:s3+s10], $0x20, s8, s10, $0xb8;
	[tilespmem:$0x1080] =	vst v63  }
0x12: {  	_ =	swait.ge @!p0 [sflag:s11], $0x1000  }
0x13: {  	[sflag:s11] =	ssyncset.done @!p0 $0x0  }
0x14: {  	s31 =	sadd.s32 $0x20, s4;
	[sflag:s11] =	ssyncadd.s32 @!p0 $0xFFFFF000;
	s11 =	simm.s32 @!p0 $0x2  }
0x15: {  	[hbm4b:s6+s8] =	stream.linear.scatter @!p0 [tilespmem:s10], [sflag:$0x2], $0x1000, $0x38;
	[tilespmem:$0x1080] =	vst v63  }
0x16: {  	p1 =	sgt.u32 s31, $0x12B;
	s9 =	simm.s32 $0x40;
	_ =	swait.ge @!p0 [sflag:s11], $0x1000  }
0x17: {  	s10 =	sadd.s32 $0x200, s7;
	s8 =	sadd.s32 $0x4000, s6;
	[sflag:s11] =	ssyncset.done @!p0 $0x0  }
.LBB2_2:
0x18: {  	s12 =	simm.s32 @!p1 $0x0;
	s13 =	simm.s32 @!p1 $0x3;
	[sflag:s11] =	ssyncadd.s32 @!p0 $0xFFFFF000  }
0x19: {  	[tilespmem:s12], [sflag:$0x3] =	stream.linear.gather @!p1 [hbm4b:s10+s12], $0x80, $0x38;
	[tilespmem:$0x1080] =	vst v63  }
0x1a: {  	s14 =	smov.u32 s9;
	s9 =	sadd.s32 $0x20, s9;
	_ =	swait.ge @!p1 [sflag:s13], $0x80  }
0x1b: {  	p0 =	por p1, p1;
	p2 =	sne.s32 s9, $0x140;
	[sflag:s13] =	ssyncset.done @!p1 $0x0  }
0x1c: {  	s11 =	simm.s32 @!p0 $0x1;
	[sflag:s13] =	ssyncadd.s32 @!p0 $0xFFFFFF80;
	s13 =	simm.s32 @!p0 $0x80  }
0x1d: {  	[tilespmem:s13], [sflag:$0x1] =	stream.indirect.gather @!p0 [hbm4b:s3+s13], $0x20, s12, s13, $0xb8;
	[tilespmem:$0x1080] =	vst v63  }
0x1e: {  	_ =	swait.ge @!p0 [sflag:s11], $0x1000  }
.Ltmp0:
0x1f: {  	[sflag:s11] =	ssyncset.done @!p0 $0x0;
	(pc) =	sbr.rel @p2 .LBB2_2-.Ltmp0, $4  }
0x20: {  	[sflag:s11] =	ssyncadd.s32 @!p0 $0xFFFFF000;
	s11 =	simm.s32 @!p0 $0x2  }
0x21: {  	[hbm4b:s8+s12] =	stream.linear.scatter @!p0 [tilespmem:s13], [sflag:$0x2], $0x1000, $0x38;
	[tilespmem:$0x1080] =	vst v63  }
0x22: {  	s10 =	sadd.s32 $0x200, s10;
	s12 =	sadd.s32 s14, s4;
	_ =	swait.ge @!p0 [sflag:s11], $0x1000  }
0x23: {  	s8 =	sadd.s32 $0x4000, s8;
	p1 =	sgt.u32 s12, $0x12B;
	[sflag:s11] =	ssyncset.done @!p0 $0x0  }
0x24: {  	s9 =	simm.s32 @!p1 $0x0;
	s12 =	simm.s32 @!p1 $0x3;
	[sflag:s11] =	ssyncadd.s32 @!p0 $0xFFFFF000  }
0x25: {  	[tilespmem:s9], [sflag:$0x3] =	stream.linear.gather @!p1 [hbm4b:s10+s9], $0x80, $0x38;
	[tilespmem:$0x1080] =	vst v63  }
0x26: {  	_ =	swait.ge @!p1 [sflag:s12], $0x80  }
0x27: {  	p0 =	por p1, p1;
	[sflag:s12] =	ssyncset.done @!p1 $0x0  }
0x28: {  	s10 =	simm.s32 @!p0 $0x80;
	s11 =	simm.s32 @!p0 $0x1;
	[sflag:s12] =	ssyncadd.s32 @!p0 $0xFFFFFF80  }
0x29: {  	[tilespmem:s10], [sflag:$0x1] =	stream.indirect.gather @!p0 [hbm4b:s3+s10], $0x20, s9, s10, $0xb8;
	[tilespmem:$0x1080] =	vst v63  }
0x2a: {  	s1 =	sadd.s32 $0x1, s1;
	_ =	swait.ge @!p0 [sflag:s11], $0x1000  }
0x2b: {  	p1 =	sne.s32 s1, s5;
	[sflag:s11] =	ssyncset.done @!p0 $0x0  }
.Ltmp1:
0x2c: {  	[sflag:s11] =	ssyncadd.s32 @!p0 $0xFFFFF000;
	s11 =	simm.s32 @!p0 $0x2;
	(pc) =	sbr.rel @p1 .LBB2_1-.Ltmp1, $4  }
0x2d: {  	[hbm4b:s8+s9] =	stream.linear.scatter @!p0 [tilespmem:s10], [sflag:$0x2], $0x1000, $0x38;
	[tilespmem:$0x1080] =	vst v63  }
0x2e: {  	_ =	swait.ge @!p0 [sflag:s11], $0x1000  }
0x2f: {  	[sflag:s11] =	ssyncset.done @!p0 $0x0  }
0x30: {  	[sflag:s11] =	ssyncadd.s32 @!p0 $0xFFFFF000  }
0x31: {  	_ =	sfence.sel $0x180000  }
0x32: {  	[bflag:$0x0] =	sbarrier.arrive $0xFFFF  }
0x33: {  	p0 =	sne.s32 s2, $0x0;
	_ =	strace $0x90000053  }
0x34: {  	s0 =	sadd.s32 @!p0 $0x100000, s0;
	[bflag:$0x2] =	sbarrier.arrive $0xFFFF  }
0x35: {  	[sflag:s0] =	ssyncadd.tile.s32 @!p0 $0x1;
	_ =	shalt  }
.Lfunc_end2:
_tile_overlayer_lowered:
.L_overlay_start_2:
0x36: {  	(tag) =	ssettag $0x2  }
0x37: {  	s0 =	rddreg [dreg:$0x0];
	s2 =	stileid.u32  }
0x38: {  	s1 =	rddreg [dreg:$0x1];
	p0 =	sne.s32 s2, $0x0  }
0x39: {  	s3 =	rddreg [dreg:$0x2];
	[bflag:$0x3] =	sbarrier.arrive $0xFFFF;
	s2 =	simm.s32 @!p0 $0x1C02  }
0x3a: {  	[timem:s3], [sflag:s2] =	dma.local @!p0 [hbm:s0], s1  }
0x3b: {  	s0 =	simm.s32 @!p0 $0x2  }
0x3c: {  	_ =	swait.ge @!p0 [sflag:s0], s1  }
0x3d: {  	s1 =	ssub.s32 @!p0 $0x0, s1;
	[sflag:s0] =	ssyncset.done @!p0 $0x0  }
0x3e: {  	[sflag:s0] =	ssyncadd.s32 @!p0 s1  }
0x3f: {  	[bflag:$0x3] =	sbarrier.arrive $0xFFFF  }
0x40: {  	_ =	shalt  }

// kernel: kernel.38.cloned.1.call-start
scs
__scs_entry_jumppad:
0x0: {  	(pc) =	sbr.rel $0x88, $3  }
0x1: {  	(tag) =	ssettag $0x0;
	lr =	simm.s32 $0x1  }
0x2: {  	[smem:$0x3F8D] =	sst lr;
	_ =	strace $0xD0000000  }
0x3: {  	_ = 	snop  }
0x4: {  	_ = 	snop  }
0x5: {  	_ = 	snop  }
0x6: {  	_ = 	snop  }
0x7: {  	_ = 	snop  }
__scs_overlays_trampoline_lowered:
0x8: {  	[smem:$0x3F9C] =	sst s0  }
0x9: {  	[smem:$0x3F9D] =	sst s1  }
0xa: {  	[smem:$0x3F9E] =	sst s2  }
0xb: {  	[smem:$0x3F9F] =	sst s3  }
0xc: {  	[smem:$0x3FA0] =	sst s4  }
0xd: {  	[smem:$0x3FA1] =	sst s5  }
0xe: {  	[smem:$0x3FA2] =	sst s6  }
0xf: {  	[smem:$0x3FA3] =	sst s7  }
0x10: {  	[smem:$0x3FA4] =	sst s8  }
0x11: {  	[smem:$0x3FA5] =	sst s9;
	s0 =	simm.s32 @!p0 $0x0  }
0x12: {  	s1 =	sld [smem:$0x3F8B];
	s0 =	simm.s32 @p0 $0x1  }
0x13: {  	[smem:$0x3FA6] =	sst s0;
	s0 =	simm.s32 @!p1 $0x0  }
0x14: {  	s2 =	sld [smem:$0x3F8A];
	s0 =	simm.s32 @p1 $0x1  }
0x15: {  	[smem:$0x3FA7] =	sst s0;
	s0 =	simm.s32 @!p2 $0x0  }
0x16: {  	s3 =	sld [smem:$0x3FDB];
	s0 =	simm.s32 @p2 $0x1  }
0x17: {  	s4 =	simm.s32 $0x1BF5;
	[smem:$0x3FA9] =	sst s0  }
0x18: {  	s0 =	sld [smem:$0x3F8C];
	_ =	swait.ge [sflag:s4], $0x0  }
0x19: {  	s7 =	sld [smem:$0x3F8D]  }
0x1a: {  	s8 =	sadd.s32 $0xFFFFE003, lr  }
0x1b: {  	s9 =	sadd.s32 $0xFFFFFEF7, lr;
	s5 =	simm.s32 $0xFFFFFFFF;
	p2 =	slt.u32 s8, $0xFFFFF086  }
0x1c: {  	p1 =	slt.u32 s9, $0xF7A;
	s5 =	simm.s32 @!p2 $0x0  }
0x1d: {  	s5 =	simm.s32 @p1 $0x1;
	p0 =	seq.s32 s7, s2  }
0x1e: {  	s7 =	smul.u32 @!p0 $0xF7A, s2;
	p2 =	seq.s32 @!p0 s5, $0x0  }
0x1f: {  	s9 =	smul.u32 $0xF7A, s1;
	s8 =	simm.s32 @!p0 $0x1BF5;
	p2 =	por !p2, p0  }
0x20: {  	[sflag:s8] =	ssyncset.s32 @!p0 $0xFFFFF086;
	s6 =	sadd.s32 @!p0 s3, s7;
	s7 =	simm.s32 @!p0 $0x108  }
0x21: {  	s3 =	sadd.s32 s3, s9;
	s6 =	sadd.s32 @!p0 $0x88, s6;
	s7 =	simm.s32 @p2 $0x1082  }
0x22: {  	[simem:s7], [sflag:s8] =	dma.local @!p0 [hbm:s6], $0xF7A  }
0x23: {  	s9 =	sor.u32 $0xD0000000, s2;
	s6 =	simm.s32 $0x108;
	_ =	swait.ge @!p0 [sflag:s8], $0x0  }
0x24: {  	s3 =	sadd.s32 $0x88, s3;
	s6 =	simm.s32 @!p1 $0x1082;
	[sflag:s4] =	ssyncset.s32 $0xFFFFF086  }
0x25: {  	[simem:s6], [sflag:s4] =	dma.local [hbm:s3], $0xF7A  }
0x26: {  	[smem:$0x3F8D] =	sst s1;
	(tag) =	ssettag s2;
	_ =	strace s9  }
0x27: {  	s1 =	sld [smem:$0x3F9D]  }
0x28: {  	s2 =	sld [smem:$0x3F9E]  }
0x29: {  	s4 =	sld [smem:$0x3FA0]  }
0x2a: {  	p0 =	seq.s32 s5, $0x0;
	s5 =	sld [smem:$0x3FA1]  }
0x2b: {  	s6 =	sld [smem:$0x3FA2]  }
0x2c: {  	s7 =	sld [smem:$0x3FA3]  }
0x2d: {  	s3 =	simm.s32 $0x108;
	s8 =	sld [smem:$0x3FA4]  }
0x2e: {  	s3 =	simm.s32 @!p0 $0x1082;
	s9 =	sld [smem:$0x3FA5]  }
0x2f: {  	lr =	sadd.s32 s0, s3;
	s0 =	sld [smem:$0x3F9C]  }
0x30: {  	s3 =	sld [smem:$0x3F9F]  }
0x31: {  	[smem:$0x3FA8] =	sst s10  }
0x32: {  	s10 =	sld [smem:$0x3FA6];
	_ =	sdelay $0x3  }
0x33: {  	p0 =	seq.s32 s10, $0x1;
	s10 =	sld [smem:$0x3FA8];
	_ =	sdelay $0x3  }
0x34: {  	[smem:$0x3FA8] =	sst s10  }
0x35: {  	s10 =	sld [smem:$0x3FA7];
	_ =	sdelay $0x3  }
0x36: {  	p1 =	seq.s32 s10, $0x1;
	s10 =	sld [smem:$0x3FA8];
	_ =	sdelay $0x3  }
0x37: {  	[smem:$0x3FA8] =	sst s10  }
0x38: {  	s10 =	sld [smem:$0x3FA9]  }
0x39: {  	_ = 	snop;
	(pc) =	sbr.ind lr, $3  }
0x3a: {  	_ = 	snop  }
0x3b: {  	_ = 	snop  }
0x3c: {  	p2 =	seq.s32 s10, $0x1;
	s10 =	sld [smem:$0x3FA8]  }
0x3d: {  	_ =	shalt  }
0x3e: {  	_ =	shalt  }
0x3f: {  	_ =	shalt  }
0x40: {  	_ =	shalt  }
0x41: {  	_ =	shalt  }
0x42: {  	_ =	shalt  }
0x43: {  	_ =	shalt  }
0x44: {  	_ =	shalt  }
0x45: {  	_ =	shalt  }
0x46: {  	_ =	shalt  }
0x47: {  	_ =	shalt  }
0x48: {  	_ =	shalt  }
0x49: {  	_ =	shalt  }
0x4a: {  	_ =	shalt  }
0x4b: {  	_ =	shalt  }
0x4c: {  	_ =	shalt  }
0x4d: {  	_ =	shalt  }
0x4e: {  	_ =	shalt  }
0x4f: {  	_ =	shalt  }
0x50: {  	_ =	shalt  }
0x51: {  	_ =	shalt  }
0x52: {  	_ =	shalt  }
0x53: {  	_ =	shalt  }
0x54: {  	_ =	shalt  }
0x55: {  	_ =	shalt  }
0x56: {  	_ =	shalt  }
0x57: {  	_ =	shalt  }
0x58: {  	_ =	shalt  }
0x59: {  	_ =	shalt  }
0x5a: {  	_ =	shalt  }
0x5b: {  	_ =	shalt  }
0x5c: {  	_ =	shalt  }
0x5d: {  	_ =	shalt  }
0x5e: {  	_ =	shalt  }
0x5f: {  	_ =	shalt  }
0x60: {  	_ =	shalt  }
0x61: {  	_ =	shalt  }
0x62: {  	_ =	shalt  }
0x63: {  	_ =	shalt  }
0x64: {  	_ =	shalt  }
0x65: {  	_ =	shalt  }
0x66: {  	_ =	shalt  }
0x67: {  	_ =	shalt  }
0x68: {  	_ =	shalt  }
0x69: {  	_ =	shalt  }
0x6a: {  	_ =	shalt  }
0x6b: {  	_ =	shalt  }
0x6c: {  	_ =	shalt  }
0x6d: {  	_ =	shalt  }
0x6e: {  	_ =	shalt  }
0x6f: {  	_ =	shalt  }
0x70: {  	_ =	shalt  }
0x71: {  	_ =	shalt  }
0x72: {  	_ =	shalt  }
0x73: {  	_ =	shalt  }
0x74: {  	_ =	shalt  }
0x75: {  	_ =	shalt  }
0x76: {  	_ =	shalt  }
0x77: {  	_ =	shalt  }
0x78: {  	_ =	shalt  }
0x79: {  	_ =	shalt  }
0x7a: {  	_ =	shalt  }
0x7b: {  	_ =	shalt  }
0x7c: {  	_ =	shalt  }
0x7d: {  	_ =	shalt  }
0x7e: {  	_ =	shalt  }
0x7f: {  	_ =	shalt  }
0x80: {  	_ =	shalt  }
0x81: {  	_ =	shalt  }
0x82: {  	_ =	shalt  }
0x83: {  	_ =	shalt  }
0x84: {  	_ =	shalt  }
0x85: {  	_ =	shalt  }
0x86: {  	_ =	shalt  }
0x87: {  	_ =	shalt  }
.Lfunc_end0:
.L_simem_size_0:
called_computation.7_lowered:
.L_overlay_start_0:
0x88: {  	s2 =	sld [smem:$0x3FD9]  }
0x89: {  	s3 =	sld [smem:$0x3FFE];
	_ =	sdelay $0x1  }
0x8a: {  	s1 =	srdreg.scid  }
0x8b: {  	s0 =	sand.u32 $0x1, s1  }
0x8c: {  	s17 =	sshll.u32 s0, $0xA;
	s2 =	sadd.s32 s3, s2  }
0x8d: {  	s2 =	sadd.s32 s2, s17  }
0x8e: {  	[smem:$0x3FB4] =	sst s2  }
0x8f: {  	_ = 	snop  }
0x90: {  	(tm) =	ssettm $0x1  }
0x91: {  	s18 =	sld [smem:$0x3FFB];
	_ =	sdelay $0x3  }
0x92: {  	_ =	strace s18  }
0x93: {  	s2 =	sld [smem:$0x3FFC];
	_ =	sdelay $0x3  }
0x94: {  	_ =	strace s2  }
0x95: {  	s2 =	sld [smem:$0x3FFD];
	_ =	sdelay $0x3  }
0x96: {  	_ =	strace s2  }
0x97: {  	_ =	strace $0x8FFFFFFF  }
0x98: {  	s19 =	sld [smem:$0x3FDB];
	_ =	sdelay $0x1  }
0x99: {  	s20 =	simm.s32 $_scs_section_size  }
0x9a: {  	s4 =	simm.s32 $_size__tile_overlayer_lowered;
	s5 =	simm.s32 $_tile_overlayer_lowered  }
0x9b: {  	s6 =	simm.s32 $0x1BFF;
	s21 =	sshll.u32 s5, $0x1;
	s3 =	sadd.s32 s20, s19  }
0x9c: {  	s22 =	simm.s32 $0x0;
	s4 =	sshll.u32 s4, $0x1;
	s5 =	sadd.s32 s21, s3  }
0x9d: {  	[timem:s22], [sflag:s6] =	dma.local [hbm:s5], s4  }
0x9e: {  	_ =	swait.ge [sflag:s6], s4  }
0x9f: {  	s4 =	ssub.s32 $0x0, s4;
	[sflag:s6] =	ssyncset.done $0x0  }
0xa0: {  	[sflag:s6] =	ssyncadd.s32 s4;
	_ =	sdelay $0x1  }
0xa1: {  	s23 =	simm.s32 $0x1B8B  }
0xa2: {  	_ =	swait.ge [sflag:s23], $0x1  }
0xa3: {  	[sflag:s23] =	ssyncset.done $0x0  }
0xa4: {  	[sflag:s23] =	ssyncadd.s32 $0xFFFFFFFF  }
0xa5: {  	s4 =	sld [smem:$0x0]  }
0xa6: {  	s5 =	sand.u32 $0xFFFFFFFE, s1  }
0xa7: {  	p0 =	sne.s32 s1, s5  }
0xa8: {  	s5 =	sshll.u32 @p0 s5, $0xE  }
0xa9: {  	s5 =	sadd.s32 @p0 $0x11B8D, s5;
	s6 =	sshll.u32 @p0 s4, $0x11  }
0xaa: {  	s5 =	sor.u32 @p0 s6, s5  }
0xab: {  	[sflag:s5] =	ssyncadd.remote.s32 @p0 $0x1;
	_ =	sdelay $0x1  }
0xac: {  	s5 =	simm.s32 @p0 $0x1B8D  }
0xad: {  	_ =	swait.eq @p0 [sflag:s5], $0x1  }
0xae: {  	[sflag:s5] =	ssyncadd.s32 @p0 $0xFFFFFFFF  }
0xaf: {  	s6 =	sshll.u32 @!p0 s1, $0xE  }
0xb0: {  	s6 =	sor.u32 @!p0 $0x4000, s6;
	s5 =	simm.s32 @!p0 $0x1B8D  }
0xb1: {  	s4 =	sshll.u32 @!p0 s4, $0x11;
	s6 =	sadd.s32 @!p0 $0x11B8D, s6;
	_ =	swait.eq @!p0 [sflag:s5], $0x1  }
0xb2: {  	s4 =	sor.u32 @!p0 s4, s6;
	[sflag:s5] =	ssyncadd.s32 @!p0 $0xFFFFFFFF  }
0xb3: {  	s25 =	simm.s32 $0x1B8E;
	s24 =	sld [smem:$0x3FFE];
	[sflag:s4] =	ssyncadd.remote.s32 @!p0 $0x1  }
0xb4: {  	s26 =	simm.s32 $execute0_lowered;
	[smem:$0x3FD2] =	sst s25  }
0xb5: {  	s5 =	sshll.u32 s26, $0x1;
	_ =	strace $0x8000005B;
	[dreg:$0x1] =	wrdreg $0xFFFFFFFF  }
0xb6: {  	s28 =	simm.s32 $_size_execute0_lowered;
	s3 =	sadd.s32 s3, s5;
	[dreg:$0x0] =	wrdreg $0x0  }
0xb7: {  	s5 =	sshll.u32 s28, $0x1;
	[dreg:$0x2] =	wrdreg s3  }
0xb8: {  	[dreg:$0x3] =	wrdreg s5  }
0xb9: {  	[dreg:$0x4] =	wrdreg $0xC0  }
0xba: {  	_ =	task [dreg:s22], $0x5FFFF  }
0xbb: {  	[dreg:$0x1] =	wrdreg $0xFFFFFFFF  }
0xbc: {  	[dreg:$0x0] =	wrdreg $0x60  }
0xbd: {  	[dreg:$0x2] =	wrdreg s24  }
0xbe: {  	[dreg:$0x3] =	wrdreg $0x20800  }
0xbf: {  	[dreg:$0x4] =	wrdreg $0xA  }
0xc0: {  	_ =	task.clear_ibuf [dreg:s22], $0x5FFFF;
	_ =	strace $0x9000005B  }
0xc1: {  	s29 =	simm.s32 $0xA;
	_ =	strace $0x8000005D  }
0xc2: {  	_ =	swait.ge [sflag:s29], $0x1  }
0xc3: {  	[sflag:s29] =	ssyncadd.s32 $0xFFFFFFFF  }
0xc4: {  	_ =	strace $0x9000005D  }
0xc5: {  	_ =	sfence  }
0xc6: {  	s30 =	sld [smem:$0x0];
	_ =	sdelay $0x2  }
0xc7: {  	s31 =	sshll.u32 s1, $0xD;
	s1 =	sshrl.u32 s1, $0x2  }
0xc8: {  	s4 =	sand.u32 $0x4000, s31;
	s1 =	sadd.s32 s1, s30  }
0xc9: {  	s0 =	sor.u32 s4, s0;
	s1 =	sshll.u32 s1, $0x11  }
0xca: {  	s0 =	sor.u32 s1, s0  }
0xcb: {  	s0 =	sadd.s32 $0x8F2B, s0  }
0xcc: {  	[sflag:s0] =	ssyncadd.remote.s32 $0x1  }
0xcd: {  	_ =	sfence.sel $0xFFFF  }
0xce: {  	[dreg:$0x0] =	wrdreg $0xFFFFFFFF;
	(pc) =	sbr.abs _section_cstart, $3  }
0xcf: {  	[dreg:$0x1] =	wrdreg $0xFFFFFFFF  }
0xd0: {  	_ =	task.clear_ibuf [dreg:s22], $0x2FFFF;
	_ =	strace $0x9FFFFFFF  }
0xd1: {  	(tm) =	ssettm $0x7FFFFFFF  }
tec
execute0_lowered:
.L_overlay_start_1:
0x0: {  	(tag) =	ssettag $0x1  }
0x1: {  	s4 =	rddreg [dreg:$0x0]  }
0x2: {  	s2 =	rddreg [dreg:$0x1]  }
0x3: {  	s0 =	rddreg [dreg:$0x2];
	s1 =	stileid.u32  }
0x4: {  	s5 =	srdreg.scid;
	s3 =	simm.s32 $0x0;
	s24 =	smul.u32 $0x9C40, s1  }
0x5: {  	s11 =	sand.u32 $0x1, s5;
	[smem:$0x7FF] =	sst s3;
	s8 =	smul.u32 $0x27100, s1  }
0x6: {  	s6 =	sshll.u32 s1, $0xB;
	s25 =	sshll.u32 s1, $0x5;
	s7 =	smul.u32 $0x9C400, s11  }
0x7: {  	_ =	strace $0x8000005C;
	s12 =	sadd.s32 s6, s4;
	s13 =	sadd.s32 s25, s4  }
0x8: {  	s28 =	ssub.s32 $0x2, s11;
	s15 =	sshll.u32 s11, $0xA;
	s31 =	sshll.u32 s11, $0x4  }
0x9: {  	s29 =	sshrl.u32 s28, $0x1;
	s30 =	sshrl.u32 s8, $0x2;
	s5 =	sadd.s32 s24, s2  }
0xa: {  	s12 =	sadd.s32 s15, s12;
	s13 =	sadd.s32 s31, s13;
	s15 =	simm.s32 $0x1  }
0xb: {  	s7 =	sadd.s32 s24, s7;
	s14 =	ssub.s32 s28, s29;
	s9 =	sadd.s32 s30, s2  }
0xc: {  	s12 =	sadd.s32 $0x5BE00, s12;
	s13 =	sadd.s32 $0xD7800, s13;
	s26 =	sshrl.u32 s7, $0x3  }
0xd: {  	s6 =	sadd.s32 $0x2000, s9;
	s7 =	sadd.s32 $0x4000, s9;
	s8 =	sadd.s32 $0x6000, s9  }
0xe: {  	s9 =	sadd.s32 $0x8000, s9;
	s11 =	smax.u32 s14, $0x1;
	s10 =	sadd.s32 s26, s4  }
0xf: {  	v0 =	vimm.f32 $0.0e+00;
	s14 =	simm.s32 $0x80;
	s4 =	sshll.u32 s1, $0x1;
	s10 =	sadd.s32 $0xA6E00, s10  }
.LBB2_1:
0x10: {  	s17 =	simm.s32 $0x100;
	s16 =	simm.s32 $0x0  }
.LBB2_2:
0x11: {  	p0 =	sne.s32 s17, $0x7F00;
	[tilespmem:s16+$0xB0] =	vst v0;
	s18 =	smov.u32 s17;
	s17 =	sadd.s32 $0x100, s17  }
.Ltmp0:
0x12: {  	[tilespmem:s16+$0xA0] =	vst v0;
	(pc) =	sbr.rel @p0 .LBB2_2-.Ltmp0, $3  }
0x13: {  	[tilespmem:s16+$0x80] =	vst v0  }
0x14: {  	[tilespmem:s16+$0x90] =	vst v0;
	_ =	sdelay $0x1  }
0x15: {  	s16 =	sshra.s32 s18, $0x2  }
0x16: {  	[tilespmem:s16+$0xB0] =	vst v0  }
0x17: {  	[tilespmem:s16+$0xA0] =	vst v0  }
0x18: {  	[tilespmem:s16+$0x80] =	vst v0  }
0x19: {  	[tilespmem:s16+$0x90] =	vst v0  }
0x1a: {  	[spmem:s5] =	stream.linear.scatter [tilespmem:s14], [sflag:$0x1], $0x2000, $0x38;
	[tilespmem:$0xBCC0] =	vst v63  }
0x1b: {  	_ =	swait.ge [sflag:s15], $0x2000  }
0x1c: {  	[sflag:s15] =	ssyncset.done $0x0  }
0x1d: {  	[sflag:s15] =	ssyncadd.s32 $0xFFFFE000  }
0x1e: {  	[spmem:s6] =	stream.linear.scatter [tilespmem:s14], [sflag:$0x1], $0x2000, $0x38;
	[tilespmem:$0xBCC0] =	vst v63  }
0x1f: {  	_ =	swait.ge [sflag:s15], $0x2000  }
0x20: {  	[sflag:s15] =	ssyncset.done $0x0  }
0x21: {  	[sflag:s15] =	ssyncadd.s32 $0xFFFFE000  }
0x22: {  	[spmem:s7] =	stream.linear.scatter [tilespmem:s14], [sflag:$0x1], $0x2000, $0x38;
	[tilespmem:$0xBCC0] =	vst v63  }
0x23: {  	_ =	swait.ge [sflag:s15], $0x2000  }
0x24: {  	[sflag:s15] =	ssyncset.done $0x0  }
0x25: {  	[sflag:s15] =	ssyncadd.s32 $0xFFFFE000  }
0x26: {  	[spmem:s8] =	stream.linear.scatter [tilespmem:s14], [sflag:$0x1], $0x2000, $0x38;
	[tilespmem:$0xBCC0] =	vst v63  }
0x27: {  	_ =	swait.ge [sflag:s15], $0x2000  }
0x28: {  	[sflag:s15] =	ssyncset.done $0x0  }
0x29: {  	[sflag:s15] =	ssyncadd.s32 $0xFFFFE000  }
0x2a: {  	[spmem:s9] =	stream.linear.scatter [tilespmem:s14], [sflag:$0x1], $0x1C40, $0x38;
	[tilespmem:$0xBCC0] =	vst v63  }
0x2b: {  	_ =	swait.ge [sflag:s15], $0x1C40  }
0x2c: {  	s30 =	sadd.s32 $0x0, s4;
	[sflag:s15] =	ssyncset.done $0x0  }
0x2d: {  	p0 =	sgt.u32 s30, $0x12B;
	[sflag:s15] =	ssyncadd.s32 $0xFFFFE3C0  }
0x2e: {  	s16 =	simm.s32 @!p0 $0x0;
	s18 =	simm.s32 @!p0 $0x2;
	[bflag:$0x0] =	sbarrier.arrive $0xFFFF  }
0x2f: {  	[tilespmem:s16], [sflag:$0x2] =	stream.linear.gather @!p0 [hbm4b:s13+s16], $0x80, $0x38;
	[tilespmem:$0xBCC0] =	vst v63  }
0x30: {  	_ =	swait.ge @!p0 [sflag:s18], $0x80  }
0x31: {  	[sflag:s18] =	ssyncset.done @!p0 $0x0;
	p0 =	por p0, p0  }
0x32: {  	[sflag:s18] =	ssyncadd.s32 @!p0 $0xFFFFFF80;
	s20 =	simm.s32 @!p0 $0x80  }
0x33: {  	[tilespmem:s20], [sflag:$0x2] =	stream.linear.gather @!p0 [hbm4b:s12+s16], $0x2000, $0x38;
	[tilespmem:$0xBCC0] =	vst v63  }
0x34: {  	_ =	swait.ge @!p0 [sflag:s18], $0x2000  }
0x35: {  	[sflag:s18] =	ssyncset.done @!p0 $0x0  }
0x36: {  	s31 =	sadd.s32 $0x20, s4;
	s19 =	simm.s32 @!p0 $0x1;
	[sflag:s18] =	ssyncadd.s32 @!p0 $0xFFFFE000  }
0x37: {  	[spmem:s2] =	stream.indirect.scatter.add.f32 @!p0 [tilespmem:s20], [sflag:$0x1], $0x40, s16, s20, $0xb8;
	[tilespmem:$0xBCC0] =	vst v63  }
0x38: {  	s17 =	simm.s32 $0x40;
	p1 =	sgt.u32 s31, $0x12B;
	_ =	swait.ge @!p0 [sflag:s19], $0x2000  }
0x39: {  	s18 =	sadd.s32 $0x200, s13;
	s16 =	sadd.s32 $0x8000, s12;
	[sflag:s19] =	ssyncset.done @!p0 $0x0  }
.LBB2_4:
0x3a: {  	s20 =	simm.s32 @!p1 $0x0;
	s21 =	simm.s32 @!p1 $0x2;
	[sflag:s19] =	ssyncadd.s32 @!p0 $0xFFFFE000  }
0x3b: {  	[tilespmem:s20], [sflag:$0x2] =	stream.linear.gather @!p1 [hbm4b:s18+s20], $0x80, $0x38;
	[tilespmem:$0xBCC0] =	vst v63  }
0x3c: {  	s22 =	smov.u32 s17;
	s17 =	sadd.s32 $0x20, s17;
	_ =	swait.ge @!p1 [sflag:s21], $0x80  }
0x3d: {  	p0 =	por p1, p1;
	p2 =	sne.s32 s17, $0x140;
	[sflag:s21] =	ssyncset.done @!p1 $0x0  }
0x3e: {  	s23 =	simm.s32 @!p0 $0x80;
	[sflag:s21] =	ssyncadd.s32 @!p0 $0xFFFFFF80  }
0x3f: {  	[tilespmem:s23], [sflag:$0x2] =	stream.linear.gather @!p0 [hbm4b:s16+s20], $0x2000, $0x38;
	[tilespmem:$0xBCC0] =	vst v63  }
0x40: {  	_ =	swait.ge @!p0 [sflag:s21], $0x2000  }
.Ltmp1:
0x41: {  	[sflag:s21] =	ssyncset.done @!p0 $0x0;
	(pc) =	sbr.rel @p2 .LBB2_4-.Ltmp1, $4  }
0x42: {  	s19 =	simm.s32 @!p0 $0x1;
	[sflag:s21] =	ssyncadd.s32 @!p0 $0xFFFFE000  }
0x43: {  	[spmem:s2] =	stream.indirect.scatter.add.f32 @!p0 [tilespmem:s23], [sflag:$0x1], $0x40, s20, s23, $0xb8;
	[tilespmem:$0xBCC0] =	vst v63  }
0x44: {  	s18 =	sadd.s32 $0x200, s18;
	s20 =	sadd.s32 s22, s4;
	_ =	swait.ge @!p0 [sflag:s19], $0x2000  }
0x45: {  	s16 =	sadd.s32 $0x8000, s16;
	p1 =	sgt.u32 s20, $0x12B;
	[sflag:s19] =	ssyncset.done @!p0 $0x0  }
0x46: {  	s17 =	simm.s32 @!p1 $0x0;
	s20 =	simm.s32 @!p1 $0x2;
	[sflag:s19] =	ssyncadd.s32 @!p0 $0xFFFFE000  }
0x47: {  	[tilespmem:s17], [sflag:$0x2] =	stream.linear.gather @!p1 [hbm4b:s18+s17], $0x80, $0x38;
	[tilespmem:$0xBCC0] =	vst v63  }
0x48: {  	_ =	swait.ge @!p1 [sflag:s20], $0x80  }
0x49: {  	p0 =	por p1, p1;
	[sflag:s20] =	ssyncset.done @!p1 $0x0  }
0x4a: {  	s18 =	simm.s32 @!p0 $0x80;
	[sflag:s20] =	ssyncadd.s32 @!p0 $0xFFFFFF80  }
0x4b: {  	[tilespmem:s18], [sflag:$0x2] =	stream.linear.gather @!p0 [hbm4b:s16+s17], $0x2000, $0x38;
	[tilespmem:$0xBCC0] =	vst v63  }
0x4c: {  	_ =	swait.ge @!p0 [sflag:s20], $0x2000  }
0x4d: {  	[sflag:s20] =	ssyncset.done @!p0 $0x0  }
0x4e: {  	s16 =	simm.s32 @!p0 $0x1;
	[sflag:s20] =	ssyncadd.s32 @!p0 $0xFFFFE000  }
0x4f: {  	[spmem:s2] =	stream.indirect.scatter.add.f32 @!p0 [tilespmem:s18], [sflag:$0x1], $0x40, s17, s18, $0xb8;
	[tilespmem:$0xBCC0] =	vst v63  }
0x50: {  	_ =	swait.ge @!p0 [sflag:s16], $0x2000  }
0x51: {  	s30 =	sshll.u32 s1, $0x6;
	s3 =	sadd.s32 $0x1, s3;
	[sflag:s16] =	ssyncset.done @!p0 $0x0  }
0x52: {  	s31 =	sshrl.u32 s5, $0x3;
	[sflag:s16] =	ssyncadd.s32 @!p0 $0xFFFFE000;
	p0 =	sne.s32 s3, s11  }
.Ltmp2:
0x53: {  	s16 =	sor.u32 $0x1C01, s30;
	[bflag:$0x0] =	sbarrier.arrive $0xFFFF;
	(pc) =	sbr.rel @p0 .LBB2_1-.Ltmp2, $4  }
0x54: {  	[hbm:s10], [sflag:s16] =	dma.local [spmem:s31], $0x1388  }
0x55: {  	_ =	swait.ge [sflag:s15], $0x1388  }
0x56: {  	[sflag:s15] =	ssyncset.done $0x0  }
0x57: {  	[sflag:s15] =	ssyncadd.s32 $0xFFFFEC78  }
0x58: {  	_ =	sfence.sel $0x180000  }
0x59: {  	[bflag:$0x0] =	sbarrier.arrive $0xFFFF  }
0x5a: {  	p0 =	sne.s32 s1, $0x0;
	_ =	strace $0x9000005C  }
0x5b: {  	s0 =	sadd.s32 @!p0 $0x100000, s0;
	[bflag:$0x2] =	sbarrier.arrive $0xFFFF  }
0x5c: {  	[sflag:s0] =	ssyncadd.tile.s32 @!p0 $0x1;
	_ =	shalt  }
.Lfunc_end2:
_tile_overlayer_lowered:
.L_overlay_start_2:
0x5d: {  	(tag) =	ssettag $0x2  }
0x5e: {  	s0 =	rddreg [dreg:$0x0];
	s2 =	stileid.u32  }
0x5f: {  	s1 =	rddreg [dreg:$0x1];
	p0 =	sne.s32 s2, $0x0  }
0x60: {  	s3 =	rddreg [dreg:$0x2];
	[bflag:$0x3] =	sbarrier.arrive $0xFFFF;
	s2 =	simm.s32 @!p0 $0x1C01  }
0x61: {  	[timem:s3], [sflag:s2] =	dma.local @!p0 [hbm:s0], s1  }
0x62: {  	s0 =	simm.s32 @!p0 $0x1  }
0x63: {  	_ =	swait.ge @!p0 [sflag:s0], s1  }
0x64: {  	s1 =	ssub.s32 @!p0 $0x0, s1;
	[sflag:s0] =	ssyncset.done @!p0 $0x0  }
0x65: {  	[sflag:s0] =	ssyncadd.s32 @!p0 s1  }
0x66: {  	[bflag:$0x3] =	sbarrier.arrive $0xFFFF  }
0x67: {  	_ =	shalt  }

</sc_bundles>
